<compile_context>
chip_gen: v7x
topology: tpu7x:2x2x1
jax: 0.10.2.dev20260603
libtpu: 0.0.44.dev20260713+nightly
codegen_flags: <defaults>
</compile_context>

<pallas_src>
import functools

import jax
import jax.numpy as jnp
from jax import lax
from jax.experimental import pallas as pl
from jax.experimental.pallas import tpu as pltpu
from jax.experimental.pallas import tpu_sc as plsc

F32 = jnp.float32
I32 = jnp.int32

_NC = 2
_NS = 16
_B = 128


_SC_EDGES = 1024
_SQ = _SC_EDGES // _B


def _build_sc_segsum(N, R, E_pad, acc_rows, with_deg, sg=1, nbuf=2):
    ept = E_pad // _NS
    nb = ept // (_B * sg)
    nsc = nb * sg // _SQ
    rt = acc_rows // _NS
    nz = rt // _B
    assert nb % nbuf == 0 and nsc * _SQ == nb * sg and _SQ % sg == 0
    assert 2 <= nbuf <= 8

    mesh = plsc.VectorSubcoreMesh(core_axis_name="c", subcore_axis_name="s")
    out_type = [jax.ShapeDtypeStruct((_NC, acc_rows, 64), F32)]
    scratch = [
        pltpu.VMEM((2, 2, _SQ, _B), I32),
        [pltpu.VMEM((sg, _B, 64), F32)] * nbuf,
        pltpu.VMEM((_B, 16), F32),
        pltpu.VMEM_SHARED((acc_rows, 64), F32),
        [pltpu.SemaphoreType.DMA] * nbuf,
        [pltpu.SemaphoreType.DMA] * nbuf,
        pltpu.SemaphoreType.DMA,
    ]
    if with_deg:
        out_type.append(jax.ShapeDtypeStruct((_NC, acc_rows, 16), F32))
        scratch.append(pltpu.VMEM_SHARED((acc_rows, 16), F32))

    def body(xr, combr, *rest):
        if with_deg:
            (outB, outD, comb_c, rows_b, ones_v,
             acc_s, sem_g, sem_s, sem_d, deg_s) = rest
        else:
            (outB, comb_c, rows_b, ones_v,
             acc_s, sem_g, sem_s, sem_d) = rest
        cid = lax.axis_index("c")
        sid = lax.axis_index("s")

        zv = jnp.zeros((16,), F32)

        def zero_body(i, carry):
            for k in range(4):
                rows_b[0][0, i, pl.ds(16 * k, 16)] = zv
            ones_v[i] = zv
            return carry

        lax.fori_loop(0, _B, zero_body, 0)

        rbase = sid * rt
        z128 = rows_b[0].at[0]
        for k in range(nz):
            pltpu.sync_copy(z128, acc_s.at[pl.ds(rbase + _B * k, _B)])
            if with_deg:
                pltpu.sync_copy(ones_v, deg_s.at[pl.ds(rbase + _B * k, _B)])
        plsc.subcore_barrier()

        if with_deg:
            ov = jnp.ones((16,), F32)

            def ones_body(i, carry):
                ones_v[i] = ov
                return carry

            lax.fori_loop(0, _B, ones_body, 0)

        def load_idx(s):
            bs = lax.rem(s, 2)
            gsc = sid * nsc + s
            pltpu.sync_copy(combr.at[cid, gsc], comb_c.at[bs])

        def _ix(which, bs, q):
            if sg == 1:
                return comb_c.at[bs, which, q]
            return comb_c.at[bs, which, pl.ds(q, sg)]

        def _rows(b):
            return rows_b[b].at[0] if sg == 1 else rows_b[b]

        def fire_gather(j, b):
            jq = j * sg
            s = lax.div(jq, _SQ)
            q = lax.rem(jq, _SQ)
            pltpu.async_copy(xr.at[_ix(0, lax.rem(s, 2), q)],
                             _rows(b), sem_g[b])

        def drain_gather(b):
            pltpu.make_async_copy(xr.at[_ix(0, 0, 0)],
                                  _rows(b), sem_g[b]).wait()

        def drain_deg():
            pltpu.make_async_copy(ones_v, deg_s.at[comb_c.at[0, 1, 0]],
                                  sem_d).wait()

        def fire_scatter(j, b):
            jq = j * sg
            s = lax.div(jq, _SQ)
            q = lax.rem(jq, _SQ)
            bs = lax.rem(s, 2)
            pidx = _ix(1, bs, q)
            pltpu.async_copy(_rows(b), acc_s.at[pidx], sem_s[b], add=True)
            if with_deg:
                @pl.when(lax.rem(j, 2) == cid)
                def _():
                    for k in range(sg):
                        @pl.when(j >= 2)
                        def _():
                            drain_deg()
                        pltpu.async_copy(ones_v,
                                         deg_s.at[comb_c.at[bs, 1, q + k]],
                                         sem_d, add=True)

        def drain_scatter(b):
            pltpu.make_async_copy(_rows(b),
                                  acc_s.at[_ix(1, 0, 0)],
                                  sem_s[b]).wait()

        load_idx(0)
        for w in range(nbuf - 1):
            fire_gather(w, w)

        def pipeline(i, carry):
            for w in range(nbuf):
                j = i * nbuf + w
                wprev = (w - 1) % nbuf
                jf = j + nbuf - 1

                drain_gather(w)
                fire_scatter(j, w)

                @pl.when(j > 0)
                def _():
                    drain_scatter(wprev)

                @pl.when(jf < nb)
                def _():
                    @pl.when(lax.rem(jf * sg, _SQ) == 0)
                    def _():
                        load_idx(lax.div(jf * sg, _SQ))
                    fire_gather(jf, wprev)
            return carry

        lax.fori_loop(0, nb // nbuf, pipeline, 0)
        drain_scatter((nb - 1) % nbuf)
        if with_deg:
            for k in range(sg):
                drain_deg()
        plsc.subcore_barrier()

        pltpu.sync_copy(acc_s.at[pl.ds(rbase, rt)],
                        outB.at[cid, pl.ds(rbase, rt)])
        if with_deg:
            pltpu.sync_copy(deg_s.at[pl.ds(rbase, rt)],
                            outD.at[cid, pl.ds(rbase, rt)])

    return pl.kernel(body, out_type=out_type, mesh=mesh,
                     scratch_types=scratch,
                     compiler_params=pltpu.CompilerParams(
                         use_tc_tiling_on_sc=False))


def _build_tc_layer(N, R, acc_rows, BN, last_layer):
    nblk = N // BN

    def body(b00, b01, b10, b11, degb, xb, wt, wb, wr, bb, ob):
        n0 = 1.0 / jnp.maximum(degb[:, 0:1], 1.0)
        n1 = 1.0 / jnp.maximum(degb[:, 1:2], 1.0)
        t0 = (jnp.dot(b00[0], wt[0], preferred_element_type=F32)
              + jnp.dot(b10[0], wb[0], preferred_element_type=F32))
        t1 = (jnp.dot(b01[0], wt[1], preferred_element_type=F32)
              + jnp.dot(b11[0], wb[1], preferred_element_type=F32))
        agg = t0 * n0 + t1 * n1
        agg = agg + jnp.dot(xb[...], wr[...], preferred_element_type=F32)
        agg = agg + bb[0:1, :]
        if last_layer:
            s = jnp.sum(agg * agg, axis=1, keepdims=True)
            ob[...] = agg / jnp.maximum(jnp.sqrt(s), 1e-12)
        else:
            ob[...] = jnp.maximum(agg, 0.0)

    in_specs = [
        pl.BlockSpec((1, BN, 64), lambda i: (0, i, 0)),
        pl.BlockSpec((1, BN, 64), lambda i: (0, i + nblk, 0)),
        pl.BlockSpec((1, BN, 64), lambda i: (1, i, 0)),
        pl.BlockSpec((1, BN, 64), lambda i: (1, i + nblk, 0)),
        pl.BlockSpec((BN, 128), lambda i: (i, 0)),
        pl.BlockSpec((BN, 128), lambda i: (i, 0)),
        pl.BlockSpec((R, 64, 128), lambda i: (0, 0, 0)),
        pl.BlockSpec((R, 64, 128), lambda i: (0, 0, 0)),
        pl.BlockSpec((128, 128), lambda i: (0, 0)),
        pl.BlockSpec((8, 128), lambda i: (0, 0)),
    ]
    return pl.pallas_call(
        body,
        grid=(nblk,),
        in_specs=in_specs,
        out_specs=pl.BlockSpec((BN, 128), lambda i: (i, 0)),
        out_shape=jax.ShapeDtypeStruct((N, 128), F32),
    )


def kernel(x, edge_index, edge_type, W1, Wroot1, b1, W2, Wroot2, b2):
    N, D = x.shape
    E = edge_index.shape[1]
    R = W1.shape[0]
    assert D == 128 and R == 2

    E_pad = -(-E // (_NS * _SC_EDGES)) * (_NS * _SC_EDGES)
    acc_rows = -(-(R * N + 1) // (_NS * _B)) * (_NS * _B)
    pad = E_pad - E

    src = edge_index[0]
    dst = edge_index[1]
    if pad:
        src = jnp.concatenate([src, jnp.zeros((pad,), I32)])
        dst = jnp.concatenate([dst, jnp.full((pad,), N, I32)])
        edge_type = jnp.concatenate([edge_type, jnp.full((pad,), R - 1, I32)])

    nsc_all = E_pad // _SC_EDGES
    pairs = (edge_type * N + dst).reshape(nsc_all, _SQ, _B)
    combR = jnp.stack([
        jnp.stack([(2 * src + c).reshape(nsc_all, _SQ, _B), pairs], axis=1)
        for c in range(2)])

    xr = x.reshape(2 * N, 64)
    sc_deg = _build_sc_segsum(N, R, E_pad, acc_rows, True)
    outB1, outD = sc_deg(xr, combR)

    degfull = outD[0, :R * N, 0] + outD[1, :R * N, 0]
    degPad = (jnp.zeros((N, 128), F32)
              .at[:, 0].set(degfull[:N])
              .at[:, 1].set(degfull[N:]))

    BN = 400
    tc = _build_tc_layer(N, R, acc_rows, BN, False)
    h = tc(outB1, outB1, outB1, outB1, degPad, x,
           W1[:, :64, :], W1[:, 64:, :], Wroot1,
           jnp.zeros((8, 128), F32).at[0].set(b1))

    hr = h.reshape(2 * N, 64)
    sc2 = _build_sc_segsum(N, R, E_pad, acc_rows, False, nbuf=5)
    (outB2,) = sc2(hr, combR)

    tc2 = _build_tc_layer(N, R, acc_rows, BN, True)
    out = tc2(outB2, outB2, outB2, outB2, degPad, h,
              W2[:, :64, :], W2[:, 64:, :], Wroot2,
              jnp.zeros((8, 128), F32).at[0].set(b2))
    return out

# --- scband reference (transcript-rebuilt; emitter-appended) ---
"""Pipeline reference for scband-rgcn-73478300500627 (READ-ONLY COPY).

The authoritative reference and input builder live on the scoring server;
editing this copy changes nothing except your own understanding.
"""

import jax, jax.numpy as jnp
import numpy as np

N = 10000
E = 320000
D = 128
R = 2


def setup_inputs(seed: int = 0) -> dict:
    key = jax.random.key(seed)
    ks = jax.random.split(key, 9)
    x = jax.random.normal(ks[0], (N, D), dtype=jnp.float32)
    edge_index = jax.random.randint(ks[1], (2, E), 0, N, dtype=jnp.int32)
    edge_type = jax.random.randint(ks[2], (E,), 0, R, dtype=jnp.int32)
    # layer 1 params (in=128 -> hidden=128), R=2 relations + root weight + bias
    W1 = jax.random.normal(ks[3], (R, D, D), dtype=jnp.float32) * (1.0 / np.sqrt(D))
    Wroot1 = jax.random.normal(ks[4], (D, D), dtype=jnp.float32) * (1.0 / np.sqrt(D))
    b1 = jnp.zeros((D,), dtype=jnp.float32)
    # layer 2 params (hidden=128 -> out=128)
    W2 = jax.random.normal(ks[5], (R, D, D), dtype=jnp.float32) * (1.0 / np.sqrt(D))
    Wroot2 = jax.random.normal(ks[6], (D, D), dtype=jnp.float32) * (1.0 / np.sqrt(D))
    b2 = jnp.zeros((D,), dtype=jnp.float32)
    return {"x": x, "edge_index": edge_index, "edge_type": edge_type,
            "W1": W1, "Wroot1": Wroot1, "b1": b1,
            "W2": W2, "Wroot2": Wroot2, "b2": b2}


def rgcn_conv(x, edge_index, edge_type, W, W_root, b):
    # Relational GCN conv: per-relation linear transform, mean aggregation
    # over incoming edges of each relation, plus root transform + bias.
    src = edge_index[0]
    dst = edge_index[1]
    n = x.shape[0]
    # transform all nodes under every relation weight: [R, N, F_out]
    xw = jnp.einsum('nd,rdf->rnf', x, W)
    # gather per-edge messages (SparseCore-style gather)
    msg = xw[edge_type, src]  # [E, F_out]
    # per-(dst, relation) in-degree normalization (mean aggregation per relation)
    pair = dst * R + edge_type
    ones = jnp.ones((src.shape[0],), dtype=jnp.float32)
    deg = jax.ops.segment_sum(ones, pair, num_segments=n * R)
    norm = 1.0 / jnp.maximum(deg, 1.0)
    msg = msg * norm[pair][:, None]
    # scatter-add into destination nodes
    agg = jax.ops.segment_sum(msg, dst, num_segments=n)
    return agg + x @ W_root + b


def reference(x, edge_index, edge_type, W1, Wroot1, b1, W2, Wroot2, b2):
    h = jax.nn.relu(rgcn_conv(x, edge_index, edge_type, W1, Wroot1, b1))
    h = rgcn_conv(h, edge_index, edge_type, W2, Wroot2, b2)
    # F.normalize(x) -> L2 normalize along dim=1 with eps=1e-12
    nrm = jnp.linalg.norm(h, axis=1, keepdims=True)
    return h / jnp.maximum(nrm, 1e-12)

if __name__ == "__main__":
    import jax
    _d = setup_inputs()
    print(jax.jit(kernel)(*tuple(_d.values())))

</pallas_src>

<mosaic_0001>
#map = affine_map<(d0, d1) -> (0, 0)>
#map1 = affine_map<(d0, d1) -> (0, 0, 0, 0, 0)>
#map2 = affine_map<(d0, d1) -> (0, 0, 0)>
module attributes {stable_mosaic.version = 14 : i64} {
  func.func @body(%arg0: i32, %arg1: i32, %arg2: memref<20000x64xf32, #tpu.memory_space<hbm>>, %arg3: memref<2x320x2x8x128xi32, #tpu.memory_space<hbm>>, %arg4: memref<2x20480x64xf32, #tpu.memory_space<hbm>>, %arg5: memref<2x2x8x128xi32, #tpu.memory_space<vmem>>, %arg6: memref<1x128x64xf32, #tpu.memory_space<vmem>>, %arg7: memref<1x128x64xf32, #tpu.memory_space<vmem>>, %arg8: memref<1x128x64xf32, #tpu.memory_space<vmem>>, %arg9: memref<1x128x64xf32, #tpu.memory_space<vmem>>, %arg10: memref<1x128x64xf32, #tpu.memory_space<vmem>>, %arg11: memref<128x16xf32, #tpu.memory_space<vmem>>, %arg12: memref<20480x64xf32, #tpu.memory_space<vmem_shared>>, %arg13: memref<!tpu.dma_semaphore, #tpu.memory_space<semaphore_mem>>, %arg14: memref<!tpu.dma_semaphore, #tpu.memory_space<semaphore_mem>>, %arg15: memref<!tpu.dma_semaphore, #tpu.memory_space<semaphore_mem>>, %arg16: memref<!tpu.dma_semaphore, #tpu.memory_space<semaphore_mem>>, %arg17: memref<!tpu.dma_semaphore, #tpu.memory_space<semaphore_mem>>, %arg18: memref<!tpu.dma_semaphore, #tpu.memory_space<semaphore_mem>>, %arg19: memref<!tpu.dma_semaphore, #tpu.memory_space<semaphore_mem>>, %arg20: memref<!tpu.dma_semaphore, #tpu.memory_space<semaphore_mem>>, %arg21: memref<!tpu.dma_semaphore, #tpu.memory_space<semaphore_mem>>, %arg22: memref<!tpu.dma_semaphore, #tpu.memory_space<semaphore_mem>>, %arg23: memref<!tpu.dma_semaphore, #tpu.memory_space<semaphore_mem>>) attributes {dimension_semantics = [#tpu.dimension_semantics<core_parallel>, #tpu.dimension_semantics<subcore_parallel>], iteration_bounds = array<i64: 2, 16>, scalar_prefetch = 0 : i64, scratch_operands = 19 : i64, tpu.core_type = #tpu.core_type<sc_vector_subcore>, window_params = [{transform_indices = #map}, {transform_indices = #map1}, {transform_indices = #map2}]} {
    %broadcast_in_dim3A = arith.constant 0.000000e+00 : f32
    %broadcast_in_dim3A_0 = vector.broadcast %broadcast_in_dim3A : f32 to vector<16xf32>
    %scan3A = arith.constant 0 : i32
    %scan3A_1 = arith.constant 0 : i32
    %scan3A_2 = arith.constant 128 : i32
    %scan3A_3 = arith.addi %scan3A_1, %scan3A_2 : i32
    %scan3A_4 = arith.constant 1 : i32
    scf.for %scan3A_139 = %scan3A_1 to %scan3A_3 step %scan3A_4  : i32 {
      %swap3A = arith.constant 0 : i32
      %swap3A_140 = arith.index_cast %swap3A : i32 to index
      %swap3A_141 = arith.index_cast %scan3A_139 : i32 to index
      %swap3A_142 = arith.constant 0 : index
      %swap3A_143 = tpu.vector_load %arg6[%swap3A_140, %swap3A_141, %swap3A_142] {strides = array<i32>} : memref<1x128x64xf32, #tpu.memory_space<vmem>>, vector<1x1x16xf32>,
      %swap3A_144 = vector.shape_cast %swap3A_143 : vector<1x1x16xf32> to vector<16xf32>
      %swap3A_145 = vector.shape_cast %broadcast_in_dim3A_0 : vector<16xf32> to vector<1x1x16xf32>
      tpu.vector_store %arg6[%swap3A_140, %swap3A_141, %swap3A_142], %swap3A_145 {strides = array<i32>} : memref<1x128x64xf32, #tpu.memory_space<vmem>>, vector<1x1x16xf32>,
      %swap3A_146 = arith.constant 0 : i32
      %swap3A_147 = arith.index_cast %swap3A_146 : i32 to index
      %swap3A_148 = arith.index_cast %scan3A_139 : i32 to index
      %swap3A_149 = arith.constant 16 : index
      %swap3A_150 = tpu.vector_load %arg6[%swap3A_147, %swap3A_148, %swap3A_149] {strides = array<i32>} : memref<1x128x64xf32, #tpu.memory_space<vmem>>, vector<1x1x16xf32>,
      %swap3A_151 = vector.shape_cast %swap3A_150 : vector<1x1x16xf32> to vector<16xf32>
      %swap3A_152 = vector.shape_cast %broadcast_in_dim3A_0 : vector<16xf32> to vector<1x1x16xf32>
      tpu.vector_store %arg6[%swap3A_147, %swap3A_148, %swap3A_149], %swap3A_152 {strides = array<i32>} : memref<1x128x64xf32, #tpu.memory_space<vmem>>, vector<1x1x16xf32>,
      %swap3A_153 = arith.constant 0 : i32
      %swap3A_154 = arith.index_cast %swap3A_153 : i32 to index
      %swap3A_155 = arith.index_cast %scan3A_139 : i32 to index
      %swap3A_156 = arith.constant 32 : index
      %swap3A_157 = tpu.vector_load %arg6[%swap3A_154, %swap3A_155, %swap3A_156] {strides = array<i32>} : memref<1x128x64xf32, #tpu.memory_space<vmem>>, vector<1x1x16xf32>,
      %swap3A_158 = vector.shape_cast %swap3A_157 : vector<1x1x16xf32> to vector<16xf32>
      %swap3A_159 = vector.shape_cast %broadcast_in_dim3A_0 : vector<16xf32> to vector<1x1x16xf32>
      tpu.vector_store %arg6[%swap3A_154, %swap3A_155, %swap3A_156], %swap3A_159 {strides = array<i32>} : memref<1x128x64xf32, #tpu.memory_space<vmem>>, vector<1x1x16xf32>,
      %swap3A_160 = arith.constant 0 : i32
      %swap3A_161 = arith.index_cast %swap3A_160 : i32 to index
      %swap3A_162 = arith.index_cast %scan3A_139 : i32 to index
      %swap3A_163 = arith.constant 48 : index
      %swap3A_164 = tpu.vector_load %arg6[%swap3A_161, %swap3A_162, %swap3A_163] {strides = array<i32>} : memref<1x128x64xf32, #tpu.memory_space<vmem>>, vector<1x1x16xf32>,
      %swap3A_165 = vector.shape_cast %swap3A_164 : vector<1x1x16xf32> to vector<16xf32>
      %swap3A_166 = vector.shape_cast %broadcast_in_dim3A_0 : vector<16xf32> to vector<1x1x16xf32>
      tpu.vector_store %arg6[%swap3A_161, %swap3A_162, %swap3A_163], %swap3A_166 {strides = array<i32>} : memref<1x128x64xf32, #tpu.memory_space<vmem>>, vector<1x1x16xf32>,
      %swap3A_167 = arith.index_cast %scan3A_139 : i32 to index
      %swap3A_168 = arith.constant 0 : index
      %swap3A_169 = tpu.vector_load %arg11[%swap3A_167, %swap3A_168] {strides = array<i32>} : memref<128x16xf32, #tpu.memory_space<vmem>>, vector<1x16xf32>,
      %swap3A_170 = vector.shape_cast %swap3A_169 : vector<1x16xf32> to vector<16xf32>
      %swap3A_171 = vector.shape_cast %broadcast_in_dim3A_0 : vector<16xf32> to vector<1x16xf32>
      tpu.vector_store %arg11[%swap3A_167, %swap3A_168], %swap3A_171 {strides = array<i32>} : memref<128x16xf32, #tpu.memory_space<vmem>>, vector<1x16xf32>,
    }
    %scan3A_5 = arith.constant 128 : i32
    %mul3A = arith.constant 1280 : i32
    %mul3A_6 = arith.muli %arg1, %mul3A : i32
    %add3A = arith.constant 0 : i32
    %add3A_7 = arith.addi %mul3A_6, %add3A : i32
    %run_scoped3A = arith.constant 0 : i32
    "tpu.region"() ({
      %run_scoped3A_139 = tpu.sem_alloc : memref<!tpu.dma_semaphore, #tpu.memory_space<semaphore_mem>>
      %dma_start3A_140 = arith.constant 0 : i32
      %dma_start3A_141 = arith.constant 0 : i32
      %dma_start3A_142 = tpu.memref_slice %arg6[%run_scoped3A, %dma_start3A_140, %dma_start3A_141] : memref<1x128x64xf32, #tpu.memory_space<vmem>> -> memref<1x128x64xf32, #tpu.memory_space<vmem>>
      %dma_start3A_143 = tpu.memref_squeeze %dma_start3A_142 : memref<1x128x64xf32, #tpu.memory_space<vmem>> -> memref<128x64xf32, #tpu.memory_space<vmem>>
      %dma_start3A_144 = arith.constant 0 : i32
      %dma_start3A_145 = tpu.memref_slice %arg12[%add3A_7, %dma_start3A_144] : memref<20480x64xf32, #tpu.memory_space<vmem_shared>> -> memref<128x64xf32, #tpu.memory_space<vmem_shared>>
      %dma_start3A_146 = arith.constant 0 : i32
      %dma_start3A_147 = tpu.memref_slice %arg12[%add3A_7, %dma_start3A_146] : memref<20480x64xf32, #tpu.memory_space<vmem_shared>> -> memref<128x64xf32, #tpu.memory_space<vmem_shared>>
      %dma_start3A_148 = arith.constant 0 : i32
      %dma_start3A_149 = arith.constant 0 : i32
      %dma_start3A_150 = tpu.memref_slice %arg6[%run_scoped3A, %dma_start3A_148, %dma_start3A_149] : memref<1x128x64xf32, #tpu.memory_space<vmem>> -> memref<1x128x64xf32, #tpu.memory_space<vmem>>
      %dma_start3A_151 = tpu.memref_squeeze %dma_start3A_150 : memref<1x128x64xf32, #tpu.memory_space<vmem>> -> memref<128x64xf32, #tpu.memory_space<vmem>>
      tpu.enqueue_dma source(%dma_start3A_151 : memref<128x64xf32, #tpu.memory_space<vmem>>) target(%dma_start3A_147 : memref<128x64xf32, #tpu.memory_space<vmem_shared>>) target_semaphore(%run_scoped3A_139 : memref<!tpu.dma_semaphore, #tpu.memory_space<semaphore_mem>>)
      %dma_wait3A_152 = arith.constant 0 : i32
      %dma_wait3A_153 = arith.constant 0 : i32
      %dma_wait3A_154 = tpu.memref_slice %arg6[%run_scoped3A, %dma_wait3A_152, %dma_wait3A_153] : memref<1x128x64xf32, #tpu.memory_space<vmem>> -> memref<1x128x64xf32, #tpu.memory_space<vmem>>
      %dma_wait3A_155 = tpu.memref_squeeze %dma_wait3A_154 : memref<1x128x64xf32, #tpu.memory_space<vmem>> -> memref<128x64xf32, #tpu.memory_space<vmem>>
      %dma_wait3A_156 = arith.constant 0 : i32
      %dma_wait3A_157 = tpu.memref_slice %arg12[%add3A_7, %dma_wait3A_156] : memref<20480x64xf32, #tpu.memory_space<vmem_shared>> -> memref<128x64xf32, #tpu.memory_space<vmem_shared>>
      %dma_wait3A_158 = arith.constant 0 : i32
      %dma_wait3A_159 = tpu.memref_slice %arg12[%add3A_7, %dma_wait3A_158] : memref<20480x64xf32, #tpu.memory_space<vmem_shared>> -> memref<128x64xf32, #tpu.memory_space<vmem_shared>>
      %dma_wait3A_160 = arith.constant 0 : i32
      %dma_wait3A_161 = arith.constant 0 : i32
      %dma_wait3A_162 = tpu.memref_slice %arg6[%run_scoped3A, %dma_wait3A_160, %dma_wait3A_161] : memref<1x128x64xf32, #tpu.memory_space<vmem>> -> memref<1x128x64xf32, #tpu.memory_space<vmem>>
      %dma_wait3A_163 = tpu.memref_squeeze %dma_wait3A_162 : memref<1x128x64xf32, #tpu.memory_space<vmem>> -> memref<128x64xf32, #tpu.memory_space<vmem>>
      tpu.wait_dma2 semaphore(%run_scoped3A_139 : memref<!tpu.dma_semaphore, #tpu.memory_space<semaphore_mem>>) src(%dma_wait3A_163 : memref<128x64xf32, #tpu.memory_space<vmem>>) dst(%dma_wait3A_159 : memref<128x64xf32, #tpu.memory_space<vmem_shared>>)
      tpu.yield
    }) : () -> ()
    %add3A_8 = arith.constant 128 : i32
    %add3A_9 = arith.addi %mul3A_6, %add3A_8 : i32
    %run_scoped3A_10 = arith.constant 0 : i32
    "tpu.region"() ({
      %run_scoped3A_139 = tpu.sem_alloc : memref<!tpu.dma_semaphore, #tpu.memory_space<semaphore_mem>>
      %dma_start3A_140 = arith.constant 0 : i32
      %dma_start3A_141 = arith.constant 0 : i32
      %dma_start3A_142 = tpu.memref_slice %arg6[%run_scoped3A_10, %dma_start3A_140, %dma_start3A_141] : memref<1x128x64xf32, #tpu.memory_space<vmem>> -> memref<1x128x64xf32, #tpu.memory_space<vmem>>
      %dma_start3A_143 = tpu.memref_squeeze %dma_start3A_142 : memref<1x128x64xf32, #tpu.memory_space<vmem>> -> memref<128x64xf32, #tpu.memory_space<vmem>>
      %dma_start3A_144 = arith.constant 0 : i32
      %dma_start3A_145 = tpu.memref_slice %arg12[%add3A_9, %dma_start3A_144] : memref<20480x64xf32, #tpu.memory_space<vmem_shared>> -> memref<128x64xf32, #tpu.memory_space<vmem_shared>>
      %dma_start3A_146 = arith.constant 0 : i32
      %dma_start3A_147 = tpu.memref_slice %arg12[%add3A_9, %dma_start3A_146] : memref<20480x64xf32, #tpu.memory_space<vmem_shared>> -> memref<128x64xf32, #tpu.memory_space<vmem_shared>>
      %dma_start3A_148 = arith.constant 0 : i32
      %dma_start3A_149 = arith.constant 0 : i32
      %dma_start3A_150 = tpu.memref_slice %arg6[%run_scoped3A_10, %dma_start3A_148, %dma_start3A_149] : memref<1x128x64xf32, #tpu.memory_space<vmem>> -> memref<1x128x64xf32, #tpu.memory_space<vmem>>
      %dma_start3A_151 = tpu.memref_squeeze %dma_start3A_150 : memref<1x128x64xf32, #tpu.memory_space<vmem>> -> memref<128x64xf32, #tpu.memory_space<vmem>>
      tpu.enqueue_dma source(%dma_start3A_151 : memref<128x64xf32, #tpu.memory_space<vmem>>) target(%dma_start3A_147 : memref<128x64xf32, #tpu.memory_space<vmem_shared>>) target_semaphore(%run_scoped3A_139 : memref<!tpu.dma_semaphore, #tpu.memory_space<semaphore_mem>>)
      %dma_wait3A_152 = arith.constant 0 : i32
      %dma_wait3A_153 = arith.constant 0 : i32
      %dma_wait3A_154 = tpu.memref_slice %arg6[%run_scoped3A_10, %dma_wait3A_152, %dma_wait3A_153] : memref<1x128x64xf32, #tpu.memory_space<vmem>> -> memref<1x128x64xf32, #tpu.memory_space<vmem>>
      %dma_wait3A_155 = tpu.memref_squeeze %dma_wait3A_154 : memref<1x128x64xf32, #tpu.memory_space<vmem>> -> memref<128x64xf32, #tpu.memory_space<vmem>>
      %dma_wait3A_156 = arith.constant 0 : i32
      %dma_wait3A_157 = tpu.memref_slice %arg12[%add3A_9, %dma_wait3A_156] : memref<20480x64xf32, #tpu.memory_space<vmem_shared>> -> memref<128x64xf32, #tpu.memory_space<vmem_shared>>
      %dma_wait3A_158 = arith.constant 0 : i32
      %dma_wait3A_159 = tpu.memref_slice %arg12[%add3A_9, %dma_wait3A_158] : memref<20480x64xf32, #tpu.memory_space<vmem_shared>> -> memref<128x64xf32, #tpu.memory_space<vmem_shared>>
      %dma_wait3A_160 = arith.constant 0 : i32
      %dma_wait3A_161 = arith.constant 0 : i32
      %dma_wait3A_162 = tpu.memref_slice %arg6[%run_scoped3A_10, %dma_wait3A_160, %dma_wait3A_161] : memref<1x128x64xf32, #tpu.memory_space<vmem>> -> memref<1x128x64xf32, #tpu.memory_space<vmem>>
      %dma_wait3A_163 = tpu.memref_squeeze %dma_wait3A_162 : memref<1x128x64xf32, #tpu.memory_space<vmem>> -> memref<128x64xf32, #tpu.memory_space<vmem>>
      tpu.wait_dma2 semaphore(%run_scoped3A_139 : memref<!tpu.dma_semaphore, #tpu.memory_space<semaphore_mem>>) src(%dma_wait3A_163 : memref<128x64xf32, #tpu.memory_space<vmem>>) dst(%dma_wait3A_159 : memref<128x64xf32, #tpu.memory_space<vmem_shared>>)
      tpu.yield
    }) : () -> ()
    %add3A_11 = arith.constant 256 : i32
    %add3A_12 = arith.addi %mul3A_6, %add3A_11 : i32
    %run_scoped3A_13 = arith.constant 0 : i32
    "tpu.region"() ({
      %run_scoped3A_139 = tpu.sem_alloc : memref<!tpu.dma_semaphore, #tpu.memory_space<semaphore_mem>>
      %dma_start3A_140 = arith.constant 0 : i32
      %dma_start3A_141 = arith.constant 0 : i32
      %dma_start3A_142 = tpu.memref_slice %arg6[%run_scoped3A_13, %dma_start3A_140, %dma_start3A_141] : memref<1x128x64xf32, #tpu.memory_space<vmem>> -> memref<1x128x64xf32, #tpu.memory_space<vmem>>
      %dma_start3A_143 = tpu.memref_squeeze %dma_start3A_142 : memref<1x128x64xf32, #tpu.memory_space<vmem>> -> memref<128x64xf32, #tpu.memory_space<vmem>>
      %dma_start3A_144 = arith.constant 0 : i32
      %dma_start3A_145 = tpu.memref_slice %arg12[%add3A_12, %dma_start3A_144] : memref<20480x64xf32, #tpu.memory_space<vmem_shared>> -> memref<128x64xf32, #tpu.memory_space<vmem_shared>>
      %dma_start3A_146 = arith.constant 0 : i32
      %dma_start3A_147 = tpu.memref_slice %arg12[%add3A_12, %dma_start3A_146] : memref<20480x64xf32, #tpu.memory_space<vmem_shared>> -> memref<128x64xf32, #tpu.memory_space<vmem_shared>>
      %dma_start3A_148 = arith.constant 0 : i32
      %dma_start3A_149 = arith.constant 0 : i32
      %dma_start3A_150 = tpu.memref_slice %arg6[%run_scoped3A_13, %dma_start3A_148, %dma_start3A_149] : memref<1x128x64xf32, #tpu.memory_space<vmem>> -> memref<1x128x64xf32, #tpu.memory_space<vmem>>
      %dma_start3A_151 = tpu.memref_squeeze %dma_start3A_150 : memref<1x128x64xf32, #tpu.memory_space<vmem>> -> memref<128x64xf32, #tpu.memory_space<vmem>>
      tpu.enqueue_dma source(%dma_start3A_151 : memref<128x64xf32, #tpu.memory_space<vmem>>) target(%dma_start3A_147 : memref<128x64xf32, #tpu.memory_space<vmem_shared>>) target_semaphore(%run_scoped3A_139 : memref<!tpu.dma_semaphore, #tpu.memory_space<semaphore_mem>>)
      %dma_wait3A_152 = arith.constant 0 : i32
      %dma_wait3A_153 = arith.constant 0 : i32
      %dma_wait3A_154 = tpu.memref_slice %arg6[%run_scoped3A_13, %dma_wait3A_152, %dma_wait3A_153] : memref<1x128x64xf32, #tpu.memory_space<vmem>> -> memref<1x128x64xf32, #tpu.memory_space<vmem>>
      %dma_wait3A_155 = tpu.memref_squeeze %dma_wait3A_154 : memref<1x128x64xf32, #tpu.memory_space<vmem>> -> memref<128x64xf32, #tpu.memory_space<vmem>>
      %dma_wait3A_156 = arith.constant 0 : i32
      %dma_wait3A_157 = tpu.memref_slice %arg12[%add3A_12, %dma_wait3A_156] : memref<20480x64xf32, #tpu.memory_space<vmem_shared>> -> memref<128x64xf32, #tpu.memory_space<vmem_shared>>
      %dma_wait3A_158 = arith.constant 0 : i32
      %dma_wait3A_159 = tpu.memref_slice %arg12[%add3A_12, %dma_wait3A_158] : memref<20480x64xf32, #tpu.memory_space<vmem_shared>> -> memref<128x64xf32, #tpu.memory_space<vmem_shared>>
      %dma_wait3A_160 = arith.constant 0 : i32
      %dma_wait3A_161 = arith.constant 0 : i32
      %dma_wait3A_162 = tpu.memref_slice %arg6[%run_scoped3A_13, %dma_wait3A_160, %dma_wait3A_161] : memref<1x128x64xf32, #tpu.memory_space<vmem>> -> memref<1x128x64xf32, #tpu.memory_space<vmem>>
      %dma_wait3A_163 = tpu.memref_squeeze %dma_wait3A_162 : memref<1x128x64xf32, #tpu.memory_space<vmem>> -> memref<128x64xf32, #tpu.memory_space<vmem>>
      tpu.wait_dma2 semaphore(%run_scoped3A_139 : memref<!tpu.dma_semaphore, #tpu.memory_space<semaphore_mem>>) src(%dma_wait3A_163 : memref<128x64xf32, #tpu.memory_space<vmem>>) dst(%dma_wait3A_159 : memref<128x64xf32, #tpu.memory_space<vmem_shared>>)
      tpu.yield
    }) : () -> ()
    %add3A_14 = arith.constant 384 : i32
    %add3A_15 = arith.addi %mul3A_6, %add3A_14 : i32
    %run_scoped3A_16 = arith.constant 0 : i32
    "tpu.region"() ({
      %run_scoped3A_139 = tpu.sem_alloc : memref<!tpu.dma_semaphore, #tpu.memory_space<semaphore_mem>>
      %dma_start3A_140 = arith.constant 0 : i32
      %dma_start3A_141 = arith.constant 0 : i32
      %dma_start3A_142 = tpu.memref_slice %arg6[%run_scoped3A_16, %dma_start3A_140, %dma_start3A_141] : memref<1x128x64xf32, #tpu.memory_space<vmem>> -> memref<1x128x64xf32, #tpu.memory_space<vmem>>
      %dma_start3A_143 = tpu.memref_squeeze %dma_start3A_142 : memref<1x128x64xf32, #tpu.memory_space<vmem>> -> memref<128x64xf32, #tpu.memory_space<vmem>>
      %dma_start3A_144 = arith.constant 0 : i32
      %dma_start3A_145 = tpu.memref_slice %arg12[%add3A_15, %dma_start3A_144] : memref<20480x64xf32, #tpu.memory_space<vmem_shared>> -> memref<128x64xf32, #tpu.memory_space<vmem_shared>>
      %dma_start3A_146 = arith.constant 0 : i32
      %dma_start3A_147 = tpu.memref_slice %arg12[%add3A_15, %dma_start3A_146] : memref<20480x64xf32, #tpu.memory_space<vmem_shared>> -> memref<128x64xf32, #tpu.memory_space<vmem_shared>>
      %dma_start3A_148 = arith.constant 0 : i32
      %dma_start3A_149 = arith.constant 0 : i32
      %dma_start3A_150 = tpu.memref_slice %arg6[%run_scoped3A_16, %dma_start3A_148, %dma_start3A_149] : memref<1x128x64xf32, #tpu.memory_space<vmem>> -> memref<1x128x64xf32, #tpu.memory_space<vmem>>
      %dma_start3A_151 = tpu.memref_squeeze %dma_start3A_150 : memref<1x128x64xf32, #tpu.memory_space<vmem>> -> memref<128x64xf32, #tpu.memory_space<vmem>>
      tpu.enqueue_dma source(%dma_start3A_151 : memref<128x64xf32, #tpu.memory_space<vmem>>) target(%dma_start3A_147 : memref<128x64xf32, #tpu.memory_space<vmem_shared>>) target_semaphore(%run_scoped3A_139 : memref<!tpu.dma_semaphore, #tpu.memory_space<semaphore_mem>>)
      %dma_wait3A_152 = arith.constant 0 : i32
      %dma_wait3A_153 = arith.constant 0 : i32
      %dma_wait3A_154 = tpu.memref_slice %arg6[%run_scoped3A_16, %dma_wait3A_152, %dma_wait3A_153] : memref<1x128x64xf32, #tpu.memory_space<vmem>> -> memref<1x128x64xf32, #tpu.memory_space<vmem>>
      %dma_wait3A_155 = tpu.memref_squeeze %dma_wait3A_154 : memref<1x128x64xf32, #tpu.memory_space<vmem>> -> memref<128x64xf32, #tpu.memory_space<vmem>>
      %dma_wait3A_156 = arith.constant 0 : i32
      %dma_wait3A_157 = tpu.memref_slice %arg12[%add3A_15, %dma_wait3A_156] : memref<20480x64xf32, #tpu.memory_space<vmem_shared>> -> memref<128x64xf32, #tpu.memory_space<vmem_shared>>
      %dma_wait3A_158 = arith.constant 0 : i32
      %dma_wait3A_159 = tpu.memref_slice %arg12[%add3A_15, %dma_wait3A_158] : memref<20480x64xf32, #tpu.memory_space<vmem_shared>> -> memref<128x64xf32, #tpu.memory_space<vmem_shared>>
      %dma_wait3A_160 = arith.constant 0 : i32
      %dma_wait3A_161 = arith.constant 0 : i32
      %dma_wait3A_162 = tpu.memref_slice %arg6[%run_scoped3A_16, %dma_wait3A_160, %dma_wait3A_161] : memref<1x128x64xf32, #tpu.memory_space<vmem>> -> memref<1x128x64xf32, #tpu.memory_space<vmem>>
      %dma_wait3A_163 = tpu.memref_squeeze %dma_wait3A_162 : memref<1x128x64xf32, #tpu.memory_space<vmem>> -> memref<128x64xf32, #tpu.memory_space<vmem>>
      tpu.wait_dma2 semaphore(%run_scoped3A_139 : memref<!tpu.dma_semaphore, #tpu.memory_space<semaphore_mem>>) src(%dma_wait3A_163 : memref<128x64xf32, #tpu.memory_space<vmem>>) dst(%dma_wait3A_159 : memref<128x64xf32, #tpu.memory_space<vmem_shared>>)
      tpu.yield
    }) : () -> ()
    %add3A_17 = arith.constant 512 : i32
    %add3A_18 = arith.addi %mul3A_6, %add3A_17 : i32
    %run_scoped3A_19 = arith.constant 0 : i32
    "tpu.region"() ({
      %run_scoped3A_139 = tpu.sem_alloc : memref<!tpu.dma_semaphore, #tpu.memory_space<semaphore_mem>>
      %dma_start3A_140 = arith.constant 0 : i32
      %dma_start3A_141 = arith.constant 0 : i32
      %dma_start3A_142 = tpu.memref_slice %arg6[%run_scoped3A_19, %dma_start3A_140, %dma_start3A_141] : memref<1x128x64xf32, #tpu.memory_space<vmem>> -> memref<1x128x64xf32, #tpu.memory_space<vmem>>
      %dma_start3A_143 = tpu.memref_squeeze %dma_start3A_142 : memref<1x128x64xf32, #tpu.memory_space<vmem>> -> memref<128x64xf32, #tpu.memory_space<vmem>>
      %dma_start3A_144 = arith.constant 0 : i32
      %dma_start3A_145 = tpu.memref_slice %arg12[%add3A_18, %dma_start3A_144] : memref<20480x64xf32, #tpu.memory_space<vmem_shared>> -> memref<128x64xf32, #tpu.memory_space<vmem_shared>>
      %dma_start3A_146 = arith.constant 0 : i32
      %dma_start3A_147 = tpu.memref_slice %arg12[%add3A_18, %dma_start3A_146] : memref<20480x64xf32, #tpu.memory_space<vmem_shared>> -> memref<128x64xf32, #tpu.memory_space<vmem_shared>>
      %dma_start3A_148 = arith.constant 0 : i32
      %dma_start3A_149 = arith.constant 0 : i32
      %dma_start3A_150 = tpu.memref_slice %arg6[%run_scoped3A_19, %dma_start3A_148, %dma_start3A_149] : memref<1x128x64xf32, #tpu.memory_space<vmem>> -> memref<1x128x64xf32, #tpu.memory_space<vmem>>
      %dma_start3A_151 = tpu.memref_squeeze %dma_start3A_150 : memref<1x128x64xf32, #tpu.memory_space<vmem>> -> memref<128x64xf32, #tpu.memory_space<vmem>>
      tpu.enqueue_dma source(%dma_start3A_151 : memref<128x64xf32, #tpu.memory_space<vmem>>) target(%dma_start3A_147 : memref<128x64xf32, #tpu.memory_space<vmem_shared>>) target_semaphore(%run_scoped3A_139 : memref<!tpu.dma_semaphore, #tpu.memory_space<semaphore_mem>>)
      %dma_wait3A_152 = arith.constant 0 : i32
      %dma_wait3A_153 = arith.constant 0 : i32
      %dma_wait3A_154 = tpu.memref_slice %arg6[%run_scoped3A_19, %dma_wait3A_152, %dma_wait3A_153] : memref<1x128x64xf32, #tpu.memory_space<vmem>> -> memref<1x128x64xf32, #tpu.memory_space<vmem>>
      %dma_wait3A_155 = tpu.memref_squeeze %dma_wait3A_154 : memref<1x128x64xf32, #tpu.memory_space<vmem>> -> memref<128x64xf32, #tpu.memory_space<vmem>>
      %dma_wait3A_156 = arith.constant 0 : i32
      %dma_wait3A_157 = tpu.memref_slice %arg12[%add3A_18, %dma_wait3A_156] : memref<20480x64xf32, #tpu.memory_space<vmem_shared>> -> memref<128x64xf32, #tpu.memory_space<vmem_shared>>
      %dma_wait3A_158 = arith.constant 0 : i32
      %dma_wait3A_159 = tpu.memref_slice %arg12[%add3A_18, %dma_wait3A_158] : memref<20480x64xf32, #tpu.memory_space<vmem_shared>> -> memref<128x64xf32, #tpu.memory_space<vmem_shared>>
      %dma_wait3A_160 = arith.constant 0 : i32
      %dma_wait3A_161 = arith.constant 0 : i32
      %dma_wait3A_162 = tpu.memref_slice %arg6[%run_scoped3A_19, %dma_wait3A_160, %dma_wait3A_161] : memref<1x128x64xf32, #tpu.memory_space<vmem>> -> memref<1x128x64xf32, #tpu.memory_space<vmem>>
      %dma_wait3A_163 = tpu.memref_squeeze %dma_wait3A_162 : memref<1x128x64xf32, #tpu.memory_space<vmem>> -> memref<128x64xf32, #tpu.memory_space<vmem>>
      tpu.wait_dma2 semaphore(%run_scoped3A_139 : memref<!tpu.dma_semaphore, #tpu.memory_space<semaphore_mem>>) src(%dma_wait3A_163 : memref<128x64xf32, #tpu.memory_space<vmem>>) dst(%dma_wait3A_159 : memref<128x64xf32, #tpu.memory_space<vmem_shared>>)
      tpu.yield
    }) : () -> ()
    %add3A_20 = arith.constant 640 : i32
    %add3A_21 = arith.addi %mul3A_6, %add3A_20 : i32
    %run_scoped3A_22 = arith.constant 0 : i32
    "tpu.region"() ({
      %run_scoped3A_139 = tpu.sem_alloc : memref<!tpu.dma_semaphore, #tpu.memory_space<semaphore_mem>>
      %dma_start3A_140 = arith.constant 0 : i32
      %dma_start3A_141 = arith.constant 0 : i32
      %dma_start3A_142 = tpu.memref_slice %arg6[%run_scoped3A_22, %dma_start3A_140, %dma_start3A_141] : memref<1x128x64xf32, #tpu.memory_space<vmem>> -> memref<1x128x64xf32, #tpu.memory_space<vmem>>
      %dma_start3A_143 = tpu.memref_squeeze %dma_start3A_142 : memref<1x128x64xf32, #tpu.memory_space<vmem>> -> memref<128x64xf32, #tpu.memory_space<vmem>>
      %dma_start3A_144 = arith.constant 0 : i32
      %dma_start3A_145 = tpu.memref_slice %arg12[%add3A_21, %dma_start3A_144] : memref<20480x64xf32, #tpu.memory_space<vmem_shared>> -> memref<128x64xf32, #tpu.memory_space<vmem_shared>>
      %dma_start3A_146 = arith.constant 0 : i32
      %dma_start3A_147 = tpu.memref_slice %arg12[%add3A_21, %dma_start3A_146] : memref<20480x64xf32, #tpu.memory_space<vmem_shared>> -> memref<128x64xf32, #tpu.memory_space<vmem_shared>>
      %dma_start3A_148 = arith.constant 0 : i32
      %dma_start3A_149 = arith.constant 0 : i32
      %dma_start3A_150 = tpu.memref_slice %arg6[%run_scoped3A_22, %dma_start3A_148, %dma_start3A_149] : memref<1x128x64xf32, #tpu.memory_space<vmem>> -> memref<1x128x64xf32, #tpu.memory_space<vmem>>
      %dma_start3A_151 = tpu.memref_squeeze %dma_start3A_150 : memref<1x128x64xf32, #tpu.memory_space<vmem>> -> memref<128x64xf32, #tpu.memory_space<vmem>>
      tpu.enqueue_dma source(%dma_start3A_151 : memref<128x64xf32, #tpu.memory_space<vmem>>) target(%dma_start3A_147 : memref<128x64xf32, #tpu.memory_space<vmem_shared>>) target_semaphore(%run_scoped3A_139 : memref<!tpu.dma_semaphore, #tpu.memory_space<semaphore_mem>>)
      %dma_wait3A_152 = arith.constant 0 : i32
      %dma_wait3A_153 = arith.constant 0 : i32
      %dma_wait3A_154 = tpu.memref_slice %arg6[%run_scoped3A_22, %dma_wait3A_152, %dma_wait3A_153] : memref<1x128x64xf32, #tpu.memory_space<vmem>> -> memref<1x128x64xf32, #tpu.memory_space<vmem>>
      %dma_wait3A_155 = tpu.memref_squeeze %dma_wait3A_154 : memref<1x128x64xf32, #tpu.memory_space<vmem>> -> memref<128x64xf32, #tpu.memory_space<vmem>>
      %dma_wait3A_156 = arith.constant 0 : i32
      %dma_wait3A_157 = tpu.memref_slice %arg12[%add3A_21, %dma_wait3A_156] : memref<20480x64xf32, #tpu.memory_space<vmem_shared>> -> memref<128x64xf32, #tpu.memory_space<vmem_shared>>
      %dma_wait3A_158 = arith.constant 0 : i32
      %dma_wait3A_159 = tpu.memref_slice %arg12[%add3A_21, %dma_wait3A_158] : memref<20480x64xf32, #tpu.memory_space<vmem_shared>> -> memref<128x64xf32, #tpu.memory_space<vmem_shared>>
      %dma_wait3A_160 = arith.constant 0 : i32
      %dma_wait3A_161 = arith.constant 0 : i32
      %dma_wait3A_162 = tpu.memref_slice %arg6[%run_scoped3A_22, %dma_wait3A_160, %dma_wait3A_161] : memref<1x128x64xf32, #tpu.memory_space<vmem>> -> memref<1x128x64xf32, #tpu.memory_space<vmem>>
      %dma_wait3A_163 = tpu.memref_squeeze %dma_wait3A_162 : memref<1x128x64xf32, #tpu.memory_space<vmem>> -> memref<128x64xf32, #tpu.memory_space<vmem>>
      tpu.wait_dma2 semaphore(%run_scoped3A_139 : memref<!tpu.dma_semaphore, #tpu.memory_space<semaphore_mem>>) src(%dma_wait3A_163 : memref<128x64xf32, #tpu.memory_space<vmem>>) dst(%dma_wait3A_159 : memref<128x64xf32, #tpu.memory_space<vmem_shared>>)
      tpu.yield
    }) : () -> ()
    %add3A_23 = arith.constant 768 : i32
    %add3A_24 = arith.addi %mul3A_6, %add3A_23 : i32
    %run_scoped3A_25 = arith.constant 0 : i32
    "tpu.region"() ({
      %run_scoped3A_139 = tpu.sem_alloc : memref<!tpu.dma_semaphore, #tpu.memory_space<semaphore_mem>>
      %dma_start3A_140 = arith.constant 0 : i32
      %dma_start3A_141 = arith.constant 0 : i32
      %dma_start3A_142 = tpu.memref_slice %arg6[%run_scoped3A_25, %dma_start3A_140, %dma_start3A_141] : memref<1x128x64xf32, #tpu.memory_space<vmem>> -> memref<1x128x64xf32, #tpu.memory_space<vmem>>
      %dma_start3A_143 = tpu.memref_squeeze %dma_start3A_142 : memref<1x128x64xf32, #tpu.memory_space<vmem>> -> memref<128x64xf32, #tpu.memory_space<vmem>>
      %dma_start3A_144 = arith.constant 0 : i32
      %dma_start3A_145 = tpu.memref_slice %arg12[%add3A_24, %dma_start3A_144] : memref<20480x64xf32, #tpu.memory_space<vmem_shared>> -> memref<128x64xf32, #tpu.memory_space<vmem_shared>>
      %dma_start3A_146 = arith.constant 0 : i32
      %dma_start3A_147 = tpu.memref_slice %arg12[%add3A_24, %dma_start3A_146] : memref<20480x64xf32, #tpu.memory_space<vmem_shared>> -> memref<128x64xf32, #tpu.memory_space<vmem_shared>>
      %dma_start3A_148 = arith.constant 0 : i32
      %dma_start3A_149 = arith.constant 0 : i32
      %dma_start3A_150 = tpu.memref_slice %arg6[%run_scoped3A_25, %dma_start3A_148, %dma_start3A_149] : memref<1x128x64xf32, #tpu.memory_space<vmem>> -> memref<1x128x64xf32, #tpu.memory_space<vmem>>
      %dma_start3A_151 = tpu.memref_squeeze %dma_start3A_150 : memref<1x128x64xf32, #tpu.memory_space<vmem>> -> memref<128x64xf32, #tpu.memory_space<vmem>>
      tpu.enqueue_dma source(%dma_start3A_151 : memref<128x64xf32, #tpu.memory_space<vmem>>) target(%dma_start3A_147 : memref<128x64xf32, #tpu.memory_space<vmem_shared>>) target_semaphore(%run_scoped3A_139 : memref<!tpu.dma_semaphore, #tpu.memory_space<semaphore_mem>>)
      %dma_wait3A_152 = arith.constant 0 : i32
      %dma_wait3A_153 = arith.constant 0 : i32
      %dma_wait3A_154 = tpu.memref_slice %arg6[%run_scoped3A_25, %dma_wait3A_152, %dma_wait3A_153] : memref<1x128x64xf32, #tpu.memory_space<vmem>> -> memref<1x128x64xf32, #tpu.memory_space<vmem>>
      %dma_wait3A_155 = tpu.memref_squeeze %dma_wait3A_154 : memref<1x128x64xf32, #tpu.memory_space<vmem>> -> memref<128x64xf32, #tpu.memory_space<vmem>>
      %dma_wait3A_156 = arith.constant 0 : i32
      %dma_wait3A_157 = tpu.memref_slice %arg12[%add3A_24, %dma_wait3A_156] : memref<20480x64xf32, #tpu.memory_space<vmem_shared>> -> memref<128x64xf32, #tpu.memory_space<vmem_shared>>
      %dma_wait3A_158 = arith.constant 0 : i32
      %dma_wait3A_159 = tpu.memref_slice %arg12[%add3A_24, %dma_wait3A_158] : memref<20480x64xf32, #tpu.memory_space<vmem_shared>> -> memref<128x64xf32, #tpu.memory_space<vmem_shared>>
      %dma_wait3A_160 = arith.constant 0 : i32
      %dma_wait3A_161 = arith.constant 0 : i32
      %dma_wait3A_162 = tpu.memref_slice %arg6[%run_scoped3A_25, %dma_wait3A_160, %dma_wait3A_161] : memref<1x128x64xf32, #tpu.memory_space<vmem>> -> memref<1x128x64xf32, #tpu.memory_space<vmem>>
      %dma_wait3A_163 = tpu.memref_squeeze %dma_wait3A_162 : memref<1x128x64xf32, #tpu.memory_space<vmem>> -> memref<128x64xf32, #tpu.memory_space<vmem>>
      tpu.wait_dma2 semaphore(%run_scoped3A_139 : memref<!tpu.dma_semaphore, #tpu.memory_space<semaphore_mem>>) src(%dma_wait3A_163 : memref<128x64xf32, #tpu.memory_space<vmem>>) dst(%dma_wait3A_159 : memref<128x64xf32, #tpu.memory_space<vmem_shared>>)
      tpu.yield
    }) : () -> ()
    %add3A_26 = arith.constant 896 : i32
    %add3A_27 = arith.addi %mul3A_6, %add3A_26 : i32
    %run_scoped3A_28 = arith.constant 0 : i32
    "tpu.region"() ({
      %run_scoped3A_139 = tpu.sem_alloc : memref<!tpu.dma_semaphore, #tpu.memory_space<semaphore_mem>>
      %dma_start3A_140 = arith.constant 0 : i32
      %dma_start3A_141 = arith.constant 0 : i32
      %dma_start3A_142 = tpu.memref_slice %arg6[%run_scoped3A_28, %dma_start3A_140, %dma_start3A_141] : memref<1x128x64xf32, #tpu.memory_space<vmem>> -> memref<1x128x64xf32, #tpu.memory_space<vmem>>
      %dma_start3A_143 = tpu.memref_squeeze %dma_start3A_142 : memref<1x128x64xf32, #tpu.memory_space<vmem>> -> memref<128x64xf32, #tpu.memory_space<vmem>>
      %dma_start3A_144 = arith.constant 0 : i32
      %dma_start3A_145 = tpu.memref_slice %arg12[%add3A_27, %dma_start3A_144] : memref<20480x64xf32, #tpu.memory_space<vmem_shared>> -> memref<128x64xf32, #tpu.memory_space<vmem_shared>>
      %dma_start3A_146 = arith.constant 0 : i32
      %dma_start3A_147 = tpu.memref_slice %arg12[%add3A_27, %dma_start3A_146] : memref<20480x64xf32, #tpu.memory_space<vmem_shared>> -> memref<128x64xf32, #tpu.memory_space<vmem_shared>>
      %dma_start3A_148 = arith.constant 0 : i32
      %dma_start3A_149 = arith.constant 0 : i32
      %dma_start3A_150 = tpu.memref_slice %arg6[%run_scoped3A_28, %dma_start3A_148, %dma_start3A_149] : memref<1x128x64xf32, #tpu.memory_space<vmem>> -> memref<1x128x64xf32, #tpu.memory_space<vmem>>
      %dma_start3A_151 = tpu.memref_squeeze %dma_start3A_150 : memref<1x128x64xf32, #tpu.memory_space<vmem>> -> memref<128x64xf32, #tpu.memory_space<vmem>>
      tpu.enqueue_dma source(%dma_start3A_151 : memref<128x64xf32, #tpu.memory_space<vmem>>) target(%dma_start3A_147 : memref<128x64xf32, #tpu.memory_space<vmem_shared>>) target_semaphore(%run_scoped3A_139 : memref<!tpu.dma_semaphore, #tpu.memory_space<semaphore_mem>>)
      %dma_wait3A_152 = arith.constant 0 : i32
      %dma_wait3A_153 = arith.constant 0 : i32
      %dma_wait3A_154 = tpu.memref_slice %arg6[%run_scoped3A_28, %dma_wait3A_152, %dma_wait3A_153] : memref<1x128x64xf32, #tpu.memory_space<vmem>> -> memref<1x128x64xf32, #tpu.memory_space<vmem>>
      %dma_wait3A_155 = tpu.memref_squeeze %dma_wait3A_154 : memref<1x128x64xf32, #tpu.memory_space<vmem>> -> memref<128x64xf32, #tpu.memory_space<vmem>>
      %dma_wait3A_156 = arith.constant 0 : i32
      %dma_wait3A_157 = tpu.memref_slice %arg12[%add3A_27, %dma_wait3A_156] : memref<20480x64xf32, #tpu.memory_space<vmem_shared>> -> memref<128x64xf32, #tpu.memory_space<vmem_shared>>
      %dma_wait3A_158 = arith.constant 0 : i32
      %dma_wait3A_159 = tpu.memref_slice %arg12[%add3A_27, %dma_wait3A_158] : memref<20480x64xf32, #tpu.memory_space<vmem_shared>> -> memref<128x64xf32, #tpu.memory_space<vmem_shared>>
      %dma_wait3A_160 = arith.constant 0 : i32
      %dma_wait3A_161 = arith.constant 0 : i32
      %dma_wait3A_162 = tpu.memref_slice %arg6[%run_scoped3A_28, %dma_wait3A_160, %dma_wait3A_161] : memref<1x128x64xf32, #tpu.memory_space<vmem>> -> memref<1x128x64xf32, #tpu.memory_space<vmem>>
      %dma_wait3A_163 = tpu.memref_squeeze %dma_wait3A_162 : memref<1x128x64xf32, #tpu.memory_space<vmem>> -> memref<128x64xf32, #tpu.memory_space<vmem>>
      tpu.wait_dma2 semaphore(%run_scoped3A_139 : memref<!tpu.dma_semaphore, #tpu.memory_space<semaphore_mem>>) src(%dma_wait3A_163 : memref<128x64xf32, #tpu.memory_space<vmem>>) dst(%dma_wait3A_159 : memref<128x64xf32, #tpu.memory_space<vmem_shared>>)
      tpu.yield
    }) : () -> ()
    %add3A_29 = arith.constant 1024 : i32
    %add3A_30 = arith.addi %mul3A_6, %add3A_29 : i32
    %run_scoped3A_31 = arith.constant 0 : i32
    "tpu.region"() ({
      %run_scoped3A_139 = tpu.sem_alloc : memref<!tpu.dma_semaphore, #tpu.memory_space<semaphore_mem>>
      %dma_start3A_140 = arith.constant 0 : i32
      %dma_start3A_141 = arith.constant 0 : i32
      %dma_start3A_142 = tpu.memref_slice %arg6[%run_scoped3A_31, %dma_start3A_140, %dma_start3A_141] : memref<1x128x64xf32, #tpu.memory_space<vmem>> -> memref<1x128x64xf32, #tpu.memory_space<vmem>>
      %dma_start3A_143 = tpu.memref_squeeze %dma_start3A_142 : memref<1x128x64xf32, #tpu.memory_space<vmem>> -> memref<128x64xf32, #tpu.memory_space<vmem>>
      %dma_start3A_144 = arith.constant 0 : i32
      %dma_start3A_145 = tpu.memref_slice %arg12[%add3A_30, %dma_start3A_144] : memref<20480x64xf32, #tpu.memory_space<vmem_shared>> -> memref<128x64xf32, #tpu.memory_space<vmem_shared>>
      %dma_start3A_146 = arith.constant 0 : i32
      %dma_start3A_147 = tpu.memref_slice %arg12[%add3A_30, %dma_start3A_146] : memref<20480x64xf32, #tpu.memory_space<vmem_shared>> -> memref<128x64xf32, #tpu.memory_space<vmem_shared>>
      %dma_start3A_148 = arith.constant 0 : i32
      %dma_start3A_149 = arith.constant 0 : i32
      %dma_start3A_150 = tpu.memref_slice %arg6[%run_scoped3A_31, %dma_start3A_148, %dma_start3A_149] : memref<1x128x64xf32, #tpu.memory_space<vmem>> -> memref<1x128x64xf32, #tpu.memory_space<vmem>>
      %dma_start3A_151 = tpu.memref_squeeze %dma_start3A_150 : memref<1x128x64xf32, #tpu.memory_space<vmem>> -> memref<128x64xf32, #tpu.memory_space<vmem>>
      tpu.enqueue_dma source(%dma_start3A_151 : memref<128x64xf32, #tpu.memory_space<vmem>>) target(%dma_start3A_147 : memref<128x64xf32, #tpu.memory_space<vmem_shared>>) target_semaphore(%run_scoped3A_139 : memref<!tpu.dma_semaphore, #tpu.memory_space<semaphore_mem>>)
      %dma_wait3A_152 = arith.constant 0 : i32
      %dma_wait3A_153 = arith.constant 0 : i32
      %dma_wait3A_154 = tpu.memref_slice %arg6[%run_scoped3A_31, %dma_wait3A_152, %dma_wait3A_153] : memref<1x128x64xf32, #tpu.memory_space<vmem>> -> memref<1x128x64xf32, #tpu.memory_space<vmem>>
      %dma_wait3A_155 = tpu.memref_squeeze %dma_wait3A_154 : memref<1x128x64xf32, #tpu.memory_space<vmem>> -> memref<128x64xf32, #tpu.memory_space<vmem>>
      %dma_wait3A_156 = arith.constant 0 : i32
      %dma_wait3A_157 = tpu.memref_slice %arg12[%add3A_30, %dma_wait3A_156] : memref<20480x64xf32, #tpu.memory_space<vmem_shared>> -> memref<128x64xf32, #tpu.memory_space<vmem_shared>>
      %dma_wait3A_158 = arith.constant 0 : i32
      %dma_wait3A_159 = tpu.memref_slice %arg12[%add3A_30, %dma_wait3A_158] : memref<20480x64xf32, #tpu.memory_space<vmem_shared>> -> memref<128x64xf32, #tpu.memory_space<vmem_shared>>
      %dma_wait3A_160 = arith.constant 0 : i32
      %dma_wait3A_161 = arith.constant 0 : i32
      %dma_wait3A_162 = tpu.memref_slice %arg6[%run_scoped3A_31, %dma_wait3A_160, %dma_wait3A_161] : memref<1x128x64xf32, #tpu.memory_space<vmem>> -> memref<1x128x64xf32, #tpu.memory_space<vmem>>
      %dma_wait3A_163 = tpu.memref_squeeze %dma_wait3A_162 : memref<1x128x64xf32, #tpu.memory_space<vmem>> -> memref<128x64xf32, #tpu.memory_space<vmem>>
      tpu.wait_dma2 semaphore(%run_scoped3A_139 : memref<!tpu.dma_semaphore, #tpu.memory_space<semaphore_mem>>) src(%dma_wait3A_163 : memref<128x64xf32, #tpu.memory_space<vmem>>) dst(%dma_wait3A_159 : memref<128x64xf32, #tpu.memory_space<vmem_shared>>)
      tpu.yield
    }) : () -> ()
    %add3A_32 = arith.constant 1152 : i32
    %add3A_33 = arith.addi %mul3A_6, %add3A_32 : i32
    %run_scoped3A_34 = arith.constant 0 : i32
    "tpu.region"() ({
      %run_scoped3A_139 = tpu.sem_alloc : memref<!tpu.dma_semaphore, #tpu.memory_space<semaphore_mem>>
      %dma_start3A_140 = arith.constant 0 : i32
      %dma_start3A_141 = arith.constant 0 : i32
      %dma_start3A_142 = tpu.memref_slice %arg6[%run_scoped3A_34, %dma_start3A_140, %dma_start3A_141] : memref<1x128x64xf32, #tpu.memory_space<vmem>> -> memref<1x128x64xf32, #tpu.memory_space<vmem>>
      %dma_start3A_143 = tpu.memref_squeeze %dma_start3A_142 : memref<1x128x64xf32, #tpu.memory_space<vmem>> -> memref<128x64xf32, #tpu.memory_space<vmem>>
      %dma_start3A_144 = arith.constant 0 : i32
      %dma_start3A_145 = tpu.memref_slice %arg12[%add3A_33, %dma_start3A_144] : memref<20480x64xf32, #tpu.memory_space<vmem_shared>> -> memref<128x64xf32, #tpu.memory_space<vmem_shared>>
      %dma_start3A_146 = arith.constant 0 : i32
      %dma_start3A_147 = tpu.memref_slice %arg12[%add3A_33, %dma_start3A_146] : memref<20480x64xf32, #tpu.memory_space<vmem_shared>> -> memref<128x64xf32, #tpu.memory_space<vmem_shared>>
      %dma_start3A_148 = arith.constant 0 : i32
      %dma_start3A_149 = arith.constant 0 : i32
      %dma_start3A_150 = tpu.memref_slice %arg6[%run_scoped3A_34, %dma_start3A_148, %dma_start3A_149] : memref<1x128x64xf32, #tpu.memory_space<vmem>> -> memref<1x128x64xf32, #tpu.memory_space<vmem>>
      %dma_start3A_151 = tpu.memref_squeeze %dma_start3A_150 : memref<1x128x64xf32, #tpu.memory_space<vmem>> -> memref<128x64xf32, #tpu.memory_space<vmem>>
      tpu.enqueue_dma source(%dma_start3A_151 : memref<128x64xf32, #tpu.memory_space<vmem>>) target(%dma_start3A_147 : memref<128x64xf32, #tpu.memory_space<vmem_shared>>) target_semaphore(%run_scoped3A_139 : memref<!tpu.dma_semaphore, #tpu.memory_space<semaphore_mem>>)
      %dma_wait3A_152 = arith.constant 0 : i32
      %dma_wait3A_153 = arith.constant 0 : i32
      %dma_wait3A_154 = tpu.memref_slice %arg6[%run_scoped3A_34, %dma_wait3A_152, %dma_wait3A_153] : memref<1x128x64xf32, #tpu.memory_space<vmem>> -> memref<1x128x64xf32, #tpu.memory_space<vmem>>
      %dma_wait3A_155 = tpu.memref_squeeze %dma_wait3A_154 : memref<1x128x64xf32, #tpu.memory_space<vmem>> -> memref<128x64xf32, #tpu.memory_space<vmem>>
      %dma_wait3A_156 = arith.constant 0 : i32
      %dma_wait3A_157 = tpu.memref_slice %arg12[%add3A_33, %dma_wait3A_156] : memref<20480x64xf32, #tpu.memory_space<vmem_shared>> -> memref<128x64xf32, #tpu.memory_space<vmem_shared>>
      %dma_wait3A_158 = arith.constant 0 : i32
      %dma_wait3A_159 = tpu.memref_slice %arg12[%add3A_33, %dma_wait3A_158] : memref<20480x64xf32, #tpu.memory_space<vmem_shared>> -> memref<128x64xf32, #tpu.memory_space<vmem_shared>>
      %dma_wait3A_160 = arith.constant 0 : i32
      %dma_wait3A_161 = arith.constant 0 : i32
      %dma_wait3A_162 = tpu.memref_slice %arg6[%run_scoped3A_34, %dma_wait3A_160, %dma_wait3A_161] : memref<1x128x64xf32, #tpu.memory_space<vmem>> -> memref<1x128x64xf32, #tpu.memory_space<vmem>>
      %dma_wait3A_163 = tpu.memref_squeeze %dma_wait3A_162 : memref<1x128x64xf32, #tpu.memory_space<vmem>> -> memref<128x64xf32, #tpu.memory_space<vmem>>
      tpu.wait_dma2 semaphore(%run_scoped3A_139 : memref<!tpu.dma_semaphore, #tpu.memory_space<semaphore_mem>>) src(%dma_wait3A_163 : memref<128x64xf32, #tpu.memory_space<vmem>>) dst(%dma_wait3A_159 : memref<128x64xf32, #tpu.memory_space<vmem_shared>>)
      tpu.yield
    }) : () -> ()
    %barrier3A = arith.constant 0 : index
    tpu.barrier barrier_id(%barrier3A)
    %rem3A = arith.constant 0 : i32
    %rem3A_35 = arith.constant 2 : i32
    %rem3A_36 = arith.remsi %rem3A, %rem3A_35 : i32
    %mul3A_37 = arith.constant 20 : i32
    %mul3A_38 = arith.muli %arg1, %mul3A_37 : i32
    %add3A_39 = arith.constant 0 : i32
    %add3A_40 = arith.addi %mul3A_38, %add3A_39 : i32
    "tpu.region"() ({
      %run_scoped3A_139 = tpu.sem_alloc : memref<!tpu.dma_semaphore, #tpu.memory_space<semaphore_mem>>
      %dma_start3A_140 = arith.constant 0 : i32
      %dma_start3A_141 = arith.constant 0 : i32
      %dma_start3A_142 = arith.constant 0 : i32
      %dma_start3A_143 = tpu.memref_slice %arg5[%rem3A_36, %dma_start3A_140, %dma_start3A_141, %dma_start3A_142] : memref<2x2x8x128xi32, #tpu.memory_space<vmem>> -> memref<1x2x8x128xi32, #tpu.memory_space<vmem>>
      %dma_start3A_144 = tpu.memref_squeeze %dma_start3A_143 : memref<1x2x8x128xi32, #tpu.memory_space<vmem>> -> memref<2x8x128xi32, #tpu.memory_space<vmem>>
      %dma_start3A_145 = arith.constant 0 : i32
      %dma_start3A_146 = arith.constant 0 : i32
      %dma_start3A_147 = arith.constant 0 : i32
      %dma_start3A_148 = tpu.memref_slice %arg3[%arg0, %add3A_40, %dma_start3A_145, %dma_start3A_146, %dma_start3A_147] : memref<2x320x2x8x128xi32, #tpu.memory_space<hbm>> -> memref<1x1x2x8x128xi32, #tpu.memory_space<hbm>>
      %dma_start3A_149 = tpu.memref_squeeze %dma_start3A_148 : memref<1x1x2x8x128xi32, #tpu.memory_space<hbm>> -> memref<2x8x128xi32, #tpu.memory_space<hbm>>
      %dma_start3A_150 = arith.constant 0 : i32
      %dma_start3A_151 = arith.constant 0 : i32
      %dma_start3A_152 = arith.constant 0 : i32
      %dma_start3A_153 = tpu.memref_slice %arg5[%rem3A_36, %dma_start3A_150, %dma_start3A_151, %dma_start3A_152] : memref<2x2x8x128xi32, #tpu.memory_space<vmem>> -> memref<1x2x8x128xi32, #tpu.memory_space<vmem>>
      %dma_start3A_154 = tpu.memref_squeeze %dma_start3A_153 : memref<1x2x8x128xi32, #tpu.memory_space<vmem>> -> memref<2x8x128xi32, #tpu.memory_space<vmem>>
      %dma_start3A_155 = arith.constant 0 : i32
      %dma_start3A_156 = arith.constant 0 : i32
      %dma_start3A_157 = arith.constant 0 : i32
      %dma_start3A_158 = tpu.memref_slice %arg3[%arg0, %add3A_40, %dma_start3A_155, %dma_start3A_156, %dma_start3A_157] : memref<2x320x2x8x128xi32, #tpu.memory_space<hbm>> -> memref<1x1x2x8x128xi32, #tpu.memory_space<hbm>>
      %dma_start3A_159 = tpu.memref_squeeze %dma_start3A_158 : memref<1x1x2x8x128xi32, #tpu.memory_space<hbm>> -> memref<2x8x128xi32, #tpu.memory_space<hbm>>
      tpu.enqueue_dma source(%dma_start3A_159 : memref<2x8x128xi32, #tpu.memory_space<hbm>>) target(%dma_start3A_154 : memref<2x8x128xi32, #tpu.memory_space<vmem>>) target_semaphore(%run_scoped3A_139 : memref<!tpu.dma_semaphore, #tpu.memory_space<semaphore_mem>>)
      %dma_wait3A_160 = arith.constant 0 : i32
      %dma_wait3A_161 = arith.constant 0 : i32
      %dma_wait3A_162 = arith.constant 0 : i32
      %dma_wait3A_163 = tpu.memref_slice %arg5[%rem3A_36, %dma_wait3A_160, %dma_wait3A_161, %dma_wait3A_162] : memref<2x2x8x128xi32, #tpu.memory_space<vmem>> -> memref<1x2x8x128xi32, #tpu.memory_space<vmem>>
      %dma_wait3A_164 = tpu.memref_squeeze %dma_wait3A_163 : memref<1x2x8x128xi32, #tpu.memory_space<vmem>> -> memref<2x8x128xi32, #tpu.memory_space<vmem>>
      %dma_wait3A_165 = arith.constant 0 : i32
      %dma_wait3A_166 = arith.constant 0 : i32
      %dma_wait3A_167 = arith.constant 0 : i32
      %dma_wait3A_168 = tpu.memref_slice %arg3[%arg0, %add3A_40, %dma_wait3A_165, %dma_wait3A_166, %dma_wait3A_167] : memref<2x320x2x8x128xi32, #tpu.memory_space<hbm>> -> memref<1x1x2x8x128xi32, #tpu.memory_space<hbm>>
      %dma_wait3A_169 = tpu.memref_squeeze %dma_wait3A_168 : memref<1x1x2x8x128xi32, #tpu.memory_space<hbm>> -> memref<2x8x128xi32, #tpu.memory_space<hbm>>
      %dma_wait3A_170 = arith.constant 0 : i32
      %dma_wait3A_171 = arith.constant 0 : i32
      %dma_wait3A_172 = arith.constant 0 : i32
      %dma_wait3A_173 = tpu.memref_slice %arg5[%rem3A_36, %dma_wait3A_170, %dma_wait3A_171, %dma_wait3A_172] : memref<2x2x8x128xi32, #tpu.memory_space<vmem>> -> memref<1x2x8x128xi32, #tpu.memory_space<vmem>>
      %dma_wait3A_174 = tpu.memref_squeeze %dma_wait3A_173 : memref<1x2x8x128xi32, #tpu.memory_space<vmem>> -> memref<2x8x128xi32, #tpu.memory_space<vmem>>
      %dma_wait3A_175 = arith.constant 0 : i32
      %dma_wait3A_176 = arith.constant 0 : i32
      %dma_wait3A_177 = arith.constant 0 : i32
      %dma_wait3A_178 = tpu.memref_slice %arg3[%arg0, %add3A_40, %dma_wait3A_175, %dma_wait3A_176, %dma_wait3A_177] : memref<2x320x2x8x128xi32, #tpu.memory_space<hbm>> -> memref<1x1x2x8x128xi32, #tpu.memory_space<hbm>>
      %dma_wait3A_179 = tpu.memref_squeeze %dma_wait3A_178 : memref<1x1x2x8x128xi32, #tpu.memory_space<hbm>> -> memref<2x8x128xi32, #tpu.memory_space<hbm>>
      tpu.wait_dma2 semaphore(%run_scoped3A_139 : memref<!tpu.dma_semaphore, #tpu.memory_space<semaphore_mem>>) src(%dma_wait3A_179 : memref<2x8x128xi32, #tpu.memory_space<hbm>>) dst(%dma_wait3A_174 : memref<2x8x128xi32, #tpu.memory_space<vmem>>)
      tpu.yield
    }) : () -> ()
    %div3A = arith.constant 0 : i32
    %div3A_41 = arith.constant 8 : i32
    %div3A_42 = arith.divsi %div3A, %div3A_41 : i32
    %rem3A_43 = arith.constant 0 : i32
    %rem3A_44 = arith.constant 8 : i32
    %rem3A_45 = arith.remsi %rem3A_43, %rem3A_44 : i32
    %rem3A_46 = arith.constant 2 : i32
    %rem3A_47 = arith.remsi %div3A_42, %rem3A_46 : i32
    %dma_start3A = arith.constant 0 : i32
    %dma_start3A_48 = arith.constant 0 : i32
    %dma_start3A_49 = arith.constant 0 : i32
    %dma_start3A_50 = arith.constant 0 : i32
    %dma_start3A_51 = tpu.memref_slice %arg6[%dma_start3A_48, %dma_start3A_49, %dma_start3A_50] : memref<1x128x64xf32, #tpu.memory_space<vmem>> -> memref<1x128x64xf32, #tpu.memory_space<vmem>>
    %dma_start3A_52 = tpu.memref_squeeze %dma_start3A_51 : memref<1x128x64xf32, #tpu.memory_space<vmem>> -> memref<128x64xf32, #tpu.memory_space<vmem>>
    %dma_start3A_53 = arith.constant 0 : i32
    %dma_start3A_54 = tpu.memref_slice %arg5[%rem3A_47, %dma_start3A, %rem3A_45, %dma_start3A_53] : memref<2x2x8x128xi32, #tpu.memory_space<vmem>> -> memref<1x1x1x128xi32, #tpu.memory_space<vmem>>
    %dma_start3A_55 = tpu.memref_squeeze %dma_start3A_54 : memref<1x1x1x128xi32, #tpu.memory_space<vmem>> -> memref<128xi32, #tpu.memory_space<vmem>>
    %dma_start3A_56 = arith.constant 0 : i32
    %dma_start3A_57 = arith.constant 0 : i32
    %dma_start3A_58 = tpu.memref_slice %arg2[%dma_start3A_56, %dma_start3A_57] : memref<20000x64xf32, #tpu.memory_space<hbm>> -> memref<20000x64xf32, #tpu.memory_space<hbm>>
    tpu.enqueue_indirect_dma source(%dma_start3A_58 : memref<20000x64xf32, #tpu.memory_space<hbm>>) target(%dma_start3A_52 : memref<128x64xf32, #tpu.memory_space<vmem>>) offsets(%dma_start3A_55 : memref<128xi32, #tpu.memory_space<vmem>>) semaphore(%arg13 : memref<!tpu.dma_semaphore, #tpu.memory_space<semaphore_mem>>)
    %div3A_59 = arith.constant 1 : i32
    %div3A_60 = arith.constant 8 : i32
    %div3A_61 = arith.divsi %div3A_59, %div3A_60 : i32
    %rem3A_62 = arith.constant 1 : i32
    %rem3A_63 = arith.constant 8 : i32
    %rem3A_64 = arith.remsi %rem3A_62, %rem3A_63 : i32
    %rem3A_65 = arith.constant 2 : i32
    %rem3A_66 = arith.remsi %div3A_61, %rem3A_65 : i32
    %dma_start3A_67 = arith.constant 0 : i32
    %dma_start3A_68 = arith.constant 0 : i32
    %dma_start3A_69 = arith.constant 0 : i32
    %dma_start3A_70 = arith.constant 0 : i32
    %dma_start3A_71 = tpu.memref_slice %arg7[%dma_start3A_68, %dma_start3A_69, %dma_start3A_70] : memref<1x128x64xf32, #tpu.memory_space<vmem>> -> memref<1x128x64xf32, #tpu.memory_space<vmem>>
    %dma_start3A_72 = tpu.memref_squeeze %dma_start3A_71 : memref<1x128x64xf32, #tpu.memory_space<vmem>> -> memref<128x64xf32, #tpu.memory_space<vmem>>
    %dma_start3A_73 = arith.constant 0 : i32
    %dma_start3A_74 = tpu.memref_slice %arg5[%rem3A_66, %dma_start3A_67, %rem3A_64, %dma_start3A_73] : memref<2x2x8x128xi32, #tpu.memory_space<vmem>> -> memref<1x1x1x128xi32, #tpu.memory_space<vmem>>
    %dma_start3A_75 = tpu.memref_squeeze %dma_start3A_74 : memref<1x1x1x128xi32, #tpu.memory_space<vmem>> -> memref<128xi32, #tpu.memory_space<vmem>>
    %dma_start3A_76 = arith.constant 0 : i32
    %dma_start3A_77 = arith.constant 0 : i32
    %dma_start3A_78 = tpu.memref_slice %arg2[%dma_start3A_76, %dma_start3A_77] : memref<20000x64xf32, #tpu.memory_space<hbm>> -> memref<20000x64xf32, #tpu.memory_space<hbm>>
    tpu.enqueue_indirect_dma source(%dma_start3A_78 : memref<20000x64xf32, #tpu.memory_space<hbm>>) target(%dma_start3A_72 : memref<128x64xf32, #tpu.memory_space<vmem>>) offsets(%dma_start3A_75 : memref<128xi32, #tpu.memory_space<vmem>>) semaphore(%arg14 : memref<!tpu.dma_semaphore, #tpu.memory_space<semaphore_mem>>)
    %div3A_79 = arith.constant 2 : i32
    %div3A_80 = arith.constant 8 : i32
    %div3A_81 = arith.divsi %div3A_79, %div3A_80 : i32
    %rem3A_82 = arith.constant 2 : i32
    %rem3A_83 = arith.constant 8 : i32
    %rem3A_84 = arith.remsi %rem3A_82, %rem3A_83 : i32
    %rem3A_85 = arith.constant 2 : i32
    %rem3A_86 = arith.remsi %div3A_81, %rem3A_85 : i32
    %dma_start3A_87 = arith.constant 0 : i32
    %dma_start3A_88 = arith.constant 0 : i32
    %dma_start3A_89 = arith.constant 0 : i32
    %dma_start3A_90 = arith.constant 0 : i32
    %dma_start3A_91 = tpu.memref_slice %arg8[%dma_start3A_88, %dma_start3A_89, %dma_start3A_90] : memref<1x128x64xf32, #tpu.memory_space<vmem>> -> memref<1x128x64xf32, #tpu.memory_space<vmem>>
    %dma_start3A_92 = tpu.memref_squeeze %dma_start3A_91 : memref<1x128x64xf32, #tpu.memory_space<vmem>> -> memref<128x64xf32, #tpu.memory_space<vmem>>
    %dma_start3A_93 = arith.constant 0 : i32
    %dma_start3A_94 = tpu.memref_slice %arg5[%rem3A_86, %dma_start3A_87, %rem3A_84, %dma_start3A_93] : memref<2x2x8x128xi32, #tpu.memory_space<vmem>> -> memref<1x1x1x128xi32, #tpu.memory_space<vmem>>
    %dma_start3A_95 = tpu.memref_squeeze %dma_start3A_94 : memref<1x1x1x128xi32, #tpu.memory_space<vmem>> -> memref<128xi32, #tpu.memory_space<vmem>>
    %dma_start3A_96 = arith.constant 0 : i32
    %dma_start3A_97 = arith.constant 0 : i32
    %dma_start3A_98 = tpu.memref_slice %arg2[%dma_start3A_96, %dma_start3A_97] : memref<20000x64xf32, #tpu.memory_space<hbm>> -> memref<20000x64xf32, #tpu.memory_space<hbm>>
    tpu.enqueue_indirect_dma source(%dma_start3A_98 : memref<20000x64xf32, #tpu.memory_space<hbm>>) target(%dma_start3A_92 : memref<128x64xf32, #tpu.memory_space<vmem>>) offsets(%dma_start3A_95 : memref<128xi32, #tpu.memory_space<vmem>>) semaphore(%arg15 : memref<!tpu.dma_semaphore, #tpu.memory_space<semaphore_mem>>)
    %div3A_99 = arith.constant 3 : i32
    %div3A_100 = arith.constant 8 : i32
    %div3A_101 = arith.divsi %div3A_99, %div3A_100 : i32
    %rem3A_102 = arith.constant 3 : i32
    %rem3A_103 = arith.constant 8 : i32
    %rem3A_104 = arith.remsi %rem3A_102, %rem3A_103 : i32
    %rem3A_105 = arith.constant 2 : i32
    %rem3A_106 = arith.remsi %div3A_101, %rem3A_105 : i32
    %dma_start3A_107 = arith.constant 0 : i32
    %dma_start3A_108 = arith.constant 0 : i32
    %dma_start3A_109 = arith.constant 0 : i32
    %dma_start3A_110 = arith.constant 0 : i32
    %dma_start3A_111 = tpu.memref_slice %arg9[%dma_start3A_108, %dma_start3A_109, %dma_start3A_110] : memref<1x128x64xf32, #tpu.memory_space<vmem>> -> memref<1x128x64xf32, #tpu.memory_space<vmem>>
    %dma_start3A_112 = tpu.memref_squeeze %dma_start3A_111 : memref<1x128x64xf32, #tpu.memory_space<vmem>> -> memref<128x64xf32, #tpu.memory_space<vmem>>
    %dma_start3A_113 = arith.constant 0 : i32
    %dma_start3A_114 = tpu.memref_slice %arg5[%rem3A_106, %dma_start3A_107, %rem3A_104, %dma_start3A_113] : memref<2x2x8x128xi32, #tpu.memory_space<vmem>> -> memref<1x1x1x128xi32, #tpu.memory_space<vmem>>
    %dma_start3A_115 = tpu.memref_squeeze %dma_start3A_114 : memref<1x1x1x128xi32, #tpu.memory_space<vmem>> -> memref<128xi32, #tpu.memory_space<vmem>>
    %dma_start3A_116 = arith.constant 0 : i32
    %dma_start3A_117 = arith.constant 0 : i32
    %dma_start3A_118 = tpu.memref_slice %arg2[%dma_start3A_116, %dma_start3A_117] : memref<20000x64xf32, #tpu.memory_space<hbm>> -> memref<20000x64xf32, #tpu.memory_space<hbm>>
    tpu.enqueue_indirect_dma source(%dma_start3A_118 : memref<20000x64xf32, #tpu.memory_space<hbm>>) target(%dma_start3A_112 : memref<128x64xf32, #tpu.memory_space<vmem>>) offsets(%dma_start3A_115 : memref<128xi32, #tpu.memory_space<vmem>>) semaphore(%arg16 : memref<!tpu.dma_semaphore, #tpu.memory_space<semaphore_mem>>)
    %scan3A_119 = arith.constant 0 : i32
    %scan3A_120 = arith.constant 0 : i32
    %scan3A_121 = arith.constant 32 : i32
    %scan3A_122 = arith.addi %scan3A_120, %scan3A_121 : i32
    %scan3A_123 = arith.constant 1 : i32
    scf.for %scan3A_139 = %scan3A_120 to %scan3A_122 step %scan3A_123  : i32 {
      %mul3A_140 = arith.constant 5 : i32
      %mul3A_141 = arith.muli %scan3A_139, %mul3A_140 : i32
      %add3A_142 = arith.constant 0 : i32
      %add3A_143 = arith.addi %mul3A_141, %add3A_142 : i32
      %add3A_144 = arith.constant 5 : i32
      %add3A_145 = arith.addi %add3A_143, %add3A_144 : i32
      %sub3A = arith.constant 1 : i32
      %sub3A_146 = arith.subi %add3A_145, %sub3A : i32
      %dma_wait3A_147 = arith.constant 0 : i32
      %dma_wait3A_148 = arith.constant 0 : i32
      %dma_wait3A_149 = arith.constant 0 : i32
      %dma_wait3A_150 = arith.constant 0 : i32
      %dma_wait3A_151 = arith.constant 0 : i32
      %dma_wait3A_152 = arith.constant 0 : i32
      %dma_wait3A_153 = tpu.memref_slice %arg6[%dma_wait3A_150, %dma_wait3A_151, %dma_wait3A_152] : memref<1x128x64xf32, #tpu.memory_space<vmem>> -> memref<1x128x64xf32, #tpu.memory_space<vmem>>
      %dma_wait3A_154 = tpu.memref_squeeze %dma_wait3A_153 : memref<1x128x64xf32, #tpu.memory_space<vmem>> -> memref<128x64xf32, #tpu.memory_space<vmem>>
      %dma_wait3A_155 = arith.constant 0 : i32
      %dma_wait3A_156 = tpu.memref_slice %arg5[%dma_wait3A_147, %dma_wait3A_148, %dma_wait3A_149, %dma_wait3A_155] : memref<2x2x8x128xi32, #tpu.memory_space<vmem>> -> memref<1x1x1x128xi32, #tpu.memory_space<vmem>>
      %dma_wait3A_157 = tpu.memref_squeeze %dma_wait3A_156 : memref<1x1x1x128xi32, #tpu.memory_space<vmem>> -> memref<128xi32, #tpu.memory_space<vmem>>
      %dma_wait3A_158 = arith.constant 0 : i32
      %dma_wait3A_159 = arith.constant 0 : i32
      %dma_wait3A_160 = tpu.memref_slice %arg2[%dma_wait3A_158, %dma_wait3A_159] : memref<20000x64xf32, #tpu.memory_space<hbm>> -> memref<20000x64xf32, #tpu.memory_space<hbm>>
      tpu.wait_indirect_dma semaphore(%arg13 : memref<!tpu.dma_semaphore, #tpu.memory_space<semaphore_mem>>) src(%dma_wait3A_160 : memref<20000x64xf32, #tpu.memory_space<hbm>>) dst(%dma_wait3A_154 : memref<128x64xf32, #tpu.memory_space<vmem>>)
      %mul3A_161 = arith.constant 1 : i32
      %mul3A_162 = arith.muli %add3A_143, %mul3A_161 : i32
      %div3A_163 = arith.constant 8 : i32
      %div3A_164 = arith.divsi %mul3A_162, %div3A_163 : i32
      %rem3A_165 = arith.constant 8 : i32
      %rem3A_166 = arith.remsi %mul3A_162, %rem3A_165 : i32
      %rem3A_167 = arith.constant 2 : i32
      %rem3A_168 = arith.remsi %div3A_164, %rem3A_167 : i32
      %dma_start3A_169 = arith.constant 0 : i32
      %dma_start3A_170 = arith.constant 1 : i32
      %dma_start3A_171 = arith.constant 0 : i32
      %dma_start3A_172 = arith.constant 0 : i32
      %dma_start3A_173 = tpu.memref_slice %arg6[%dma_start3A_169, %dma_start3A_171, %dma_start3A_172] : memref<1x128x64xf32, #tpu.memory_space<vmem>> -> memref<1x128x64xf32, #tpu.memory_space<vmem>>
      %dma_start3A_174 = tpu.memref_squeeze %dma_start3A_173 : memref<1x128x64xf32, #tpu.memory_space<vmem>> -> memref<128x64xf32, #tpu.memory_space<vmem>>
      %dma_start3A_175 = arith.constant 0 : i32
      %dma_start3A_176 = tpu.memref_slice %arg5[%rem3A_168, %dma_start3A_170, %rem3A_166, %dma_start3A_175] : memref<2x2x8x128xi32, #tpu.memory_space<vmem>> -> memref<1x1x1x128xi32, #tpu.memory_space<vmem>>
      %dma_start3A_177 = tpu.memref_squeeze %dma_start3A_176 : memref<1x1x1x128xi32, #tpu.memory_space<vmem>> -> memref<128xi32, #tpu.memory_space<vmem>>
      %dma_start3A_178 = arith.constant 0 : i32
      %dma_start3A_179 = arith.constant 0 : i32
      %dma_start3A_180 = tpu.memref_slice %arg12[%dma_start3A_178, %dma_start3A_179] : memref<20480x64xf32, #tpu.memory_space<vmem_shared>> -> memref<20480x64xf32, #tpu.memory_space<vmem_shared>>
      tpu.enqueue_indirect_dma source(%dma_start3A_174 : memref<128x64xf32, #tpu.memory_space<vmem>>) target(%dma_start3A_180 : memref<20480x64xf32, #tpu.memory_space<vmem_shared>>) offsets(%dma_start3A_177 : memref<128xi32, #tpu.memory_space<vmem>>) semaphore(%arg18 : memref<!tpu.dma_semaphore, #tpu.memory_space<semaphore_mem>>) {add = true}
      %gt3A = arith.constant 0 : i32
      %gt3A_181 = arith.cmpi sgt, %add3A_143, %gt3A : i32
      %convert_element_type3A = arith.extui %gt3A_181 : i1 to i32
      %cond3A = arith.constant 0 : i32
      %cond3A_182 = arith.cmpi ne, %convert_element_type3A, %cond3A : i32
      scf.if %cond3A_182 {
        %dma_wait3A_395 = arith.constant 0 : i32
        %dma_wait3A_396 = arith.constant 0 : i32
        %dma_wait3A_397 = arith.constant 1 : i32
        %dma_wait3A_398 = arith.constant 0 : i32
        %dma_wait3A_399 = arith.constant 0 : i32
        %dma_wait3A_400 = arith.constant 0 : i32
        %dma_wait3A_401 = tpu.memref_slice %arg10[%dma_wait3A_395, %dma_wait3A_399, %dma_wait3A_400] : memref<1x128x64xf32, #tpu.memory_space<vmem>> -> memref<1x128x64xf32, #tpu.memory_space<vmem>>
        %dma_wait3A_402 = tpu.memref_squeeze %dma_wait3A_401 : memref<1x128x64xf32, #tpu.memory_space<vmem>> -> memref<128x64xf32, #tpu.memory_space<vmem>>
        %dma_wait3A_403 = arith.constant 0 : i32
        %dma_wait3A_404 = tpu.memref_slice %arg5[%dma_wait3A_396, %dma_wait3A_397, %dma_wait3A_398, %dma_wait3A_403] : memref<2x2x8x128xi32, #tpu.memory_space<vmem>> -> memref<1x1x1x128xi32, #tpu.memory_space<vmem>>
        %dma_wait3A_405 = tpu.memref_squeeze %dma_wait3A_404 : memref<1x1x1x128xi32, #tpu.memory_space<vmem>> -> memref<128xi32, #tpu.memory_space<vmem>>
        %dma_wait3A_406 = arith.constant 0 : i32
        %dma_wait3A_407 = arith.constant 0 : i32
        %dma_wait3A_408 = tpu.memref_slice %arg12[%dma_wait3A_406, %dma_wait3A_407] : memref<20480x64xf32, #tpu.memory_space<vmem_shared>> -> memref<20480x64xf32, #tpu.memory_space<vmem_shared>>
        tpu.wait_indirect_dma semaphore(%arg22 : memref<!tpu.dma_semaphore, #tpu.memory_space<semaphore_mem>>) src(%dma_wait3A_402 : memref<128x64xf32, #tpu.memory_space<vmem>>) dst(%dma_wait3A_408 : memref<20480x64xf32, #tpu.memory_space<vmem_shared>>)
      } else {
      }
      %lt3A = arith.constant 160 : i32
      %lt3A_183 = arith.cmpi slt, %sub3A_146, %lt3A : i32
      %convert_element_type3A_184 = arith.extui %lt3A_183 : i1 to i32
      %cond3A_185 = arith.constant 0 : i32
      %cond3A_186 = arith.cmpi ne, %convert_element_type3A_184, %cond3A_185 : i32
      scf.if %cond3A_186 {
        %mul3A_395 = arith.constant 1 : i32
        %mul3A_396 = arith.muli %sub3A_146, %mul3A_395 : i32
        %rem3A_397 = arith.constant 8 : i32
        %rem3A_398 = arith.remsi %mul3A_396, %rem3A_397 : i32
        %eq3A = arith.constant 0 : i32
        %eq3A_399 = arith.cmpi eq, %rem3A_398, %eq3A : i32
        %convert_element_type3A_400 = arith.extui %eq3A_399 : i1 to i32
        %cond3A_401 = arith.constant 0 : i32
        %cond3A_402 = arith.cmpi ne, %convert_element_type3A_400, %cond3A_401 : i32
        scf.if %cond3A_402 {
          %mul3A_423 = arith.constant 1 : i32
          %mul3A_424 = arith.muli %sub3A_146, %mul3A_423 : i32
          %div3A_425 = arith.constant 8 : i32
          %div3A_426 = arith.divsi %mul3A_424, %div3A_425 : i32
          %rem3A_427 = arith.constant 2 : i32
          %rem3A_428 = arith.remsi %div3A_426, %rem3A_427 : i32
          %mul3A_429 = arith.constant 20 : i32
          %mul3A_430 = arith.muli %arg1, %mul3A_429 : i32
          %add3A_431 = arith.addi %mul3A_430, %div3A_426 : i32
          "tpu.region"() ({
            %run_scoped3A_432 = tpu.sem_alloc : memref<!tpu.dma_semaphore, #tpu.memory_space<semaphore_mem>>
            %dma_start3A_433 = arith.constant 0 : i32
            %dma_start3A_434 = arith.constant 0 : i32
            %dma_start3A_435 = arith.constant 0 : i32
            %dma_start3A_436 = tpu.memref_slice %arg5[%rem3A_428, %dma_start3A_433, %dma_start3A_434, %dma_start3A_435] : memref<2x2x8x128xi32, #tpu.memory_space<vmem>> -> memref<1x2x8x128xi32, #tpu.memory_space<vmem>>
            %dma_start3A_437 = tpu.memref_squeeze %dma_start3A_436 : memref<1x2x8x128xi32, #tpu.memory_space<vmem>> -> memref<2x8x128xi32, #tpu.memory_space<vmem>>
            %dma_start3A_438 = arith.constant 0 : i32
            %dma_start3A_439 = arith.constant 0 : i32
            %dma_start3A_440 = arith.constant 0 : i32
            %dma_start3A_441 = tpu.memref_slice %arg3[%arg0, %add3A_431, %dma_start3A_438, %dma_start3A_439, %dma_start3A_440] : memref<2x320x2x8x128xi32, #tpu.memory_space<hbm>> -> memref<1x1x2x8x128xi32, #tpu.memory_space<hbm>>
            %dma_start3A_442 = tpu.memref_squeeze %dma_start3A_441 : memref<1x1x2x8x128xi32, #tpu.memory_space<hbm>> -> memref<2x8x128xi32, #tpu.memory_space<hbm>>
            %dma_start3A_443 = arith.constant 0 : i32
            %dma_start3A_444 = arith.constant 0 : i32
            %dma_start3A_445 = arith.constant 0 : i32
            %dma_start3A_446 = tpu.memref_slice %arg5[%rem3A_428, %dma_start3A_443, %dma_start3A_444, %dma_start3A_445] : memref<2x2x8x128xi32, #tpu.memory_space<vmem>> -> memref<1x2x8x128xi32, #tpu.memory_space<vmem>>
            %dma_start3A_447 = tpu.memref_squeeze %dma_start3A_446 : memref<1x2x8x128xi32, #tpu.memory_space<vmem>> -> memref<2x8x128xi32, #tpu.memory_space<vmem>>
            %dma_start3A_448 = arith.constant 0 : i32
            %dma_start3A_449 = arith.constant 0 : i32
            %dma_start3A_450 = arith.constant 0 : i32
            %dma_start3A_451 = tpu.memref_slice %arg3[%arg0, %add3A_431, %dma_start3A_448, %dma_start3A_449, %dma_start3A_450] : memref<2x320x2x8x128xi32, #tpu.memory_space<hbm>> -> memref<1x1x2x8x128xi32, #tpu.memory_space<hbm>>
            %dma_start3A_452 = tpu.memref_squeeze %dma_start3A_451 : memref<1x1x2x8x128xi32, #tpu.memory_space<hbm>> -> memref<2x8x128xi32, #tpu.memory_space<hbm>>
            tpu.enqueue_dma source(%dma_start3A_452 : memref<2x8x128xi32, #tpu.memory_space<hbm>>) target(%dma_start3A_447 : memref<2x8x128xi32, #tpu.memory_space<vmem>>) target_semaphore(%run_scoped3A_432 : memref<!tpu.dma_semaphore, #tpu.memory_space<semaphore_mem>>)
            %dma_wait3A_453 = arith.constant 0 : i32
            %dma_wait3A_454 = arith.constant 0 : i32
            %dma_wait3A_455 = arith.constant 0 : i32
            %dma_wait3A_456 = tpu.memref_slice %arg5[%rem3A_428, %dma_wait3A_453, %dma_wait3A_454, %dma_wait3A_455] : memref<2x2x8x128xi32, #tpu.memory_space<vmem>> -> memref<1x2x8x128xi32, #tpu.memory_space<vmem>>
            %dma_wait3A_457 = tpu.memref_squeeze %dma_wait3A_456 : memref<1x2x8x128xi32, #tpu.memory_space<vmem>> -> memref<2x8x128xi32, #tpu.memory_space<vmem>>
            %dma_wait3A_458 = arith.constant 0 : i32
            %dma_wait3A_459 = arith.constant 0 : i32
            %dma_wait3A_460 = arith.constant 0 : i32
            %dma_wait3A_461 = tpu.memref_slice %arg3[%arg0, %add3A_431, %dma_wait3A_458, %dma_wait3A_459, %dma_wait3A_460] : memref<2x320x2x8x128xi32, #tpu.memory_space<hbm>> -> memref<1x1x2x8x128xi32, #tpu.memory_space<hbm>>
            %dma_wait3A_462 = tpu.memref_squeeze %dma_wait3A_461 : memref<1x1x2x8x128xi32, #tpu.memory_space<hbm>> -> memref<2x8x128xi32, #tpu.memory_space<hbm>>
            %dma_wait3A_463 = arith.constant 0 : i32
            %dma_wait3A_464 = arith.constant 0 : i32
            %dma_wait3A_465 = arith.constant 0 : i32
            %dma_wait3A_466 = tpu.memref_slice %arg5[%rem3A_428, %dma_wait3A_463, %dma_wait3A_464, %dma_wait3A_465] : memref<2x2x8x128xi32, #tpu.memory_space<vmem>> -> memref<1x2x8x128xi32, #tpu.memory_space<vmem>>
            %dma_wait3A_467 = tpu.memref_squeeze %dma_wait3A_466 : memref<1x2x8x128xi32, #tpu.memory_space<vmem>> -> memref<2x8x128xi32, #tpu.memory_space<vmem>>
            %dma_wait3A_468 = arith.constant 0 : i32
            %dma_wait3A_469 = arith.constant 0 : i32
            %dma_wait3A_470 = arith.constant 0 : i32
            %dma_wait3A_471 = tpu.memref_slice %arg3[%arg0, %add3A_431, %dma_wait3A_468, %dma_wait3A_469, %dma_wait3A_470] : memref<2x320x2x8x128xi32, #tpu.memory_space<hbm>> -> memref<1x1x2x8x128xi32, #tpu.memory_space<hbm>>
            %dma_wait3A_472 = tpu.memref_squeeze %dma_wait3A_471 : memref<1x1x2x8x128xi32, #tpu.memory_space<hbm>> -> memref<2x8x128xi32, #tpu.memory_space<hbm>>
            tpu.wait_dma2 semaphore(%run_scoped3A_432 : memref<!tpu.dma_semaphore, #tpu.memory_space<semaphore_mem>>) src(%dma_wait3A_472 : memref<2x8x128xi32, #tpu.memory_space<hbm>>) dst(%dma_wait3A_467 : memref<2x8x128xi32, #tpu.memory_space<vmem>>)
            tpu.yield
          }) : () -> ()
        } else {
        }
        %mul3A_403 = arith.constant 1 : i32
        %mul3A_404 = arith.muli %sub3A_146, %mul3A_403 : i32
        %div3A_405 = arith.constant 8 : i32
        %div3A_406 = arith.divsi %mul3A_404, %div3A_405 : i32
        %rem3A_407 = arith.constant 8 : i32
        %rem3A_408 = arith.remsi %mul3A_404, %rem3A_407 : i32
        %rem3A_409 = arith.constant 2 : i32
        %rem3A_410 = arith.remsi %div3A_406, %rem3A_409 : i32
        %dma_start3A_411 = arith.constant 0 : i32
        %dma_start3A_412 = arith.constant 0 : i32
        %dma_start3A_413 = arith.constant 0 : i32
        %dma_start3A_414 = arith.constant 0 : i32
        %dma_start3A_415 = tpu.memref_slice %arg10[%dma_start3A_412, %dma_start3A_413, %dma_start3A_414] : memref<1x128x64xf32, #tpu.memory_space<vmem>> -> memref<1x128x64xf32, #tpu.memory_space<vmem>>
        %dma_start3A_416 = tpu.memref_squeeze %dma_start3A_415 : memref<1x128x64xf32, #tpu.memory_space<vmem>> -> memref<128x64xf32, #tpu.memory_space<vmem>>
        %dma_start3A_417 = arith.constant 0 : i32
        %dma_start3A_418 = tpu.memref_slice %arg5[%rem3A_410, %dma_start3A_411, %rem3A_408, %dma_start3A_417] : memref<2x2x8x128xi32, #tpu.memory_space<vmem>> -> memref<1x1x1x128xi32, #tpu.memory_space<vmem>>
        %dma_start3A_419 = tpu.memref_squeeze %dma_start3A_418 : memref<1x1x1x128xi32, #tpu.memory_space<vmem>> -> memref<128xi32, #tpu.memory_space<vmem>>
        %dma_start3A_420 = arith.constant 0 : i32
        %dma_start3A_421 = arith.constant 0 : i32
        %dma_start3A_422 = tpu.memref_slice %arg2[%dma_start3A_420, %dma_start3A_421] : memref<20000x64xf32, #tpu.memory_space<hbm>> -> memref<20000x64xf32, #tpu.memory_space<hbm>>
        tpu.enqueue_indirect_dma source(%dma_start3A_422 : memref<20000x64xf32, #tpu.memory_space<hbm>>) target(%dma_start3A_416 : memref<128x64xf32, #tpu.memory_space<vmem>>) offsets(%dma_start3A_419 : memref<128xi32, #tpu.memory_space<vmem>>) semaphore(%arg17 : memref<!tpu.dma_semaphore, #tpu.memory_space<semaphore_mem>>)
      } else {
      }
      %mul3A_187 = arith.constant 5 : i32
      %mul3A_188 = arith.muli %scan3A_139, %mul3A_187 : i32
      %add3A_189 = arith.constant 1 : i32
      %add3A_190 = arith.addi %mul3A_188, %add3A_189 : i32
      %add3A_191 = arith.constant 5 : i32
      %add3A_192 = arith.addi %add3A_190, %add3A_191 : i32
      %sub3A_193 = arith.constant 1 : i32
      %sub3A_194 = arith.subi %add3A_192, %sub3A_193 : i32
      %dma_wait3A_195 = arith.constant 0 : i32
      %dma_wait3A_196 = arith.constant 0 : i32
      %dma_wait3A_197 = arith.constant 0 : i32
      %dma_wait3A_198 = arith.constant 0 : i32
      %dma_wait3A_199 = arith.constant 0 : i32
      %dma_wait3A_200 = arith.constant 0 : i32
      %dma_wait3A_201 = tpu.memref_slice %arg7[%dma_wait3A_198, %dma_wait3A_199, %dma_wait3A_200] : memref<1x128x64xf32, #tpu.memory_space<vmem>> -> memref<1x128x64xf32, #tpu.memory_space<vmem>>
      %dma_wait3A_202 = tpu.memref_squeeze %dma_wait3A_201 : memref<1x128x64xf32, #tpu.memory_space<vmem>> -> memref<128x64xf32, #tpu.memory_space<vmem>>
      %dma_wait3A_203 = arith.constant 0 : i32
      %dma_wait3A_204 = tpu.memref_slice %arg5[%dma_wait3A_195, %dma_wait3A_196, %dma_wait3A_197, %dma_wait3A_203] : memref<2x2x8x128xi32, #tpu.memory_space<vmem>> -> memref<1x1x1x128xi32, #tpu.memory_space<vmem>>
      %dma_wait3A_205 = tpu.memref_squeeze %dma_wait3A_204 : memref<1x1x1x128xi32, #tpu.memory_space<vmem>> -> memref<128xi32, #tpu.memory_space<vmem>>
      %dma_wait3A_206 = arith.constant 0 : i32
      %dma_wait3A_207 = arith.constant 0 : i32
      %dma_wait3A_208 = tpu.memref_slice %arg2[%dma_wait3A_206, %dma_wait3A_207] : memref<20000x64xf32, #tpu.memory_space<hbm>> -> memref<20000x64xf32, #tpu.memory_space<hbm>>
      tpu.wait_indirect_dma semaphore(%arg14 : memref<!tpu.dma_semaphore, #tpu.memory_space<semaphore_mem>>) src(%dma_wait3A_208 : memref<20000x64xf32, #tpu.memory_space<hbm>>) dst(%dma_wait3A_202 : memref<128x64xf32, #tpu.memory_space<vmem>>)
      %mul3A_209 = arith.constant 1 : i32
      %mul3A_210 = arith.muli %add3A_190, %mul3A_209 : i32
      %div3A_211 = arith.constant 8 : i32
      %div3A_212 = arith.divsi %mul3A_210, %div3A_211 : i32
      %rem3A_213 = arith.constant 8 : i32
      %rem3A_214 = arith.remsi %mul3A_210, %rem3A_213 : i32
      %rem3A_215 = arith.constant 2 : i32
      %rem3A_216 = arith.remsi %div3A_212, %rem3A_215 : i32
      %dma_start3A_217 = arith.constant 0 : i32
      %dma_start3A_218 = arith.constant 1 : i32
      %dma_start3A_219 = arith.constant 0 : i32
      %dma_start3A_220 = arith.constant 0 : i32
      %dma_start3A_221 = tpu.memref_slice %arg7[%dma_start3A_217, %dma_start3A_219, %dma_start3A_220] : memref<1x128x64xf32, #tpu.memory_space<vmem>> -> memref<1x128x64xf32, #tpu.memory_space<vmem>>
      %dma_start3A_222 = tpu.memref_squeeze %dma_start3A_221 : memref<1x128x64xf32, #tpu.memory_space<vmem>> -> memref<128x64xf32, #tpu.memory_space<vmem>>
      %dma_start3A_223 = arith.constant 0 : i32
      %dma_start3A_224 = tpu.memref_slice %arg5[%rem3A_216, %dma_start3A_218, %rem3A_214, %dma_start3A_223] : memref<2x2x8x128xi32, #tpu.memory_space<vmem>> -> memref<1x1x1x128xi32, #tpu.memory_space<vmem>>
      %dma_start3A_225 = tpu.memref_squeeze %dma_start3A_224 : memref<1x1x1x128xi32, #tpu.memory_space<vmem>> -> memref<128xi32, #tpu.memory_space<vmem>>
      %dma_start3A_226 = arith.constant 0 : i32
      %dma_start3A_227 = arith.constant 0 : i32
      %dma_start3A_228 = tpu.memref_slice %arg12[%dma_start3A_226, %dma_start3A_227] : memref<20480x64xf32, #tpu.memory_space<vmem_shared>> -> memref<20480x64xf32, #tpu.memory_space<vmem_shared>>
      tpu.enqueue_indirect_dma source(%dma_start3A_222 : memref<128x64xf32, #tpu.memory_space<vmem>>) target(%dma_start3A_228 : memref<20480x64xf32, #tpu.memory_space<vmem_shared>>) offsets(%dma_start3A_225 : memref<128xi32, #tpu.memory_space<vmem>>) semaphore(%arg19 : memref<!tpu.dma_semaphore, #tpu.memory_space<semaphore_mem>>) {add = true}
      %gt3A_229 = arith.constant 0 : i32
      %gt3A_230 = arith.cmpi sgt, %add3A_190, %gt3A_229 : i32
      %convert_element_type3A_231 = arith.extui %gt3A_230 : i1 to i32
      %cond3A_232 = arith.constant 0 : i32
      %cond3A_233 = arith.cmpi ne, %convert_element_type3A_231, %cond3A_232 : i32
      scf.if %cond3A_233 {
        %dma_wait3A_395 = arith.constant 0 : i32
        %dma_wait3A_396 = arith.constant 0 : i32
        %dma_wait3A_397 = arith.constant 1 : i32
        %dma_wait3A_398 = arith.constant 0 : i32
        %dma_wait3A_399 = arith.constant 0 : i32
        %dma_wait3A_400 = arith.constant 0 : i32
        %dma_wait3A_401 = tpu.memref_slice %arg6[%dma_wait3A_395, %dma_wait3A_399, %dma_wait3A_400] : memref<1x128x64xf32, #tpu.memory_space<vmem>> -> memref<1x128x64xf32, #tpu.memory_space<vmem>>
        %dma_wait3A_402 = tpu.memref_squeeze %dma_wait3A_401 : memref<1x128x64xf32, #tpu.memory_space<vmem>> -> memref<128x64xf32, #tpu.memory_space<vmem>>
        %dma_wait3A_403 = arith.constant 0 : i32
        %dma_wait3A_404 = tpu.memref_slice %arg5[%dma_wait3A_396, %dma_wait3A_397, %dma_wait3A_398, %dma_wait3A_403] : memref<2x2x8x128xi32, #tpu.memory_space<vmem>> -> memref<1x1x1x128xi32, #tpu.memory_space<vmem>>
        %dma_wait3A_405 = tpu.memref_squeeze %dma_wait3A_404 : memref<1x1x1x128xi32, #tpu.memory_space<vmem>> -> memref<128xi32, #tpu.memory_space<vmem>>
        %dma_wait3A_406 = arith.constant 0 : i32
        %dma_wait3A_407 = arith.constant 0 : i32
        %dma_wait3A_408 = tpu.memref_slice %arg12[%dma_wait3A_406, %dma_wait3A_407] : memref<20480x64xf32, #tpu.memory_space<vmem_shared>> -> memref<20480x64xf32, #tpu.memory_space<vmem_shared>>
        tpu.wait_indirect_dma semaphore(%arg18 : memref<!tpu.dma_semaphore, #tpu.memory_space<semaphore_mem>>) src(%dma_wait3A_402 : memref<128x64xf32, #tpu.memory_space<vmem>>) dst(%dma_wait3A_408 : memref<20480x64xf32, #tpu.memory_space<vmem_shared>>)
      } else {
      }
      %lt3A_234 = arith.constant 160 : i32
      %lt3A_235 = arith.cmpi slt, %sub3A_194, %lt3A_234 : i32
      %convert_element_type3A_236 = arith.extui %lt3A_235 : i1 to i32
      %cond3A_237 = arith.constant 0 : i32
      %cond3A_238 = arith.cmpi ne, %convert_element_type3A_236, %cond3A_237 : i32
      scf.if %cond3A_238 {
        %mul3A_395 = arith.constant 1 : i32
        %mul3A_396 = arith.muli %sub3A_194, %mul3A_395 : i32
        %rem3A_397 = arith.constant 8 : i32
        %rem3A_398 = arith.remsi %mul3A_396, %rem3A_397 : i32
        %eq3A = arith.constant 0 : i32
        %eq3A_399 = arith.cmpi eq, %rem3A_398, %eq3A : i32
        %convert_element_type3A_400 = arith.extui %eq3A_399 : i1 to i32
        %cond3A_401 = arith.constant 0 : i32
        %cond3A_402 = arith.cmpi ne, %convert_element_type3A_400, %cond3A_401 : i32
        scf.if %cond3A_402 {
          %mul3A_423 = arith.constant 1 : i32
          %mul3A_424 = arith.muli %sub3A_194, %mul3A_423 : i32
          %div3A_425 = arith.constant 8 : i32
          %div3A_426 = arith.divsi %mul3A_424, %div3A_425 : i32
          %rem3A_427 = arith.constant 2 : i32
          %rem3A_428 = arith.remsi %div3A_426, %rem3A_427 : i32
          %mul3A_429 = arith.constant 20 : i32
          %mul3A_430 = arith.muli %arg1, %mul3A_429 : i32
          %add3A_431 = arith.addi %mul3A_430, %div3A_426 : i32
          "tpu.region"() ({
            %run_scoped3A_432 = tpu.sem_alloc : memref<!tpu.dma_semaphore, #tpu.memory_space<semaphore_mem>>
            %dma_start3A_433 = arith.constant 0 : i32
            %dma_start3A_434 = arith.constant 0 : i32
            %dma_start3A_435 = arith.constant 0 : i32
            %dma_start3A_436 = tpu.memref_slice %arg5[%rem3A_428, %dma_start3A_433, %dma_start3A_434, %dma_start3A_435] : memref<2x2x8x128xi32, #tpu.memory_space<vmem>> -> memref<1x2x8x128xi32, #tpu.memory_space<vmem>>
            %dma_start3A_437 = tpu.memref_squeeze %dma_start3A_436 : memref<1x2x8x128xi32, #tpu.memory_space<vmem>> -> memref<2x8x128xi32, #tpu.memory_space<vmem>>
            %dma_start3A_438 = arith.constant 0 : i32
            %dma_start3A_439 = arith.constant 0 : i32
            %dma_start3A_440 = arith.constant 0 : i32
            %dma_start3A_441 = tpu.memref_slice %arg3[%arg0, %add3A_431, %dma_start3A_438, %dma_start3A_439, %dma_start3A_440] : memref<2x320x2x8x128xi32, #tpu.memory_space<hbm>> -> memref<1x1x2x8x128xi32, #tpu.memory_space<hbm>>
            %dma_start3A_442 = tpu.memref_squeeze %dma_start3A_441 : memref<1x1x2x8x128xi32, #tpu.memory_space<hbm>> -> memref<2x8x128xi32, #tpu.memory_space<hbm>>
            %dma_start3A_443 = arith.constant 0 : i32
            %dma_start3A_444 = arith.constant 0 : i32
            %dma_start3A_445 = arith.constant 0 : i32
            %dma_start3A_446 = tpu.memref_slice %arg5[%rem3A_428, %dma_start3A_443, %dma_start3A_444, %dma_start3A_445] : memref<2x2x8x128xi32, #tpu.memory_space<vmem>> -> memref<1x2x8x128xi32, #tpu.memory_space<vmem>>
            %dma_start3A_447 = tpu.memref_squeeze %dma_start3A_446 : memref<1x2x8x128xi32, #tpu.memory_space<vmem>> -> memref<2x8x128xi32, #tpu.memory_space<vmem>>
            %dma_start3A_448 = arith.constant 0 : i32
            %dma_start3A_449 = arith.constant 0 : i32
            %dma_start3A_450 = arith.constant 0 : i32
            %dma_start3A_451 = tpu.memref_slice %arg3[%arg0, %add3A_431, %dma_start3A_448, %dma_start3A_449, %dma_start3A_450] : memref<2x320x2x8x128xi32, #tpu.memory_space<hbm>> -> memref<1x1x2x8x128xi32, #tpu.memory_space<hbm>>
            %dma_start3A_452 = tpu.memref_squeeze %dma_start3A_451 : memref<1x1x2x8x128xi32, #tpu.memory_space<hbm>> -> memref<2x8x128xi32, #tpu.memory_space<hbm>>
            tpu.enqueue_dma source(%dma_start3A_452 : memref<2x8x128xi32, #tpu.memory_space<hbm>>) target(%dma_start3A_447 : memref<2x8x128xi32, #tpu.memory_space<vmem>>) target_semaphore(%run_scoped3A_432 : memref<!tpu.dma_semaphore, #tpu.memory_space<semaphore_mem>>)
            %dma_wait3A_453 = arith.constant 0 : i32
            %dma_wait3A_454 = arith.constant 0 : i32
            %dma_wait3A_455 = arith.constant 0 : i32
            %dma_wait3A_456 = tpu.memref_slice %arg5[%rem3A_428, %dma_wait3A_453, %dma_wait3A_454, %dma_wait3A_455] : memref<2x2x8x128xi32, #tpu.memory_space<vmem>> -> memref<1x2x8x128xi32, #tpu.memory_space<vmem>>
            %dma_wait3A_457 = tpu.memref_squeeze %dma_wait3A_456 : memref<1x2x8x128xi32, #tpu.memory_space<vmem>> -> memref<2x8x128xi32, #tpu.memory_space<vmem>>
            %dma_wait3A_458 = arith.constant 0 : i32
            %dma_wait3A_459 = arith.constant 0 : i32
            %dma_wait3A_460 = arith.constant 0 : i32
            %dma_wait3A_461 = tpu.memref_slice %arg3[%arg0, %add3A_431, %dma_wait3A_458, %dma_wait3A_459, %dma_wait3A_460] : memref<2x320x2x8x128xi32, #tpu.memory_space<hbm>> -> memref<1x1x2x8x128xi32, #tpu.memory_space<hbm>>
            %dma_wait3A_462 = tpu.memref_squeeze %dma_wait3A_461 : memref<1x1x2x8x128xi32, #tpu.memory_space<hbm>> -> memref<2x8x128xi32, #tpu.memory_space<hbm>>
            %dma_wait3A_463 = arith.constant 0 : i32
            %dma_wait3A_464 = arith.constant 0 : i32
            %dma_wait3A_465 = arith.constant 0 : i32
            %dma_wait3A_466 = tpu.memref_slice %arg5[%rem3A_428, %dma_wait3A_463, %dma_wait3A_464, %dma_wait3A_465] : memref<2x2x8x128xi32, #tpu.memory_space<vmem>> -> memref<1x2x8x128xi32, #tpu.memory_space<vmem>>
            %dma_wait3A_467 = tpu.memref_squeeze %dma_wait3A_466 : memref<1x2x8x128xi32, #tpu.memory_space<vmem>> -> memref<2x8x128xi32, #tpu.memory_space<vmem>>
            %dma_wait3A_468 = arith.constant 0 : i32
            %dma_wait3A_469 = arith.constant 0 : i32
            %dma_wait3A_470 = arith.constant 0 : i32
            %dma_wait3A_471 = tpu.memref_slice %arg3[%arg0, %add3A_431, %dma_wait3A_468, %dma_wait3A_469, %dma_wait3A_470] : memref<2x320x2x8x128xi32, #tpu.memory_space<hbm>> -> memref<1x1x2x8x128xi32, #tpu.memory_space<hbm>>
            %dma_wait3A_472 = tpu.memref_squeeze %dma_wait3A_471 : memref<1x1x2x8x128xi32, #tpu.memory_space<hbm>> -> memref<2x8x128xi32, #tpu.memory_space<hbm>>
            tpu.wait_dma2 semaphore(%run_scoped3A_432 : memref<!tpu.dma_semaphore, #tpu.memory_space<semaphore_mem>>) src(%dma_wait3A_472 : memref<2x8x128xi32, #tpu.memory_space<hbm>>) dst(%dma_wait3A_467 : memref<2x8x128xi32, #tpu.memory_space<vmem>>)
            tpu.yield
          }) : () -> ()
        } else {
        }
        %mul3A_403 = arith.constant 1 : i32
        %mul3A_404 = arith.muli %sub3A_194, %mul3A_403 : i32
        %div3A_405 = arith.constant 8 : i32
        %div3A_406 = arith.divsi %mul3A_404, %div3A_405 : i32
        %rem3A_407 = arith.constant 8 : i32
        %rem3A_408 = arith.remsi %mul3A_404, %rem3A_407 : i32
        %rem3A_409 = arith.constant 2 : i32
        %rem3A_410 = arith.remsi %div3A_406, %rem3A_409 : i32
        %dma_start3A_411 = arith.constant 0 : i32
        %dma_start3A_412 = arith.constant 0 : i32
        %dma_start3A_413 = arith.constant 0 : i32
        %dma_start3A_414 = arith.constant 0 : i32
        %dma_start3A_415 = tpu.memref_slice %arg6[%dma_start3A_412, %dma_start3A_413, %dma_start3A_414] : memref<1x128x64xf32, #tpu.memory_space<vmem>> -> memref<1x128x64xf32, #tpu.memory_space<vmem>>
        %dma_start3A_416 = tpu.memref_squeeze %dma_start3A_415 : memref<1x128x64xf32, #tpu.memory_space<vmem>> -> memref<128x64xf32, #tpu.memory_space<vmem>>
        %dma_start3A_417 = arith.constant 0 : i32
        %dma_start3A_418 = tpu.memref_slice %arg5[%rem3A_410, %dma_start3A_411, %rem3A_408, %dma_start3A_417] : memref<2x2x8x128xi32, #tpu.memory_space<vmem>> -> memref<1x1x1x128xi32, #tpu.memory_space<vmem>>
        %dma_start3A_419 = tpu.memref_squeeze %dma_start3A_418 : memref<1x1x1x128xi32, #tpu.memory_space<vmem>> -> memref<128xi32, #tpu.memory_space<vmem>>
        %dma_start3A_420 = arith.constant 0 : i32
        %dma_start3A_421 = arith.constant 0 : i32
        %dma_start3A_422 = tpu.memref_slice %arg2[%dma_start3A_420, %dma_start3A_421] : memref<20000x64xf32, #tpu.memory_space<hbm>> -> memref<20000x64xf32, #tpu.memory_space<hbm>>
        tpu.enqueue_indirect_dma source(%dma_start3A_422 : memref<20000x64xf32, #tpu.memory_space<hbm>>) target(%dma_start3A_416 : memref<128x64xf32, #tpu.memory_space<vmem>>) offsets(%dma_start3A_419 : memref<128xi32, #tpu.memory_space<vmem>>) semaphore(%arg13 : memref<!tpu.dma_semaphore, #tpu.memory_space<semaphore_mem>>)
      } else {
      }
      %mul3A_239 = arith.constant 5 : i32
      %mul3A_240 = arith.muli %scan3A_139, %mul3A_239 : i32
      %add3A_241 = arith.constant 2 : i32
      %add3A_242 = arith.addi %mul3A_240, %add3A_241 : i32
      %add3A_243 = arith.constant 5 : i32
      %add3A_244 = arith.addi %add3A_242, %add3A_243 : i32
      %sub3A_245 = arith.constant 1 : i32
      %sub3A_246 = arith.subi %add3A_244, %sub3A_245 : i32
      %dma_wait3A_247 = arith.constant 0 : i32
      %dma_wait3A_248 = arith.constant 0 : i32
      %dma_wait3A_249 = arith.constant 0 : i32
      %dma_wait3A_250 = arith.constant 0 : i32
      %dma_wait3A_251 = arith.constant 0 : i32
      %dma_wait3A_252 = arith.constant 0 : i32
      %dma_wait3A_253 = tpu.memref_slice %arg8[%dma_wait3A_250, %dma_wait3A_251, %dma_wait3A_252] : memref<1x128x64xf32, #tpu.memory_space<vmem>> -> memref<1x128x64xf32, #tpu.memory_space<vmem>>
      %dma_wait3A_254 = tpu.memref_squeeze %dma_wait3A_253 : memref<1x128x64xf32, #tpu.memory_space<vmem>> -> memref<128x64xf32, #tpu.memory_space<vmem>>
      %dma_wait3A_255 = arith.constant 0 : i32
      %dma_wait3A_256 = tpu.memref_slice %arg5[%dma_wait3A_247, %dma_wait3A_248, %dma_wait3A_249, %dma_wait3A_255] : memref<2x2x8x128xi32, #tpu.memory_space<vmem>> -> memref<1x1x1x128xi32, #tpu.memory_space<vmem>>
      %dma_wait3A_257 = tpu.memref_squeeze %dma_wait3A_256 : memref<1x1x1x128xi32, #tpu.memory_space<vmem>> -> memref<128xi32, #tpu.memory_space<vmem>>
      %dma_wait3A_258 = arith.constant 0 : i32
      %dma_wait3A_259 = arith.constant 0 : i32
      %dma_wait3A_260 = tpu.memref_slice %arg2[%dma_wait3A_258, %dma_wait3A_259] : memref<20000x64xf32, #tpu.memory_space<hbm>> -> memref<20000x64xf32, #tpu.memory_space<hbm>>
      tpu.wait_indirect_dma semaphore(%arg15 : memref<!tpu.dma_semaphore, #tpu.memory_space<semaphore_mem>>) src(%dma_wait3A_260 : memref<20000x64xf32, #tpu.memory_space<hbm>>) dst(%dma_wait3A_254 : memref<128x64xf32, #tpu.memory_space<vmem>>)
      %mul3A_261 = arith.constant 1 : i32
      %mul3A_262 = arith.muli %add3A_242, %mul3A_261 : i32
      %div3A_263 = arith.constant 8 : i32
      %div3A_264 = arith.divsi %mul3A_262, %div3A_263 : i32
      %rem3A_265 = arith.constant 8 : i32
      %rem3A_266 = arith.remsi %mul3A_262, %rem3A_265 : i32
      %rem3A_267 = arith.constant 2 : i32
      %rem3A_268 = arith.remsi %div3A_264, %rem3A_267 : i32
      %dma_start3A_269 = arith.constant 0 : i32
      %dma_start3A_270 = arith.constant 1 : i32
      %dma_start3A_271 = arith.constant 0 : i32
      %dma_start3A_272 = arith.constant 0 : i32
      %dma_start3A_273 = tpu.memref_slice %arg8[%dma_start3A_269, %dma_start3A_271, %dma_start3A_272] : memref<1x128x64xf32, #tpu.memory_space<vmem>> -> memref<1x128x64xf32, #tpu.memory_space<vmem>>
      %dma_start3A_274 = tpu.memref_squeeze %dma_start3A_273 : memref<1x128x64xf32, #tpu.memory_space<vmem>> -> memref<128x64xf32, #tpu.memory_space<vmem>>
      %dma_start3A_275 = arith.constant 0 : i32
      %dma_start3A_276 = tpu.memref_slice %arg5[%rem3A_268, %dma_start3A_270, %rem3A_266, %dma_start3A_275] : memref<2x2x8x128xi32, #tpu.memory_space<vmem>> -> memref<1x1x1x128xi32, #tpu.memory_space<vmem>>
      %dma_start3A_277 = tpu.memref_squeeze %dma_start3A_276 : memref<1x1x1x128xi32, #tpu.memory_space<vmem>> -> memref<128xi32, #tpu.memory_space<vmem>>
      %dma_start3A_278 = arith.constant 0 : i32
      %dma_start3A_279 = arith.constant 0 : i32
      %dma_start3A_280 = tpu.memref_slice %arg12[%dma_start3A_278, %dma_start3A_279] : memref<20480x64xf32, #tpu.memory_space<vmem_shared>> -> memref<20480x64xf32, #tpu.memory_space<vmem_shared>>
      tpu.enqueue_indirect_dma source(%dma_start3A_274 : memref<128x64xf32, #tpu.memory_space<vmem>>) target(%dma_start3A_280 : memref<20480x64xf32, #tpu.memory_space<vmem_shared>>) offsets(%dma_start3A_277 : memref<128xi32, #tpu.memory_space<vmem>>) semaphore(%arg20 : memref<!tpu.dma_semaphore, #tpu.memory_space<semaphore_mem>>) {add = true}
      %gt3A_281 = arith.constant 0 : i32
      %gt3A_282 = arith.cmpi sgt, %add3A_242, %gt3A_281 : i32
      %convert_element_type3A_283 = arith.extui %gt3A_282 : i1 to i32
      %cond3A_284 = arith.constant 0 : i32
      %cond3A_285 = arith.cmpi ne, %convert_element_type3A_283, %cond3A_284 : i32
      scf.if %cond3A_285 {
        %dma_wait3A_395 = arith.constant 0 : i32
        %dma_wait3A_396 = arith.constant 0 : i32
        %dma_wait3A_397 = arith.constant 1 : i32
        %dma_wait3A_398 = arith.constant 0 : i32
        %dma_wait3A_399 = arith.constant 0 : i32
        %dma_wait3A_400 = arith.constant 0 : i32
        %dma_wait3A_401 = tpu.memref_slice %arg7[%dma_wait3A_395, %dma_wait3A_399, %dma_wait3A_400] : memref<1x128x64xf32, #tpu.memory_space<vmem>> -> memref<1x128x64xf32, #tpu.memory_space<vmem>>
        %dma_wait3A_402 = tpu.memref_squeeze %dma_wait3A_401 : memref<1x128x64xf32, #tpu.memory_space<vmem>> -> memref<128x64xf32, #tpu.memory_space<vmem>>
        %dma_wait3A_403 = arith.constant 0 : i32
        %dma_wait3A_404 = tpu.memref_slice %arg5[%dma_wait3A_396, %dma_wait3A_397, %dma_wait3A_398, %dma_wait3A_403] : memref<2x2x8x128xi32, #tpu.memory_space<vmem>> -> memref<1x1x1x128xi32, #tpu.memory_space<vmem>>
        %dma_wait3A_405 = tpu.memref_squeeze %dma_wait3A_404 : memref<1x1x1x128xi32, #tpu.memory_space<vmem>> -> memref<128xi32, #tpu.memory_space<vmem>>
        %dma_wait3A_406 = arith.constant 0 : i32
        %dma_wait3A_407 = arith.constant 0 : i32
        %dma_wait3A_408 = tpu.memref_slice %arg12[%dma_wait3A_406, %dma_wait3A_407] : memref<20480x64xf32, #tpu.memory_space<vmem_shared>> -> memref<20480x64xf32, #tpu.memory_space<vmem_shared>>
        tpu.wait_indirect_dma semaphore(%arg19 : memref<!tpu.dma_semaphore, #tpu.memory_space<semaphore_mem>>) src(%dma_wait3A_402 : memref<128x64xf32, #tpu.memory_space<vmem>>) dst(%dma_wait3A_408 : memref<20480x64xf32, #tpu.memory_space<vmem_shared>>)
      } else {
      }
      %lt3A_286 = arith.constant 160 : i32
      %lt3A_287 = arith.cmpi slt, %sub3A_246, %lt3A_286 : i32
      %convert_element_type3A_288 = arith.extui %lt3A_287 : i1 to i32
      %cond3A_289 = arith.constant 0 : i32
      %cond3A_290 = arith.cmpi ne, %convert_element_type3A_288, %cond3A_289 : i32
      scf.if %cond3A_290 {
        %mul3A_395 = arith.constant 1 : i32
        %mul3A_396 = arith.muli %sub3A_246, %mul3A_395 : i32
        %rem3A_397 = arith.constant 8 : i32
        %rem3A_398 = arith.remsi %mul3A_396, %rem3A_397 : i32
        %eq3A = arith.constant 0 : i32
        %eq3A_399 = arith.cmpi eq, %rem3A_398, %eq3A : i32
        %convert_element_type3A_400 = arith.extui %eq3A_399 : i1 to i32
        %cond3A_401 = arith.constant 0 : i32
        %cond3A_402 = arith.cmpi ne, %convert_element_type3A_400, %cond3A_401 : i32
        scf.if %cond3A_402 {
          %mul3A_423 = arith.constant 1 : i32
          %mul3A_424 = arith.muli %sub3A_246, %mul3A_423 : i32
          %div3A_425 = arith.constant 8 : i32
          %div3A_426 = arith.divsi %mul3A_424, %div3A_425 : i32
          %rem3A_427 = arith.constant 2 : i32
          %rem3A_428 = arith.remsi %div3A_426, %rem3A_427 : i32
          %mul3A_429 = arith.constant 20 : i32
          %mul3A_430 = arith.muli %arg1, %mul3A_429 : i32
          %add3A_431 = arith.addi %mul3A_430, %div3A_426 : i32
          "tpu.region"() ({
            %run_scoped3A_432 = tpu.sem_alloc : memref<!tpu.dma_semaphore, #tpu.memory_space<semaphore_mem>>
            %dma_start3A_433 = arith.constant 0 : i32
            %dma_start3A_434 = arith.constant 0 : i32
            %dma_start3A_435 = arith.constant 0 : i32
            %dma_start3A_436 = tpu.memref_slice %arg5[%rem3A_428, %dma_start3A_433, %dma_start3A_434, %dma_start3A_435] : memref<2x2x8x128xi32, #tpu.memory_space<vmem>> -> memref<1x2x8x128xi32, #tpu.memory_space<vmem>>
            %dma_start3A_437 = tpu.memref_squeeze %dma_start3A_436 : memref<1x2x8x128xi32, #tpu.memory_space<vmem>> -> memref<2x8x128xi32, #tpu.memory_space<vmem>>
            %dma_start3A_438 = arith.constant 0 : i32
            %dma_start3A_439 = arith.constant 0 : i32
            %dma_start3A_440 = arith.constant 0 : i32
            %dma_start3A_441 = tpu.memref_slice %arg3[%arg0, %add3A_431, %dma_start3A_438, %dma_start3A_439, %dma_start3A_440] : memref<2x320x2x8x128xi32, #tpu.memory_space<hbm>> -> memref<1x1x2x8x128xi32, #tpu.memory_space<hbm>>
            %dma_start3A_442 = tpu.memref_squeeze %dma_start3A_441 : memref<1x1x2x8x128xi32, #tpu.memory_space<hbm>> -> memref<2x8x128xi32, #tpu.memory_space<hbm>>
            %dma_start3A_443 = arith.constant 0 : i32
            %dma_start3A_444 = arith.constant 0 : i32
            %dma_start3A_445 = arith.constant 0 : i32
            %dma_start3A_446 = tpu.memref_slice %arg5[%rem3A_428, %dma_start3A_443, %dma_start3A_444, %dma_start3A_445] : memref<2x2x8x128xi32, #tpu.memory_space<vmem>> -> memref<1x2x8x128xi32, #tpu.memory_space<vmem>>
            %dma_start3A_447 = tpu.memref_squeeze %dma_start3A_446 : memref<1x2x8x128xi32, #tpu.memory_space<vmem>> -> memref<2x8x128xi32, #tpu.memory_space<vmem>>
            %dma_start3A_448 = arith.constant 0 : i32
            %dma_start3A_449 = arith.constant 0 : i32
            %dma_start3A_450 = arith.constant 0 : i32
            %dma_start3A_451 = tpu.memref_slice %arg3[%arg0, %add3A_431, %dma_start3A_448, %dma_start3A_449, %dma_start3A_450] : memref<2x320x2x8x128xi32, #tpu.memory_space<hbm>> -> memref<1x1x2x8x128xi32, #tpu.memory_space<hbm>>
            %dma_start3A_452 = tpu.memref_squeeze %dma_start3A_451 : memref<1x1x2x8x128xi32, #tpu.memory_space<hbm>> -> memref<2x8x128xi32, #tpu.memory_space<hbm>>
            tpu.enqueue_dma source(%dma_start3A_452 : memref<2x8x128xi32, #tpu.memory_space<hbm>>) target(%dma_start3A_447 : memref<2x8x128xi32, #tpu.memory_space<vmem>>) target_semaphore(%run_scoped3A_432 : memref<!tpu.dma_semaphore, #tpu.memory_space<semaphore_mem>>)
            %dma_wait3A_453 = arith.constant 0 : i32
            %dma_wait3A_454 = arith.constant 0 : i32
            %dma_wait3A_455 = arith.constant 0 : i32
            %dma_wait3A_456 = tpu.memref_slice %arg5[%rem3A_428, %dma_wait3A_453, %dma_wait3A_454, %dma_wait3A_455] : memref<2x2x8x128xi32, #tpu.memory_space<vmem>> -> memref<1x2x8x128xi32, #tpu.memory_space<vmem>>
            %dma_wait3A_457 = tpu.memref_squeeze %dma_wait3A_456 : memref<1x2x8x128xi32, #tpu.memory_space<vmem>> -> memref<2x8x128xi32, #tpu.memory_space<vmem>>
            %dma_wait3A_458 = arith.constant 0 : i32
            %dma_wait3A_459 = arith.constant 0 : i32
            %dma_wait3A_460 = arith.constant 0 : i32
            %dma_wait3A_461 = tpu.memref_slice %arg3[%arg0, %add3A_431, %dma_wait3A_458, %dma_wait3A_459, %dma_wait3A_460] : memref<2x320x2x8x128xi32, #tpu.memory_space<hbm>> -> memref<1x1x2x8x128xi32, #tpu.memory_space<hbm>>
            %dma_wait3A_462 = tpu.memref_squeeze %dma_wait3A_461 : memref<1x1x2x8x128xi32, #tpu.memory_space<hbm>> -> memref<2x8x128xi32, #tpu.memory_space<hbm>>
            %dma_wait3A_463 = arith.constant 0 : i32
            %dma_wait3A_464 = arith.constant 0 : i32
            %dma_wait3A_465 = arith.constant 0 : i32
            %dma_wait3A_466 = tpu.memref_slice %arg5[%rem3A_428, %dma_wait3A_463, %dma_wait3A_464, %dma_wait3A_465] : memref<2x2x8x128xi32, #tpu.memory_space<vmem>> -> memref<1x2x8x128xi32, #tpu.memory_space<vmem>>
            %dma_wait3A_467 = tpu.memref_squeeze %dma_wait3A_466 : memref<1x2x8x128xi32, #tpu.memory_space<vmem>> -> memref<2x8x128xi32, #tpu.memory_space<vmem>>
            %dma_wait3A_468 = arith.constant 0 : i32
            %dma_wait3A_469 = arith.constant 0 : i32
            %dma_wait3A_470 = arith.constant 0 : i32
            %dma_wait3A_471 = tpu.memref_slice %arg3[%arg0, %add3A_431, %dma_wait3A_468, %dma_wait3A_469, %dma_wait3A_470] : memref<2x320x2x8x128xi32, #tpu.memory_space<hbm>> -> memref<1x1x2x8x128xi32, #tpu.memory_space<hbm>>
            %dma_wait3A_472 = tpu.memref_squeeze %dma_wait3A_471 : memref<1x1x2x8x128xi32, #tpu.memory_space<hbm>> -> memref<2x8x128xi32, #tpu.memory_space<hbm>>
            tpu.wait_dma2 semaphore(%run_scoped3A_432 : memref<!tpu.dma_semaphore, #tpu.memory_space<semaphore_mem>>) src(%dma_wait3A_472 : memref<2x8x128xi32, #tpu.memory_space<hbm>>) dst(%dma_wait3A_467 : memref<2x8x128xi32, #tpu.memory_space<vmem>>)
            tpu.yield
          }) : () -> ()
        } else {
        }
        %mul3A_403 = arith.constant 1 : i32
        %mul3A_404 = arith.muli %sub3A_246, %mul3A_403 : i32
        %div3A_405 = arith.constant 8 : i32
        %div3A_406 = arith.divsi %mul3A_404, %div3A_405 : i32
        %rem3A_407 = arith.constant 8 : i32
        %rem3A_408 = arith.remsi %mul3A_404, %rem3A_407 : i32
        %rem3A_409 = arith.constant 2 : i32
        %rem3A_410 = arith.remsi %div3A_406, %rem3A_409 : i32
        %dma_start3A_411 = arith.constant 0 : i32
        %dma_start3A_412 = arith.constant 0 : i32
        %dma_start3A_413 = arith.constant 0 : i32
        %dma_start3A_414 = arith.constant 0 : i32
        %dma_start3A_415 = tpu.memref_slice %arg7[%dma_start3A_412, %dma_start3A_413, %dma_start3A_414] : memref<1x128x64xf32, #tpu.memory_space<vmem>> -> memref<1x128x64xf32, #tpu.memory_space<vmem>>
        %dma_start3A_416 = tpu.memref_squeeze %dma_start3A_415 : memref<1x128x64xf32, #tpu.memory_space<vmem>> -> memref<128x64xf32, #tpu.memory_space<vmem>>
        %dma_start3A_417 = arith.constant 0 : i32
        %dma_start3A_418 = tpu.memref_slice %arg5[%rem3A_410, %dma_start3A_411, %rem3A_408, %dma_start3A_417] : memref<2x2x8x128xi32, #tpu.memory_space<vmem>> -> memref<1x1x1x128xi32, #tpu.memory_space<vmem>>
        %dma_start3A_419 = tpu.memref_squeeze %dma_start3A_418 : memref<1x1x1x128xi32, #tpu.memory_space<vmem>> -> memref<128xi32, #tpu.memory_space<vmem>>
        %dma_start3A_420 = arith.constant 0 : i32
        %dma_start3A_421 = arith.constant 0 : i32
        %dma_start3A_422 = tpu.memref_slice %arg2[%dma_start3A_420, %dma_start3A_421] : memref<20000x64xf32, #tpu.memory_space<hbm>> -> memref<20000x64xf32, #tpu.memory_space<hbm>>
        tpu.enqueue_indirect_dma source(%dma_start3A_422 : memref<20000x64xf32, #tpu.memory_space<hbm>>) target(%dma_start3A_416 : memref<128x64xf32, #tpu.memory_space<vmem>>) offsets(%dma_start3A_419 : memref<128xi32, #tpu.memory_space<vmem>>) semaphore(%arg14 : memref<!tpu.dma_semaphore, #tpu.memory_space<semaphore_mem>>)
      } else {
      }
      %mul3A_291 = arith.constant 5 : i32
      %mul3A_292 = arith.muli %scan3A_139, %mul3A_291 : i32
      %add3A_293 = arith.constant 3 : i32
      %add3A_294 = arith.addi %mul3A_292, %add3A_293 : i32
      %add3A_295 = arith.constant 5 : i32
      %add3A_296 = arith.addi %add3A_294, %add3A_295 : i32
      %sub3A_297 = arith.constant 1 : i32
      %sub3A_298 = arith.subi %add3A_296, %sub3A_297 : i32
      %dma_wait3A_299 = arith.constant 0 : i32
      %dma_wait3A_300 = arith.constant 0 : i32
      %dma_wait3A_301 = arith.constant 0 : i32
      %dma_wait3A_302 = arith.constant 0 : i32
      %dma_wait3A_303 = arith.constant 0 : i32
      %dma_wait3A_304 = arith.constant 0 : i32
      %dma_wait3A_305 = tpu.memref_slice %arg9[%dma_wait3A_302, %dma_wait3A_303, %dma_wait3A_304] : memref<1x128x64xf32, #tpu.memory_space<vmem>> -> memref<1x128x64xf32, #tpu.memory_space<vmem>>
      %dma_wait3A_306 = tpu.memref_squeeze %dma_wait3A_305 : memref<1x128x64xf32, #tpu.memory_space<vmem>> -> memref<128x64xf32, #tpu.memory_space<vmem>>
      %dma_wait3A_307 = arith.constant 0 : i32
      %dma_wait3A_308 = tpu.memref_slice %arg5[%dma_wait3A_299, %dma_wait3A_300, %dma_wait3A_301, %dma_wait3A_307] : memref<2x2x8x128xi32, #tpu.memory_space<vmem>> -> memref<1x1x1x128xi32, #tpu.memory_space<vmem>>
      %dma_wait3A_309 = tpu.memref_squeeze %dma_wait3A_308 : memref<1x1x1x128xi32, #tpu.memory_space<vmem>> -> memref<128xi32, #tpu.memory_space<vmem>>
      %dma_wait3A_310 = arith.constant 0 : i32
      %dma_wait3A_311 = arith.constant 0 : i32
      %dma_wait3A_312 = tpu.memref_slice %arg2[%dma_wait3A_310, %dma_wait3A_311] : memref<20000x64xf32, #tpu.memory_space<hbm>> -> memref<20000x64xf32, #tpu.memory_space<hbm>>
      tpu.wait_indirect_dma semaphore(%arg16 : memref<!tpu.dma_semaphore, #tpu.memory_space<semaphore_mem>>) src(%dma_wait3A_312 : memref<20000x64xf32, #tpu.memory_space<hbm>>) dst(%dma_wait3A_306 : memref<128x64xf32, #tpu.memory_space<vmem>>)
      %mul3A_313 = arith.constant 1 : i32
      %mul3A_314 = arith.muli %add3A_294, %mul3A_313 : i32
      %div3A_315 = arith.constant 8 : i32
      %div3A_316 = arith.divsi %mul3A_314, %div3A_315 : i32
      %rem3A_317 = arith.constant 8 : i32
      %rem3A_318 = arith.remsi %mul3A_314, %rem3A_317 : i32
      %rem3A_319 = arith.constant 2 : i32
      %rem3A_320 = arith.remsi %div3A_316, %rem3A_319 : i32
      %dma_start3A_321 = arith.constant 0 : i32
      %dma_start3A_322 = arith.constant 1 : i32
      %dma_start3A_323 = arith.constant 0 : i32
      %dma_start3A_324 = arith.constant 0 : i32
      %dma_start3A_325 = tpu.memref_slice %arg9[%dma_start3A_321, %dma_start3A_323, %dma_start3A_324] : memref<1x128x64xf32, #tpu.memory_space<vmem>> -> memref<1x128x64xf32, #tpu.memory_space<vmem>>
      %dma_start3A_326 = tpu.memref_squeeze %dma_start3A_325 : memref<1x128x64xf32, #tpu.memory_space<vmem>> -> memref<128x64xf32, #tpu.memory_space<vmem>>
      %dma_start3A_327 = arith.constant 0 : i32
      %dma_start3A_328 = tpu.memref_slice %arg5[%rem3A_320, %dma_start3A_322, %rem3A_318, %dma_start3A_327] : memref<2x2x8x128xi32, #tpu.memory_space<vmem>> -> memref<1x1x1x128xi32, #tpu.memory_space<vmem>>
      %dma_start3A_329 = tpu.memref_squeeze %dma_start3A_328 : memref<1x1x1x128xi32, #tpu.memory_space<vmem>> -> memref<128xi32, #tpu.memory_space<vmem>>
      %dma_start3A_330 = arith.constant 0 : i32
      %dma_start3A_331 = arith.constant 0 : i32
      %dma_start3A_332 = tpu.memref_slice %arg12[%dma_start3A_330, %dma_start3A_331] : memref<20480x64xf32, #tpu.memory_space<vmem_shared>> -> memref<20480x64xf32, #tpu.memory_space<vmem_shared>>
      tpu.enqueue_indirect_dma source(%dma_start3A_326 : memref<128x64xf32, #tpu.memory_space<vmem>>) target(%dma_start3A_332 : memref<20480x64xf32, #tpu.memory_space<vmem_shared>>) offsets(%dma_start3A_329 : memref<128xi32, #tpu.memory_space<vmem>>) semaphore(%arg21 : memref<!tpu.dma_semaphore, #tpu.memory_space<semaphore_mem>>) {add = true}
      %gt3A_333 = arith.constant 0 : i32
      %gt3A_334 = arith.cmpi sgt, %add3A_294, %gt3A_333 : i32
      %convert_element_type3A_335 = arith.extui %gt3A_334 : i1 to i32
      %cond3A_336 = arith.constant 0 : i32
      %cond3A_337 = arith.cmpi ne, %convert_element_type3A_335, %cond3A_336 : i32
      scf.if %cond3A_337 {
        %dma_wait3A_395 = arith.constant 0 : i32
        %dma_wait3A_396 = arith.constant 0 : i32
        %dma_wait3A_397 = arith.constant 1 : i32
        %dma_wait3A_398 = arith.constant 0 : i32
        %dma_wait3A_399 = arith.constant 0 : i32
        %dma_wait3A_400 = arith.constant 0 : i32
        %dma_wait3A_401 = tpu.memref_slice %arg8[%dma_wait3A_395, %dma_wait3A_399, %dma_wait3A_400] : memref<1x128x64xf32, #tpu.memory_space<vmem>> -> memref<1x128x64xf32, #tpu.memory_space<vmem>>
        %dma_wait3A_402 = tpu.memref_squeeze %dma_wait3A_401 : memref<1x128x64xf32, #tpu.memory_space<vmem>> -> memref<128x64xf32, #tpu.memory_space<vmem>>
        %dma_wait3A_403 = arith.constant 0 : i32
        %dma_wait3A_404 = tpu.memref_slice %arg5[%dma_wait3A_396, %dma_wait3A_397, %dma_wait3A_398, %dma_wait3A_403] : memref<2x2x8x128xi32, #tpu.memory_space<vmem>> -> memref<1x1x1x128xi32, #tpu.memory_space<vmem>>
        %dma_wait3A_405 = tpu.memref_squeeze %dma_wait3A_404 : memref<1x1x1x128xi32, #tpu.memory_space<vmem>> -> memref<128xi32, #tpu.memory_space<vmem>>
        %dma_wait3A_406 = arith.constant 0 : i32
        %dma_wait3A_407 = arith.constant 0 : i32
        %dma_wait3A_408 = tpu.memref_slice %arg12[%dma_wait3A_406, %dma_wait3A_407] : memref<20480x64xf32, #tpu.memory_space<vmem_shared>> -> memref<20480x64xf32, #tpu.memory_space<vmem_shared>>
        tpu.wait_indirect_dma semaphore(%arg20 : memref<!tpu.dma_semaphore, #tpu.memory_space<semaphore_mem>>) src(%dma_wait3A_402 : memref<128x64xf32, #tpu.memory_space<vmem>>) dst(%dma_wait3A_408 : memref<20480x64xf32, #tpu.memory_space<vmem_shared>>)
      } else {
      }
      %lt3A_338 = arith.constant 160 : i32
      %lt3A_339 = arith.cmpi slt, %sub3A_298, %lt3A_338 : i32
      %convert_element_type3A_340 = arith.extui %lt3A_339 : i1 to i32
      %cond3A_341 = arith.constant 0 : i32
      %cond3A_342 = arith.cmpi ne, %convert_element_type3A_340, %cond3A_341 : i32
      scf.if %cond3A_342 {
        %mul3A_395 = arith.constant 1 : i32
        %mul3A_396 = arith.muli %sub3A_298, %mul3A_395 : i32
        %rem3A_397 = arith.constant 8 : i32
        %rem3A_398 = arith.remsi %mul3A_396, %rem3A_397 : i32
        %eq3A = arith.constant 0 : i32
        %eq3A_399 = arith.cmpi eq, %rem3A_398, %eq3A : i32
        %convert_element_type3A_400 = arith.extui %eq3A_399 : i1 to i32
        %cond3A_401 = arith.constant 0 : i32
        %cond3A_402 = arith.cmpi ne, %convert_element_type3A_400, %cond3A_401 : i32
        scf.if %cond3A_402 {
          %mul3A_423 = arith.constant 1 : i32
          %mul3A_424 = arith.muli %sub3A_298, %mul3A_423 : i32
          %div3A_425 = arith.constant 8 : i32
          %div3A_426 = arith.divsi %mul3A_424, %div3A_425 : i32
          %rem3A_427 = arith.constant 2 : i32
          %rem3A_428 = arith.remsi %div3A_426, %rem3A_427 : i32
          %mul3A_429 = arith.constant 20 : i32
          %mul3A_430 = arith.muli %arg1, %mul3A_429 : i32
          %add3A_431 = arith.addi %mul3A_430, %div3A_426 : i32
          "tpu.region"() ({
            %run_scoped3A_432 = tpu.sem_alloc : memref<!tpu.dma_semaphore, #tpu.memory_space<semaphore_mem>>
            %dma_start3A_433 = arith.constant 0 : i32
            %dma_start3A_434 = arith.constant 0 : i32
            %dma_start3A_435 = arith.constant 0 : i32
            %dma_start3A_436 = tpu.memref_slice %arg5[%rem3A_428, %dma_start3A_433, %dma_start3A_434, %dma_start3A_435] : memref<2x2x8x128xi32, #tpu.memory_space<vmem>> -> memref<1x2x8x128xi32, #tpu.memory_space<vmem>>
            %dma_start3A_437 = tpu.memref_squeeze %dma_start3A_436 : memref<1x2x8x128xi32, #tpu.memory_space<vmem>> -> memref<2x8x128xi32, #tpu.memory_space<vmem>>
            %dma_start3A_438 = arith.constant 0 : i32
            %dma_start3A_439 = arith.constant 0 : i32
            %dma_start3A_440 = arith.constant 0 : i32
            %dma_start3A_441 = tpu.memref_slice %arg3[%arg0, %add3A_431, %dma_start3A_438, %dma_start3A_439, %dma_start3A_440] : memref<2x320x2x8x128xi32, #tpu.memory_space<hbm>> -> memref<1x1x2x8x128xi32, #tpu.memory_space<hbm>>
            %dma_start3A_442 = tpu.memref_squeeze %dma_start3A_441 : memref<1x1x2x8x128xi32, #tpu.memory_space<hbm>> -> memref<2x8x128xi32, #tpu.memory_space<hbm>>
            %dma_start3A_443 = arith.constant 0 : i32
            %dma_start3A_444 = arith.constant 0 : i32
            %dma_start3A_445 = arith.constant 0 : i32
            %dma_start3A_446 = tpu.memref_slice %arg5[%rem3A_428, %dma_start3A_443, %dma_start3A_444, %dma_start3A_445] : memref<2x2x8x128xi32, #tpu.memory_space<vmem>> -> memref<1x2x8x128xi32, #tpu.memory_space<vmem>>
            %dma_start3A_447 = tpu.memref_squeeze %dma_start3A_446 : memref<1x2x8x128xi32, #tpu.memory_space<vmem>> -> memref<2x8x128xi32, #tpu.memory_space<vmem>>
            %dma_start3A_448 = arith.constant 0 : i32
            %dma_start3A_449 = arith.constant 0 : i32
            %dma_start3A_450 = arith.constant 0 : i32
            %dma_start3A_451 = tpu.memref_slice %arg3[%arg0, %add3A_431, %dma_start3A_448, %dma_start3A_449, %dma_start3A_450] : memref<2x320x2x8x128xi32, #tpu.memory_space<hbm>> -> memref<1x1x2x8x128xi32, #tpu.memory_space<hbm>>
            %dma_start3A_452 = tpu.memref_squeeze %dma_start3A_451 : memref<1x1x2x8x128xi32, #tpu.memory_space<hbm>> -> memref<2x8x128xi32, #tpu.memory_space<hbm>>
            tpu.enqueue_dma source(%dma_start3A_452 : memref<2x8x128xi32, #tpu.memory_space<hbm>>) target(%dma_start3A_447 : memref<2x8x128xi32, #tpu.memory_space<vmem>>) target_semaphore(%run_scoped3A_432 : memref<!tpu.dma_semaphore, #tpu.memory_space<semaphore_mem>>)
            %dma_wait3A_453 = arith.constant 0 : i32
            %dma_wait3A_454 = arith.constant 0 : i32
            %dma_wait3A_455 = arith.constant 0 : i32
            %dma_wait3A_456 = tpu.memref_slice %arg5[%rem3A_428, %dma_wait3A_453, %dma_wait3A_454, %dma_wait3A_455] : memref<2x2x8x128xi32, #tpu.memory_space<vmem>> -> memref<1x2x8x128xi32, #tpu.memory_space<vmem>>
            %dma_wait3A_457 = tpu.memref_squeeze %dma_wait3A_456 : memref<1x2x8x128xi32, #tpu.memory_space<vmem>> -> memref<2x8x128xi32, #tpu.memory_space<vmem>>
            %dma_wait3A_458 = arith.constant 0 : i32
            %dma_wait3A_459 = arith.constant 0 : i32
            %dma_wait3A_460 = arith.constant 0 : i32
            %dma_wait3A_461 = tpu.memref_slice %arg3[%arg0, %add3A_431, %dma_wait3A_458, %dma_wait3A_459, %dma_wait3A_460] : memref<2x320x2x8x128xi32, #tpu.memory_space<hbm>> -> memref<1x1x2x8x128xi32, #tpu.memory_space<hbm>>
            %dma_wait3A_462 = tpu.memref_squeeze %dma_wait3A_461 : memref<1x1x2x8x128xi32, #tpu.memory_space<hbm>> -> memref<2x8x128xi32, #tpu.memory_space<hbm>>
            %dma_wait3A_463 = arith.constant 0 : i32
            %dma_wait3A_464 = arith.constant 0 : i32
            %dma_wait3A_465 = arith.constant 0 : i32
            %dma_wait3A_466 = tpu.memref_slice %arg5[%rem3A_428, %dma_wait3A_463, %dma_wait3A_464, %dma_wait3A_465] : memref<2x2x8x128xi32, #tpu.memory_space<vmem>> -> memref<1x2x8x128xi32, #tpu.memory_space<vmem>>
            %dma_wait3A_467 = tpu.memref_squeeze %dma_wait3A_466 : memref<1x2x8x128xi32, #tpu.memory_space<vmem>> -> memref<2x8x128xi32, #tpu.memory_space<vmem>>
            %dma_wait3A_468 = arith.constant 0 : i32
            %dma_wait3A_469 = arith.constant 0 : i32
            %dma_wait3A_470 = arith.constant 0 : i32
            %dma_wait3A_471 = tpu.memref_slice %arg3[%arg0, %add3A_431, %dma_wait3A_468, %dma_wait3A_469, %dma_wait3A_470] : memref<2x320x2x8x128xi32, #tpu.memory_space<hbm>> -> memref<1x1x2x8x128xi32, #tpu.memory_space<hbm>>
            %dma_wait3A_472 = tpu.memref_squeeze %dma_wait3A_471 : memref<1x1x2x8x128xi32, #tpu.memory_space<hbm>> -> memref<2x8x128xi32, #tpu.memory_space<hbm>>
            tpu.wait_dma2 semaphore(%run_scoped3A_432 : memref<!tpu.dma_semaphore, #tpu.memory_space<semaphore_mem>>) src(%dma_wait3A_472 : memref<2x8x128xi32, #tpu.memory_space<hbm>>) dst(%dma_wait3A_467 : memref<2x8x128xi32, #tpu.memory_space<vmem>>)
            tpu.yield
          }) : () -> ()
        } else {
        }
        %mul3A_403 = arith.constant 1 : i32
        %mul3A_404 = arith.muli %sub3A_298, %mul3A_403 : i32
        %div3A_405 = arith.constant 8 : i32
        %div3A_406 = arith.divsi %mul3A_404, %div3A_405 : i32
        %rem3A_407 = arith.constant 8 : i32
        %rem3A_408 = arith.remsi %mul3A_404, %rem3A_407 : i32
        %rem3A_409 = arith.constant 2 : i32
        %rem3A_410 = arith.remsi %div3A_406, %rem3A_409 : i32
        %dma_start3A_411 = arith.constant 0 : i32
        %dma_start3A_412 = arith.constant 0 : i32
        %dma_start3A_413 = arith.constant 0 : i32
        %dma_start3A_414 = arith.constant 0 : i32
        %dma_start3A_415 = tpu.memref_slice %arg8[%dma_start3A_412, %dma_start3A_413, %dma_start3A_414] : memref<1x128x64xf32, #tpu.memory_space<vmem>> -> memref<1x128x64xf32, #tpu.memory_space<vmem>>
        %dma_start3A_416 = tpu.memref_squeeze %dma_start3A_415 : memref<1x128x64xf32, #tpu.memory_space<vmem>> -> memref<128x64xf32, #tpu.memory_space<vmem>>
        %dma_start3A_417 = arith.constant 0 : i32
        %dma_start3A_418 = tpu.memref_slice %arg5[%rem3A_410, %dma_start3A_411, %rem3A_408, %dma_start3A_417] : memref<2x2x8x128xi32, #tpu.memory_space<vmem>> -> memref<1x1x1x128xi32, #tpu.memory_space<vmem>>
        %dma_start3A_419 = tpu.memref_squeeze %dma_start3A_418 : memref<1x1x1x128xi32, #tpu.memory_space<vmem>> -> memref<128xi32, #tpu.memory_space<vmem>>
        %dma_start3A_420 = arith.constant 0 : i32
        %dma_start3A_421 = arith.constant 0 : i32
        %dma_start3A_422 = tpu.memref_slice %arg2[%dma_start3A_420, %dma_start3A_421] : memref<20000x64xf32, #tpu.memory_space<hbm>> -> memref<20000x64xf32, #tpu.memory_space<hbm>>
        tpu.enqueue_indirect_dma source(%dma_start3A_422 : memref<20000x64xf32, #tpu.memory_space<hbm>>) target(%dma_start3A_416 : memref<128x64xf32, #tpu.memory_space<vmem>>) offsets(%dma_start3A_419 : memref<128xi32, #tpu.memory_space<vmem>>) semaphore(%arg15 : memref<!tpu.dma_semaphore, #tpu.memory_space<semaphore_mem>>)
      } else {
      }
      %mul3A_343 = arith.constant 5 : i32
      %mul3A_344 = arith.muli %scan3A_139, %mul3A_343 : i32
      %add3A_345 = arith.constant 4 : i32
      %add3A_346 = arith.addi %mul3A_344, %add3A_345 : i32
      %add3A_347 = arith.constant 5 : i32
      %add3A_348 = arith.addi %add3A_346, %add3A_347 : i32
      %sub3A_349 = arith.constant 1 : i32
      %sub3A_350 = arith.subi %add3A_348, %sub3A_349 : i32
      %dma_wait3A_351 = arith.constant 0 : i32
      %dma_wait3A_352 = arith.constant 0 : i32
      %dma_wait3A_353 = arith.constant 0 : i32
      %dma_wait3A_354 = arith.constant 0 : i32
      %dma_wait3A_355 = arith.constant 0 : i32
      %dma_wait3A_356 = arith.constant 0 : i32
      %dma_wait3A_357 = tpu.memref_slice %arg10[%dma_wait3A_354, %dma_wait3A_355, %dma_wait3A_356] : memref<1x128x64xf32, #tpu.memory_space<vmem>> -> memref<1x128x64xf32, #tpu.memory_space<vmem>>
      %dma_wait3A_358 = tpu.memref_squeeze %dma_wait3A_357 : memref<1x128x64xf32, #tpu.memory_space<vmem>> -> memref<128x64xf32, #tpu.memory_space<vmem>>
      %dma_wait3A_359 = arith.constant 0 : i32
      %dma_wait3A_360 = tpu.memref_slice %arg5[%dma_wait3A_351, %dma_wait3A_352, %dma_wait3A_353, %dma_wait3A_359] : memref<2x2x8x128xi32, #tpu.memory_space<vmem>> -> memref<1x1x1x128xi32, #tpu.memory_space<vmem>>
      %dma_wait3A_361 = tpu.memref_squeeze %dma_wait3A_360 : memref<1x1x1x128xi32, #tpu.memory_space<vmem>> -> memref<128xi32, #tpu.memory_space<vmem>>
      %dma_wait3A_362 = arith.constant 0 : i32
      %dma_wait3A_363 = arith.constant 0 : i32
      %dma_wait3A_364 = tpu.memref_slice %arg2[%dma_wait3A_362, %dma_wait3A_363] : memref<20000x64xf32, #tpu.memory_space<hbm>> -> memref<20000x64xf32, #tpu.memory_space<hbm>>
      tpu.wait_indirect_dma semaphore(%arg17 : memref<!tpu.dma_semaphore, #tpu.memory_space<semaphore_mem>>) src(%dma_wait3A_364 : memref<20000x64xf32, #tpu.memory_space<hbm>>) dst(%dma_wait3A_358 : memref<128x64xf32, #tpu.memory_space<vmem>>)
      %mul3A_365 = arith.constant 1 : i32
      %mul3A_366 = arith.muli %add3A_346, %mul3A_365 : i32
      %div3A_367 = arith.constant 8 : i32
      %div3A_368 = arith.divsi %mul3A_366, %div3A_367 : i32
      %rem3A_369 = arith.constant 8 : i32
      %rem3A_370 = arith.remsi %mul3A_366, %rem3A_369 : i32
      %rem3A_371 = arith.constant 2 : i32
      %rem3A_372 = arith.remsi %div3A_368, %rem3A_371 : i32
      %dma_start3A_373 = arith.constant 0 : i32
      %dma_start3A_374 = arith.constant 1 : i32
      %dma_start3A_375 = arith.constant 0 : i32
      %dma_start3A_376 = arith.constant 0 : i32
      %dma_start3A_377 = tpu.memref_slice %arg10[%dma_start3A_373, %dma_start3A_375, %dma_start3A_376] : memref<1x128x64xf32, #tpu.memory_space<vmem>> -> memref<1x128x64xf32, #tpu.memory_space<vmem>>
      %dma_start3A_378 = tpu.memref_squeeze %dma_start3A_377 : memref<1x128x64xf32, #tpu.memory_space<vmem>> -> memref<128x64xf32, #tpu.memory_space<vmem>>
      %dma_start3A_379 = arith.constant 0 : i32
      %dma_start3A_380 = tpu.memref_slice %arg5[%rem3A_372, %dma_start3A_374, %rem3A_370, %dma_start3A_379] : memref<2x2x8x128xi32, #tpu.memory_space<vmem>> -> memref<1x1x1x128xi32, #tpu.memory_space<vmem>>
      %dma_start3A_381 = tpu.memref_squeeze %dma_start3A_380 : memref<1x1x1x128xi32, #tpu.memory_space<vmem>> -> memref<128xi32, #tpu.memory_space<vmem>>
      %dma_start3A_382 = arith.constant 0 : i32
      %dma_start3A_383 = arith.constant 0 : i32
      %dma_start3A_384 = tpu.memref_slice %arg12[%dma_start3A_382, %dma_start3A_383] : memref<20480x64xf32, #tpu.memory_space<vmem_shared>> -> memref<20480x64xf32, #tpu.memory_space<vmem_shared>>
      tpu.enqueue_indirect_dma source(%dma_start3A_378 : memref<128x64xf32, #tpu.memory_space<vmem>>) target(%dma_start3A_384 : memref<20480x64xf32, #tpu.memory_space<vmem_shared>>) offsets(%dma_start3A_381 : memref<128xi32, #tpu.memory_space<vmem>>) semaphore(%arg22 : memref<!tpu.dma_semaphore, #tpu.memory_space<semaphore_mem>>) {add = true}
      %gt3A_385 = arith.constant 0 : i32
      %gt3A_386 = arith.cmpi sgt, %add3A_346, %gt3A_385 : i32
      %convert_element_type3A_387 = arith.extui %gt3A_386 : i1 to i32
      %cond3A_388 = arith.constant 0 : i32
      %cond3A_389 = arith.cmpi ne, %convert_element_type3A_387, %cond3A_388 : i32
      scf.if %cond3A_389 {
        %dma_wait3A_395 = arith.constant 0 : i32
        %dma_wait3A_396 = arith.constant 0 : i32
        %dma_wait3A_397 = arith.constant 1 : i32
        %dma_wait3A_398 = arith.constant 0 : i32
        %dma_wait3A_399 = arith.constant 0 : i32
        %dma_wait3A_400 = arith.constant 0 : i32
        %dma_wait3A_401 = tpu.memref_slice %arg9[%dma_wait3A_395, %dma_wait3A_399, %dma_wait3A_400] : memref<1x128x64xf32, #tpu.memory_space<vmem>> -> memref<1x128x64xf32, #tpu.memory_space<vmem>>
        %dma_wait3A_402 = tpu.memref_squeeze %dma_wait3A_401 : memref<1x128x64xf32, #tpu.memory_space<vmem>> -> memref<128x64xf32, #tpu.memory_space<vmem>>
        %dma_wait3A_403 = arith.constant 0 : i32
        %dma_wait3A_404 = tpu.memref_slice %arg5[%dma_wait3A_396, %dma_wait3A_397, %dma_wait3A_398, %dma_wait3A_403] : memref<2x2x8x128xi32, #tpu.memory_space<vmem>> -> memref<1x1x1x128xi32, #tpu.memory_space<vmem>>
        %dma_wait3A_405 = tpu.memref_squeeze %dma_wait3A_404 : memref<1x1x1x128xi32, #tpu.memory_space<vmem>> -> memref<128xi32, #tpu.memory_space<vmem>>
        %dma_wait3A_406 = arith.constant 0 : i32
        %dma_wait3A_407 = arith.constant 0 : i32
        %dma_wait3A_408 = tpu.memref_slice %arg12[%dma_wait3A_406, %dma_wait3A_407] : memref<20480x64xf32, #tpu.memory_space<vmem_shared>> -> memref<20480x64xf32, #tpu.memory_space<vmem_shared>>
        tpu.wait_indirect_dma semaphore(%arg21 : memref<!tpu.dma_semaphore, #tpu.memory_space<semaphore_mem>>) src(%dma_wait3A_402 : memref<128x64xf32, #tpu.memory_space<vmem>>) dst(%dma_wait3A_408 : memref<20480x64xf32, #tpu.memory_space<vmem_shared>>)
      } else {
      }
      %lt3A_390 = arith.constant 160 : i32
      %lt3A_391 = arith.cmpi slt, %sub3A_350, %lt3A_390 : i32
      %convert_element_type3A_392 = arith.extui %lt3A_391 : i1 to i32
      %cond3A_393 = arith.constant 0 : i32
      %cond3A_394 = arith.cmpi ne, %convert_element_type3A_392, %cond3A_393 : i32
      scf.if %cond3A_394 {
        %mul3A_395 = arith.constant 1 : i32
        %mul3A_396 = arith.muli %sub3A_350, %mul3A_395 : i32
        %rem3A_397 = arith.constant 8 : i32
        %rem3A_398 = arith.remsi %mul3A_396, %rem3A_397 : i32
        %eq3A = arith.constant 0 : i32
        %eq3A_399 = arith.cmpi eq, %rem3A_398, %eq3A : i32
        %convert_element_type3A_400 = arith.extui %eq3A_399 : i1 to i32
        %cond3A_401 = arith.constant 0 : i32
        %cond3A_402 = arith.cmpi ne, %convert_element_type3A_400, %cond3A_401 : i32
        scf.if %cond3A_402 {
          %mul3A_423 = arith.constant 1 : i32
          %mul3A_424 = arith.muli %sub3A_350, %mul3A_423 : i32
          %div3A_425 = arith.constant 8 : i32
          %div3A_426 = arith.divsi %mul3A_424, %div3A_425 : i32
          %rem3A_427 = arith.constant 2 : i32
          %rem3A_428 = arith.remsi %div3A_426, %rem3A_427 : i32
          %mul3A_429 = arith.constant 20 : i32
          %mul3A_430 = arith.muli %arg1, %mul3A_429 : i32
          %add3A_431 = arith.addi %mul3A_430, %div3A_426 : i32
          "tpu.region"() ({
            %run_scoped3A_432 = tpu.sem_alloc : memref<!tpu.dma_semaphore, #tpu.memory_space<semaphore_mem>>
            %dma_start3A_433 = arith.constant 0 : i32
            %dma_start3A_434 = arith.constant 0 : i32
            %dma_start3A_435 = arith.constant 0 : i32
            %dma_start3A_436 = tpu.memref_slice %arg5[%rem3A_428, %dma_start3A_433, %dma_start3A_434, %dma_start3A_435] : memref<2x2x8x128xi32, #tpu.memory_space<vmem>> -> memref<1x2x8x128xi32, #tpu.memory_space<vmem>>
            %dma_start3A_437 = tpu.memref_squeeze %dma_start3A_436 : memref<1x2x8x128xi32, #tpu.memory_space<vmem>> -> memref<2x8x128xi32, #tpu.memory_space<vmem>>
            %dma_start3A_438 = arith.constant 0 : i32
            %dma_start3A_439 = arith.constant 0 : i32
            %dma_start3A_440 = arith.constant 0 : i32
            %dma_start3A_441 = tpu.memref_slice %arg3[%arg0, %add3A_431, %dma_start3A_438, %dma_start3A_439, %dma_start3A_440] : memref<2x320x2x8x128xi32, #tpu.memory_space<hbm>> -> memref<1x1x2x8x128xi32, #tpu.memory_space<hbm>>
            %dma_start3A_442 = tpu.memref_squeeze %dma_start3A_441 : memref<1x1x2x8x128xi32, #tpu.memory_space<hbm>> -> memref<2x8x128xi32, #tpu.memory_space<hbm>>
            %dma_start3A_443 = arith.constant 0 : i32
            %dma_start3A_444 = arith.constant 0 : i32
            %dma_start3A_445 = arith.constant 0 : i32
            %dma_start3A_446 = tpu.memref_slice %arg5[%rem3A_428, %dma_start3A_443, %dma_start3A_444, %dma_start3A_445] : memref<2x2x8x128xi32, #tpu.memory_space<vmem>> -> memref<1x2x8x128xi32, #tpu.memory_space<vmem>>
            %dma_start3A_447 = tpu.memref_squeeze %dma_start3A_446 : memref<1x2x8x128xi32, #tpu.memory_space<vmem>> -> memref<2x8x128xi32, #tpu.memory_space<vmem>>
            %dma_start3A_448 = arith.constant 0 : i32
            %dma_start3A_449 = arith.constant 0 : i32
            %dma_start3A_450 = arith.constant 0 : i32
            %dma_start3A_451 = tpu.memref_slice %arg3[%arg0, %add3A_431, %dma_start3A_448, %dma_start3A_449, %dma_start3A_450] : memref<2x320x2x8x128xi32, #tpu.memory_space<hbm>> -> memref<1x1x2x8x128xi32, #tpu.memory_space<hbm>>
            %dma_start3A_452 = tpu.memref_squeeze %dma_start3A_451 : memref<1x1x2x8x128xi32, #tpu.memory_space<hbm>> -> memref<2x8x128xi32, #tpu.memory_space<hbm>>
            tpu.enqueue_dma source(%dma_start3A_452 : memref<2x8x128xi32, #tpu.memory_space<hbm>>) target(%dma_start3A_447 : memref<2x8x128xi32, #tpu.memory_space<vmem>>) target_semaphore(%run_scoped3A_432 : memref<!tpu.dma_semaphore, #tpu.memory_space<semaphore_mem>>)
            %dma_wait3A_453 = arith.constant 0 : i32
            %dma_wait3A_454 = arith.constant 0 : i32
            %dma_wait3A_455 = arith.constant 0 : i32
            %dma_wait3A_456 = tpu.memref_slice %arg5[%rem3A_428, %dma_wait3A_453, %dma_wait3A_454, %dma_wait3A_455] : memref<2x2x8x128xi32, #tpu.memory_space<vmem>> -> memref<1x2x8x128xi32, #tpu.memory_space<vmem>>
            %dma_wait3A_457 = tpu.memref_squeeze %dma_wait3A_456 : memref<1x2x8x128xi32, #tpu.memory_space<vmem>> -> memref<2x8x128xi32, #tpu.memory_space<vmem>>
            %dma_wait3A_458 = arith.constant 0 : i32
            %dma_wait3A_459 = arith.constant 0 : i32
            %dma_wait3A_460 = arith.constant 0 : i32
            %dma_wait3A_461 = tpu.memref_slice %arg3[%arg0, %add3A_431, %dma_wait3A_458, %dma_wait3A_459, %dma_wait3A_460] : memref<2x320x2x8x128xi32, #tpu.memory_space<hbm>> -> memref<1x1x2x8x128xi32, #tpu.memory_space<hbm>>
            %dma_wait3A_462 = tpu.memref_squeeze %dma_wait3A_461 : memref<1x1x2x8x128xi32, #tpu.memory_space<hbm>> -> memref<2x8x128xi32, #tpu.memory_space<hbm>>
            %dma_wait3A_463 = arith.constant 0 : i32
            %dma_wait3A_464 = arith.constant 0 : i32
            %dma_wait3A_465 = arith.constant 0 : i32
            %dma_wait3A_466 = tpu.memref_slice %arg5[%rem3A_428, %dma_wait3A_463, %dma_wait3A_464, %dma_wait3A_465] : memref<2x2x8x128xi32, #tpu.memory_space<vmem>> -> memref<1x2x8x128xi32, #tpu.memory_space<vmem>>
            %dma_wait3A_467 = tpu.memref_squeeze %dma_wait3A_466 : memref<1x2x8x128xi32, #tpu.memory_space<vmem>> -> memref<2x8x128xi32, #tpu.memory_space<vmem>>
            %dma_wait3A_468 = arith.constant 0 : i32
            %dma_wait3A_469 = arith.constant 0 : i32
            %dma_wait3A_470 = arith.constant 0 : i32
            %dma_wait3A_471 = tpu.memref_slice %arg3[%arg0, %add3A_431, %dma_wait3A_468, %dma_wait3A_469, %dma_wait3A_470] : memref<2x320x2x8x128xi32, #tpu.memory_space<hbm>> -> memref<1x1x2x8x128xi32, #tpu.memory_space<hbm>>
            %dma_wait3A_472 = tpu.memref_squeeze %dma_wait3A_471 : memref<1x1x2x8x128xi32, #tpu.memory_space<hbm>> -> memref<2x8x128xi32, #tpu.memory_space<hbm>>
            tpu.wait_dma2 semaphore(%run_scoped3A_432 : memref<!tpu.dma_semaphore, #tpu.memory_space<semaphore_mem>>) src(%dma_wait3A_472 : memref<2x8x128xi32, #tpu.memory_space<hbm>>) dst(%dma_wait3A_467 : memref<2x8x128xi32, #tpu.memory_space<vmem>>)
            tpu.yield
          }) : () -> ()
        } else {
        }
        %mul3A_403 = arith.constant 1 : i32
        %mul3A_404 = arith.muli %sub3A_350, %mul3A_403 : i32
        %div3A_405 = arith.constant 8 : i32
        %div3A_406 = arith.divsi %mul3A_404, %div3A_405 : i32
        %rem3A_407 = arith.constant 8 : i32
        %rem3A_408 = arith.remsi %mul3A_404, %rem3A_407 : i32
        %rem3A_409 = arith.constant 2 : i32
        %rem3A_410 = arith.remsi %div3A_406, %rem3A_409 : i32
        %dma_start3A_411 = arith.constant 0 : i32
        %dma_start3A_412 = arith.constant 0 : i32
        %dma_start3A_413 = arith.constant 0 : i32
        %dma_start3A_414 = arith.constant 0 : i32
        %dma_start3A_415 = tpu.memref_slice %arg9[%dma_start3A_412, %dma_start3A_413, %dma_start3A_414] : memref<1x128x64xf32, #tpu.memory_space<vmem>> -> memref<1x128x64xf32, #tpu.memory_space<vmem>>
        %dma_start3A_416 = tpu.memref_squeeze %dma_start3A_415 : memref<1x128x64xf32, #tpu.memory_space<vmem>> -> memref<128x64xf32, #tpu.memory_space<vmem>>
        %dma_start3A_417 = arith.constant 0 : i32
        %dma_start3A_418 = tpu.memref_slice %arg5[%rem3A_410, %dma_start3A_411, %rem3A_408, %dma_start3A_417] : memref<2x2x8x128xi32, #tpu.memory_space<vmem>> -> memref<1x1x1x128xi32, #tpu.memory_space<vmem>>
        %dma_start3A_419 = tpu.memref_squeeze %dma_start3A_418 : memref<1x1x1x128xi32, #tpu.memory_space<vmem>> -> memref<128xi32, #tpu.memory_space<vmem>>
        %dma_start3A_420 = arith.constant 0 : i32
        %dma_start3A_421 = arith.constant 0 : i32
        %dma_start3A_422 = tpu.memref_slice %arg2[%dma_start3A_420, %dma_start3A_421] : memref<20000x64xf32, #tpu.memory_space<hbm>> -> memref<20000x64xf32, #tpu.memory_space<hbm>>
        tpu.enqueue_indirect_dma source(%dma_start3A_422 : memref<20000x64xf32, #tpu.memory_space<hbm>>) target(%dma_start3A_416 : memref<128x64xf32, #tpu.memory_space<vmem>>) offsets(%dma_start3A_419 : memref<128xi32, #tpu.memory_space<vmem>>) semaphore(%arg16 : memref<!tpu.dma_semaphore, #tpu.memory_space<semaphore_mem>>)
      } else {
      }
    }
    %scan3A_124 = arith.constant 32 : i32
    %dma_wait3A = arith.constant 0 : i32
    %dma_wait3A_125 = arith.constant 0 : i32
    %dma_wait3A_126 = arith.constant 1 : i32
    %dma_wait3A_127 = arith.constant 0 : i32
    %dma_wait3A_128 = arith.constant 0 : i32
    %dma_wait3A_129 = arith.constant 0 : i32
    %dma_wait3A_130 = tpu.memref_slice %arg10[%dma_wait3A, %dma_wait3A_128, %dma_wait3A_129] : memref<1x128x64xf32, #tpu.memory_space<vmem>> -> memref<1x128x64xf32, #tpu.memory_space<vmem>>
    %dma_wait3A_131 = tpu.memref_squeeze %dma_wait3A_130 : memref<1x128x64xf32, #tpu.memory_space<vmem>> -> memref<128x64xf32, #tpu.memory_space<vmem>>
    %dma_wait3A_132 = arith.constant 0 : i32
    %dma_wait3A_133 = tpu.memref_slice %arg5[%dma_wait3A_125, %dma_wait3A_126, %dma_wait3A_127, %dma_wait3A_132] : memref<2x2x8x128xi32, #tpu.memory_space<vmem>> -> memref<1x1x1x128xi32, #tpu.memory_space<vmem>>
    %dma_wait3A_134 = tpu.memref_squeeze %dma_wait3A_133 : memref<1x1x1x128xi32, #tpu.memory_space<vmem>> -> memref<128xi32, #tpu.memory_space<vmem>>
    %dma_wait3A_135 = arith.constant 0 : i32
    %dma_wait3A_136 = arith.constant 0 : i32
    %dma_wait3A_137 = tpu.memref_slice %arg12[%dma_wait3A_135, %dma_wait3A_136] : memref<20480x64xf32, #tpu.memory_space<vmem_shared>> -> memref<20480x64xf32, #tpu.memory_space<vmem_shared>>
    tpu.wait_indirect_dma semaphore(%arg22 : memref<!tpu.dma_semaphore, #tpu.memory_space<semaphore_mem>>) src(%dma_wait3A_131 : memref<128x64xf32, #tpu.memory_space<vmem>>) dst(%dma_wait3A_137 : memref<20480x64xf32, #tpu.memory_space<vmem_shared>>)
    %barrier3A_138 = arith.constant 0 : index
    tpu.barrier barrier_id(%barrier3A_138)
    "tpu.region"() ({
      %run_scoped3A_139 = tpu.sem_alloc : memref<!tpu.dma_semaphore, #tpu.memory_space<semaphore_mem>>
      %dma_start3A_140 = arith.constant 0 : i32
      %dma_start3A_141 = tpu.memref_slice %arg4[%arg0, %mul3A_6, %dma_start3A_140] : memref<2x20480x64xf32, #tpu.memory_space<hbm>> -> memref<1x1280x64xf32, #tpu.memory_space<hbm>>
      %dma_start3A_142 = tpu.memref_squeeze %dma_start3A_141 : memref<1x1280x64xf32, #tpu.memory_space<hbm>> -> memref<1280x64xf32, #tpu.memory_space<hbm>>
      %dma_start3A_143 = arith.constant 0 : i32
      %dma_start3A_144 = tpu.memref_slice %arg12[%mul3A_6, %dma_start3A_143] : memref<20480x64xf32, #tpu.memory_space<vmem_shared>> -> memref<1280x64xf32, #tpu.memory_space<vmem_shared>>
      tpu.enqueue_dma source(%dma_start3A_144 : memref<1280x64xf32, #tpu.memory_space<vmem_shared>>) target(%dma_start3A_142 : memref<1280x64xf32, #tpu.memory_space<hbm>>) target_semaphore(%run_scoped3A_139 : memref<!tpu.dma_semaphore, #tpu.memory_space<semaphore_mem>>)
      %dma_wait3A_145 = arith.constant 0 : i32
      %dma_wait3A_146 = tpu.memref_slice %arg4[%arg0, %mul3A_6, %dma_wait3A_145] : memref<2x20480x64xf32, #tpu.memory_space<hbm>> -> memref<1x1280x64xf32, #tpu.memory_space<hbm>>
      %dma_wait3A_147 = tpu.memref_squeeze %dma_wait3A_146 : memref<1x1280x64xf32, #tpu.memory_space<hbm>> -> memref<1280x64xf32, #tpu.memory_space<hbm>>
      %dma_wait3A_148 = arith.constant 0 : i32
      %dma_wait3A_149 = tpu.memref_slice %arg12[%mul3A_6, %dma_wait3A_148] : memref<20480x64xf32, #tpu.memory_space<vmem_shared>> -> memref<1280x64xf32, #tpu.memory_space<vmem_shared>>
      tpu.wait_dma2 semaphore(%run_scoped3A_139 : memref<!tpu.dma_semaphore, #tpu.memory_space<semaphore_mem>>) src(%dma_wait3A_149 : memref<1280x64xf32, #tpu.memory_space<vmem_shared>>) dst(%dma_wait3A_147 : memref<1280x64xf32, #tpu.memory_space<hbm>>)
      tpu.yield
    }) : () -> ()
    return
  }
}

#map = affine_map<(d0, d1) -> (0, 0)>
#map1 = affine_map<(d0, d1) -> (0, 0, 0, 0, 0)>
#map2 = affine_map<(d0, d1) -> (0, 0, 0)>
module attributes {stable_mosaic.version = 14 : i64} {
  func.func @body(%arg0: i32, %arg1: i32, %arg2: memref<20000x64xf32, #tpu.memory_space<hbm>>, %arg3: memref<2x320x2x8x128xi32, #tpu.memory_space<hbm>>, %arg4: memref<2x20480x64xf32, #tpu.memory_space<hbm>>, %arg5: memref<2x20480x16xf32, #tpu.memory_space<hbm>>, %arg6: memref<2x2x8x128xi32, #tpu.memory_space<vmem>>, %arg7: memref<1x128x64xf32, #tpu.memory_space<vmem>>, %arg8: memref<1x128x64xf32, #tpu.memory_space<vmem>>, %arg9: memref<128x16xf32, #tpu.memory_space<vmem>>, %arg10: memref<20480x64xf32, #tpu.memory_space<vmem_shared>>, %arg11: memref<!tpu.dma_semaphore, #tpu.memory_space<semaphore_mem>>, %arg12: memref<!tpu.dma_semaphore, #tpu.memory_space<semaphore_mem>>, %arg13: memref<!tpu.dma_semaphore, #tpu.memory_space<semaphore_mem>>, %arg14: memref<!tpu.dma_semaphore, #tpu.memory_space<semaphore_mem>>, %arg15: memref<!tpu.dma_semaphore, #tpu.memory_space<semaphore_mem>>, %arg16: memref<20480x16xf32, #tpu.memory_space<vmem_shared>>) attributes {dimension_semantics = [#tpu.dimension_semantics<core_parallel>, #tpu.dimension_semantics<subcore_parallel>], iteration_bounds = array<i64: 2, 16>, scalar_prefetch = 0 : i64, scratch_operands = 11 : i64, tpu.core_type = #tpu.core_type<sc_vector_subcore>, window_params = [{transform_indices = #map}, {transform_indices = #map1}, {transform_indices = #map2}, {transform_indices = #map2}]} {
    %broadcast_in_dim3A = arith.constant 0.000000e+00 : f32
    %broadcast_in_dim3A_0 = vector.broadcast %broadcast_in_dim3A : f32 to vector<16xf32>
    %scan3A = arith.constant 0 : i32
    %scan3A_1 = arith.constant 0 : i32
    %scan3A_2 = arith.constant 128 : i32
    %scan3A_3 = arith.addi %scan3A_1, %scan3A_2 : i32
    %scan3A_4 = arith.constant 1 : i32
    scf.for %scan3A_116 = %scan3A_1 to %scan3A_3 step %scan3A_4  : i32 {
      %swap3A = arith.constant 0 : i32
      %swap3A_117 = arith.index_cast %swap3A : i32 to index
      %swap3A_118 = arith.index_cast %scan3A_116 : i32 to index
      %swap3A_119 = arith.constant 0 : index
      %swap3A_120 = tpu.vector_load %arg7[%swap3A_117, %swap3A_118, %swap3A_119] {strides = array<i32>} : memref<1x128x64xf32, #tpu.memory_space<vmem>>, vector<1x1x16xf32>,
      %swap3A_121 = vector.shape_cast %swap3A_120 : vector<1x1x16xf32> to vector<16xf32>
      %swap3A_122 = vector.shape_cast %broadcast_in_dim3A_0 : vector<16xf32> to vector<1x1x16xf32>
      tpu.vector_store %arg7[%swap3A_117, %swap3A_118, %swap3A_119], %swap3A_122 {strides = array<i32>} : memref<1x128x64xf32, #tpu.memory_space<vmem>>, vector<1x1x16xf32>,
      %swap3A_123 = arith.constant 0 : i32
      %swap3A_124 = arith.index_cast %swap3A_123 : i32 to index
      %swap3A_125 = arith.index_cast %scan3A_116 : i32 to index
      %swap3A_126 = arith.constant 16 : index
      %swap3A_127 = tpu.vector_load %arg7[%swap3A_124, %swap3A_125, %swap3A_126] {strides = array<i32>} : memref<1x128x64xf32, #tpu.memory_space<vmem>>, vector<1x1x16xf32>,
      %swap3A_128 = vector.shape_cast %swap3A_127 : vector<1x1x16xf32> to vector<16xf32>
      %swap3A_129 = vector.shape_cast %broadcast_in_dim3A_0 : vector<16xf32> to vector<1x1x16xf32>
      tpu.vector_store %arg7[%swap3A_124, %swap3A_125, %swap3A_126], %swap3A_129 {strides = array<i32>} : memref<1x128x64xf32, #tpu.memory_space<vmem>>, vector<1x1x16xf32>,
      %swap3A_130 = arith.constant 0 : i32
      %swap3A_131 = arith.index_cast %swap3A_130 : i32 to index
      %swap3A_132 = arith.index_cast %scan3A_116 : i32 to index
      %swap3A_133 = arith.constant 32 : index
      %swap3A_134 = tpu.vector_load %arg7[%swap3A_131, %swap3A_132, %swap3A_133] {strides = array<i32>} : memref<1x128x64xf32, #tpu.memory_space<vmem>>, vector<1x1x16xf32>,
      %swap3A_135 = vector.shape_cast %swap3A_134 : vector<1x1x16xf32> to vector<16xf32>
      %swap3A_136 = vector.shape_cast %broadcast_in_dim3A_0 : vector<16xf32> to vector<1x1x16xf32>
      tpu.vector_store %arg7[%swap3A_131, %swap3A_132, %swap3A_133], %swap3A_136 {strides = array<i32>} : memref<1x128x64xf32, #tpu.memory_space<vmem>>, vector<1x1x16xf32>,
      %swap3A_137 = arith.constant 0 : i32
      %swap3A_138 = arith.index_cast %swap3A_137 : i32 to index
      %swap3A_139 = arith.index_cast %scan3A_116 : i32 to index
      %swap3A_140 = arith.constant 48 : index
      %swap3A_141 = tpu.vector_load %arg7[%swap3A_138, %swap3A_139, %swap3A_140] {strides = array<i32>} : memref<1x128x64xf32, #tpu.memory_space<vmem>>, vector<1x1x16xf32>,
      %swap3A_142 = vector.shape_cast %swap3A_141 : vector<1x1x16xf32> to vector<16xf32>
      %swap3A_143 = vector.shape_cast %broadcast_in_dim3A_0 : vector<16xf32> to vector<1x1x16xf32>
      tpu.vector_store %arg7[%swap3A_138, %swap3A_139, %swap3A_140], %swap3A_143 {strides = array<i32>} : memref<1x128x64xf32, #tpu.memory_space<vmem>>, vector<1x1x16xf32>,
      %swap3A_144 = arith.index_cast %scan3A_116 : i32 to index
      %swap3A_145 = arith.constant 0 : index
      %swap3A_146 = tpu.vector_load %arg9[%swap3A_144, %swap3A_145] {strides = array<i32>} : memref<128x16xf32, #tpu.memory_space<vmem>>, vector<1x16xf32>,
      %swap3A_147 = vector.shape_cast %swap3A_146 : vector<1x16xf32> to vector<16xf32>
      %swap3A_148 = vector.shape_cast %broadcast_in_dim3A_0 : vector<16xf32> to vector<1x16xf32>
      tpu.vector_store %arg9[%swap3A_144, %swap3A_145], %swap3A_148 {strides = array<i32>} : memref<128x16xf32, #tpu.memory_space<vmem>>, vector<1x16xf32>,
    }
    %scan3A_5 = arith.constant 128 : i32
    %mul3A = arith.constant 1280 : i32
    %mul3A_6 = arith.muli %arg1, %mul3A : i32
    %add3A = arith.constant 0 : i32
    %add3A_7 = arith.addi %mul3A_6, %add3A : i32
    %run_scoped3A = arith.constant 0 : i32
    "tpu.region"() ({
      %run_scoped3A_116 = tpu.sem_alloc : memref<!tpu.dma_semaphore, #tpu.memory_space<semaphore_mem>>
      %dma_start3A_117 = arith.constant 0 : i32
      %dma_start3A_118 = arith.constant 0 : i32
      %dma_start3A_119 = tpu.memref_slice %arg7[%run_scoped3A, %dma_start3A_117, %dma_start3A_118] : memref<1x128x64xf32, #tpu.memory_space<vmem>> -> memref<1x128x64xf32, #tpu.memory_space<vmem>>
      %dma_start3A_120 = tpu.memref_squeeze %dma_start3A_119 : memref<1x128x64xf32, #tpu.memory_space<vmem>> -> memref<128x64xf32, #tpu.memory_space<vmem>>
      %dma_start3A_121 = arith.constant 0 : i32
      %dma_start3A_122 = tpu.memref_slice %arg10[%add3A_7, %dma_start3A_121] : memref<20480x64xf32, #tpu.memory_space<vmem_shared>> -> memref<128x64xf32, #tpu.memory_space<vmem_shared>>
      %dma_start3A_123 = arith.constant 0 : i32
      %dma_start3A_124 = tpu.memref_slice %arg10[%add3A_7, %dma_start3A_123] : memref<20480x64xf32, #tpu.memory_space<vmem_shared>> -> memref<128x64xf32, #tpu.memory_space<vmem_shared>>
      %dma_start3A_125 = arith.constant 0 : i32
      %dma_start3A_126 = arith.constant 0 : i32
      %dma_start3A_127 = tpu.memref_slice %arg7[%run_scoped3A, %dma_start3A_125, %dma_start3A_126] : memref<1x128x64xf32, #tpu.memory_space<vmem>> -> memref<1x128x64xf32, #tpu.memory_space<vmem>>
      %dma_start3A_128 = tpu.memref_squeeze %dma_start3A_127 : memref<1x128x64xf32, #tpu.memory_space<vmem>> -> memref<128x64xf32, #tpu.memory_space<vmem>>
      tpu.enqueue_dma source(%dma_start3A_128 : memref<128x64xf32, #tpu.memory_space<vmem>>) target(%dma_start3A_124 : memref<128x64xf32, #tpu.memory_space<vmem_shared>>) target_semaphore(%run_scoped3A_116 : memref<!tpu.dma_semaphore, #tpu.memory_space<semaphore_mem>>)
      %dma_wait3A_129 = arith.constant 0 : i32
      %dma_wait3A_130 = arith.constant 0 : i32
      %dma_wait3A_131 = tpu.memref_slice %arg7[%run_scoped3A, %dma_wait3A_129, %dma_wait3A_130] : memref<1x128x64xf32, #tpu.memory_space<vmem>> -> memref<1x128x64xf32, #tpu.memory_space<vmem>>
      %dma_wait3A_132 = tpu.memref_squeeze %dma_wait3A_131 : memref<1x128x64xf32, #tpu.memory_space<vmem>> -> memref<128x64xf32, #tpu.memory_space<vmem>>
      %dma_wait3A_133 = arith.constant 0 : i32
      %dma_wait3A_134 = tpu.memref_slice %arg10[%add3A_7, %dma_wait3A_133] : memref<20480x64xf32, #tpu.memory_space<vmem_shared>> -> memref<128x64xf32, #tpu.memory_space<vmem_shared>>
      %dma_wait3A_135 = arith.constant 0 : i32
      %dma_wait3A_136 = tpu.memref_slice %arg10[%add3A_7, %dma_wait3A_135] : memref<20480x64xf32, #tpu.memory_space<vmem_shared>> -> memref<128x64xf32, #tpu.memory_space<vmem_shared>>
      %dma_wait3A_137 = arith.constant 0 : i32
      %dma_wait3A_138 = arith.constant 0 : i32
      %dma_wait3A_139 = tpu.memref_slice %arg7[%run_scoped3A, %dma_wait3A_137, %dma_wait3A_138] : memref<1x128x64xf32, #tpu.memory_space<vmem>> -> memref<1x128x64xf32, #tpu.memory_space<vmem>>
      %dma_wait3A_140 = tpu.memref_squeeze %dma_wait3A_139 : memref<1x128x64xf32, #tpu.memory_space<vmem>> -> memref<128x64xf32, #tpu.memory_space<vmem>>
      tpu.wait_dma2 semaphore(%run_scoped3A_116 : memref<!tpu.dma_semaphore, #tpu.memory_space<semaphore_mem>>) src(%dma_wait3A_140 : memref<128x64xf32, #tpu.memory_space<vmem>>) dst(%dma_wait3A_136 : memref<128x64xf32, #tpu.memory_space<vmem_shared>>)
      tpu.yield
    }) : () -> ()
    %add3A_8 = arith.constant 0 : i32
    %add3A_9 = arith.addi %mul3A_6, %add3A_8 : i32
    "tpu.region"() ({
      %run_scoped3A_116 = tpu.sem_alloc : memref<!tpu.dma_semaphore, #tpu.memory_space<semaphore_mem>>
      %dma_start3A_117 = arith.constant 0 : i32
      %dma_start3A_118 = tpu.memref_slice %arg16[%add3A_9, %dma_start3A_117] : memref<20480x16xf32, #tpu.memory_space<vmem_shared>> -> memref<128x16xf32, #tpu.memory_space<vmem_shared>>
      %dma_start3A_119 = arith.constant 0 : i32
      %dma_start3A_120 = tpu.memref_slice %arg16[%add3A_9, %dma_start3A_119] : memref<20480x16xf32, #tpu.memory_space<vmem_shared>> -> memref<128x16xf32, #tpu.memory_space<vmem_shared>>
      tpu.enqueue_dma source(%arg9 : memref<128x16xf32, #tpu.memory_space<vmem>>) target(%dma_start3A_120 : memref<128x16xf32, #tpu.memory_space<vmem_shared>>) target_semaphore(%run_scoped3A_116 : memref<!tpu.dma_semaphore, #tpu.memory_space<semaphore_mem>>)
      %dma_wait3A_121 = arith.constant 0 : i32
      %dma_wait3A_122 = tpu.memref_slice %arg16[%add3A_9, %dma_wait3A_121] : memref<20480x16xf32, #tpu.memory_space<vmem_shared>> -> memref<128x16xf32, #tpu.memory_space<vmem_shared>>
      %dma_wait3A_123 = arith.constant 0 : i32
      %dma_wait3A_124 = tpu.memref_slice %arg16[%add3A_9, %dma_wait3A_123] : memref<20480x16xf32, #tpu.memory_space<vmem_shared>> -> memref<128x16xf32, #tpu.memory_space<vmem_shared>>
      tpu.wait_dma2 semaphore(%run_scoped3A_116 : memref<!tpu.dma_semaphore, #tpu.memory_space<semaphore_mem>>) src(%arg9 : memref<128x16xf32, #tpu.memory_space<vmem>>) dst(%dma_wait3A_124 : memref<128x16xf32, #tpu.memory_space<vmem_shared>>)
      tpu.yield
    }) : () -> ()
    %add3A_10 = arith.constant 128 : i32
    %add3A_11 = arith.addi %mul3A_6, %add3A_10 : i32
    %run_scoped3A_12 = arith.constant 0 : i32
    "tpu.region"() ({
      %run_scoped3A_116 = tpu.sem_alloc : memref<!tpu.dma_semaphore, #tpu.memory_space<semaphore_mem>>
      %dma_start3A_117 = arith.constant 0 : i32
      %dma_start3A_118 = arith.constant 0 : i32
      %dma_start3A_119 = tpu.memref_slice %arg7[%run_scoped3A_12, %dma_start3A_117, %dma_start3A_118] : memref<1x128x64xf32, #tpu.memory_space<vmem>> -> memref<1x128x64xf32, #tpu.memory_space<vmem>>
      %dma_start3A_120 = tpu.memref_squeeze %dma_start3A_119 : memref<1x128x64xf32, #tpu.memory_space<vmem>> -> memref<128x64xf32, #tpu.memory_space<vmem>>
      %dma_start3A_121 = arith.constant 0 : i32
      %dma_start3A_122 = tpu.memref_slice %arg10[%add3A_11, %dma_start3A_121] : memref<20480x64xf32, #tpu.memory_space<vmem_shared>> -> memref<128x64xf32, #tpu.memory_space<vmem_shared>>
      %dma_start3A_123 = arith.constant 0 : i32
      %dma_start3A_124 = tpu.memref_slice %arg10[%add3A_11, %dma_start3A_123] : memref<20480x64xf32, #tpu.memory_space<vmem_shared>> -> memref<128x64xf32, #tpu.memory_space<vmem_shared>>
      %dma_start3A_125 = arith.constant 0 : i32
      %dma_start3A_126 = arith.constant 0 : i32
      %dma_start3A_127 = tpu.memref_slice %arg7[%run_scoped3A_12, %dma_start3A_125, %dma_start3A_126] : memref<1x128x64xf32, #tpu.memory_space<vmem>> -> memref<1x128x64xf32, #tpu.memory_space<vmem>>
      %dma_start3A_128 = tpu.memref_squeeze %dma_start3A_127 : memref<1x128x64xf32, #tpu.memory_space<vmem>> -> memref<128x64xf32, #tpu.memory_space<vmem>>
      tpu.enqueue_dma source(%dma_start3A_128 : memref<128x64xf32, #tpu.memory_space<vmem>>) target(%dma_start3A_124 : memref<128x64xf32, #tpu.memory_space<vmem_shared>>) target_semaphore(%run_scoped3A_116 : memref<!tpu.dma_semaphore, #tpu.memory_space<semaphore_mem>>)
      %dma_wait3A_129 = arith.constant 0 : i32
      %dma_wait3A_130 = arith.constant 0 : i32
      %dma_wait3A_131 = tpu.memref_slice %arg7[%run_scoped3A_12, %dma_wait3A_129, %dma_wait3A_130] : memref<1x128x64xf32, #tpu.memory_space<vmem>> -> memref<1x128x64xf32, #tpu.memory_space<vmem>>
      %dma_wait3A_132 = tpu.memref_squeeze %dma_wait3A_131 : memref<1x128x64xf32, #tpu.memory_space<vmem>> -> memref<128x64xf32, #tpu.memory_space<vmem>>
      %dma_wait3A_133 = arith.constant 0 : i32
      %dma_wait3A_134 = tpu.memref_slice %arg10[%add3A_11, %dma_wait3A_133] : memref<20480x64xf32, #tpu.memory_space<vmem_shared>> -> memref<128x64xf32, #tpu.memory_space<vmem_shared>>
      %dma_wait3A_135 = arith.constant 0 : i32
      %dma_wait3A_136 = tpu.memref_slice %arg10[%add3A_11, %dma_wait3A_135] : memref<20480x64xf32, #tpu.memory_space<vmem_shared>> -> memref<128x64xf32, #tpu.memory_space<vmem_shared>>
      %dma_wait3A_137 = arith.constant 0 : i32
      %dma_wait3A_138 = arith.constant 0 : i32
      %dma_wait3A_139 = tpu.memref_slice %arg7[%run_scoped3A_12, %dma_wait3A_137, %dma_wait3A_138] : memref<1x128x64xf32, #tpu.memory_space<vmem>> -> memref<1x128x64xf32, #tpu.memory_space<vmem>>
      %dma_wait3A_140 = tpu.memref_squeeze %dma_wait3A_139 : memref<1x128x64xf32, #tpu.memory_space<vmem>> -> memref<128x64xf32, #tpu.memory_space<vmem>>
      tpu.wait_dma2 semaphore(%run_scoped3A_116 : memref<!tpu.dma_semaphore, #tpu.memory_space<semaphore_mem>>) src(%dma_wait3A_140 : memref<128x64xf32, #tpu.memory_space<vmem>>) dst(%dma_wait3A_136 : memref<128x64xf32, #tpu.memory_space<vmem_shared>>)
      tpu.yield
    }) : () -> ()
    %add3A_13 = arith.constant 128 : i32
    %add3A_14 = arith.addi %mul3A_6, %add3A_13 : i32
    "tpu.region"() ({
      %run_scoped3A_116 = tpu.sem_alloc : memref<!tpu.dma_semaphore, #tpu.memory_space<semaphore_mem>>
      %dma_start3A_117 = arith.constant 0 : i32
      %dma_start3A_118 = tpu.memref_slice %arg16[%add3A_14, %dma_start3A_117] : memref<20480x16xf32, #tpu.memory_space<vmem_shared>> -> memref<128x16xf32, #tpu.memory_space<vmem_shared>>
      %dma_start3A_119 = arith.constant 0 : i32
      %dma_start3A_120 = tpu.memref_slice %arg16[%add3A_14, %dma_start3A_119] : memref<20480x16xf32, #tpu.memory_space<vmem_shared>> -> memref<128x16xf32, #tpu.memory_space<vmem_shared>>
      tpu.enqueue_dma source(%arg9 : memref<128x16xf32, #tpu.memory_space<vmem>>) target(%dma_start3A_120 : memref<128x16xf32, #tpu.memory_space<vmem_shared>>) target_semaphore(%run_scoped3A_116 : memref<!tpu.dma_semaphore, #tpu.memory_space<semaphore_mem>>)
      %dma_wait3A_121 = arith.constant 0 : i32
      %dma_wait3A_122 = tpu.memref_slice %arg16[%add3A_14, %dma_wait3A_121] : memref<20480x16xf32, #tpu.memory_space<vmem_shared>> -> memref<128x16xf32, #tpu.memory_space<vmem_shared>>
      %dma_wait3A_123 = arith.constant 0 : i32
      %dma_wait3A_124 = tpu.memref_slice %arg16[%add3A_14, %dma_wait3A_123] : memref<20480x16xf32, #tpu.memory_space<vmem_shared>> -> memref<128x16xf32, #tpu.memory_space<vmem_shared>>
      tpu.wait_dma2 semaphore(%run_scoped3A_116 : memref<!tpu.dma_semaphore, #tpu.memory_space<semaphore_mem>>) src(%arg9 : memref<128x16xf32, #tpu.memory_space<vmem>>) dst(%dma_wait3A_124 : memref<128x16xf32, #tpu.memory_space<vmem_shared>>)
      tpu.yield
    }) : () -> ()
    %add3A_15 = arith.constant 256 : i32
    %add3A_16 = arith.addi %mul3A_6, %add3A_15 : i32
    %run_scoped3A_17 = arith.constant 0 : i32
    "tpu.region"() ({
      %run_scoped3A_116 = tpu.sem_alloc : memref<!tpu.dma_semaphore, #tpu.memory_space<semaphore_mem>>
      %dma_start3A_117 = arith.constant 0 : i32
      %dma_start3A_118 = arith.constant 0 : i32
      %dma_start3A_119 = tpu.memref_slice %arg7[%run_scoped3A_17, %dma_start3A_117, %dma_start3A_118] : memref<1x128x64xf32, #tpu.memory_space<vmem>> -> memref<1x128x64xf32, #tpu.memory_space<vmem>>
      %dma_start3A_120 = tpu.memref_squeeze %dma_start3A_119 : memref<1x128x64xf32, #tpu.memory_space<vmem>> -> memref<128x64xf32, #tpu.memory_space<vmem>>
      %dma_start3A_121 = arith.constant 0 : i32
      %dma_start3A_122 = tpu.memref_slice %arg10[%add3A_16, %dma_start3A_121] : memref<20480x64xf32, #tpu.memory_space<vmem_shared>> -> memref<128x64xf32, #tpu.memory_space<vmem_shared>>
      %dma_start3A_123 = arith.constant 0 : i32
      %dma_start3A_124 = tpu.memref_slice %arg10[%add3A_16, %dma_start3A_123] : memref<20480x64xf32, #tpu.memory_space<vmem_shared>> -> memref<128x64xf32, #tpu.memory_space<vmem_shared>>
      %dma_start3A_125 = arith.constant 0 : i32
      %dma_start3A_126 = arith.constant 0 : i32
      %dma_start3A_127 = tpu.memref_slice %arg7[%run_scoped3A_17, %dma_start3A_125, %dma_start3A_126] : memref<1x128x64xf32, #tpu.memory_space<vmem>> -> memref<1x128x64xf32, #tpu.memory_space<vmem>>
      %dma_start3A_128 = tpu.memref_squeeze %dma_start3A_127 : memref<1x128x64xf32, #tpu.memory_space<vmem>> -> memref<128x64xf32, #tpu.memory_space<vmem>>
      tpu.enqueue_dma source(%dma_start3A_128 : memref<128x64xf32, #tpu.memory_space<vmem>>) target(%dma_start3A_124 : memref<128x64xf32, #tpu.memory_space<vmem_shared>>) target_semaphore(%run_scoped3A_116 : memref<!tpu.dma_semaphore, #tpu.memory_space<semaphore_mem>>)
      %dma_wait3A_129 = arith.constant 0 : i32
      %dma_wait3A_130 = arith.constant 0 : i32
      %dma_wait3A_131 = tpu.memref_slice %arg7[%run_scoped3A_17, %dma_wait3A_129, %dma_wait3A_130] : memref<1x128x64xf32, #tpu.memory_space<vmem>> -> memref<1x128x64xf32, #tpu.memory_space<vmem>>
      %dma_wait3A_132 = tpu.memref_squeeze %dma_wait3A_131 : memref<1x128x64xf32, #tpu.memory_space<vmem>> -> memref<128x64xf32, #tpu.memory_space<vmem>>
      %dma_wait3A_133 = arith.constant 0 : i32
      %dma_wait3A_134 = tpu.memref_slice %arg10[%add3A_16, %dma_wait3A_133] : memref<20480x64xf32, #tpu.memory_space<vmem_shared>> -> memref<128x64xf32, #tpu.memory_space<vmem_shared>>
      %dma_wait3A_135 = arith.constant 0 : i32
      %dma_wait3A_136 = tpu.memref_slice %arg10[%add3A_16, %dma_wait3A_135] : memref<20480x64xf32, #tpu.memory_space<vmem_shared>> -> memref<128x64xf32, #tpu.memory_space<vmem_shared>>
      %dma_wait3A_137 = arith.constant 0 : i32
      %dma_wait3A_138 = arith.constant 0 : i32
      %dma_wait3A_139 = tpu.memref_slice %arg7[%run_scoped3A_17, %dma_wait3A_137, %dma_wait3A_138] : memref<1x128x64xf32, #tpu.memory_space<vmem>> -> memref<1x128x64xf32, #tpu.memory_space<vmem>>
      %dma_wait3A_140 = tpu.memref_squeeze %dma_wait3A_139 : memref<1x128x64xf32, #tpu.memory_space<vmem>> -> memref<128x64xf32, #tpu.memory_space<vmem>>
      tpu.wait_dma2 semaphore(%run_scoped3A_116 : memref<!tpu.dma_semaphore, #tpu.memory_space<semaphore_mem>>) src(%dma_wait3A_140 : memref<128x64xf32, #tpu.memory_space<vmem>>) dst(%dma_wait3A_136 : memref<128x64xf32, #tpu.memory_space<vmem_shared>>)
      tpu.yield
    }) : () -> ()
    %add3A_18 = arith.constant 256 : i32
    %add3A_19 = arith.addi %mul3A_6, %add3A_18 : i32
    "tpu.region"() ({
      %run_scoped3A_116 = tpu.sem_alloc : memref<!tpu.dma_semaphore, #tpu.memory_space<semaphore_mem>>
      %dma_start3A_117 = arith.constant 0 : i32
      %dma_start3A_118 = tpu.memref_slice %arg16[%add3A_19, %dma_start3A_117] : memref<20480x16xf32, #tpu.memory_space<vmem_shared>> -> memref<128x16xf32, #tpu.memory_space<vmem_shared>>
      %dma_start3A_119 = arith.constant 0 : i32
      %dma_start3A_120 = tpu.memref_slice %arg16[%add3A_19, %dma_start3A_119] : memref<20480x16xf32, #tpu.memory_space<vmem_shared>> -> memref<128x16xf32, #tpu.memory_space<vmem_shared>>
      tpu.enqueue_dma source(%arg9 : memref<128x16xf32, #tpu.memory_space<vmem>>) target(%dma_start3A_120 : memref<128x16xf32, #tpu.memory_space<vmem_shared>>) target_semaphore(%run_scoped3A_116 : memref<!tpu.dma_semaphore, #tpu.memory_space<semaphore_mem>>)
      %dma_wait3A_121 = arith.constant 0 : i32
      %dma_wait3A_122 = tpu.memref_slice %arg16[%add3A_19, %dma_wait3A_121] : memref<20480x16xf32, #tpu.memory_space<vmem_shared>> -> memref<128x16xf32, #tpu.memory_space<vmem_shared>>
      %dma_wait3A_123 = arith.constant 0 : i32
      %dma_wait3A_124 = tpu.memref_slice %arg16[%add3A_19, %dma_wait3A_123] : memref<20480x16xf32, #tpu.memory_space<vmem_shared>> -> memref<128x16xf32, #tpu.memory_space<vmem_shared>>
      tpu.wait_dma2 semaphore(%run_scoped3A_116 : memref<!tpu.dma_semaphore, #tpu.memory_space<semaphore_mem>>) src(%arg9 : memref<128x16xf32, #tpu.memory_space<vmem>>) dst(%dma_wait3A_124 : memref<128x16xf32, #tpu.memory_space<vmem_shared>>)
      tpu.yield
    }) : () -> ()
    %add3A_20 = arith.constant 384 : i32
    %add3A_21 = arith.addi %mul3A_6, %add3A_20 : i32
    %run_scoped3A_22 = arith.constant 0 : i32
    "tpu.region"() ({
      %run_scoped3A_116 = tpu.sem_alloc : memref<!tpu.dma_semaphore, #tpu.memory_space<semaphore_mem>>
      %dma_start3A_117 = arith.constant 0 : i32
      %dma_start3A_118 = arith.constant 0 : i32
      %dma_start3A_119 = tpu.memref_slice %arg7[%run_scoped3A_22, %dma_start3A_117, %dma_start3A_118] : memref<1x128x64xf32, #tpu.memory_space<vmem>> -> memref<1x128x64xf32, #tpu.memory_space<vmem>>
      %dma_start3A_120 = tpu.memref_squeeze %dma_start3A_119 : memref<1x128x64xf32, #tpu.memory_space<vmem>> -> memref<128x64xf32, #tpu.memory_space<vmem>>
      %dma_start3A_121 = arith.constant 0 : i32
      %dma_start3A_122 = tpu.memref_slice %arg10[%add3A_21, %dma_start3A_121] : memref<20480x64xf32, #tpu.memory_space<vmem_shared>> -> memref<128x64xf32, #tpu.memory_space<vmem_shared>>
      %dma_start3A_123 = arith.constant 0 : i32
      %dma_start3A_124 = tpu.memref_slice %arg10[%add3A_21, %dma_start3A_123] : memref<20480x64xf32, #tpu.memory_space<vmem_shared>> -> memref<128x64xf32, #tpu.memory_space<vmem_shared>>
      %dma_start3A_125 = arith.constant 0 : i32
      %dma_start3A_126 = arith.constant 0 : i32
      %dma_start3A_127 = tpu.memref_slice %arg7[%run_scoped3A_22, %dma_start3A_125, %dma_start3A_126] : memref<1x128x64xf32, #tpu.memory_space<vmem>> -> memref<1x128x64xf32, #tpu.memory_space<vmem>>
      %dma_start3A_128 = tpu.memref_squeeze %dma_start3A_127 : memref<1x128x64xf32, #tpu.memory_space<vmem>> -> memref<128x64xf32, #tpu.memory_space<vmem>>
      tpu.enqueue_dma source(%dma_start3A_128 : memref<128x64xf32, #tpu.memory_space<vmem>>) target(%dma_start3A_124 : memref<128x64xf32, #tpu.memory_space<vmem_shared>>) target_semaphore(%run_scoped3A_116 : memref<!tpu.dma_semaphore, #tpu.memory_space<semaphore_mem>>)
      %dma_wait3A_129 = arith.constant 0 : i32
      %dma_wait3A_130 = arith.constant 0 : i32
      %dma_wait3A_131 = tpu.memref_slice %arg7[%run_scoped3A_22, %dma_wait3A_129, %dma_wait3A_130] : memref<1x128x64xf32, #tpu.memory_space<vmem>> -> memref<1x128x64xf32, #tpu.memory_space<vmem>>
      %dma_wait3A_132 = tpu.memref_squeeze %dma_wait3A_131 : memref<1x128x64xf32, #tpu.memory_space<vmem>> -> memref<128x64xf32, #tpu.memory_space<vmem>>
      %dma_wait3A_133 = arith.constant 0 : i32
      %dma_wait3A_134 = tpu.memref_slice %arg10[%add3A_21, %dma_wait3A_133] : memref<20480x64xf32, #tpu.memory_space<vmem_shared>> -> memref<128x64xf32, #tpu.memory_space<vmem_shared>>
      %dma_wait3A_135 = arith.constant 0 : i32
      %dma_wait3A_136 = tpu.memref_slice %arg10[%add3A_21, %dma_wait3A_135] : memref<20480x64xf32, #tpu.memory_space<vmem_shared>> -> memref<128x64xf32, #tpu.memory_space<vmem_shared>>
      %dma_wait3A_137 = arith.constant 0 : i32
      %dma_wait3A_138 = arith.constant 0 : i32
      %dma_wait3A_139 = tpu.memref_slice %arg7[%run_scoped3A_22, %dma_wait3A_137, %dma_wait3A_138] : memref<1x128x64xf32, #tpu.memory_space<vmem>> -> memref<1x128x64xf32, #tpu.memory_space<vmem>>
      %dma_wait3A_140 = tpu.memref_squeeze %dma_wait3A_139 : memref<1x128x64xf32, #tpu.memory_space<vmem>> -> memref<128x64xf32, #tpu.memory_space<vmem>>
      tpu.wait_dma2 semaphore(%run_scoped3A_116 : memref<!tpu.dma_semaphore, #tpu.memory_space<semaphore_mem>>) src(%dma_wait3A_140 : memref<128x64xf32, #tpu.memory_space<vmem>>) dst(%dma_wait3A_136 : memref<128x64xf32, #tpu.memory_space<vmem_shared>>)
      tpu.yield
    }) : () -> ()
    %add3A_23 = arith.constant 384 : i32
    %add3A_24 = arith.addi %mul3A_6, %add3A_23 : i32
    "tpu.region"() ({
      %run_scoped3A_116 = tpu.sem_alloc : memref<!tpu.dma_semaphore, #tpu.memory_space<semaphore_mem>>
      %dma_start3A_117 = arith.constant 0 : i32
      %dma_start3A_118 = tpu.memref_slice %arg16[%add3A_24, %dma_start3A_117] : memref<20480x16xf32, #tpu.memory_space<vmem_shared>> -> memref<128x16xf32, #tpu.memory_space<vmem_shared>>
      %dma_start3A_119 = arith.constant 0 : i32
      %dma_start3A_120 = tpu.memref_slice %arg16[%add3A_24, %dma_start3A_119] : memref<20480x16xf32, #tpu.memory_space<vmem_shared>> -> memref<128x16xf32, #tpu.memory_space<vmem_shared>>
      tpu.enqueue_dma source(%arg9 : memref<128x16xf32, #tpu.memory_space<vmem>>) target(%dma_start3A_120 : memref<128x16xf32, #tpu.memory_space<vmem_shared>>) target_semaphore(%run_scoped3A_116 : memref<!tpu.dma_semaphore, #tpu.memory_space<semaphore_mem>>)
      %dma_wait3A_121 = arith.constant 0 : i32
      %dma_wait3A_122 = tpu.memref_slice %arg16[%add3A_24, %dma_wait3A_121] : memref<20480x16xf32, #tpu.memory_space<vmem_shared>> -> memref<128x16xf32, #tpu.memory_space<vmem_shared>>
      %dma_wait3A_123 = arith.constant 0 : i32
      %dma_wait3A_124 = tpu.memref_slice %arg16[%add3A_24, %dma_wait3A_123] : memref<20480x16xf32, #tpu.memory_space<vmem_shared>> -> memref<128x16xf32, #tpu.memory_space<vmem_shared>>
      tpu.wait_dma2 semaphore(%run_scoped3A_116 : memref<!tpu.dma_semaphore, #tpu.memory_space<semaphore_mem>>) src(%arg9 : memref<128x16xf32, #tpu.memory_space<vmem>>) dst(%dma_wait3A_124 : memref<128x16xf32, #tpu.memory_space<vmem_shared>>)
      tpu.yield
    }) : () -> ()
    %add3A_25 = arith.constant 512 : i32
    %add3A_26 = arith.addi %mul3A_6, %add3A_25 : i32
    %run_scoped3A_27 = arith.constant 0 : i32
    "tpu.region"() ({
      %run_scoped3A_116 = tpu.sem_alloc : memref<!tpu.dma_semaphore, #tpu.memory_space<semaphore_mem>>
      %dma_start3A_117 = arith.constant 0 : i32
      %dma_start3A_118 = arith.constant 0 : i32
      %dma_start3A_119 = tpu.memref_slice %arg7[%run_scoped3A_27, %dma_start3A_117, %dma_start3A_118] : memref<1x128x64xf32, #tpu.memory_space<vmem>> -> memref<1x128x64xf32, #tpu.memory_space<vmem>>
      %dma_start3A_120 = tpu.memref_squeeze %dma_start3A_119 : memref<1x128x64xf32, #tpu.memory_space<vmem>> -> memref<128x64xf32, #tpu.memory_space<vmem>>
      %dma_start3A_121 = arith.constant 0 : i32
      %dma_start3A_122 = tpu.memref_slice %arg10[%add3A_26, %dma_start3A_121] : memref<20480x64xf32, #tpu.memory_space<vmem_shared>> -> memref<128x64xf32, #tpu.memory_space<vmem_shared>>
      %dma_start3A_123 = arith.constant 0 : i32
      %dma_start3A_124 = tpu.memref_slice %arg10[%add3A_26, %dma_start3A_123] : memref<20480x64xf32, #tpu.memory_space<vmem_shared>> -> memref<128x64xf32, #tpu.memory_space<vmem_shared>>
      %dma_start3A_125 = arith.constant 0 : i32
      %dma_start3A_126 = arith.constant 0 : i32
      %dma_start3A_127 = tpu.memref_slice %arg7[%run_scoped3A_27, %dma_start3A_125, %dma_start3A_126] : memref<1x128x64xf32, #tpu.memory_space<vmem>> -> memref<1x128x64xf32, #tpu.memory_space<vmem>>
      %dma_start3A_128 = tpu.memref_squeeze %dma_start3A_127 : memref<1x128x64xf32, #tpu.memory_space<vmem>> -> memref<128x64xf32, #tpu.memory_space<vmem>>
      tpu.enqueue_dma source(%dma_start3A_128 : memref<128x64xf32, #tpu.memory_space<vmem>>) target(%dma_start3A_124 : memref<128x64xf32, #tpu.memory_space<vmem_shared>>) target_semaphore(%run_scoped3A_116 : memref<!tpu.dma_semaphore, #tpu.memory_space<semaphore_mem>>)
      %dma_wait3A_129 = arith.constant 0 : i32
      %dma_wait3A_130 = arith.constant 0 : i32
      %dma_wait3A_131 = tpu.memref_slice %arg7[%run_scoped3A_27, %dma_wait3A_129, %dma_wait3A_130] : memref<1x128x64xf32, #tpu.memory_space<vmem>> -> memref<1x128x64xf32, #tpu.memory_space<vmem>>
      %dma_wait3A_132 = tpu.memref_squeeze %dma_wait3A_131 : memref<1x128x64xf32, #tpu.memory_space<vmem>> -> memref<128x64xf32, #tpu.memory_space<vmem>>
      %dma_wait3A_133 = arith.constant 0 : i32
      %dma_wait3A_134 = tpu.memref_slice %arg10[%add3A_26, %dma_wait3A_133] : memref<20480x64xf32, #tpu.memory_space<vmem_shared>> -> memref<128x64xf32, #tpu.memory_space<vmem_shared>>
      %dma_wait3A_135 = arith.constant 0 : i32
      %dma_wait3A_136 = tpu.memref_slice %arg10[%add3A_26, %dma_wait3A_135] : memref<20480x64xf32, #tpu.memory_space<vmem_shared>> -> memref<128x64xf32, #tpu.memory_space<vmem_shared>>
      %dma_wait3A_137 = arith.constant 0 : i32
      %dma_wait3A_138 = arith.constant 0 : i32
      %dma_wait3A_139 = tpu.memref_slice %arg7[%run_scoped3A_27, %dma_wait3A_137, %dma_wait3A_138] : memref<1x128x64xf32, #tpu.memory_space<vmem>> -> memref<1x128x64xf32, #tpu.memory_space<vmem>>
      %dma_wait3A_140 = tpu.memref_squeeze %dma_wait3A_139 : memref<1x128x64xf32, #tpu.memory_space<vmem>> -> memref<128x64xf32, #tpu.memory_space<vmem>>
      tpu.wait_dma2 semaphore(%run_scoped3A_116 : memref<!tpu.dma_semaphore, #tpu.memory_space<semaphore_mem>>) src(%dma_wait3A_140 : memref<128x64xf32, #tpu.memory_space<vmem>>) dst(%dma_wait3A_136 : memref<128x64xf32, #tpu.memory_space<vmem_shared>>)
      tpu.yield
    }) : () -> ()
    %add3A_28 = arith.constant 512 : i32
    %add3A_29 = arith.addi %mul3A_6, %add3A_28 : i32
    "tpu.region"() ({
      %run_scoped3A_116 = tpu.sem_alloc : memref<!tpu.dma_semaphore, #tpu.memory_space<semaphore_mem>>
      %dma_start3A_117 = arith.constant 0 : i32
      %dma_start3A_118 = tpu.memref_slice %arg16[%add3A_29, %dma_start3A_117] : memref<20480x16xf32, #tpu.memory_space<vmem_shared>> -> memref<128x16xf32, #tpu.memory_space<vmem_shared>>
      %dma_start3A_119 = arith.constant 0 : i32
      %dma_start3A_120 = tpu.memref_slice %arg16[%add3A_29, %dma_start3A_119] : memref<20480x16xf32, #tpu.memory_space<vmem_shared>> -> memref<128x16xf32, #tpu.memory_space<vmem_shared>>
      tpu.enqueue_dma source(%arg9 : memref<128x16xf32, #tpu.memory_space<vmem>>) target(%dma_start3A_120 : memref<128x16xf32, #tpu.memory_space<vmem_shared>>) target_semaphore(%run_scoped3A_116 : memref<!tpu.dma_semaphore, #tpu.memory_space<semaphore_mem>>)
      %dma_wait3A_121 = arith.constant 0 : i32
      %dma_wait3A_122 = tpu.memref_slice %arg16[%add3A_29, %dma_wait3A_121] : memref<20480x16xf32, #tpu.memory_space<vmem_shared>> -> memref<128x16xf32, #tpu.memory_space<vmem_shared>>
      %dma_wait3A_123 = arith.constant 0 : i32
      %dma_wait3A_124 = tpu.memref_slice %arg16[%add3A_29, %dma_wait3A_123] : memref<20480x16xf32, #tpu.memory_space<vmem_shared>> -> memref<128x16xf32, #tpu.memory_space<vmem_shared>>
      tpu.wait_dma2 semaphore(%run_scoped3A_116 : memref<!tpu.dma_semaphore, #tpu.memory_space<semaphore_mem>>) src(%arg9 : memref<128x16xf32, #tpu.memory_space<vmem>>) dst(%dma_wait3A_124 : memref<128x16xf32, #tpu.memory_space<vmem_shared>>)
      tpu.yield
    }) : () -> ()
    %add3A_30 = arith.constant 640 : i32
    %add3A_31 = arith.addi %mul3A_6, %add3A_30 : i32
    %run_scoped3A_32 = arith.constant 0 : i32
    "tpu.region"() ({
      %run_scoped3A_116 = tpu.sem_alloc : memref<!tpu.dma_semaphore, #tpu.memory_space<semaphore_mem>>
      %dma_start3A_117 = arith.constant 0 : i32
      %dma_start3A_118 = arith.constant 0 : i32
      %dma_start3A_119 = tpu.memref_slice %arg7[%run_scoped3A_32, %dma_start3A_117, %dma_start3A_118] : memref<1x128x64xf32, #tpu.memory_space<vmem>> -> memref<1x128x64xf32, #tpu.memory_space<vmem>>
      %dma_start3A_120 = tpu.memref_squeeze %dma_start3A_119 : memref<1x128x64xf32, #tpu.memory_space<vmem>> -> memref<128x64xf32, #tpu.memory_space<vmem>>
      %dma_start3A_121 = arith.constant 0 : i32
      %dma_start3A_122 = tpu.memref_slice %arg10[%add3A_31, %dma_start3A_121] : memref<20480x64xf32, #tpu.memory_space<vmem_shared>> -> memref<128x64xf32, #tpu.memory_space<vmem_shared>>
      %dma_start3A_123 = arith.constant 0 : i32
      %dma_start3A_124 = tpu.memref_slice %arg10[%add3A_31, %dma_start3A_123] : memref<20480x64xf32, #tpu.memory_space<vmem_shared>> -> memref<128x64xf32, #tpu.memory_space<vmem_shared>>
      %dma_start3A_125 = arith.constant 0 : i32
      %dma_start3A_126 = arith.constant 0 : i32
      %dma_start3A_127 = tpu.memref_slice %arg7[%run_scoped3A_32, %dma_start3A_125, %dma_start3A_126] : memref<1x128x64xf32, #tpu.memory_space<vmem>> -> memref<1x128x64xf32, #tpu.memory_space<vmem>>
      %dma_start3A_128 = tpu.memref_squeeze %dma_start3A_127 : memref<1x128x64xf32, #tpu.memory_space<vmem>> -> memref<128x64xf32, #tpu.memory_space<vmem>>
      tpu.enqueue_dma source(%dma_start3A_128 : memref<128x64xf32, #tpu.memory_space<vmem>>) target(%dma_start3A_124 : memref<128x64xf32, #tpu.memory_space<vmem_shared>>) target_semaphore(%run_scoped3A_116 : memref<!tpu.dma_semaphore, #tpu.memory_space<semaphore_mem>>)
      %dma_wait3A_129 = arith.constant 0 : i32
      %dma_wait3A_130 = arith.constant 0 : i32
      %dma_wait3A_131 = tpu.memref_slice %arg7[%run_scoped3A_32, %dma_wait3A_129, %dma_wait3A_130] : memref<1x128x64xf32, #tpu.memory_space<vmem>> -> memref<1x128x64xf32, #tpu.memory_space<vmem>>
      %dma_wait3A_132 = tpu.memref_squeeze %dma_wait3A_131 : memref<1x128x64xf32, #tpu.memory_space<vmem>> -> memref<128x64xf32, #tpu.memory_space<vmem>>
      %dma_wait3A_133 = arith.constant 0 : i32
      %dma_wait3A_134 = tpu.memref_slice %arg10[%add3A_31, %dma_wait3A_133] : memref<20480x64xf32, #tpu.memory_space<vmem_shared>> -> memref<128x64xf32, #tpu.memory_space<vmem_shared>>
      %dma_wait3A_135 = arith.constant 0 : i32
      %dma_wait3A_136 = tpu.memref_slice %arg10[%add3A_31, %dma_wait3A_135] : memref<20480x64xf32, #tpu.memory_space<vmem_shared>> -> memref<128x64xf32, #tpu.memory_space<vmem_shared>>
      %dma_wait3A_137 = arith.constant 0 : i32
      %dma_wait3A_138 = arith.constant 0 : i32
      %dma_wait3A_139 = tpu.memref_slice %arg7[%run_scoped3A_32, %dma_wait3A_137, %dma_wait3A_138] : memref<1x128x64xf32, #tpu.memory_space<vmem>> -> memref<1x128x64xf32, #tpu.memory_space<vmem>>
      %dma_wait3A_140 = tpu.memref_squeeze %dma_wait3A_139 : memref<1x128x64xf32, #tpu.memory_space<vmem>> -> memref<128x64xf32, #tpu.memory_space<vmem>>
      tpu.wait_dma2 semaphore(%run_scoped3A_116 : memref<!tpu.dma_semaphore, #tpu.memory_space<semaphore_mem>>) src(%dma_wait3A_140 : memref<128x64xf32, #tpu.memory_space<vmem>>) dst(%dma_wait3A_136 : memref<128x64xf32, #tpu.memory_space<vmem_shared>>)
      tpu.yield
    }) : () -> ()
    %add3A_33 = arith.constant 640 : i32
    %add3A_34 = arith.addi %mul3A_6, %add3A_33 : i32
    "tpu.region"() ({
      %run_scoped3A_116 = tpu.sem_alloc : memref<!tpu.dma_semaphore, #tpu.memory_space<semaphore_mem>>
      %dma_start3A_117 = arith.constant 0 : i32
      %dma_start3A_118 = tpu.memref_slice %arg16[%add3A_34, %dma_start3A_117] : memref<20480x16xf32, #tpu.memory_space<vmem_shared>> -> memref<128x16xf32, #tpu.memory_space<vmem_shared>>
      %dma_start3A_119 = arith.constant 0 : i32
      %dma_start3A_120 = tpu.memref_slice %arg16[%add3A_34, %dma_start3A_119] : memref<20480x16xf32, #tpu.memory_space<vmem_shared>> -> memref<128x16xf32, #tpu.memory_space<vmem_shared>>
      tpu.enqueue_dma source(%arg9 : memref<128x16xf32, #tpu.memory_space<vmem>>) target(%dma_start3A_120 : memref<128x16xf32, #tpu.memory_space<vmem_shared>>) target_semaphore(%run_scoped3A_116 : memref<!tpu.dma_semaphore, #tpu.memory_space<semaphore_mem>>)
      %dma_wait3A_121 = arith.constant 0 : i32
      %dma_wait3A_122 = tpu.memref_slice %arg16[%add3A_34, %dma_wait3A_121] : memref<20480x16xf32, #tpu.memory_space<vmem_shared>> -> memref<128x16xf32, #tpu.memory_space<vmem_shared>>
      %dma_wait3A_123 = arith.constant 0 : i32
      %dma_wait3A_124 = tpu.memref_slice %arg16[%add3A_34, %dma_wait3A_123] : memref<20480x16xf32, #tpu.memory_space<vmem_shared>> -> memref<128x16xf32, #tpu.memory_space<vmem_shared>>
      tpu.wait_dma2 semaphore(%run_scoped3A_116 : memref<!tpu.dma_semaphore, #tpu.memory_space<semaphore_mem>>) src(%arg9 : memref<128x16xf32, #tpu.memory_space<vmem>>) dst(%dma_wait3A_124 : memref<128x16xf32, #tpu.memory_space<vmem_shared>>)
      tpu.yield
    }) : () -> ()
    %add3A_35 = arith.constant 768 : i32
    %add3A_36 = arith.addi %mul3A_6, %add3A_35 : i32
    %run_scoped3A_37 = arith.constant 0 : i32
    "tpu.region"() ({
      %run_scoped3A_116 = tpu.sem_alloc : memref<!tpu.dma_semaphore, #tpu.memory_space<semaphore_mem>>
      %dma_start3A_117 = arith.constant 0 : i32
      %dma_start3A_118 = arith.constant 0 : i32
      %dma_start3A_119 = tpu.memref_slice %arg7[%run_scoped3A_37, %dma_start3A_117, %dma_start3A_118] : memref<1x128x64xf32, #tpu.memory_space<vmem>> -> memref<1x128x64xf32, #tpu.memory_space<vmem>>
      %dma_start3A_120 = tpu.memref_squeeze %dma_start3A_119 : memref<1x128x64xf32, #tpu.memory_space<vmem>> -> memref<128x64xf32, #tpu.memory_space<vmem>>
      %dma_start3A_121 = arith.constant 0 : i32
      %dma_start3A_122 = tpu.memref_slice %arg10[%add3A_36, %dma_start3A_121] : memref<20480x64xf32, #tpu.memory_space<vmem_shared>> -> memref<128x64xf32, #tpu.memory_space<vmem_shared>>
      %dma_start3A_123 = arith.constant 0 : i32
      %dma_start3A_124 = tpu.memref_slice %arg10[%add3A_36, %dma_start3A_123] : memref<20480x64xf32, #tpu.memory_space<vmem_shared>> -> memref<128x64xf32, #tpu.memory_space<vmem_shared>>
      %dma_start3A_125 = arith.constant 0 : i32
      %dma_start3A_126 = arith.constant 0 : i32
      %dma_start3A_127 = tpu.memref_slice %arg7[%run_scoped3A_37, %dma_start3A_125, %dma_start3A_126] : memref<1x128x64xf32, #tpu.memory_space<vmem>> -> memref<1x128x64xf32, #tpu.memory_space<vmem>>
      %dma_start3A_128 = tpu.memref_squeeze %dma_start3A_127 : memref<1x128x64xf32, #tpu.memory_space<vmem>> -> memref<128x64xf32, #tpu.memory_space<vmem>>
      tpu.enqueue_dma source(%dma_start3A_128 : memref<128x64xf32, #tpu.memory_space<vmem>>) target(%dma_start3A_124 : memref<128x64xf32, #tpu.memory_space<vmem_shared>>) target_semaphore(%run_scoped3A_116 : memref<!tpu.dma_semaphore, #tpu.memory_space<semaphore_mem>>)
      %dma_wait3A_129 = arith.constant 0 : i32
      %dma_wait3A_130 = arith.constant 0 : i32
      %dma_wait3A_131 = tpu.memref_slice %arg7[%run_scoped3A_37, %dma_wait3A_129, %dma_wait3A_130] : memref<1x128x64xf32, #tpu.memory_space<vmem>> -> memref<1x128x64xf32, #tpu.memory_space<vmem>>
      %dma_wait3A_132 = tpu.memref_squeeze %dma_wait3A_131 : memref<1x128x64xf32, #tpu.memory_space<vmem>> -> memref<128x64xf32, #tpu.memory_space<vmem>>
      %dma_wait3A_133 = arith.constant 0 : i32
      %dma_wait3A_134 = tpu.memref_slice %arg10[%add3A_36, %dma_wait3A_133] : memref<20480x64xf32, #tpu.memory_space<vmem_shared>> -> memref<128x64xf32, #tpu.memory_space<vmem_shared>>
      %dma_wait3A_135 = arith.constant 0 : i32
      %dma_wait3A_136 = tpu.memref_slice %arg10[%add3A_36, %dma_wait3A_135] : memref<20480x64xf32, #tpu.memory_space<vmem_shared>> -> memref<128x64xf32, #tpu.memory_space<vmem_shared>>
      %dma_wait3A_137 = arith.constant 0 : i32
      %dma_wait3A_138 = arith.constant 0 : i32
      %dma_wait3A_139 = tpu.memref_slice %arg7[%run_scoped3A_37, %dma_wait3A_137, %dma_wait3A_138] : memref<1x128x64xf32, #tpu.memory_space<vmem>> -> memref<1x128x64xf32, #tpu.memory_space<vmem>>
      %dma_wait3A_140 = tpu.memref_squeeze %dma_wait3A_139 : memref<1x128x64xf32, #tpu.memory_space<vmem>> -> memref<128x64xf32, #tpu.memory_space<vmem>>
      tpu.wait_dma2 semaphore(%run_scoped3A_116 : memref<!tpu.dma_semaphore, #tpu.memory_space<semaphore_mem>>) src(%dma_wait3A_140 : memref<128x64xf32, #tpu.memory_space<vmem>>) dst(%dma_wait3A_136 : memref<128x64xf32, #tpu.memory_space<vmem_shared>>)
      tpu.yield
    }) : () -> ()
    %add3A_38 = arith.constant 768 : i32
    %add3A_39 = arith.addi %mul3A_6, %add3A_38 : i32
    "tpu.region"() ({
      %run_scoped3A_116 = tpu.sem_alloc : memref<!tpu.dma_semaphore, #tpu.memory_space<semaphore_mem>>
      %dma_start3A_117 = arith.constant 0 : i32
      %dma_start3A_118 = tpu.memref_slice %arg16[%add3A_39, %dma_start3A_117] : memref<20480x16xf32, #tpu.memory_space<vmem_shared>> -> memref<128x16xf32, #tpu.memory_space<vmem_shared>>
      %dma_start3A_119 = arith.constant 0 : i32
      %dma_start3A_120 = tpu.memref_slice %arg16[%add3A_39, %dma_start3A_119] : memref<20480x16xf32, #tpu.memory_space<vmem_shared>> -> memref<128x16xf32, #tpu.memory_space<vmem_shared>>
      tpu.enqueue_dma source(%arg9 : memref<128x16xf32, #tpu.memory_space<vmem>>) target(%dma_start3A_120 : memref<128x16xf32, #tpu.memory_space<vmem_shared>>) target_semaphore(%run_scoped3A_116 : memref<!tpu.dma_semaphore, #tpu.memory_space<semaphore_mem>>)
      %dma_wait3A_121 = arith.constant 0 : i32
      %dma_wait3A_122 = tpu.memref_slice %arg16[%add3A_39, %dma_wait3A_121] : memref<20480x16xf32, #tpu.memory_space<vmem_shared>> -> memref<128x16xf32, #tpu.memory_space<vmem_shared>>
      %dma_wait3A_123 = arith.constant 0 : i32
      %dma_wait3A_124 = tpu.memref_slice %arg16[%add3A_39, %dma_wait3A_123] : memref<20480x16xf32, #tpu.memory_space<vmem_shared>> -> memref<128x16xf32, #tpu.memory_space<vmem_shared>>
      tpu.wait_dma2 semaphore(%run_scoped3A_116 : memref<!tpu.dma_semaphore, #tpu.memory_space<semaphore_mem>>) src(%arg9 : memref<128x16xf32, #tpu.memory_space<vmem>>) dst(%dma_wait3A_124 : memref<128x16xf32, #tpu.memory_space<vmem_shared>>)
      tpu.yield
    }) : () -> ()
    %add3A_40 = arith.constant 896 : i32
    %add3A_41 = arith.addi %mul3A_6, %add3A_40 : i32
    %run_scoped3A_42 = arith.constant 0 : i32
    "tpu.region"() ({
      %run_scoped3A_116 = tpu.sem_alloc : memref<!tpu.dma_semaphore, #tpu.memory_space<semaphore_mem>>
      %dma_start3A_117 = arith.constant 0 : i32
      %dma_start3A_118 = arith.constant 0 : i32
      %dma_start3A_119 = tpu.memref_slice %arg7[%run_scoped3A_42, %dma_start3A_117, %dma_start3A_118] : memref<1x128x64xf32, #tpu.memory_space<vmem>> -> memref<1x128x64xf32, #tpu.memory_space<vmem>>
      %dma_start3A_120 = tpu.memref_squeeze %dma_start3A_119 : memref<1x128x64xf32, #tpu.memory_space<vmem>> -> memref<128x64xf32, #tpu.memory_space<vmem>>
      %dma_start3A_121 = arith.constant 0 : i32
      %dma_start3A_122 = tpu.memref_slice %arg10[%add3A_41, %dma_start3A_121] : memref<20480x64xf32, #tpu.memory_space<vmem_shared>> -> memref<128x64xf32, #tpu.memory_space<vmem_shared>>
      %dma_start3A_123 = arith.constant 0 : i32
      %dma_start3A_124 = tpu.memref_slice %arg10[%add3A_41, %dma_start3A_123] : memref<20480x64xf32, #tpu.memory_space<vmem_shared>> -> memref<128x64xf32, #tpu.memory_space<vmem_shared>>
      %dma_start3A_125 = arith.constant 0 : i32
      %dma_start3A_126 = arith.constant 0 : i32
      %dma_start3A_127 = tpu.memref_slice %arg7[%run_scoped3A_42, %dma_start3A_125, %dma_start3A_126] : memref<1x128x64xf32, #tpu.memory_space<vmem>> -> memref<1x128x64xf32, #tpu.memory_space<vmem>>
      %dma_start3A_128 = tpu.memref_squeeze %dma_start3A_127 : memref<1x128x64xf32, #tpu.memory_space<vmem>> -> memref<128x64xf32, #tpu.memory_space<vmem>>
      tpu.enqueue_dma source(%dma_start3A_128 : memref<128x64xf32, #tpu.memory_space<vmem>>) target(%dma_start3A_124 : memref<128x64xf32, #tpu.memory_space<vmem_shared>>) target_semaphore(%run_scoped3A_116 : memref<!tpu.dma_semaphore, #tpu.memory_space<semaphore_mem>>)
      %dma_wait3A_129 = arith.constant 0 : i32
      %dma_wait3A_130 = arith.constant 0 : i32
      %dma_wait3A_131 = tpu.memref_slice %arg7[%run_scoped3A_42, %dma_wait3A_129, %dma_wait3A_130] : memref<1x128x64xf32, #tpu.memory_space<vmem>> -> memref<1x128x64xf32, #tpu.memory_space<vmem>>
      %dma_wait3A_132 = tpu.memref_squeeze %dma_wait3A_131 : memref<1x128x64xf32, #tpu.memory_space<vmem>> -> memref<128x64xf32, #tpu.memory_space<vmem>>
      %dma_wait3A_133 = arith.constant 0 : i32
      %dma_wait3A_134 = tpu.memref_slice %arg10[%add3A_41, %dma_wait3A_133] : memref<20480x64xf32, #tpu.memory_space<vmem_shared>> -> memref<128x64xf32, #tpu.memory_space<vmem_shared>>
      %dma_wait3A_135 = arith.constant 0 : i32
      %dma_wait3A_136 = tpu.memref_slice %arg10[%add3A_41, %dma_wait3A_135] : memref<20480x64xf32, #tpu.memory_space<vmem_shared>> -> memref<128x64xf32, #tpu.memory_space<vmem_shared>>
      %dma_wait3A_137 = arith.constant 0 : i32
      %dma_wait3A_138 = arith.constant 0 : i32
      %dma_wait3A_139 = tpu.memref_slice %arg7[%run_scoped3A_42, %dma_wait3A_137, %dma_wait3A_138] : memref<1x128x64xf32, #tpu.memory_space<vmem>> -> memref<1x128x64xf32, #tpu.memory_space<vmem>>
      %dma_wait3A_140 = tpu.memref_squeeze %dma_wait3A_139 : memref<1x128x64xf32, #tpu.memory_space<vmem>> -> memref<128x64xf32, #tpu.memory_space<vmem>>
      tpu.wait_dma2 semaphore(%run_scoped3A_116 : memref<!tpu.dma_semaphore, #tpu.memory_space<semaphore_mem>>) src(%dma_wait3A_140 : memref<128x64xf32, #tpu.memory_space<vmem>>) dst(%dma_wait3A_136 : memref<128x64xf32, #tpu.memory_space<vmem_shared>>)
      tpu.yield
    }) : () -> ()
    %add3A_43 = arith.constant 896 : i32
    %add3A_44 = arith.addi %mul3A_6, %add3A_43 : i32
    "tpu.region"() ({
      %run_scoped3A_116 = tpu.sem_alloc : memref<!tpu.dma_semaphore, #tpu.memory_space<semaphore_mem>>
      %dma_start3A_117 = arith.constant 0 : i32
      %dma_start3A_118 = tpu.memref_slice %arg16[%add3A_44, %dma_start3A_117] : memref<20480x16xf32, #tpu.memory_space<vmem_shared>> -> memref<128x16xf32, #tpu.memory_space<vmem_shared>>
      %dma_start3A_119 = arith.constant 0 : i32
      %dma_start3A_120 = tpu.memref_slice %arg16[%add3A_44, %dma_start3A_119] : memref<20480x16xf32, #tpu.memory_space<vmem_shared>> -> memref<128x16xf32, #tpu.memory_space<vmem_shared>>
      tpu.enqueue_dma source(%arg9 : memref<128x16xf32, #tpu.memory_space<vmem>>) target(%dma_start3A_120 : memref<128x16xf32, #tpu.memory_space<vmem_shared>>) target_semaphore(%run_scoped3A_116 : memref<!tpu.dma_semaphore, #tpu.memory_space<semaphore_mem>>)
      %dma_wait3A_121 = arith.constant 0 : i32
      %dma_wait3A_122 = tpu.memref_slice %arg16[%add3A_44, %dma_wait3A_121] : memref<20480x16xf32, #tpu.memory_space<vmem_shared>> -> memref<128x16xf32, #tpu.memory_space<vmem_shared>>
      %dma_wait3A_123 = arith.constant 0 : i32
      %dma_wait3A_124 = tpu.memref_slice %arg16[%add3A_44, %dma_wait3A_123] : memref<20480x16xf32, #tpu.memory_space<vmem_shared>> -> memref<128x16xf32, #tpu.memory_space<vmem_shared>>
      tpu.wait_dma2 semaphore(%run_scoped3A_116 : memref<!tpu.dma_semaphore, #tpu.memory_space<semaphore_mem>>) src(%arg9 : memref<128x16xf32, #tpu.memory_space<vmem>>) dst(%dma_wait3A_124 : memref<128x16xf32, #tpu.memory_space<vmem_shared>>)
      tpu.yield
    }) : () -> ()
    %add3A_45 = arith.constant 1024 : i32
    %add3A_46 = arith.addi %mul3A_6, %add3A_45 : i32
    %run_scoped3A_47 = arith.constant 0 : i32
    "tpu.region"() ({
      %run_scoped3A_116 = tpu.sem_alloc : memref<!tpu.dma_semaphore, #tpu.memory_space<semaphore_mem>>
      %dma_start3A_117 = arith.constant 0 : i32
      %dma_start3A_118 = arith.constant 0 : i32
      %dma_start3A_119 = tpu.memref_slice %arg7[%run_scoped3A_47, %dma_start3A_117, %dma_start3A_118] : memref<1x128x64xf32, #tpu.memory_space<vmem>> -> memref<1x128x64xf32, #tpu.memory_space<vmem>>
      %dma_start3A_120 = tpu.memref_squeeze %dma_start3A_119 : memref<1x128x64xf32, #tpu.memory_space<vmem>> -> memref<128x64xf32, #tpu.memory_space<vmem>>
      %dma_start3A_121 = arith.constant 0 : i32
      %dma_start3A_122 = tpu.memref_slice %arg10[%add3A_46, %dma_start3A_121] : memref<20480x64xf32, #tpu.memory_space<vmem_shared>> -> memref<128x64xf32, #tpu.memory_space<vmem_shared>>
      %dma_start3A_123 = arith.constant 0 : i32
      %dma_start3A_124 = tpu.memref_slice %arg10[%add3A_46, %dma_start3A_123] : memref<20480x64xf32, #tpu.memory_space<vmem_shared>> -> memref<128x64xf32, #tpu.memory_space<vmem_shared>>
      %dma_start3A_125 = arith.constant 0 : i32
      %dma_start3A_126 = arith.constant 0 : i32
      %dma_start3A_127 = tpu.memref_slice %arg7[%run_scoped3A_47, %dma_start3A_125, %dma_start3A_126] : memref<1x128x64xf32, #tpu.memory_space<vmem>> -> memref<1x128x64xf32, #tpu.memory_space<vmem>>
      %dma_start3A_128 = tpu.memref_squeeze %dma_start3A_127 : memref<1x128x64xf32, #tpu.memory_space<vmem>> -> memref<128x64xf32, #tpu.memory_space<vmem>>
      tpu.enqueue_dma source(%dma_start3A_128 : memref<128x64xf32, #tpu.memory_space<vmem>>) target(%dma_start3A_124 : memref<128x64xf32, #tpu.memory_space<vmem_shared>>) target_semaphore(%run_scoped3A_116 : memref<!tpu.dma_semaphore, #tpu.memory_space<semaphore_mem>>)
      %dma_wait3A_129 = arith.constant 0 : i32
      %dma_wait3A_130 = arith.constant 0 : i32
      %dma_wait3A_131 = tpu.memref_slice %arg7[%run_scoped3A_47, %dma_wait3A_129, %dma_wait3A_130] : memref<1x128x64xf32, #tpu.memory_space<vmem>> -> memref<1x128x64xf32, #tpu.memory_space<vmem>>
      %dma_wait3A_132 = tpu.memref_squeeze %dma_wait3A_131 : memref<1x128x64xf32, #tpu.memory_space<vmem>> -> memref<128x64xf32, #tpu.memory_space<vmem>>
      %dma_wait3A_133 = arith.constant 0 : i32
      %dma_wait3A_134 = tpu.memref_slice %arg10[%add3A_46, %dma_wait3A_133] : memref<20480x64xf32, #tpu.memory_space<vmem_shared>> -> memref<128x64xf32, #tpu.memory_space<vmem_shared>>
      %dma_wait3A_135 = arith.constant 0 : i32
      %dma_wait3A_136 = tpu.memref_slice %arg10[%add3A_46, %dma_wait3A_135] : memref<20480x64xf32, #tpu.memory_space<vmem_shared>> -> memref<128x64xf32, #tpu.memory_space<vmem_shared>>
      %dma_wait3A_137 = arith.constant 0 : i32
      %dma_wait3A_138 = arith.constant 0 : i32
      %dma_wait3A_139 = tpu.memref_slice %arg7[%run_scoped3A_47, %dma_wait3A_137, %dma_wait3A_138] : memref<1x128x64xf32, #tpu.memory_space<vmem>> -> memref<1x128x64xf32, #tpu.memory_space<vmem>>
      %dma_wait3A_140 = tpu.memref_squeeze %dma_wait3A_139 : memref<1x128x64xf32, #tpu.memory_space<vmem>> -> memref<128x64xf32, #tpu.memory_space<vmem>>
      tpu.wait_dma2 semaphore(%run_scoped3A_116 : memref<!tpu.dma_semaphore, #tpu.memory_space<semaphore_mem>>) src(%dma_wait3A_140 : memref<128x64xf32, #tpu.memory_space<vmem>>) dst(%dma_wait3A_136 : memref<128x64xf32, #tpu.memory_space<vmem_shared>>)
      tpu.yield
    }) : () -> ()
    %add3A_48 = arith.constant 1024 : i32
    %add3A_49 = arith.addi %mul3A_6, %add3A_48 : i32
    "tpu.region"() ({
      %run_scoped3A_116 = tpu.sem_alloc : memref<!tpu.dma_semaphore, #tpu.memory_space<semaphore_mem>>
      %dma_start3A_117 = arith.constant 0 : i32
      %dma_start3A_118 = tpu.memref_slice %arg16[%add3A_49, %dma_start3A_117] : memref<20480x16xf32, #tpu.memory_space<vmem_shared>> -> memref<128x16xf32, #tpu.memory_space<vmem_shared>>
      %dma_start3A_119 = arith.constant 0 : i32
      %dma_start3A_120 = tpu.memref_slice %arg16[%add3A_49, %dma_start3A_119] : memref<20480x16xf32, #tpu.memory_space<vmem_shared>> -> memref<128x16xf32, #tpu.memory_space<vmem_shared>>
      tpu.enqueue_dma source(%arg9 : memref<128x16xf32, #tpu.memory_space<vmem>>) target(%dma_start3A_120 : memref<128x16xf32, #tpu.memory_space<vmem_shared>>) target_semaphore(%run_scoped3A_116 : memref<!tpu.dma_semaphore, #tpu.memory_space<semaphore_mem>>)
      %dma_wait3A_121 = arith.constant 0 : i32
      %dma_wait3A_122 = tpu.memref_slice %arg16[%add3A_49, %dma_wait3A_121] : memref<20480x16xf32, #tpu.memory_space<vmem_shared>> -> memref<128x16xf32, #tpu.memory_space<vmem_shared>>
      %dma_wait3A_123 = arith.constant 0 : i32
      %dma_wait3A_124 = tpu.memref_slice %arg16[%add3A_49, %dma_wait3A_123] : memref<20480x16xf32, #tpu.memory_space<vmem_shared>> -> memref<128x16xf32, #tpu.memory_space<vmem_shared>>
      tpu.wait_dma2 semaphore(%run_scoped3A_116 : memref<!tpu.dma_semaphore, #tpu.memory_space<semaphore_mem>>) src(%arg9 : memref<128x16xf32, #tpu.memory_space<vmem>>) dst(%dma_wait3A_124 : memref<128x16xf32, #tpu.memory_space<vmem_shared>>)
      tpu.yield
    }) : () -> ()
    %add3A_50 = arith.constant 1152 : i32
    %add3A_51 = arith.addi %mul3A_6, %add3A_50 : i32
    %run_scoped3A_52 = arith.constant 0 : i32
    "tpu.region"() ({
      %run_scoped3A_116 = tpu.sem_alloc : memref<!tpu.dma_semaphore, #tpu.memory_space<semaphore_mem>>
      %dma_start3A_117 = arith.constant 0 : i32
      %dma_start3A_118 = arith.constant 0 : i32
      %dma_start3A_119 = tpu.memref_slice %arg7[%run_scoped3A_52, %dma_start3A_117, %dma_start3A_118] : memref<1x128x64xf32, #tpu.memory_space<vmem>> -> memref<1x128x64xf32, #tpu.memory_space<vmem>>
      %dma_start3A_120 = tpu.memref_squeeze %dma_start3A_119 : memref<1x128x64xf32, #tpu.memory_space<vmem>> -> memref<128x64xf32, #tpu.memory_space<vmem>>
      %dma_start3A_121 = arith.constant 0 : i32
      %dma_start3A_122 = tpu.memref_slice %arg10[%add3A_51, %dma_start3A_121] : memref<20480x64xf32, #tpu.memory_space<vmem_shared>> -> memref<128x64xf32, #tpu.memory_space<vmem_shared>>
      %dma_start3A_123 = arith.constant 0 : i32
      %dma_start3A_124 = tpu.memref_slice %arg10[%add3A_51, %dma_start3A_123] : memref<20480x64xf32, #tpu.memory_space<vmem_shared>> -> memref<128x64xf32, #tpu.memory_space<vmem_shared>>
      %dma_start3A_125 = arith.constant 0 : i32
      %dma_start3A_126 = arith.constant 0 : i32
      %dma_start3A_127 = tpu.memref_slice %arg7[%run_scoped3A_52, %dma_start3A_125, %dma_start3A_126] : memref<1x128x64xf32, #tpu.memory_space<vmem>> -> memref<1x128x64xf32, #tpu.memory_space<vmem>>
      %dma_start3A_128 = tpu.memref_squeeze %dma_start3A_127 : memref<1x128x64xf32, #tpu.memory_space<vmem>> -> memref<128x64xf32, #tpu.memory_space<vmem>>
      tpu.enqueue_dma source(%dma_start3A_128 : memref<128x64xf32, #tpu.memory_space<vmem>>) target(%dma_start3A_124 : memref<128x64xf32, #tpu.memory_space<vmem_shared>>) target_semaphore(%run_scoped3A_116 : memref<!tpu.dma_semaphore, #tpu.memory_space<semaphore_mem>>)
      %dma_wait3A_129 = arith.constant 0 : i32
      %dma_wait3A_130 = arith.constant 0 : i32
      %dma_wait3A_131 = tpu.memref_slice %arg7[%run_scoped3A_52, %dma_wait3A_129, %dma_wait3A_130] : memref<1x128x64xf32, #tpu.memory_space<vmem>> -> memref<1x128x64xf32, #tpu.memory_space<vmem>>
      %dma_wait3A_132 = tpu.memref_squeeze %dma_wait3A_131 : memref<1x128x64xf32, #tpu.memory_space<vmem>> -> memref<128x64xf32, #tpu.memory_space<vmem>>
      %dma_wait3A_133 = arith.constant 0 : i32
      %dma_wait3A_134 = tpu.memref_slice %arg10[%add3A_51, %dma_wait3A_133] : memref<20480x64xf32, #tpu.memory_space<vmem_shared>> -> memref<128x64xf32, #tpu.memory_space<vmem_shared>>
      %dma_wait3A_135 = arith.constant 0 : i32
      %dma_wait3A_136 = tpu.memref_slice %arg10[%add3A_51, %dma_wait3A_135] : memref<20480x64xf32, #tpu.memory_space<vmem_shared>> -> memref<128x64xf32, #tpu.memory_space<vmem_shared>>
      %dma_wait3A_137 = arith.constant 0 : i32
      %dma_wait3A_138 = arith.constant 0 : i32
      %dma_wait3A_139 = tpu.memref_slice %arg7[%run_scoped3A_52, %dma_wait3A_137, %dma_wait3A_138] : memref<1x128x64xf32, #tpu.memory_space<vmem>> -> memref<1x128x64xf32, #tpu.memory_space<vmem>>
      %dma_wait3A_140 = tpu.memref_squeeze %dma_wait3A_139 : memref<1x128x64xf32, #tpu.memory_space<vmem>> -> memref<128x64xf32, #tpu.memory_space<vmem>>
      tpu.wait_dma2 semaphore(%run_scoped3A_116 : memref<!tpu.dma_semaphore, #tpu.memory_space<semaphore_mem>>) src(%dma_wait3A_140 : memref<128x64xf32, #tpu.memory_space<vmem>>) dst(%dma_wait3A_136 : memref<128x64xf32, #tpu.memory_space<vmem_shared>>)
      tpu.yield
    }) : () -> ()
    %add3A_53 = arith.constant 1152 : i32
    %add3A_54 = arith.addi %mul3A_6, %add3A_53 : i32
    "tpu.region"() ({
      %run_scoped3A_116 = tpu.sem_alloc : memref<!tpu.dma_semaphore, #tpu.memory_space<semaphore_mem>>
      %dma_start3A_117 = arith.constant 0 : i32
      %dma_start3A_118 = tpu.memref_slice %arg16[%add3A_54, %dma_start3A_117] : memref<20480x16xf32, #tpu.memory_space<vmem_shared>> -> memref<128x16xf32, #tpu.memory_space<vmem_shared>>
      %dma_start3A_119 = arith.constant 0 : i32
      %dma_start3A_120 = tpu.memref_slice %arg16[%add3A_54, %dma_start3A_119] : memref<20480x16xf32, #tpu.memory_space<vmem_shared>> -> memref<128x16xf32, #tpu.memory_space<vmem_shared>>
      tpu.enqueue_dma source(%arg9 : memref<128x16xf32, #tpu.memory_space<vmem>>) target(%dma_start3A_120 : memref<128x16xf32, #tpu.memory_space<vmem_shared>>) target_semaphore(%run_scoped3A_116 : memref<!tpu.dma_semaphore, #tpu.memory_space<semaphore_mem>>)
      %dma_wait3A_121 = arith.constant 0 : i32
      %dma_wait3A_122 = tpu.memref_slice %arg16[%add3A_54, %dma_wait3A_121] : memref<20480x16xf32, #tpu.memory_space<vmem_shared>> -> memref<128x16xf32, #tpu.memory_space<vmem_shared>>
      %dma_wait3A_123 = arith.constant 0 : i32
      %dma_wait3A_124 = tpu.memref_slice %arg16[%add3A_54, %dma_wait3A_123] : memref<20480x16xf32, #tpu.memory_space<vmem_shared>> -> memref<128x16xf32, #tpu.memory_space<vmem_shared>>
      tpu.wait_dma2 semaphore(%run_scoped3A_116 : memref<!tpu.dma_semaphore, #tpu.memory_space<semaphore_mem>>) src(%arg9 : memref<128x16xf32, #tpu.memory_space<vmem>>) dst(%dma_wait3A_124 : memref<128x16xf32, #tpu.memory_space<vmem_shared>>)
      tpu.yield
    }) : () -> ()
    %barrier3A = arith.constant 0 : index
    tpu.barrier barrier_id(%barrier3A)
    %broadcast_in_dim3A_55 = arith.constant 1.000000e+00 : f32
    %broadcast_in_dim3A_56 = vector.broadcast %broadcast_in_dim3A_55 : f32 to vector<16xf32>
    %scan3A_57 = arith.constant 0 : i32
    %scan3A_58 = arith.constant 0 : i32
    %scan3A_59 = arith.constant 128 : i32
    %scan3A_60 = arith.addi %scan3A_58, %scan3A_59 : i32
    %scan3A_61 = arith.constant 1 : i32
    scf.for %scan3A_116 = %scan3A_58 to %scan3A_60 step %scan3A_61  : i32 {
      %swap3A = arith.index_cast %scan3A_116 : i32 to index
      %swap3A_117 = arith.constant 0 : index
      %swap3A_118 = tpu.vector_load %arg9[%swap3A, %swap3A_117] {strides = array<i32>} : memref<128x16xf32, #tpu.memory_space<vmem>>, vector<1x16xf32>,
      %swap3A_119 = vector.shape_cast %swap3A_118 : vector<1x16xf32> to vector<16xf32>
      %swap3A_120 = vector.shape_cast %broadcast_in_dim3A_56 : vector<16xf32> to vector<1x16xf32>
      tpu.vector_store %arg9[%swap3A, %swap3A_117], %swap3A_120 {strides = array<i32>} : memref<128x16xf32, #tpu.memory_space<vmem>>, vector<1x16xf32>,
    }
    %scan3A_62 = arith.constant 128 : i32
    %rem3A = arith.constant 0 : i32
    %rem3A_63 = arith.constant 2 : i32
    %rem3A_64 = arith.remsi %rem3A, %rem3A_63 : i32
    %mul3A_65 = arith.constant 20 : i32
    %mul3A_66 = arith.muli %arg1, %mul3A_65 : i32
    %add3A_67 = arith.constant 0 : i32
    %add3A_68 = arith.addi %mul3A_66, %add3A_67 : i32
    "tpu.region"() ({
      %run_scoped3A_116 = tpu.sem_alloc : memref<!tpu.dma_semaphore, #tpu.memory_space<semaphore_mem>>
      %dma_start3A_117 = arith.constant 0 : i32
      %dma_start3A_118 = arith.constant 0 : i32
      %dma_start3A_119 = arith.constant 0 : i32
      %dma_start3A_120 = tpu.memref_slice %arg6[%rem3A_64, %dma_start3A_117, %dma_start3A_118, %dma_start3A_119] : memref<2x2x8x128xi32, #tpu.memory_space<vmem>> -> memref<1x2x8x128xi32, #tpu.memory_space<vmem>>
      %dma_start3A_121 = tpu.memref_squeeze %dma_start3A_120 : memref<1x2x8x128xi32, #tpu.memory_space<vmem>> -> memref<2x8x128xi32, #tpu.memory_space<vmem>>
      %dma_start3A_122 = arith.constant 0 : i32
      %dma_start3A_123 = arith.constant 0 : i32
      %dma_start3A_124 = arith.constant 0 : i32
      %dma_start3A_125 = tpu.memref_slice %arg3[%arg0, %add3A_68, %dma_start3A_122, %dma_start3A_123, %dma_start3A_124] : memref<2x320x2x8x128xi32, #tpu.memory_space<hbm>> -> memref<1x1x2x8x128xi32, #tpu.memory_space<hbm>>
      %dma_start3A_126 = tpu.memref_squeeze %dma_start3A_125 : memref<1x1x2x8x128xi32, #tpu.memory_space<hbm>> -> memref<2x8x128xi32, #tpu.memory_space<hbm>>
      %dma_start3A_127 = arith.constant 0 : i32
      %dma_start3A_128 = arith.constant 0 : i32
      %dma_start3A_129 = arith.constant 0 : i32
      %dma_start3A_130 = tpu.memref_slice %arg6[%rem3A_64, %dma_start3A_127, %dma_start3A_128, %dma_start3A_129] : memref<2x2x8x128xi32, #tpu.memory_space<vmem>> -> memref<1x2x8x128xi32, #tpu.memory_space<vmem>>
      %dma_start3A_131 = tpu.memref_squeeze %dma_start3A_130 : memref<1x2x8x128xi32, #tpu.memory_space<vmem>> -> memref<2x8x128xi32, #tpu.memory_space<vmem>>
      %dma_start3A_132 = arith.constant 0 : i32
      %dma_start3A_133 = arith.constant 0 : i32
      %dma_start3A_134 = arith.constant 0 : i32
      %dma_start3A_135 = tpu.memref_slice %arg3[%arg0, %add3A_68, %dma_start3A_132, %dma_start3A_133, %dma_start3A_134] : memref<2x320x2x8x128xi32, #tpu.memory_space<hbm>> -> memref<1x1x2x8x128xi32, #tpu.memory_space<hbm>>
      %dma_start3A_136 = tpu.memref_squeeze %dma_start3A_135 : memref<1x1x2x8x128xi32, #tpu.memory_space<hbm>> -> memref<2x8x128xi32, #tpu.memory_space<hbm>>
      tpu.enqueue_dma source(%dma_start3A_136 : memref<2x8x128xi32, #tpu.memory_space<hbm>>) target(%dma_start3A_131 : memref<2x8x128xi32, #tpu.memory_space<vmem>>) target_semaphore(%run_scoped3A_116 : memref<!tpu.dma_semaphore, #tpu.memory_space<semaphore_mem>>)
      %dma_wait3A_137 = arith.constant 0 : i32
      %dma_wait3A_138 = arith.constant 0 : i32
      %dma_wait3A_139 = arith.constant 0 : i32
      %dma_wait3A_140 = tpu.memref_slice %arg6[%rem3A_64, %dma_wait3A_137, %dma_wait3A_138, %dma_wait3A_139] : memref<2x2x8x128xi32, #tpu.memory_space<vmem>> -> memref<1x2x8x128xi32, #tpu.memory_space<vmem>>
      %dma_wait3A_141 = tpu.memref_squeeze %dma_wait3A_140 : memref<1x2x8x128xi32, #tpu.memory_space<vmem>> -> memref<2x8x128xi32, #tpu.memory_space<vmem>>
      %dma_wait3A_142 = arith.constant 0 : i32
      %dma_wait3A_143 = arith.constant 0 : i32
      %dma_wait3A_144 = arith.constant 0 : i32
      %dma_wait3A_145 = tpu.memref_slice %arg3[%arg0, %add3A_68, %dma_wait3A_142, %dma_wait3A_143, %dma_wait3A_144] : memref<2x320x2x8x128xi32, #tpu.memory_space<hbm>> -> memref<1x1x2x8x128xi32, #tpu.memory_space<hbm>>
      %dma_wait3A_146 = tpu.memref_squeeze %dma_wait3A_145 : memref<1x1x2x8x128xi32, #tpu.memory_space<hbm>> -> memref<2x8x128xi32, #tpu.memory_space<hbm>>
      %dma_wait3A_147 = arith.constant 0 : i32
      %dma_wait3A_148 = arith.constant 0 : i32
      %dma_wait3A_149 = arith.constant 0 : i32
      %dma_wait3A_150 = tpu.memref_slice %arg6[%rem3A_64, %dma_wait3A_147, %dma_wait3A_148, %dma_wait3A_149] : memref<2x2x8x128xi32, #tpu.memory_space<vmem>> -> memref<1x2x8x128xi32, #tpu.memory_space<vmem>>
      %dma_wait3A_151 = tpu.memref_squeeze %dma_wait3A_150 : memref<1x2x8x128xi32, #tpu.memory_space<vmem>> -> memref<2x8x128xi32, #tpu.memory_space<vmem>>
      %dma_wait3A_152 = arith.constant 0 : i32
      %dma_wait3A_153 = arith.constant 0 : i32
      %dma_wait3A_154 = arith.constant 0 : i32
      %dma_wait3A_155 = tpu.memref_slice %arg3[%arg0, %add3A_68, %dma_wait3A_152, %dma_wait3A_153, %dma_wait3A_154] : memref<2x320x2x8x128xi32, #tpu.memory_space<hbm>> -> memref<1x1x2x8x128xi32, #tpu.memory_space<hbm>>
      %dma_wait3A_156 = tpu.memref_squeeze %dma_wait3A_155 : memref<1x1x2x8x128xi32, #tpu.memory_space<hbm>> -> memref<2x8x128xi32, #tpu.memory_space<hbm>>
      tpu.wait_dma2 semaphore(%run_scoped3A_116 : memref<!tpu.dma_semaphore, #tpu.memory_space<semaphore_mem>>) src(%dma_wait3A_156 : memref<2x8x128xi32, #tpu.memory_space<hbm>>) dst(%dma_wait3A_151 : memref<2x8x128xi32, #tpu.memory_space<vmem>>)
      tpu.yield
    }) : () -> ()
    %div3A = arith.constant 0 : i32
    %div3A_69 = arith.constant 8 : i32
    %div3A_70 = arith.divsi %div3A, %div3A_69 : i32
    %rem3A_71 = arith.constant 0 : i32
    %rem3A_72 = arith.constant 8 : i32
    %rem3A_73 = arith.remsi %rem3A_71, %rem3A_72 : i32
    %rem3A_74 = arith.constant 2 : i32
    %rem3A_75 = arith.remsi %div3A_70, %rem3A_74 : i32
    %dma_start3A = arith.constant 0 : i32
    %dma_start3A_76 = arith.constant 0 : i32
    %dma_start3A_77 = arith.constant 0 : i32
    %dma_start3A_78 = arith.constant 0 : i32
    %dma_start3A_79 = tpu.memref_slice %arg7[%dma_start3A_76, %dma_start3A_77, %dma_start3A_78] : memref<1x128x64xf32, #tpu.memory_space<vmem>> -> memref<1x128x64xf32, #tpu.memory_space<vmem>>
    %dma_start3A_80 = tpu.memref_squeeze %dma_start3A_79 : memref<1x128x64xf32, #tpu.memory_space<vmem>> -> memref<128x64xf32, #tpu.memory_space<vmem>>
    %dma_start3A_81 = arith.constant 0 : i32
    %dma_start3A_82 = tpu.memref_slice %arg6[%rem3A_75, %dma_start3A, %rem3A_73, %dma_start3A_81] : memref<2x2x8x128xi32, #tpu.memory_space<vmem>> -> memref<1x1x1x128xi32, #tpu.memory_space<vmem>>
    %dma_start3A_83 = tpu.memref_squeeze %dma_start3A_82 : memref<1x1x1x128xi32, #tpu.memory_space<vmem>> -> memref<128xi32, #tpu.memory_space<vmem>>
    %dma_start3A_84 = arith.constant 0 : i32
    %dma_start3A_85 = arith.constant 0 : i32
    %dma_start3A_86 = tpu.memref_slice %arg2[%dma_start3A_84, %dma_start3A_85] : memref<20000x64xf32, #tpu.memory_space<hbm>> -> memref<20000x64xf32, #tpu.memory_space<hbm>>
    tpu.enqueue_indirect_dma source(%dma_start3A_86 : memref<20000x64xf32, #tpu.memory_space<hbm>>) target(%dma_start3A_80 : memref<128x64xf32, #tpu.memory_space<vmem>>) offsets(%dma_start3A_83 : memref<128xi32, #tpu.memory_space<vmem>>) semaphore(%arg11 : memref<!tpu.dma_semaphore, #tpu.memory_space<semaphore_mem>>)
    %scan3A_87 = arith.constant 0 : i32
    %scan3A_88 = arith.constant 0 : i32
    %scan3A_89 = arith.constant 80 : i32
    %scan3A_90 = arith.addi %scan3A_88, %scan3A_89 : i32
    %scan3A_91 = arith.constant 1 : i32
    scf.for %scan3A_116 = %scan3A_88 to %scan3A_90 step %scan3A_91  : i32 {
      %mul3A_117 = arith.constant 2 : i32
      %mul3A_118 = arith.muli %scan3A_116, %mul3A_117 : i32
      %add3A_119 = arith.constant 0 : i32
      %add3A_120 = arith.addi %mul3A_118, %add3A_119 : i32
      %add3A_121 = arith.constant 2 : i32
      %add3A_122 = arith.addi %add3A_120, %add3A_121 : i32
      %sub3A = arith.constant 1 : i32
      %sub3A_123 = arith.subi %add3A_122, %sub3A : i32
      %dma_wait3A_124 = arith.constant 0 : i32
      %dma_wait3A_125 = arith.constant 0 : i32
      %dma_wait3A_126 = arith.constant 0 : i32
      %dma_wait3A_127 = arith.constant 0 : i32
      %dma_wait3A_128 = arith.constant 0 : i32
      %dma_wait3A_129 = arith.constant 0 : i32
      %dma_wait3A_130 = tpu.memref_slice %arg7[%dma_wait3A_127, %dma_wait3A_128, %dma_wait3A_129] : memref<1x128x64xf32, #tpu.memory_space<vmem>> -> memref<1x128x64xf32, #tpu.memory_space<vmem>>
      %dma_wait3A_131 = tpu.memref_squeeze %dma_wait3A_130 : memref<1x128x64xf32, #tpu.memory_space<vmem>> -> memref<128x64xf32, #tpu.memory_space<vmem>>
      %dma_wait3A_132 = arith.constant 0 : i32
      %dma_wait3A_133 = tpu.memref_slice %arg6[%dma_wait3A_124, %dma_wait3A_125, %dma_wait3A_126, %dma_wait3A_132] : memref<2x2x8x128xi32, #tpu.memory_space<vmem>> -> memref<1x1x1x128xi32, #tpu.memory_space<vmem>>
      %dma_wait3A_134 = tpu.memref_squeeze %dma_wait3A_133 : memref<1x1x1x128xi32, #tpu.memory_space<vmem>> -> memref<128xi32, #tpu.memory_space<vmem>>
      %dma_wait3A_135 = arith.constant 0 : i32
      %dma_wait3A_136 = arith.constant 0 : i32
      %dma_wait3A_137 = tpu.memref_slice %arg2[%dma_wait3A_135, %dma_wait3A_136] : memref<20000x64xf32, #tpu.memory_space<hbm>> -> memref<20000x64xf32, #tpu.memory_space<hbm>>
      tpu.wait_indirect_dma semaphore(%arg11 : memref<!tpu.dma_semaphore, #tpu.memory_space<semaphore_mem>>) src(%dma_wait3A_137 : memref<20000x64xf32, #tpu.memory_space<hbm>>) dst(%dma_wait3A_131 : memref<128x64xf32, #tpu.memory_space<vmem>>)
      %mul3A_138 = arith.constant 1 : i32
      %mul3A_139 = arith.muli %add3A_120, %mul3A_138 : i32
      %div3A_140 = arith.constant 8 : i32
      %div3A_141 = arith.divsi %mul3A_139, %div3A_140 : i32
      %rem3A_142 = arith.constant 8 : i32
      %rem3A_143 = arith.remsi %mul3A_139, %rem3A_142 : i32
      %rem3A_144 = arith.constant 2 : i32
      %rem3A_145 = arith.remsi %div3A_141, %rem3A_144 : i32
      %dma_start3A_146 = arith.constant 0 : i32
      %dma_start3A_147 = arith.constant 1 : i32
      %dma_start3A_148 = arith.constant 0 : i32
      %dma_start3A_149 = arith.constant 0 : i32
      %dma_start3A_150 = tpu.memref_slice %arg7[%dma_start3A_146, %dma_start3A_148, %dma_start3A_149] : memref<1x128x64xf32, #tpu.memory_space<vmem>> -> memref<1x128x64xf32, #tpu.memory_space<vmem>>
      %dma_start3A_151 = tpu.memref_squeeze %dma_start3A_150 : memref<1x128x64xf32, #tpu.memory_space<vmem>> -> memref<128x64xf32, #tpu.memory_space<vmem>>
      %dma_start3A_152 = arith.constant 0 : i32
      %dma_start3A_153 = tpu.memref_slice %arg6[%rem3A_145, %dma_start3A_147, %rem3A_143, %dma_start3A_152] : memref<2x2x8x128xi32, #tpu.memory_space<vmem>> -> memref<1x1x1x128xi32, #tpu.memory_space<vmem>>
      %dma_start3A_154 = tpu.memref_squeeze %dma_start3A_153 : memref<1x1x1x128xi32, #tpu.memory_space<vmem>> -> memref<128xi32, #tpu.memory_space<vmem>>
      %dma_start3A_155 = arith.constant 0 : i32
      %dma_start3A_156 = arith.constant 0 : i32
      %dma_start3A_157 = tpu.memref_slice %arg10[%dma_start3A_155, %dma_start3A_156] : memref<20480x64xf32, #tpu.memory_space<vmem_shared>> -> memref<20480x64xf32, #tpu.memory_space<vmem_shared>>
      tpu.enqueue_indirect_dma source(%dma_start3A_151 : memref<128x64xf32, #tpu.memory_space<vmem>>) target(%dma_start3A_157 : memref<20480x64xf32, #tpu.memory_space<vmem_shared>>) offsets(%dma_start3A_154 : memref<128xi32, #tpu.memory_space<vmem>>) semaphore(%arg13 : memref<!tpu.dma_semaphore, #tpu.memory_space<semaphore_mem>>) {add = true}
      %rem3A_158 = arith.constant 2 : i32
      %rem3A_159 = arith.remsi %add3A_120, %rem3A_158 : i32
      %eq3A = arith.cmpi eq, %rem3A_159, %arg0 : i32
      %convert_element_type3A = arith.extui %eq3A : i1 to i32
      %cond3A = arith.constant 0 : i32
      %cond3A_160 = arith.cmpi ne, %convert_element_type3A, %cond3A : i32
      scf.if %cond3A_160 {
        %ge3A = arith.constant 2 : i32
        %ge3A_227 = arith.cmpi sge, %add3A_120, %ge3A : i32
        %convert_element_type3A_228 = arith.extui %ge3A_227 : i1 to i32
        %cond3A_229 = arith.constant 0 : i32
        %cond3A_230 = arith.cmpi ne, %convert_element_type3A_228, %cond3A_229 : i32
        scf.if %cond3A_230 {
          %dma_wait3A_240 = arith.constant 0 : i32
          %dma_wait3A_241 = arith.constant 1 : i32
          %dma_wait3A_242 = arith.constant 0 : i32
          %dma_wait3A_243 = arith.constant 0 : i32
          %dma_wait3A_244 = tpu.memref_slice %arg6[%dma_wait3A_240, %dma_wait3A_241, %dma_wait3A_242, %dma_wait3A_243] : memref<2x2x8x128xi32, #tpu.memory_space<vmem>> -> memref<1x1x1x128xi32, #tpu.memory_space<vmem>>
          %dma_wait3A_245 = tpu.memref_squeeze %dma_wait3A_244 : memref<1x1x1x128xi32, #tpu.memory_space<vmem>> -> memref<128xi32, #tpu.memory_space<vmem>>
          %dma_wait3A_246 = arith.constant 0 : i32
          %dma_wait3A_247 = arith.constant 0 : i32
          %dma_wait3A_248 = tpu.memref_slice %arg16[%dma_wait3A_246, %dma_wait3A_247] : memref<20480x16xf32, #tpu.memory_space<vmem_shared>> -> memref<20480x16xf32, #tpu.memory_space<vmem_shared>>
          tpu.wait_indirect_dma semaphore(%arg15 : memref<!tpu.dma_semaphore, #tpu.memory_space<semaphore_mem>>) src(%arg9 : memref<128x16xf32, #tpu.memory_space<vmem>>) dst(%dma_wait3A_248 : memref<20480x16xf32, #tpu.memory_space<vmem_shared>>)
        } else {
        }
        %add3A_231 = arith.constant 0 : i32
        %add3A_232 = arith.addi %rem3A_143, %add3A_231 : i32
        %dma_start3A_233 = arith.constant 1 : i32
        %dma_start3A_234 = arith.constant 0 : i32
        %dma_start3A_235 = tpu.memref_slice %arg6[%rem3A_145, %dma_start3A_233, %add3A_232, %dma_start3A_234] : memref<2x2x8x128xi32, #tpu.memory_space<vmem>> -> memref<1x1x1x128xi32, #tpu.memory_space<vmem>>
        %dma_start3A_236 = tpu.memref_squeeze %dma_start3A_235 : memref<1x1x1x128xi32, #tpu.memory_space<vmem>> -> memref<128xi32, #tpu.memory_space<vmem>>
        %dma_start3A_237 = arith.constant 0 : i32
        %dma_start3A_238 = arith.constant 0 : i32
        %dma_start3A_239 = tpu.memref_slice %arg16[%dma_start3A_237, %dma_start3A_238] : memref<20480x16xf32, #tpu.memory_space<vmem_shared>> -> memref<20480x16xf32, #tpu.memory_space<vmem_shared>>
        tpu.enqueue_indirect_dma source(%arg9 : memref<128x16xf32, #tpu.memory_space<vmem>>) target(%dma_start3A_239 : memref<20480x16xf32, #tpu.memory_space<vmem_shared>>) offsets(%dma_start3A_236 : memref<128xi32, #tpu.memory_space<vmem>>) semaphore(%arg15 : memref<!tpu.dma_semaphore, #tpu.memory_space<semaphore_mem>>) {add = true}
      } else {
      }
      %gt3A = arith.constant 0 : i32
      %gt3A_161 = arith.cmpi sgt, %add3A_120, %gt3A : i32
      %convert_element_type3A_162 = arith.extui %gt3A_161 : i1 to i32
      %cond3A_163 = arith.constant 0 : i32
      %cond3A_164 = arith.cmpi ne, %convert_element_type3A_162, %cond3A_163 : i32
      scf.if %cond3A_164 {
        %dma_wait3A_227 = arith.constant 0 : i32
        %dma_wait3A_228 = arith.constant 0 : i32
        %dma_wait3A_229 = arith.constant 1 : i32
        %dma_wait3A_230 = arith.constant 0 : i32
        %dma_wait3A_231 = arith.constant 0 : i32
        %dma_wait3A_232 = arith.constant 0 : i32
        %dma_wait3A_233 = tpu.memref_slice %arg8[%dma_wait3A_227, %dma_wait3A_231, %dma_wait3A_232] : memref<1x128x64xf32, #tpu.memory_space<vmem>> -> memref<1x128x64xf32, #tpu.memory_space<vmem>>
        %dma_wait3A_234 = tpu.memref_squeeze %dma_wait3A_233 : memref<1x128x64xf32, #tpu.memory_space<vmem>> -> memref<128x64xf32, #tpu.memory_space<vmem>>
        %dma_wait3A_235 = arith.constant 0 : i32
        %dma_wait3A_236 = tpu.memref_slice %arg6[%dma_wait3A_228, %dma_wait3A_229, %dma_wait3A_230, %dma_wait3A_235] : memref<2x2x8x128xi32, #tpu.memory_space<vmem>> -> memref<1x1x1x128xi32, #tpu.memory_space<vmem>>
        %dma_wait3A_237 = tpu.memref_squeeze %dma_wait3A_236 : memref<1x1x1x128xi32, #tpu.memory_space<vmem>> -> memref<128xi32, #tpu.memory_space<vmem>>
        %dma_wait3A_238 = arith.constant 0 : i32
        %dma_wait3A_239 = arith.constant 0 : i32
        %dma_wait3A_240 = tpu.memref_slice %arg10[%dma_wait3A_238, %dma_wait3A_239] : memref<20480x64xf32, #tpu.memory_space<vmem_shared>> -> memref<20480x64xf32, #tpu.memory_space<vmem_shared>>
        tpu.wait_indirect_dma semaphore(%arg14 : memref<!tpu.dma_semaphore, #tpu.memory_space<semaphore_mem>>) src(%dma_wait3A_234 : memref<128x64xf32, #tpu.memory_space<vmem>>) dst(%dma_wait3A_240 : memref<20480x64xf32, #tpu.memory_space<vmem_shared>>)
      } else {
      }
      %lt3A = arith.constant 160 : i32
      %lt3A_165 = arith.cmpi slt, %sub3A_123, %lt3A : i32
      %convert_element_type3A_166 = arith.extui %lt3A_165 : i1 to i32
      %cond3A_167 = arith.constant 0 : i32
      %cond3A_168 = arith.cmpi ne, %convert_element_type3A_166, %cond3A_167 : i32
      scf.if %cond3A_168 {
        %mul3A_227 = arith.constant 1 : i32
        %mul3A_228 = arith.muli %sub3A_123, %mul3A_227 : i32
        %rem3A_229 = arith.constant 8 : i32
        %rem3A_230 = arith.remsi %mul3A_228, %rem3A_229 : i32
        %eq3A_231 = arith.constant 0 : i32
        %eq3A_232 = arith.cmpi eq, %rem3A_230, %eq3A_231 : i32
        %convert_element_type3A_233 = arith.extui %eq3A_232 : i1 to i32
        %cond3A_234 = arith.constant 0 : i32
        %cond3A_235 = arith.cmpi ne, %convert_element_type3A_233, %cond3A_234 : i32
        scf.if %cond3A_235 {
          %mul3A_256 = arith.constant 1 : i32
          %mul3A_257 = arith.muli %sub3A_123, %mul3A_256 : i32
          %div3A_258 = arith.constant 8 : i32
          %div3A_259 = arith.divsi %mul3A_257, %div3A_258 : i32
          %rem3A_260 = arith.constant 2 : i32
          %rem3A_261 = arith.remsi %div3A_259, %rem3A_260 : i32
          %mul3A_262 = arith.constant 20 : i32
          %mul3A_263 = arith.muli %arg1, %mul3A_262 : i32
          %add3A_264 = arith.addi %mul3A_263, %div3A_259 : i32
          "tpu.region"() ({
            %run_scoped3A_265 = tpu.sem_alloc : memref<!tpu.dma_semaphore, #tpu.memory_space<semaphore_mem>>
            %dma_start3A_266 = arith.constant 0 : i32
            %dma_start3A_267 = arith.constant 0 : i32
            %dma_start3A_268 = arith.constant 0 : i32
            %dma_start3A_269 = tpu.memref_slice %arg6[%rem3A_261, %dma_start3A_266, %dma_start3A_267, %dma_start3A_268] : memref<2x2x8x128xi32, #tpu.memory_space<vmem>> -> memref<1x2x8x128xi32, #tpu.memory_space<vmem>>
            %dma_start3A_270 = tpu.memref_squeeze %dma_start3A_269 : memref<1x2x8x128xi32, #tpu.memory_space<vmem>> -> memref<2x8x128xi32, #tpu.memory_space<vmem>>
            %dma_start3A_271 = arith.constant 0 : i32
            %dma_start3A_272 = arith.constant 0 : i32
            %dma_start3A_273 = arith.constant 0 : i32
            %dma_start3A_274 = tpu.memref_slice %arg3[%arg0, %add3A_264, %dma_start3A_271, %dma_start3A_272, %dma_start3A_273] : memref<2x320x2x8x128xi32, #tpu.memory_space<hbm>> -> memref<1x1x2x8x128xi32, #tpu.memory_space<hbm>>
            %dma_start3A_275 = tpu.memref_squeeze %dma_start3A_274 : memref<1x1x2x8x128xi32, #tpu.memory_space<hbm>> -> memref<2x8x128xi32, #tpu.memory_space<hbm>>
            %dma_start3A_276 = arith.constant 0 : i32
            %dma_start3A_277 = arith.constant 0 : i32
            %dma_start3A_278 = arith.constant 0 : i32
            %dma_start3A_279 = tpu.memref_slice %arg6[%rem3A_261, %dma_start3A_276, %dma_start3A_277, %dma_start3A_278] : memref<2x2x8x128xi32, #tpu.memory_space<vmem>> -> memref<1x2x8x128xi32, #tpu.memory_space<vmem>>
            %dma_start3A_280 = tpu.memref_squeeze %dma_start3A_279 : memref<1x2x8x128xi32, #tpu.memory_space<vmem>> -> memref<2x8x128xi32, #tpu.memory_space<vmem>>
            %dma_start3A_281 = arith.constant 0 : i32
            %dma_start3A_282 = arith.constant 0 : i32
            %dma_start3A_283 = arith.constant 0 : i32
            %dma_start3A_284 = tpu.memref_slice %arg3[%arg0, %add3A_264, %dma_start3A_281, %dma_start3A_282, %dma_start3A_283] : memref<2x320x2x8x128xi32, #tpu.memory_space<hbm>> -> memref<1x1x2x8x128xi32, #tpu.memory_space<hbm>>
            %dma_start3A_285 = tpu.memref_squeeze %dma_start3A_284 : memref<1x1x2x8x128xi32, #tpu.memory_space<hbm>> -> memref<2x8x128xi32, #tpu.memory_space<hbm>>
            tpu.enqueue_dma source(%dma_start3A_285 : memref<2x8x128xi32, #tpu.memory_space<hbm>>) target(%dma_start3A_280 : memref<2x8x128xi32, #tpu.memory_space<vmem>>) target_semaphore(%run_scoped3A_265 : memref<!tpu.dma_semaphore, #tpu.memory_space<semaphore_mem>>)
            %dma_wait3A_286 = arith.constant 0 : i32
            %dma_wait3A_287 = arith.constant 0 : i32
            %dma_wait3A_288 = arith.constant 0 : i32
            %dma_wait3A_289 = tpu.memref_slice %arg6[%rem3A_261, %dma_wait3A_286, %dma_wait3A_287, %dma_wait3A_288] : memref<2x2x8x128xi32, #tpu.memory_space<vmem>> -> memref<1x2x8x128xi32, #tpu.memory_space<vmem>>
            %dma_wait3A_290 = tpu.memref_squeeze %dma_wait3A_289 : memref<1x2x8x128xi32, #tpu.memory_space<vmem>> -> memref<2x8x128xi32, #tpu.memory_space<vmem>>
            %dma_wait3A_291 = arith.constant 0 : i32
            %dma_wait3A_292 = arith.constant 0 : i32
            %dma_wait3A_293 = arith.constant 0 : i32
            %dma_wait3A_294 = tpu.memref_slice %arg3[%arg0, %add3A_264, %dma_wait3A_291, %dma_wait3A_292, %dma_wait3A_293] : memref<2x320x2x8x128xi32, #tpu.memory_space<hbm>> -> memref<1x1x2x8x128xi32, #tpu.memory_space<hbm>>
            %dma_wait3A_295 = tpu.memref_squeeze %dma_wait3A_294 : memref<1x1x2x8x128xi32, #tpu.memory_space<hbm>> -> memref<2x8x128xi32, #tpu.memory_space<hbm>>
            %dma_wait3A_296 = arith.constant 0 : i32
            %dma_wait3A_297 = arith.constant 0 : i32
            %dma_wait3A_298 = arith.constant 0 : i32
            %dma_wait3A_299 = tpu.memref_slice %arg6[%rem3A_261, %dma_wait3A_296, %dma_wait3A_297, %dma_wait3A_298] : memref<2x2x8x128xi32, #tpu.memory_space<vmem>> -> memref<1x2x8x128xi32, #tpu.memory_space<vmem>>
            %dma_wait3A_300 = tpu.memref_squeeze %dma_wait3A_299 : memref<1x2x8x128xi32, #tpu.memory_space<vmem>> -> memref<2x8x128xi32, #tpu.memory_space<vmem>>
            %dma_wait3A_301 = arith.constant 0 : i32
            %dma_wait3A_302 = arith.constant 0 : i32
            %dma_wait3A_303 = arith.constant 0 : i32
            %dma_wait3A_304 = tpu.memref_slice %arg3[%arg0, %add3A_264, %dma_wait3A_301, %dma_wait3A_302, %dma_wait3A_303] : memref<2x320x2x8x128xi32, #tpu.memory_space<hbm>> -> memref<1x1x2x8x128xi32, #tpu.memory_space<hbm>>
            %dma_wait3A_305 = tpu.memref_squeeze %dma_wait3A_304 : memref<1x1x2x8x128xi32, #tpu.memory_space<hbm>> -> memref<2x8x128xi32, #tpu.memory_space<hbm>>
            tpu.wait_dma2 semaphore(%run_scoped3A_265 : memref<!tpu.dma_semaphore, #tpu.memory_space<semaphore_mem>>) src(%dma_wait3A_305 : memref<2x8x128xi32, #tpu.memory_space<hbm>>) dst(%dma_wait3A_300 : memref<2x8x128xi32, #tpu.memory_space<vmem>>)
            tpu.yield
          }) : () -> ()
        } else {
        }
        %mul3A_236 = arith.constant 1 : i32
        %mul3A_237 = arith.muli %sub3A_123, %mul3A_236 : i32
        %div3A_238 = arith.constant 8 : i32
        %div3A_239 = arith.divsi %mul3A_237, %div3A_238 : i32
        %rem3A_240 = arith.constant 8 : i32
        %rem3A_241 = arith.remsi %mul3A_237, %rem3A_240 : i32
        %rem3A_242 = arith.constant 2 : i32
        %rem3A_243 = arith.remsi %div3A_239, %rem3A_242 : i32
        %dma_start3A_244 = arith.constant 0 : i32
        %dma_start3A_245 = arith.constant 0 : i32
        %dma_start3A_246 = arith.constant 0 : i32
        %dma_start3A_247 = arith.constant 0 : i32
        %dma_start3A_248 = tpu.memref_slice %arg8[%dma_start3A_245, %dma_start3A_246, %dma_start3A_247] : memref<1x128x64xf32, #tpu.memory_space<vmem>> -> memref<1x128x64xf32, #tpu.memory_space<vmem>>
        %dma_start3A_249 = tpu.memref_squeeze %dma_start3A_248 : memref<1x128x64xf32, #tpu.memory_space<vmem>> -> memref<128x64xf32, #tpu.memory_space<vmem>>
        %dma_start3A_250 = arith.constant 0 : i32
        %dma_start3A_251 = tpu.memref_slice %arg6[%rem3A_243, %dma_start3A_244, %rem3A_241, %dma_start3A_250] : memref<2x2x8x128xi32, #tpu.memory_space<vmem>> -> memref<1x1x1x128xi32, #tpu.memory_space<vmem>>
        %dma_start3A_252 = tpu.memref_squeeze %dma_start3A_251 : memref<1x1x1x128xi32, #tpu.memory_space<vmem>> -> memref<128xi32, #tpu.memory_space<vmem>>
        %dma_start3A_253 = arith.constant 0 : i32
        %dma_start3A_254 = arith.constant 0 : i32
        %dma_start3A_255 = tpu.memref_slice %arg2[%dma_start3A_253, %dma_start3A_254] : memref<20000x64xf32, #tpu.memory_space<hbm>> -> memref<20000x64xf32, #tpu.memory_space<hbm>>
        tpu.enqueue_indirect_dma source(%dma_start3A_255 : memref<20000x64xf32, #tpu.memory_space<hbm>>) target(%dma_start3A_249 : memref<128x64xf32, #tpu.memory_space<vmem>>) offsets(%dma_start3A_252 : memref<128xi32, #tpu.memory_space<vmem>>) semaphore(%arg12 : memref<!tpu.dma_semaphore, #tpu.memory_space<semaphore_mem>>)
      } else {
      }
      %mul3A_169 = arith.constant 2 : i32
      %mul3A_170 = arith.muli %scan3A_116, %mul3A_169 : i32
      %add3A_171 = arith.constant 1 : i32
      %add3A_172 = arith.addi %mul3A_170, %add3A_171 : i32
      %add3A_173 = arith.constant 2 : i32
      %add3A_174 = arith.addi %add3A_172, %add3A_173 : i32
      %sub3A_175 = arith.constant 1 : i32
      %sub3A_176 = arith.subi %add3A_174, %sub3A_175 : i32
      %dma_wait3A_177 = arith.constant 0 : i32
      %dma_wait3A_178 = arith.constant 0 : i32
      %dma_wait3A_179 = arith.constant 0 : i32
      %dma_wait3A_180 = arith.constant 0 : i32
      %dma_wait3A_181 = arith.constant 0 : i32
      %dma_wait3A_182 = arith.constant 0 : i32
      %dma_wait3A_183 = tpu.memref_slice %arg8[%dma_wait3A_180, %dma_wait3A_181, %dma_wait3A_182] : memref<1x128x64xf32, #tpu.memory_space<vmem>> -> memref<1x128x64xf32, #tpu.memory_space<vmem>>
      %dma_wait3A_184 = tpu.memref_squeeze %dma_wait3A_183 : memref<1x128x64xf32, #tpu.memory_space<vmem>> -> memref<128x64xf32, #tpu.memory_space<vmem>>
      %dma_wait3A_185 = arith.constant 0 : i32
      %dma_wait3A_186 = tpu.memref_slice %arg6[%dma_wait3A_177, %dma_wait3A_178, %dma_wait3A_179, %dma_wait3A_185] : memref<2x2x8x128xi32, #tpu.memory_space<vmem>> -> memref<1x1x1x128xi32, #tpu.memory_space<vmem>>
      %dma_wait3A_187 = tpu.memref_squeeze %dma_wait3A_186 : memref<1x1x1x128xi32, #tpu.memory_space<vmem>> -> memref<128xi32, #tpu.memory_space<vmem>>
      %dma_wait3A_188 = arith.constant 0 : i32
      %dma_wait3A_189 = arith.constant 0 : i32
      %dma_wait3A_190 = tpu.memref_slice %arg2[%dma_wait3A_188, %dma_wait3A_189] : memref<20000x64xf32, #tpu.memory_space<hbm>> -> memref<20000x64xf32, #tpu.memory_space<hbm>>
      tpu.wait_indirect_dma semaphore(%arg12 : memref<!tpu.dma_semaphore, #tpu.memory_space<semaphore_mem>>) src(%dma_wait3A_190 : memref<20000x64xf32, #tpu.memory_space<hbm>>) dst(%dma_wait3A_184 : memref<128x64xf32, #tpu.memory_space<vmem>>)
      %mul3A_191 = arith.constant 1 : i32
      %mul3A_192 = arith.muli %add3A_172, %mul3A_191 : i32
      %div3A_193 = arith.constant 8 : i32
      %div3A_194 = arith.divsi %mul3A_192, %div3A_193 : i32
      %rem3A_195 = arith.constant 8 : i32
      %rem3A_196 = arith.remsi %mul3A_192, %rem3A_195 : i32
      %rem3A_197 = arith.constant 2 : i32
      %rem3A_198 = arith.remsi %div3A_194, %rem3A_197 : i32
      %dma_start3A_199 = arith.constant 0 : i32
      %dma_start3A_200 = arith.constant 1 : i32
      %dma_start3A_201 = arith.constant 0 : i32
      %dma_start3A_202 = arith.constant 0 : i32
      %dma_start3A_203 = tpu.memref_slice %arg8[%dma_start3A_199, %dma_start3A_201, %dma_start3A_202] : memref<1x128x64xf32, #tpu.memory_space<vmem>> -> memref<1x128x64xf32, #tpu.memory_space<vmem>>
      %dma_start3A_204 = tpu.memref_squeeze %dma_start3A_203 : memref<1x128x64xf32, #tpu.memory_space<vmem>> -> memref<128x64xf32, #tpu.memory_space<vmem>>
      %dma_start3A_205 = arith.constant 0 : i32
      %dma_start3A_206 = tpu.memref_slice %arg6[%rem3A_198, %dma_start3A_200, %rem3A_196, %dma_start3A_205] : memref<2x2x8x128xi32, #tpu.memory_space<vmem>> -> memref<1x1x1x128xi32, #tpu.memory_space<vmem>>
      %dma_start3A_207 = tpu.memref_squeeze %dma_start3A_206 : memref<1x1x1x128xi32, #tpu.memory_space<vmem>> -> memref<128xi32, #tpu.memory_space<vmem>>
      %dma_start3A_208 = arith.constant 0 : i32
      %dma_start3A_209 = arith.constant 0 : i32
      %dma_start3A_210 = tpu.memref_slice %arg10[%dma_start3A_208, %dma_start3A_209] : memref<20480x64xf32, #tpu.memory_space<vmem_shared>> -> memref<20480x64xf32, #tpu.memory_space<vmem_shared>>
      tpu.enqueue_indirect_dma source(%dma_start3A_204 : memref<128x64xf32, #tpu.memory_space<vmem>>) target(%dma_start3A_210 : memref<20480x64xf32, #tpu.memory_space<vmem_shared>>) offsets(%dma_start3A_207 : memref<128xi32, #tpu.memory_space<vmem>>) semaphore(%arg14 : memref<!tpu.dma_semaphore, #tpu.memory_space<semaphore_mem>>) {add = true}
      %rem3A_211 = arith.constant 2 : i32
      %rem3A_212 = arith.remsi %add3A_172, %rem3A_211 : i32
      %eq3A_213 = arith.cmpi eq, %rem3A_212, %arg0 : i32
      %convert_element_type3A_214 = arith.extui %eq3A_213 : i1 to i32
      %cond3A_215 = arith.constant 0 : i32
      %cond3A_216 = arith.cmpi ne, %convert_element_type3A_214, %cond3A_215 : i32
      scf.if %cond3A_216 {
        %ge3A = arith.constant 2 : i32
        %ge3A_227 = arith.cmpi sge, %add3A_172, %ge3A : i32
        %convert_element_type3A_228 = arith.extui %ge3A_227 : i1 to i32
        %cond3A_229 = arith.constant 0 : i32
        %cond3A_230 = arith.cmpi ne, %convert_element_type3A_228, %cond3A_229 : i32
        scf.if %cond3A_230 {
          %dma_wait3A_240 = arith.constant 0 : i32
          %dma_wait3A_241 = arith.constant 1 : i32
          %dma_wait3A_242 = arith.constant 0 : i32
          %dma_wait3A_243 = arith.constant 0 : i32
          %dma_wait3A_244 = tpu.memref_slice %arg6[%dma_wait3A_240, %dma_wait3A_241, %dma_wait3A_242, %dma_wait3A_243] : memref<2x2x8x128xi32, #tpu.memory_space<vmem>> -> memref<1x1x1x128xi32, #tpu.memory_space<vmem>>
          %dma_wait3A_245 = tpu.memref_squeeze %dma_wait3A_244 : memref<1x1x1x128xi32, #tpu.memory_space<vmem>> -> memref<128xi32, #tpu.memory_space<vmem>>
          %dma_wait3A_246 = arith.constant 0 : i32
          %dma_wait3A_247 = arith.constant 0 : i32
          %dma_wait3A_248 = tpu.memref_slice %arg16[%dma_wait3A_246, %dma_wait3A_247] : memref<20480x16xf32, #tpu.memory_space<vmem_shared>> -> memref<20480x16xf32, #tpu.memory_space<vmem_shared>>
          tpu.wait_indirect_dma semaphore(%arg15 : memref<!tpu.dma_semaphore, #tpu.memory_space<semaphore_mem>>) src(%arg9 : memref<128x16xf32, #tpu.memory_space<vmem>>) dst(%dma_wait3A_248 : memref<20480x16xf32, #tpu.memory_space<vmem_shared>>)
        } else {
        }
        %add3A_231 = arith.constant 0 : i32
        %add3A_232 = arith.addi %rem3A_196, %add3A_231 : i32
        %dma_start3A_233 = arith.constant 1 : i32
        %dma_start3A_234 = arith.constant 0 : i32
        %dma_start3A_235 = tpu.memref_slice %arg6[%rem3A_198, %dma_start3A_233, %add3A_232, %dma_start3A_234] : memref<2x2x8x128xi32, #tpu.memory_space<vmem>> -> memref<1x1x1x128xi32, #tpu.memory_space<vmem>>
        %dma_start3A_236 = tpu.memref_squeeze %dma_start3A_235 : memref<1x1x1x128xi32, #tpu.memory_space<vmem>> -> memref<128xi32, #tpu.memory_space<vmem>>
        %dma_start3A_237 = arith.constant 0 : i32
        %dma_start3A_238 = arith.constant 0 : i32
        %dma_start3A_239 = tpu.memref_slice %arg16[%dma_start3A_237, %dma_start3A_238] : memref<20480x16xf32, #tpu.memory_space<vmem_shared>> -> memref<20480x16xf32, #tpu.memory_space<vmem_shared>>
        tpu.enqueue_indirect_dma source(%arg9 : memref<128x16xf32, #tpu.memory_space<vmem>>) target(%dma_start3A_239 : memref<20480x16xf32, #tpu.memory_space<vmem_shared>>) offsets(%dma_start3A_236 : memref<128xi32, #tpu.memory_space<vmem>>) semaphore(%arg15 : memref<!tpu.dma_semaphore, #tpu.memory_space<semaphore_mem>>) {add = true}
      } else {
      }
      %gt3A_217 = arith.constant 0 : i32
      %gt3A_218 = arith.cmpi sgt, %add3A_172, %gt3A_217 : i32
      %convert_element_type3A_219 = arith.extui %gt3A_218 : i1 to i32
      %cond3A_220 = arith.constant 0 : i32
      %cond3A_221 = arith.cmpi ne, %convert_element_type3A_219, %cond3A_220 : i32
      scf.if %cond3A_221 {
        %dma_wait3A_227 = arith.constant 0 : i32
        %dma_wait3A_228 = arith.constant 0 : i32
        %dma_wait3A_229 = arith.constant 1 : i32
        %dma_wait3A_230 = arith.constant 0 : i32
        %dma_wait3A_231 = arith.constant 0 : i32
        %dma_wait3A_232 = arith.constant 0 : i32
        %dma_wait3A_233 = tpu.memref_slice %arg7[%dma_wait3A_227, %dma_wait3A_231, %dma_wait3A_232] : memref<1x128x64xf32, #tpu.memory_space<vmem>> -> memref<1x128x64xf32, #tpu.memory_space<vmem>>
        %dma_wait3A_234 = tpu.memref_squeeze %dma_wait3A_233 : memref<1x128x64xf32, #tpu.memory_space<vmem>> -> memref<128x64xf32, #tpu.memory_space<vmem>>
        %dma_wait3A_235 = arith.constant 0 : i32
        %dma_wait3A_236 = tpu.memref_slice %arg6[%dma_wait3A_228, %dma_wait3A_229, %dma_wait3A_230, %dma_wait3A_235] : memref<2x2x8x128xi32, #tpu.memory_space<vmem>> -> memref<1x1x1x128xi32, #tpu.memory_space<vmem>>
        %dma_wait3A_237 = tpu.memref_squeeze %dma_wait3A_236 : memref<1x1x1x128xi32, #tpu.memory_space<vmem>> -> memref<128xi32, #tpu.memory_space<vmem>>
        %dma_wait3A_238 = arith.constant 0 : i32
        %dma_wait3A_239 = arith.constant 0 : i32
        %dma_wait3A_240 = tpu.memref_slice %arg10[%dma_wait3A_238, %dma_wait3A_239] : memref<20480x64xf32, #tpu.memory_space<vmem_shared>> -> memref<20480x64xf32, #tpu.memory_space<vmem_shared>>
        tpu.wait_indirect_dma semaphore(%arg13 : memref<!tpu.dma_semaphore, #tpu.memory_space<semaphore_mem>>) src(%dma_wait3A_234 : memref<128x64xf32, #tpu.memory_space<vmem>>) dst(%dma_wait3A_240 : memref<20480x64xf32, #tpu.memory_space<vmem_shared>>)
      } else {
      }
      %lt3A_222 = arith.constant 160 : i32
      %lt3A_223 = arith.cmpi slt, %sub3A_176, %lt3A_222 : i32
      %convert_element_type3A_224 = arith.extui %lt3A_223 : i1 to i32
      %cond3A_225 = arith.constant 0 : i32
      %cond3A_226 = arith.cmpi ne, %convert_element_type3A_224, %cond3A_225 : i32
      scf.if %cond3A_226 {
        %mul3A_227 = arith.constant 1 : i32
        %mul3A_228 = arith.muli %sub3A_176, %mul3A_227 : i32
        %rem3A_229 = arith.constant 8 : i32
        %rem3A_230 = arith.remsi %mul3A_228, %rem3A_229 : i32
        %eq3A_231 = arith.constant 0 : i32
        %eq3A_232 = arith.cmpi eq, %rem3A_230, %eq3A_231 : i32
        %convert_element_type3A_233 = arith.extui %eq3A_232 : i1 to i32
        %cond3A_234 = arith.constant 0 : i32
        %cond3A_235 = arith.cmpi ne, %convert_element_type3A_233, %cond3A_234 : i32
        scf.if %cond3A_235 {
          %mul3A_256 = arith.constant 1 : i32
          %mul3A_257 = arith.muli %sub3A_176, %mul3A_256 : i32
          %div3A_258 = arith.constant 8 : i32
          %div3A_259 = arith.divsi %mul3A_257, %div3A_258 : i32
          %rem3A_260 = arith.constant 2 : i32
          %rem3A_261 = arith.remsi %div3A_259, %rem3A_260 : i32
          %mul3A_262 = arith.constant 20 : i32
          %mul3A_263 = arith.muli %arg1, %mul3A_262 : i32
          %add3A_264 = arith.addi %mul3A_263, %div3A_259 : i32
          "tpu.region"() ({
            %run_scoped3A_265 = tpu.sem_alloc : memref<!tpu.dma_semaphore, #tpu.memory_space<semaphore_mem>>
            %dma_start3A_266 = arith.constant 0 : i32
            %dma_start3A_267 = arith.constant 0 : i32
            %dma_start3A_268 = arith.constant 0 : i32
            %dma_start3A_269 = tpu.memref_slice %arg6[%rem3A_261, %dma_start3A_266, %dma_start3A_267, %dma_start3A_268] : memref<2x2x8x128xi32, #tpu.memory_space<vmem>> -> memref<1x2x8x128xi32, #tpu.memory_space<vmem>>
            %dma_start3A_270 = tpu.memref_squeeze %dma_start3A_269 : memref<1x2x8x128xi32, #tpu.memory_space<vmem>> -> memref<2x8x128xi32, #tpu.memory_space<vmem>>
            %dma_start3A_271 = arith.constant 0 : i32
            %dma_start3A_272 = arith.constant 0 : i32
            %dma_start3A_273 = arith.constant 0 : i32
            %dma_start3A_274 = tpu.memref_slice %arg3[%arg0, %add3A_264, %dma_start3A_271, %dma_start3A_272, %dma_start3A_273] : memref<2x320x2x8x128xi32, #tpu.memory_space<hbm>> -> memref<1x1x2x8x128xi32, #tpu.memory_space<hbm>>
            %dma_start3A_275 = tpu.memref_squeeze %dma_start3A_274 : memref<1x1x2x8x128xi32, #tpu.memory_space<hbm>> -> memref<2x8x128xi32, #tpu.memory_space<hbm>>
            %dma_start3A_276 = arith.constant 0 : i32
            %dma_start3A_277 = arith.constant 0 : i32
            %dma_start3A_278 = arith.constant 0 : i32
            %dma_start3A_279 = tpu.memref_slice %arg6[%rem3A_261, %dma_start3A_276, %dma_start3A_277, %dma_start3A_278] : memref<2x2x8x128xi32, #tpu.memory_space<vmem>> -> memref<1x2x8x128xi32, #tpu.memory_space<vmem>>
            %dma_start3A_280 = tpu.memref_squeeze %dma_start3A_279 : memref<1x2x8x128xi32, #tpu.memory_space<vmem>> -> memref<2x8x128xi32, #tpu.memory_space<vmem>>
            %dma_start3A_281 = arith.constant 0 : i32
            %dma_start3A_282 = arith.constant 0 : i32
            %dma_start3A_283 = arith.constant 0 : i32
            %dma_start3A_284 = tpu.memref_slice %arg3[%arg0, %add3A_264, %dma_start3A_281, %dma_start3A_282, %dma_start3A_283] : memref<2x320x2x8x128xi32, #tpu.memory_space<hbm>> -> memref<1x1x2x8x128xi32, #tpu.memory_space<hbm>>
            %dma_start3A_285 = tpu.memref_squeeze %dma_start3A_284 : memref<1x1x2x8x128xi32, #tpu.memory_space<hbm>> -> memref<2x8x128xi32, #tpu.memory_space<hbm>>
            tpu.enqueue_dma source(%dma_start3A_285 : memref<2x8x128xi32, #tpu.memory_space<hbm>>) target(%dma_start3A_280 : memref<2x8x128xi32, #tpu.memory_space<vmem>>) target_semaphore(%run_scoped3A_265 : memref<!tpu.dma_semaphore, #tpu.memory_space<semaphore_mem>>)
            %dma_wait3A_286 = arith.constant 0 : i32
            %dma_wait3A_287 = arith.constant 0 : i32
            %dma_wait3A_288 = arith.constant 0 : i32
            %dma_wait3A_289 = tpu.memref_slice %arg6[%rem3A_261, %dma_wait3A_286, %dma_wait3A_287, %dma_wait3A_288] : memref<2x2x8x128xi32, #tpu.memory_space<vmem>> -> memref<1x2x8x128xi32, #tpu.memory_space<vmem>>
            %dma_wait3A_290 = tpu.memref_squeeze %dma_wait3A_289 : memref<1x2x8x128xi32, #tpu.memory_space<vmem>> -> memref<2x8x128xi32, #tpu.memory_space<vmem>>
            %dma_wait3A_291 = arith.constant 0 : i32
            %dma_wait3A_292 = arith.constant 0 : i32
            %dma_wait3A_293 = arith.constant 0 : i32
            %dma_wait3A_294 = tpu.memref_slice %arg3[%arg0, %add3A_264, %dma_wait3A_291, %dma_wait3A_292, %dma_wait3A_293] : memref<2x320x2x8x128xi32, #tpu.memory_space<hbm>> -> memref<1x1x2x8x128xi32, #tpu.memory_space<hbm>>
            %dma_wait3A_295 = tpu.memref_squeeze %dma_wait3A_294 : memref<1x1x2x8x128xi32, #tpu.memory_space<hbm>> -> memref<2x8x128xi32, #tpu.memory_space<hbm>>
            %dma_wait3A_296 = arith.constant 0 : i32
            %dma_wait3A_297 = arith.constant 0 : i32
            %dma_wait3A_298 = arith.constant 0 : i32
            %dma_wait3A_299 = tpu.memref_slice %arg6[%rem3A_261, %dma_wait3A_296, %dma_wait3A_297, %dma_wait3A_298] : memref<2x2x8x128xi32, #tpu.memory_space<vmem>> -> memref<1x2x8x128xi32, #tpu.memory_space<vmem>>
            %dma_wait3A_300 = tpu.memref_squeeze %dma_wait3A_299 : memref<1x2x8x128xi32, #tpu.memory_space<vmem>> -> memref<2x8x128xi32, #tpu.memory_space<vmem>>
            %dma_wait3A_301 = arith.constant 0 : i32
            %dma_wait3A_302 = arith.constant 0 : i32
            %dma_wait3A_303 = arith.constant 0 : i32
            %dma_wait3A_304 = tpu.memref_slice %arg3[%arg0, %add3A_264, %dma_wait3A_301, %dma_wait3A_302, %dma_wait3A_303] : memref<2x320x2x8x128xi32, #tpu.memory_space<hbm>> -> memref<1x1x2x8x128xi32, #tpu.memory_space<hbm>>
            %dma_wait3A_305 = tpu.memref_squeeze %dma_wait3A_304 : memref<1x1x2x8x128xi32, #tpu.memory_space<hbm>> -> memref<2x8x128xi32, #tpu.memory_space<hbm>>
            tpu.wait_dma2 semaphore(%run_scoped3A_265 : memref<!tpu.dma_semaphore, #tpu.memory_space<semaphore_mem>>) src(%dma_wait3A_305 : memref<2x8x128xi32, #tpu.memory_space<hbm>>) dst(%dma_wait3A_300 : memref<2x8x128xi32, #tpu.memory_space<vmem>>)
            tpu.yield
          }) : () -> ()
        } else {
        }
        %mul3A_236 = arith.constant 1 : i32
        %mul3A_237 = arith.muli %sub3A_176, %mul3A_236 : i32
        %div3A_238 = arith.constant 8 : i32
        %div3A_239 = arith.divsi %mul3A_237, %div3A_238 : i32
        %rem3A_240 = arith.constant 8 : i32
        %rem3A_241 = arith.remsi %mul3A_237, %rem3A_240 : i32
        %rem3A_242 = arith.constant 2 : i32
        %rem3A_243 = arith.remsi %div3A_239, %rem3A_242 : i32
        %dma_start3A_244 = arith.constant 0 : i32
        %dma_start3A_245 = arith.constant 0 : i32
        %dma_start3A_246 = arith.constant 0 : i32
        %dma_start3A_247 = arith.constant 0 : i32
        %dma_start3A_248 = tpu.memref_slice %arg7[%dma_start3A_245, %dma_start3A_246, %dma_start3A_247] : memref<1x128x64xf32, #tpu.memory_space<vmem>> -> memref<1x128x64xf32, #tpu.memory_space<vmem>>
        %dma_start3A_249 = tpu.memref_squeeze %dma_start3A_248 : memref<1x128x64xf32, #tpu.memory_space<vmem>> -> memref<128x64xf32, #tpu.memory_space<vmem>>
        %dma_start3A_250 = arith.constant 0 : i32
        %dma_start3A_251 = tpu.memref_slice %arg6[%rem3A_243, %dma_start3A_244, %rem3A_241, %dma_start3A_250] : memref<2x2x8x128xi32, #tpu.memory_space<vmem>> -> memref<1x1x1x128xi32, #tpu.memory_space<vmem>>
        %dma_start3A_252 = tpu.memref_squeeze %dma_start3A_251 : memref<1x1x1x128xi32, #tpu.memory_space<vmem>> -> memref<128xi32, #tpu.memory_space<vmem>>
        %dma_start3A_253 = arith.constant 0 : i32
        %dma_start3A_254 = arith.constant 0 : i32
        %dma_start3A_255 = tpu.memref_slice %arg2[%dma_start3A_253, %dma_start3A_254] : memref<20000x64xf32, #tpu.memory_space<hbm>> -> memref<20000x64xf32, #tpu.memory_space<hbm>>
        tpu.enqueue_indirect_dma source(%dma_start3A_255 : memref<20000x64xf32, #tpu.memory_space<hbm>>) target(%dma_start3A_249 : memref<128x64xf32, #tpu.memory_space<vmem>>) offsets(%dma_start3A_252 : memref<128xi32, #tpu.memory_space<vmem>>) semaphore(%arg11 : memref<!tpu.dma_semaphore, #tpu.memory_space<semaphore_mem>>)
      } else {
      }
    }
    %scan3A_92 = arith.constant 80 : i32
    %dma_wait3A = arith.constant 0 : i32
    %dma_wait3A_93 = arith.constant 0 : i32
    %dma_wait3A_94 = arith.constant 1 : i32
    %dma_wait3A_95 = arith.constant 0 : i32
    %dma_wait3A_96 = arith.constant 0 : i32
    %dma_wait3A_97 = arith.constant 0 : i32
    %dma_wait3A_98 = tpu.memref_slice %arg8[%dma_wait3A, %dma_wait3A_96, %dma_wait3A_97] : memref<1x128x64xf32, #tpu.memory_space<vmem>> -> memref<1x128x64xf32, #tpu.memory_space<vmem>>
    %dma_wait3A_99 = tpu.memref_squeeze %dma_wait3A_98 : memref<1x128x64xf32, #tpu.memory_space<vmem>> -> memref<128x64xf32, #tpu.memory_space<vmem>>
    %dma_wait3A_100 = arith.constant 0 : i32
    %dma_wait3A_101 = tpu.memref_slice %arg6[%dma_wait3A_93, %dma_wait3A_94, %dma_wait3A_95, %dma_wait3A_100] : memref<2x2x8x128xi32, #tpu.memory_space<vmem>> -> memref<1x1x1x128xi32, #tpu.memory_space<vmem>>
    %dma_wait3A_102 = tpu.memref_squeeze %dma_wait3A_101 : memref<1x1x1x128xi32, #tpu.memory_space<vmem>> -> memref<128xi32, #tpu.memory_space<vmem>>
    %dma_wait3A_103 = arith.constant 0 : i32
    %dma_wait3A_104 = arith.constant 0 : i32
    %dma_wait3A_105 = tpu.memref_slice %arg10[%dma_wait3A_103, %dma_wait3A_104] : memref<20480x64xf32, #tpu.memory_space<vmem_shared>> -> memref<20480x64xf32, #tpu.memory_space<vmem_shared>>
    tpu.wait_indirect_dma semaphore(%arg14 : memref<!tpu.dma_semaphore, #tpu.memory_space<semaphore_mem>>) src(%dma_wait3A_99 : memref<128x64xf32, #tpu.memory_space<vmem>>) dst(%dma_wait3A_105 : memref<20480x64xf32, #tpu.memory_space<vmem_shared>>)
    %dma_wait3A_106 = arith.constant 0 : i32
    %dma_wait3A_107 = arith.constant 1 : i32
    %dma_wait3A_108 = arith.constant 0 : i32
    %dma_wait3A_109 = arith.constant 0 : i32
    %dma_wait3A_110 = tpu.memref_slice %arg6[%dma_wait3A_106, %dma_wait3A_107, %dma_wait3A_108, %dma_wait3A_109] : memref<2x2x8x128xi32, #tpu.memory_space<vmem>> -> memref<1x1x1x128xi32, #tpu.memory_space<vmem>>
    %dma_wait3A_111 = tpu.memref_squeeze %dma_wait3A_110 : memref<1x1x1x128xi32, #tpu.memory_space<vmem>> -> memref<128xi32, #tpu.memory_space<vmem>>
    %dma_wait3A_112 = arith.constant 0 : i32
    %dma_wait3A_113 = arith.constant 0 : i32
    %dma_wait3A_114 = tpu.memref_slice %arg16[%dma_wait3A_112, %dma_wait3A_113] : memref<20480x16xf32, #tpu.memory_space<vmem_shared>> -> memref<20480x16xf32, #tpu.memory_space<vmem_shared>>
    tpu.wait_indirect_dma semaphore(%arg15 : memref<!tpu.dma_semaphore, #tpu.memory_space<semaphore_mem>>) src(%arg9 : memref<128x16xf32, #tpu.memory_space<vmem>>) dst(%dma_wait3A_114 : memref<20480x16xf32, #tpu.memory_space<vmem_shared>>)
    %barrier3A_115 = arith.constant 0 : index
    tpu.barrier barrier_id(%barrier3A_115)
    "tpu.region"() ({
      %run_scoped3A_116 = tpu.sem_alloc : memref<!tpu.dma_semaphore, #tpu.memory_space<semaphore_mem>>
      %dma_start3A_117 = arith.constant 0 : i32
      %dma_start3A_118 = tpu.memref_slice %arg4[%arg0, %mul3A_6, %dma_start3A_117] : memref<2x20480x64xf32, #tpu.memory_space<hbm>> -> memref<1x1280x64xf32, #tpu.memory_space<hbm>>
      %dma_start3A_119 = tpu.memref_squeeze %dma_start3A_118 : memref<1x1280x64xf32, #tpu.memory_space<hbm>> -> memref<1280x64xf32, #tpu.memory_space<hbm>>
      %dma_start3A_120 = arith.constant 0 : i32
      %dma_start3A_121 = tpu.memref_slice %arg10[%mul3A_6, %dma_start3A_120] : memref<20480x64xf32, #tpu.memory_space<vmem_shared>> -> memref<1280x64xf32, #tpu.memory_space<vmem_shared>>
      tpu.enqueue_dma source(%dma_start3A_121 : memref<1280x64xf32, #tpu.memory_space<vmem_shared>>) target(%dma_start3A_119 : memref<1280x64xf32, #tpu.memory_space<hbm>>) target_semaphore(%run_scoped3A_116 : memref<!tpu.dma_semaphore, #tpu.memory_space<semaphore_mem>>)
      %dma_wait3A_122 = arith.constant 0 : i32
      %dma_wait3A_123 = tpu.memref_slice %arg4[%arg0, %mul3A_6, %dma_wait3A_122] : memref<2x20480x64xf32, #tpu.memory_space<hbm>> -> memref<1x1280x64xf32, #tpu.memory_space<hbm>>
      %dma_wait3A_124 = tpu.memref_squeeze %dma_wait3A_123 : memref<1x1280x64xf32, #tpu.memory_space<hbm>> -> memref<1280x64xf32, #tpu.memory_space<hbm>>
      %dma_wait3A_125 = arith.constant 0 : i32
      %dma_wait3A_126 = tpu.memref_slice %arg10[%mul3A_6, %dma_wait3A_125] : memref<20480x64xf32, #tpu.memory_space<vmem_shared>> -> memref<1280x64xf32, #tpu.memory_space<vmem_shared>>
      tpu.wait_dma2 semaphore(%run_scoped3A_116 : memref<!tpu.dma_semaphore, #tpu.memory_space<semaphore_mem>>) src(%dma_wait3A_126 : memref<1280x64xf32, #tpu.memory_space<vmem_shared>>) dst(%dma_wait3A_124 : memref<1280x64xf32, #tpu.memory_space<hbm>>)
      tpu.yield
    }) : () -> ()
    "tpu.region"() ({
      %run_scoped3A_116 = tpu.sem_alloc : memref<!tpu.dma_semaphore, #tpu.memory_space<semaphore_mem>>
      %dma_start3A_117 = arith.constant 0 : i32
      %dma_start3A_118 = tpu.memref_slice %arg5[%arg0, %mul3A_6, %dma_start3A_117] : memref<2x20480x16xf32, #tpu.memory_space<hbm>> -> memref<1x1280x16xf32, #tpu.memory_space<hbm>>
      %dma_start3A_119 = tpu.memref_squeeze %dma_start3A_118 : memref<1x1280x16xf32, #tpu.memory_space<hbm>> -> memref<1280x16xf32, #tpu.memory_space<hbm>>
      %dma_start3A_120 = arith.constant 0 : i32
      %dma_start3A_121 = tpu.memref_slice %arg16[%mul3A_6, %dma_start3A_120] : memref<20480x16xf32, #tpu.memory_space<vmem_shared>> -> memref<1280x16xf32, #tpu.memory_space<vmem_shared>>
      tpu.enqueue_dma source(%dma_start3A_121 : memref<1280x16xf32, #tpu.memory_space<vmem_shared>>) target(%dma_start3A_119 : memref<1280x16xf32, #tpu.memory_space<hbm>>) target_semaphore(%run_scoped3A_116 : memref<!tpu.dma_semaphore, #tpu.memory_space<semaphore_mem>>)
      %dma_wait3A_122 = arith.constant 0 : i32
      %dma_wait3A_123 = tpu.memref_slice %arg5[%arg0, %mul3A_6, %dma_wait3A_122] : memref<2x20480x16xf32, #tpu.memory_space<hbm>> -> memref<1x1280x16xf32, #tpu.memory_space<hbm>>
      %dma_wait3A_124 = tpu.memref_squeeze %dma_wait3A_123 : memref<1x1280x16xf32, #tpu.memory_space<hbm>> -> memref<1280x16xf32, #tpu.memory_space<hbm>>
      %dma_wait3A_125 = arith.constant 0 : i32
      %dma_wait3A_126 = tpu.memref_slice %arg16[%mul3A_6, %dma_wait3A_125] : memref<20480x16xf32, #tpu.memory_space<vmem_shared>> -> memref<1280x16xf32, #tpu.memory_space<vmem_shared>>
      tpu.wait_dma2 semaphore(%run_scoped3A_116 : memref<!tpu.dma_semaphore, #tpu.memory_space<semaphore_mem>>) src(%dma_wait3A_126 : memref<1280x16xf32, #tpu.memory_space<vmem_shared>>) dst(%dma_wait3A_124 : memref<1280x16xf32, #tpu.memory_space<hbm>>)
      tpu.yield
    }) : () -> ()
    return
  }
}

module attributes {stable_mosaic.version = 14 : i64} {
  func.func @body(%arg0: i32, %arg1: memref<1x400x64xf32, #tpu.memory_space<vmem>>, %arg2: memref<1x400x64xf32, #tpu.memory_space<vmem>>, %arg3: memref<1x400x64xf32, #tpu.memory_space<vmem>>, %arg4: memref<1x400x64xf32, #tpu.memory_space<vmem>>, %arg5: memref<400x128xf32, #tpu.memory_space<vmem>>, %arg6: memref<400x128xf32, #tpu.memory_space<vmem>>, %arg7: memref<2x64x128xf32, #tpu.memory_space<vmem>>, %arg8: memref<2x64x128xf32, #tpu.memory_space<vmem>>, %arg9: memref<128x128xf32, #tpu.memory_space<vmem>>, %arg10: memref<8x128xf32, #tpu.memory_space<vmem>>, %arg11: memref<400x128xf32, #tpu.memory_space<vmem>>) attributes {dimension_semantics = [#tpu.dimension_semantics<arbitrary>], iteration_bounds = array<i64: 25>, scalar_prefetch = 0 : i64, scratch_operands = 0 : i64, tpu.core_type = #tpu.core_type<tc>, window_params = [{transform_indices = @transform_0, window_bounds = array<i64: 1, 400, 64>}, {transform_indices = @transform_1, window_bounds = array<i64: 1, 400, 64>}, {transform_indices = @transform_2, window_bounds = array<i64: 1, 400, 64>}, {transform_indices = @transform_3, window_bounds = array<i64: 1, 400, 64>}, {transform_indices = @transform_4, window_bounds = array<i64: 400, 128>}, {transform_indices = @transform_5, window_bounds = array<i64: 400, 128>}, {pipeline_mode = #tpu.pipeline_mode<synchronous>, transform_indices = @transform_6, window_bounds = array<i64: 2, 64, 128>}, {pipeline_mode = #tpu.pipeline_mode<synchronous>, transform_indices = @transform_7, window_bounds = array<i64: 2, 64, 128>}, {pipeline_mode = #tpu.pipeline_mode<synchronous>, transform_indices = @transform_8, window_bounds = array<i64: 128, 128>}, {pipeline_mode = #tpu.pipeline_mode<synchronous>, transform_indices = @transform_9, window_bounds = array<i64: 8, 128>}, {transform_indices = @transform_10, window_bounds = array<i64: 400, 128>}]} {
    %get3A = arith.constant 0 : index
    %get3A_0 = arith.constant 0 : index
    %get3A_1 = vector.load %arg5[%get3A, %get3A_0] : memref<400x128xf32, #tpu.memory_space<vmem>>, vector<400x1xf32>
    %max3A = arith.constant 1.000000e+00 : f32
    %max3A_2 = vector.broadcast %max3A : f32 to vector<400x1xf32>
    %max3A_3 = arith.maximumf %get3A_1, %max3A_2 : vector<400x1xf32>
    %div3A = arith.constant 1.000000e+00 : f32
    %div3A_4 = vector.broadcast %div3A : f32 to vector<400x1xf32>
    %div3A_5 = arith.divf %div3A_4, %max3A_3 : vector<400x1xf32>
    %get3A_6 = arith.constant 0 : index
    %get3A_7 = arith.constant 1 : index
    %get3A_8 = vector.load %arg5[%get3A_6, %get3A_7] : memref<400x128xf32, #tpu.memory_space<vmem>>, vector<400x1xf32>
    %max3A_9 = arith.constant 1.000000e+00 : f32
    %max3A_10 = vector.broadcast %max3A_9 : f32 to vector<400x1xf32>
    %max3A_11 = arith.maximumf %get3A_8, %max3A_10 : vector<400x1xf32>
    %div3A_12 = arith.constant 1.000000e+00 : f32
    %div3A_13 = vector.broadcast %div3A_12 : f32 to vector<400x1xf32>
    %div3A_14 = arith.divf %div3A_13, %max3A_11 : vector<400x1xf32>
    %get3A_15 = arith.constant 0 : index
    %get3A_16 = arith.constant 0 : index
    %get3A_17 = arith.constant 0 : index
    %get3A_18 = vector.load %arg1[%get3A_15, %get3A_16, %get3A_17] : memref<1x400x64xf32, #tpu.memory_space<vmem>>, vector<1x400x64xf32>
    %get3A_19 = vector.shape_cast %get3A_18 : vector<1x400x64xf32> to vector<400x64xf32>
    %get3A_20 = arith.constant 0 : index
    %get3A_21 = arith.constant 0 : index
    %get3A_22 = arith.constant 0 : index
    %get3A_23 = vector.load %arg7[%get3A_20, %get3A_21, %get3A_22] : memref<2x64x128xf32, #tpu.memory_space<vmem>>, vector<1x64x128xf32>
    %get3A_24 = vector.shape_cast %get3A_23 : vector<1x64x128xf32> to vector<64x128xf32>
    %dot_general3A = arith.constant dense<0.000000e+00> : vector<400x128xf32>
    %dot_general3A_25 = tpu.matmul %get3A_19, %get3A_24, %dot_general3A {dimension_numbers = #tpu.dot_dimension_numbers<[1], [0], [0], [1], [0, 0, 1, 1], [], []>, transpose_lhs_hint = false} : vector<400x64xf32>, vector<64x128xf32>, vector<400x128xf32> -> vector<400x128xf32>
    %get3A_26 = arith.constant 0 : index
    %get3A_27 = arith.constant 0 : index
    %get3A_28 = arith.constant 0 : index
    %get3A_29 = vector.load %arg3[%get3A_26, %get3A_27, %get3A_28] : memref<1x400x64xf32, #tpu.memory_space<vmem>>, vector<1x400x64xf32>
    %get3A_30 = vector.shape_cast %get3A_29 : vector<1x400x64xf32> to vector<400x64xf32>
    %get3A_31 = arith.constant 0 : index
    %get3A_32 = arith.constant 0 : index
    %get3A_33 = arith.constant 0 : index
    %get3A_34 = vector.load %arg8[%get3A_31, %get3A_32, %get3A_33] : memref<2x64x128xf32, #tpu.memory_space<vmem>>, vector<1x64x128xf32>
    %get3A_35 = vector.shape_cast %get3A_34 : vector<1x64x128xf32> to vector<64x128xf32>
    %dot_general3A_36 = arith.constant dense<0.000000e+00> : vector<400x128xf32>
    %dot_general3A_37 = tpu.matmul %get3A_30, %get3A_35, %dot_general3A_36 {dimension_numbers = #tpu.dot_dimension_numbers<[1], [0], [0], [1], [0, 0, 1, 1], [], []>, transpose_lhs_hint = false} : vector<400x64xf32>, vector<64x128xf32>, vector<400x128xf32> -> vector<400x128xf32>
    %add3A = arith.addf %dot_general3A_25, %dot_general3A_37 : vector<400x128xf32>
    %get3A_38 = arith.constant 0 : index
    %get3A_39 = arith.constant 0 : index
    %get3A_40 = arith.constant 0 : index
    %get3A_41 = vector.load %arg2[%get3A_38, %get3A_39, %get3A_40] : memref<1x400x64xf32, #tpu.memory_space<vmem>>, vector<1x400x64xf32>
    %get3A_42 = vector.shape_cast %get3A_41 : vector<1x400x64xf32> to vector<400x64xf32>
    %get3A_43 = arith.constant 1 : index
    %get3A_44 = arith.constant 0 : index
    %get3A_45 = arith.constant 0 : index
    %get3A_46 = vector.load %arg7[%get3A_43, %get3A_44, %get3A_45] : memref<2x64x128xf32, #tpu.memory_space<vmem>>, vector<1x64x128xf32>
    %get3A_47 = vector.shape_cast %get3A_46 : vector<1x64x128xf32> to vector<64x128xf32>
    %dot_general3A_48 = arith.constant dense<0.000000e+00> : vector<400x128xf32>
    %dot_general3A_49 = tpu.matmul %get3A_42, %get3A_47, %dot_general3A_48 {dimension_numbers = #tpu.dot_dimension_numbers<[1], [0], [0], [1], [0, 0, 1, 1], [], []>, transpose_lhs_hint = false} : vector<400x64xf32>, vector<64x128xf32>, vector<400x128xf32> -> vector<400x128xf32>
    %get3A_50 = arith.constant 0 : index
    %get3A_51 = arith.constant 0 : index
    %get3A_52 = arith.constant 0 : index
    %get3A_53 = vector.load %arg4[%get3A_50, %get3A_51, %get3A_52] : memref<1x400x64xf32, #tpu.memory_space<vmem>>, vector<1x400x64xf32>
    %get3A_54 = vector.shape_cast %get3A_53 : vector<1x400x64xf32> to vector<400x64xf32>
    %get3A_55 = arith.constant 1 : index
    %get3A_56 = arith.constant 0 : index
    %get3A_57 = arith.constant 0 : index
    %get3A_58 = vector.load %arg8[%get3A_55, %get3A_56, %get3A_57] : memref<2x64x128xf32, #tpu.memory_space<vmem>>, vector<1x64x128xf32>
    %get3A_59 = vector.shape_cast %get3A_58 : vector<1x64x128xf32> to vector<64x128xf32>
    %dot_general3A_60 = arith.constant dense<0.000000e+00> : vector<400x128xf32>
    %dot_general3A_61 = tpu.matmul %get3A_54, %get3A_59, %dot_general3A_60 {dimension_numbers = #tpu.dot_dimension_numbers<[1], [0], [0], [1], [0, 0, 1, 1], [], []>, transpose_lhs_hint = false} : vector<400x64xf32>, vector<64x128xf32>, vector<400x128xf32> -> vector<400x128xf32>
    %add3A_62 = arith.addf %dot_general3A_49, %dot_general3A_61 : vector<400x128xf32>
    %mul3A = vector.broadcast %div3A_5 : vector<400x1xf32> to vector<400x128xf32>
    %mul3A_63 = arith.mulf %add3A, %mul3A : vector<400x128xf32>
    %mul3A_64 = vector.broadcast %div3A_14 : vector<400x1xf32> to vector<400x128xf32>
    %mul3A_65 = arith.mulf %add3A_62, %mul3A_64 : vector<400x128xf32>
    %add3A_66 = arith.addf %mul3A_63, %mul3A_65 : vector<400x128xf32>
    %get3A_67 = arith.constant 0 : index
    %get3A_68 = arith.constant 0 : index
    %get3A_69 = vector.load %arg6[%get3A_67, %get3A_68] : memref<400x128xf32, #tpu.memory_space<vmem>>, vector<400x128xf32>
    %get3A_70 = arith.constant 0 : index
    %get3A_71 = arith.constant 0 : index
    %get3A_72 = vector.load %arg9[%get3A_70, %get3A_71] : memref<128x128xf32, #tpu.memory_space<vmem>>, vector<128x128xf32>
    %dot_general3A_73 = arith.constant dense<0.000000e+00> : vector<400x128xf32>
    %dot_general3A_74 = tpu.matmul %get3A_69, %get3A_72, %dot_general3A_73 {dimension_numbers = #tpu.dot_dimension_numbers<[1], [0], [0], [1], [0, 0, 1, 1], [], []>, transpose_lhs_hint = false} : vector<400x128xf32>, vector<128x128xf32>, vector<400x128xf32> -> vector<400x128xf32>
    %add3A_75 = arith.addf %add3A_66, %dot_general3A_74 : vector<400x128xf32>
    %get3A_76 = arith.constant 0 : index
    %get3A_77 = arith.constant 0 : index
    %get3A_78 = vector.load %arg10[%get3A_76, %get3A_77] : memref<8x128xf32, #tpu.memory_space<vmem>>, vector<1x128xf32>
    %add3A_79 = vector.broadcast %get3A_78 : vector<1x128xf32> to vector<400x128xf32>
    %add3A_80 = arith.addf %add3A_75, %add3A_79 : vector<400x128xf32>
    %max3A_81 = arith.constant 0.000000e+00 : f32
    %max3A_82 = vector.broadcast %max3A_81 : f32 to vector<400x128xf32>
    %max3A_83 = arith.maximumf %add3A_80, %max3A_82 : vector<400x128xf32>
    %swap3A = arith.constant 0 : index
    %swap3A_84 = arith.constant 0 : index
    %swap3A_85 = vector.load %arg11[%swap3A, %swap3A_84] : memref<400x128xf32, #tpu.memory_space<vmem>>, vector<400x128xf32>
    tpu.vector_store %arg11[%swap3A, %swap3A_84], %max3A_83 {strides = array<i32>} : memref<400x128xf32, #tpu.memory_space<vmem>>, vector<400x128xf32>,
    return
  }
  func.func @transform_0(%arg0: i32) -> (i32, i32, i32) {
    %c0_i32 = arith.constant 0 : i32
    %c0_i32_0 = arith.constant 0 : i32
    %c0_i32_1 = arith.constant 0 : i32
    return %c0_i32, %arg0, %c0_i32_0 : i32, i32, i32
  }
  func.func @transform_1(%arg0: i32) -> (i32, i32, i32) {
    %add3A = arith.constant 25 : i32
    %add3A_0 = arith.addi %arg0, %add3A : i32
    %c0_i32 = arith.constant 0 : i32
    %c0_i32_1 = arith.constant 0 : i32
    %c0_i32_2 = arith.constant 0 : i32
    return %c0_i32, %add3A_0, %c0_i32_1 : i32, i32, i32
  }
  func.func @transform_2(%arg0: i32) -> (i32, i32, i32) {
    %c1_i32 = arith.constant 1 : i32
    %c0_i32 = arith.constant 0 : i32
    %c0_i32_0 = arith.constant 0 : i32
    return %c1_i32, %arg0, %c0_i32 : i32, i32, i32
  }
  func.func @transform_3(%arg0: i32) -> (i32, i32, i32) {
    %add3A = arith.constant 25 : i32
    %add3A_0 = arith.addi %arg0, %add3A : i32
    %c1_i32 = arith.constant 1 : i32
    %c0_i32 = arith.constant 0 : i32
    %c0_i32_1 = arith.constant 0 : i32
    return %c1_i32, %add3A_0, %c0_i32 : i32, i32, i32
  }
  func.func @transform_4(%arg0: i32) -> (i32, i32) {
    %c0_i32 = arith.constant 0 : i32
    %c0_i32_0 = arith.constant 0 : i32
    return %arg0, %c0_i32 : i32, i32
  }
  func.func @transform_5(%arg0: i32) -> (i32, i32) {
    %c0_i32 = arith.constant 0 : i32
    %c0_i32_0 = arith.constant 0 : i32
    return %arg0, %c0_i32 : i32, i32
  }
  func.func @transform_6(%arg0: i32) -> (i32, i32, i32) {
    %c0_i32 = arith.constant 0 : i32
    %c0_i32_0 = arith.constant 0 : i32
    %c0_i32_1 = arith.constant 0 : i32
    %c0_i32_2 = arith.constant 0 : i32
    return %c0_i32, %c0_i32_0, %c0_i32_1 : i32, i32, i32
  }
  func.func @transform_7(%arg0: i32) -> (i32, i32, i32) {
    %c0_i32 = arith.constant 0 : i32
    %c0_i32_0 = arith.constant 0 : i32
    %c0_i32_1 = arith.constant 0 : i32
    %c0_i32_2 = arith.constant 0 : i32
    return %c0_i32, %c0_i32_0, %c0_i32_1 : i32, i32, i32
  }
  func.func @transform_8(%arg0: i32) -> (i32, i32) {
    %c0_i32 = arith.constant 0 : i32
    %c0_i32_0 = arith.constant 0 : i32
    %c0_i32_1 = arith.constant 0 : i32
    return %c0_i32, %c0_i32_0 : i32, i32
  }
  func.func @transform_9(%arg0: i32) -> (i32, i32) {
    %c0_i32 = arith.constant 0 : i32
    %c0_i32_0 = arith.constant 0 : i32
    %c0_i32_1 = arith.constant 0 : i32
    return %c0_i32, %c0_i32_0 : i32, i32
  }
  func.func @transform_10(%arg0: i32) -> (i32, i32) {
    %c0_i32 = arith.constant 0 : i32
    %c0_i32_0 = arith.constant 0 : i32
    return %arg0, %c0_i32 : i32, i32
  }
}

module attributes {stable_mosaic.version = 14 : i64} {
  func.func @body(%arg0: i32, %arg1: memref<1x400x64xf32, #tpu.memory_space<vmem>>, %arg2: memref<1x400x64xf32, #tpu.memory_space<vmem>>, %arg3: memref<1x400x64xf32, #tpu.memory_space<vmem>>, %arg4: memref<1x400x64xf32, #tpu.memory_space<vmem>>, %arg5: memref<400x128xf32, #tpu.memory_space<vmem>>, %arg6: memref<400x128xf32, #tpu.memory_space<vmem>>, %arg7: memref<2x64x128xf32, #tpu.memory_space<vmem>>, %arg8: memref<2x64x128xf32, #tpu.memory_space<vmem>>, %arg9: memref<128x128xf32, #tpu.memory_space<vmem>>, %arg10: memref<8x128xf32, #tpu.memory_space<vmem>>, %arg11: memref<400x128xf32, #tpu.memory_space<vmem>>) attributes {dimension_semantics = [#tpu.dimension_semantics<arbitrary>], iteration_bounds = array<i64: 25>, scalar_prefetch = 0 : i64, scratch_operands = 0 : i64, tpu.core_type = #tpu.core_type<tc>, window_params = [{transform_indices = @transform_0, window_bounds = array<i64: 1, 400, 64>}, {transform_indices = @transform_1, window_bounds = array<i64: 1, 400, 64>}, {transform_indices = @transform_2, window_bounds = array<i64: 1, 400, 64>}, {transform_indices = @transform_3, window_bounds = array<i64: 1, 400, 64>}, {transform_indices = @transform_4, window_bounds = array<i64: 400, 128>}, {transform_indices = @transform_5, window_bounds = array<i64: 400, 128>}, {pipeline_mode = #tpu.pipeline_mode<synchronous>, transform_indices = @transform_6, window_bounds = array<i64: 2, 64, 128>}, {pipeline_mode = #tpu.pipeline_mode<synchronous>, transform_indices = @transform_7, window_bounds = array<i64: 2, 64, 128>}, {pipeline_mode = #tpu.pipeline_mode<synchronous>, transform_indices = @transform_8, window_bounds = array<i64: 128, 128>}, {pipeline_mode = #tpu.pipeline_mode<synchronous>, transform_indices = @transform_9, window_bounds = array<i64: 8, 128>}, {transform_indices = @transform_10, window_bounds = array<i64: 400, 128>}]} {
    %get3A = arith.constant 0 : index
    %get3A_0 = arith.constant 0 : index
    %get3A_1 = vector.load %arg5[%get3A, %get3A_0] : memref<400x128xf32, #tpu.memory_space<vmem>>, vector<400x1xf32>
    %max3A = arith.constant 1.000000e+00 : f32
    %max3A_2 = vector.broadcast %max3A : f32 to vector<400x1xf32>
    %max3A_3 = arith.maximumf %get3A_1, %max3A_2 : vector<400x1xf32>
    %div3A = arith.constant 1.000000e+00 : f32
    %div3A_4 = vector.broadcast %div3A : f32 to vector<400x1xf32>
    %div3A_5 = arith.divf %div3A_4, %max3A_3 : vector<400x1xf32>
    %get3A_6 = arith.constant 0 : index
    %get3A_7 = arith.constant 1 : index
    %get3A_8 = vector.load %arg5[%get3A_6, %get3A_7] : memref<400x128xf32, #tpu.memory_space<vmem>>, vector<400x1xf32>
    %max3A_9 = arith.constant 1.000000e+00 : f32
    %max3A_10 = vector.broadcast %max3A_9 : f32 to vector<400x1xf32>
    %max3A_11 = arith.maximumf %get3A_8, %max3A_10 : vector<400x1xf32>
    %div3A_12 = arith.constant 1.000000e+00 : f32
    %div3A_13 = vector.broadcast %div3A_12 : f32 to vector<400x1xf32>
    %div3A_14 = arith.divf %div3A_13, %max3A_11 : vector<400x1xf32>
    %get3A_15 = arith.constant 0 : index
    %get3A_16 = arith.constant 0 : index
    %get3A_17 = arith.constant 0 : index
    %get3A_18 = vector.load %arg1[%get3A_15, %get3A_16, %get3A_17] : memref<1x400x64xf32, #tpu.memory_space<vmem>>, vector<1x400x64xf32>
    %get3A_19 = vector.shape_cast %get3A_18 : vector<1x400x64xf32> to vector<400x64xf32>
    %get3A_20 = arith.constant 0 : index
    %get3A_21 = arith.constant 0 : index
    %get3A_22 = arith.constant 0 : index
    %get3A_23 = vector.load %arg7[%get3A_20, %get3A_21, %get3A_22] : memref<2x64x128xf32, #tpu.memory_space<vmem>>, vector<1x64x128xf32>
    %get3A_24 = vector.shape_cast %get3A_23 : vector<1x64x128xf32> to vector<64x128xf32>
    %dot_general3A = arith.constant dense<0.000000e+00> : vector<400x128xf32>
    %dot_general3A_25 = tpu.matmul %get3A_19, %get3A_24, %dot_general3A {dimension_numbers = #tpu.dot_dimension_numbers<[1], [0], [0], [1], [0, 0, 1, 1], [], []>, transpose_lhs_hint = false} : vector<400x64xf32>, vector<64x128xf32>, vector<400x128xf32> -> vector<400x128xf32>
    %get3A_26 = arith.constant 0 : index
    %get3A_27 = arith.constant 0 : index
    %get3A_28 = arith.constant 0 : index
    %get3A_29 = vector.load %arg3[%get3A_26, %get3A_27, %get3A_28] : memref<1x400x64xf32, #tpu.memory_space<vmem>>, vector<1x400x64xf32>
    %get3A_30 = vector.shape_cast %get3A_29 : vector<1x400x64xf32> to vector<400x64xf32>
    %get3A_31 = arith.constant 0 : index
    %get3A_32 = arith.constant 0 : index
    %get3A_33 = arith.constant 0 : index
    %get3A_34 = vector.load %arg8[%get3A_31, %get3A_32, %get3A_33] : memref<2x64x128xf32, #tpu.memory_space<vmem>>, vector<1x64x128xf32>
    %get3A_35 = vector.shape_cast %get3A_34 : vector<1x64x128xf32> to vector<64x128xf32>
    %dot_general3A_36 = arith.constant dense<0.000000e+00> : vector<400x128xf32>
    %dot_general3A_37 = tpu.matmul %get3A_30, %get3A_35, %dot_general3A_36 {dimension_numbers = #tpu.dot_dimension_numbers<[1], [0], [0], [1], [0, 0, 1, 1], [], []>, transpose_lhs_hint = false} : vector<400x64xf32>, vector<64x128xf32>, vector<400x128xf32> -> vector<400x128xf32>
    %add3A = arith.addf %dot_general3A_25, %dot_general3A_37 : vector<400x128xf32>
    %get3A_38 = arith.constant 0 : index
    %get3A_39 = arith.constant 0 : index
    %get3A_40 = arith.constant 0 : index
    %get3A_41 = vector.load %arg2[%get3A_38, %get3A_39, %get3A_40] : memref<1x400x64xf32, #tpu.memory_space<vmem>>, vector<1x400x64xf32>
    %get3A_42 = vector.shape_cast %get3A_41 : vector<1x400x64xf32> to vector<400x64xf32>
    %get3A_43 = arith.constant 1 : index
    %get3A_44 = arith.constant 0 : index
    %get3A_45 = arith.constant 0 : index
    %get3A_46 = vector.load %arg7[%get3A_43, %get3A_44, %get3A_45] : memref<2x64x128xf32, #tpu.memory_space<vmem>>, vector<1x64x128xf32>
    %get3A_47 = vector.shape_cast %get3A_46 : vector<1x64x128xf32> to vector<64x128xf32>
    %dot_general3A_48 = arith.constant dense<0.000000e+00> : vector<400x128xf32>
    %dot_general3A_49 = tpu.matmul %get3A_42, %get3A_47, %dot_general3A_48 {dimension_numbers = #tpu.dot_dimension_numbers<[1], [0], [0], [1], [0, 0, 1, 1], [], []>, transpose_lhs_hint = false} : vector<400x64xf32>, vector<64x128xf32>, vector<400x128xf32> -> vector<400x128xf32>
    %get3A_50 = arith.constant 0 : index
    %get3A_51 = arith.constant 0 : index
    %get3A_52 = arith.constant 0 : index
    %get3A_53 = vector.load %arg4[%get3A_50, %get3A_51, %get3A_52] : memref<1x400x64xf32, #tpu.memory_space<vmem>>, vector<1x400x64xf32>
    %get3A_54 = vector.shape_cast %get3A_53 : vector<1x400x64xf32> to vector<400x64xf32>
    %get3A_55 = arith.constant 1 : index
    %get3A_56 = arith.constant 0 : index
    %get3A_57 = arith.constant 0 : index
    %get3A_58 = vector.load %arg8[%get3A_55, %get3A_56, %get3A_57] : memref<2x64x128xf32, #tpu.memory_space<vmem>>, vector<1x64x128xf32>
    %get3A_59 = vector.shape_cast %get3A_58 : vector<1x64x128xf32> to vector<64x128xf32>
    %dot_general3A_60 = arith.constant dense<0.000000e+00> : vector<400x128xf32>
    %dot_general3A_61 = tpu.matmul %get3A_54, %get3A_59, %dot_general3A_60 {dimension_numbers = #tpu.dot_dimension_numbers<[1], [0], [0], [1], [0, 0, 1, 1], [], []>, transpose_lhs_hint = false} : vector<400x64xf32>, vector<64x128xf32>, vector<400x128xf32> -> vector<400x128xf32>
    %add3A_62 = arith.addf %dot_general3A_49, %dot_general3A_61 : vector<400x128xf32>
    %mul3A = vector.broadcast %div3A_5 : vector<400x1xf32> to vector<400x128xf32>
    %mul3A_63 = arith.mulf %add3A, %mul3A : vector<400x128xf32>
    %mul3A_64 = vector.broadcast %div3A_14 : vector<400x1xf32> to vector<400x128xf32>
    %mul3A_65 = arith.mulf %add3A_62, %mul3A_64 : vector<400x128xf32>
    %add3A_66 = arith.addf %mul3A_63, %mul3A_65 : vector<400x128xf32>
    %get3A_67 = arith.constant 0 : index
    %get3A_68 = arith.constant 0 : index
    %get3A_69 = vector.load %arg6[%get3A_67, %get3A_68] : memref<400x128xf32, #tpu.memory_space<vmem>>, vector<400x128xf32>
    %get3A_70 = arith.constant 0 : index
    %get3A_71 = arith.constant 0 : index
    %get3A_72 = vector.load %arg9[%get3A_70, %get3A_71] : memref<128x128xf32, #tpu.memory_space<vmem>>, vector<128x128xf32>
    %dot_general3A_73 = arith.constant dense<0.000000e+00> : vector<400x128xf32>
    %dot_general3A_74 = tpu.matmul %get3A_69, %get3A_72, %dot_general3A_73 {dimension_numbers = #tpu.dot_dimension_numbers<[1], [0], [0], [1], [0, 0, 1, 1], [], []>, transpose_lhs_hint = false} : vector<400x128xf32>, vector<128x128xf32>, vector<400x128xf32> -> vector<400x128xf32>
    %add3A_75 = arith.addf %add3A_66, %dot_general3A_74 : vector<400x128xf32>
    %get3A_76 = arith.constant 0 : index
    %get3A_77 = arith.constant 0 : index
    %get3A_78 = vector.load %arg10[%get3A_76, %get3A_77] : memref<8x128xf32, #tpu.memory_space<vmem>>, vector<1x128xf32>
    %add3A_79 = vector.broadcast %get3A_78 : vector<1x128xf32> to vector<400x128xf32>
    %add3A_80 = arith.addf %add3A_75, %add3A_79 : vector<400x128xf32>
    %mul3A_81 = arith.mulf %add3A_80, %add3A_80 : vector<400x128xf32>
    %reduce_sum3A = arith.constant dense<0.000000e+00> : vector<400xf32>
    %reduce_sum3A_82 = vector.multi_reduction <add>, %mul3A_81, %reduce_sum3A [1] : vector<400x128xf32> to vector<400xf32>
    %broadcast_in_dim3A = vector.shape_cast %reduce_sum3A_82 : vector<400xf32> to vector<400x1xf32>
    %sqrt3A = math.sqrt %broadcast_in_dim3A : vector<400x1xf32>
    %max3A_83 = arith.constant 9.99999996E-13 : f32
    %max3A_84 = vector.broadcast %max3A_83 : f32 to vector<400x1xf32>
    %max3A_85 = arith.maximumf %sqrt3A, %max3A_84 : vector<400x1xf32>
    %div3A_86 = vector.broadcast %max3A_85 : vector<400x1xf32> to vector<400x128xf32>
    %div3A_87 = arith.divf %add3A_80, %div3A_86 : vector<400x128xf32>
    %swap3A = arith.constant 0 : index
    %swap3A_88 = arith.constant 0 : index
    %swap3A_89 = vector.load %arg11[%swap3A, %swap3A_88] : memref<400x128xf32, #tpu.memory_space<vmem>>, vector<400x128xf32>
    tpu.vector_store %arg11[%swap3A, %swap3A_88], %div3A_87 {strides = array<i32>} : memref<400x128xf32, #tpu.memory_space<vmem>>, vector<400x128xf32>,
    return
  }
  func.func @transform_0(%arg0: i32) -> (i32, i32, i32) {
    %c0_i32 = arith.constant 0 : i32
    %c0_i32_0 = arith.constant 0 : i32
    %c0_i32_1 = arith.constant 0 : i32
    return %c0_i32, %arg0, %c0_i32_0 : i32, i32, i32
  }
  func.func @transform_1(%arg0: i32) -> (i32, i32, i32) {
    %add3A = arith.constant 25 : i32
    %add3A_0 = arith.addi %arg0, %add3A : i32
    %c0_i32 = arith.constant 0 : i32
    %c0_i32_1 = arith.constant 0 : i32
    %c0_i32_2 = arith.constant 0 : i32
    return %c0_i32, %add3A_0, %c0_i32_1 : i32, i32, i32
  }
  func.func @transform_2(%arg0: i32) -> (i32, i32, i32) {
    %c1_i32 = arith.constant 1 : i32
    %c0_i32 = arith.constant 0 : i32
    %c0_i32_0 = arith.constant 0 : i32
    return %c1_i32, %arg0, %c0_i32 : i32, i32, i32
  }
  func.func @transform_3(%arg0: i32) -> (i32, i32, i32) {
    %add3A = arith.constant 25 : i32
    %add3A_0 = arith.addi %arg0, %add3A : i32
    %c1_i32 = arith.constant 1 : i32
    %c0_i32 = arith.constant 0 : i32
    %c0_i32_1 = arith.constant 0 : i32
    return %c1_i32, %add3A_0, %c0_i32 : i32, i32, i32
  }
  func.func @transform_4(%arg0: i32) -> (i32, i32) {
    %c0_i32 = arith.constant 0 : i32
    %c0_i32_0 = arith.constant 0 : i32
    return %arg0, %c0_i32 : i32, i32
  }
  func.func @transform_5(%arg0: i32) -> (i32, i32) {
    %c0_i32 = arith.constant 0 : i32
    %c0_i32_0 = arith.constant 0 : i32
    return %arg0, %c0_i32 : i32, i32
  }
  func.func @transform_6(%arg0: i32) -> (i32, i32, i32) {
    %c0_i32 = arith.constant 0 : i32
    %c0_i32_0 = arith.constant 0 : i32
    %c0_i32_1 = arith.constant 0 : i32
    %c0_i32_2 = arith.constant 0 : i32
    return %c0_i32, %c0_i32_0, %c0_i32_1 : i32, i32, i32
  }
  func.func @transform_7(%arg0: i32) -> (i32, i32, i32) {
    %c0_i32 = arith.constant 0 : i32
    %c0_i32_0 = arith.constant 0 : i32
    %c0_i32_1 = arith.constant 0 : i32
    %c0_i32_2 = arith.constant 0 : i32
    return %c0_i32, %c0_i32_0, %c0_i32_1 : i32, i32, i32
  }
  func.func @transform_8(%arg0: i32) -> (i32, i32) {
    %c0_i32 = arith.constant 0 : i32
    %c0_i32_0 = arith.constant 0 : i32
    %c0_i32_1 = arith.constant 0 : i32
    return %c0_i32, %c0_i32_0 : i32, i32
  }
  func.func @transform_9(%arg0: i32) -> (i32, i32) {
    %c0_i32 = arith.constant 0 : i32
    %c0_i32_0 = arith.constant 0 : i32
    %c0_i32_1 = arith.constant 0 : i32
    return %c0_i32, %c0_i32_0 : i32, i32
  }
  func.func @transform_10(%arg0: i32) -> (i32, i32) {
    %c0_i32 = arith.constant 0 : i32
    %c0_i32_0 = arith.constant 0 : i32
    return %arg0, %c0_i32 : i32, i32
  }
}

</mosaic_0001>

<sc_bundles>
// kernel: kernel.6.cloned.1.call-start
scs
__scs_entry_jumppad:
0x0: {  	(pc) =	sbr.rel $0x88, $3  }
0x1: {  	(tag) =	ssettag $0x0;
	lr =	simm.s32 $0x1  }
0x2: {  	[smem:$0x3F98] =	sst lr;
	_ =	strace $0xD0000000  }
0x3: {  	_ = 	snop  }
0x4: {  	_ = 	snop  }
0x5: {  	_ = 	snop  }
0x6: {  	_ = 	snop  }
0x7: {  	_ = 	snop  }
__scs_overlays_trampoline_lowered:
0x8: {  	[smem:$0x3FA7] =	sst s0  }
0x9: {  	[smem:$0x3FA8] =	sst s1  }
0xa: {  	[smem:$0x3FA9] =	sst s2  }
0xb: {  	[smem:$0x3FAA] =	sst s3  }
0xc: {  	[smem:$0x3FAB] =	sst s4  }
0xd: {  	[smem:$0x3FAC] =	sst s5  }
0xe: {  	[smem:$0x3FAD] =	sst s6  }
0xf: {  	[smem:$0x3FAE] =	sst s7  }
0x10: {  	[smem:$0x3FAF] =	sst s8  }
0x11: {  	[smem:$0x3FB0] =	sst s9;
	s0 =	simm.s32 @!p0 $0x0  }
0x12: {  	s1 =	sld [smem:$0x3F96];
	s0 =	simm.s32 @p0 $0x1  }
0x13: {  	[smem:$0x3FB1] =	sst s0;
	s0 =	simm.s32 @!p1 $0x0  }
0x14: {  	s2 =	sld [smem:$0x3F95];
	s0 =	simm.s32 @p1 $0x1  }
0x15: {  	[smem:$0x3FB2] =	sst s0;
	s0 =	simm.s32 @!p2 $0x0  }
0x16: {  	s3 =	sld [smem:$0x3FDB];
	s0 =	simm.s32 @p2 $0x1  }
0x17: {  	s4 =	simm.s32 $0x1BF5;
	[smem:$0x3FB4] =	sst s0  }
0x18: {  	s0 =	sld [smem:$0x3F97];
	_ =	swait.ge [sflag:s4], $0x0  }
0x19: {  	s7 =	sld [smem:$0x3F98]  }
0x1a: {  	s8 =	sadd.s32 $0xFFFFE003, lr  }
0x1b: {  	s9 =	sadd.s32 $0xFFFFFEF7, lr;
	s5 =	simm.s32 $0xFFFFFFFF;
	p2 =	slt.u32 s8, $0xFFFFF086  }
0x1c: {  	p1 =	slt.u32 s9, $0xF7A;
	s5 =	simm.s32 @!p2 $0x0  }
0x1d: {  	s5 =	simm.s32 @p1 $0x1;
	p0 =	seq.s32 s7, s2  }
0x1e: {  	s7 =	smul.u32 @!p0 $0xF7A, s2;
	p2 =	seq.s32 @!p0 s5, $0x0  }
0x1f: {  	s9 =	smul.u32 $0xF7A, s1;
	s8 =	simm.s32 @!p0 $0x1BF5;
	p2 =	por !p2, p0  }
0x20: {  	[sflag:s8] =	ssyncset.s32 @!p0 $0xFFFFF086;
	s6 =	sadd.s32 @!p0 s3, s7;
	s7 =	simm.s32 @!p0 $0x108  }
0x21: {  	s3 =	sadd.s32 s3, s9;
	s6 =	sadd.s32 @!p0 $0x88, s6;
	s7 =	simm.s32 @p2 $0x1082  }
0x22: {  	[simem:s7], [sflag:s8] =	dma.local @!p0 [hbm:s6], $0xF7A  }
0x23: {  	s9 =	sor.u32 $0xD0000000, s2;
	s6 =	simm.s32 $0x108;
	_ =	swait.ge @!p0 [sflag:s8], $0x0  }
0x24: {  	s3 =	sadd.s32 $0x88, s3;
	s6 =	simm.s32 @!p1 $0x1082;
	[sflag:s4] =	ssyncset.s32 $0xFFFFF086  }
0x25: {  	[simem:s6], [sflag:s4] =	dma.local [hbm:s3], $0xF7A  }
0x26: {  	[smem:$0x3F98] =	sst s1;
	(tag) =	ssettag s2;
	_ =	strace s9  }
0x27: {  	s1 =	sld [smem:$0x3FA8]  }
0x28: {  	s2 =	sld [smem:$0x3FA9]  }
0x29: {  	s4 =	sld [smem:$0x3FAB]  }
0x2a: {  	p0 =	seq.s32 s5, $0x0;
	s5 =	sld [smem:$0x3FAC]  }
0x2b: {  	s6 =	sld [smem:$0x3FAD]  }
0x2c: {  	s7 =	sld [smem:$0x3FAE]  }
0x2d: {  	s3 =	simm.s32 $0x108;
	s8 =	sld [smem:$0x3FAF]  }
0x2e: {  	s3 =	simm.s32 @!p0 $0x1082;
	s9 =	sld [smem:$0x3FB0]  }
0x2f: {  	lr =	sadd.s32 s0, s3;
	s0 =	sld [smem:$0x3FA7]  }
0x30: {  	s3 =	sld [smem:$0x3FAA]  }
0x31: {  	[smem:$0x3FB3] =	sst s10  }
0x32: {  	s10 =	sld [smem:$0x3FB1];
	_ =	sdelay $0x3  }
0x33: {  	p0 =	seq.s32 s10, $0x1;
	s10 =	sld [smem:$0x3FB3];
	_ =	sdelay $0x3  }
0x34: {  	[smem:$0x3FB3] =	sst s10  }
0x35: {  	s10 =	sld [smem:$0x3FB2];
	_ =	sdelay $0x3  }
0x36: {  	p1 =	seq.s32 s10, $0x1;
	s10 =	sld [smem:$0x3FB3];
	_ =	sdelay $0x3  }
0x37: {  	[smem:$0x3FB3] =	sst s10  }
0x38: {  	s10 =	sld [smem:$0x3FB4]  }
0x39: {  	_ = 	snop;
	(pc) =	sbr.ind lr, $3  }
0x3a: {  	_ = 	snop  }
0x3b: {  	_ = 	snop  }
0x3c: {  	p2 =	seq.s32 s10, $0x1;
	s10 =	sld [smem:$0x3FB3]  }
0x3d: {  	_ =	shalt  }
0x3e: {  	_ =	shalt  }
0x3f: {  	_ =	shalt  }
0x40: {  	_ =	shalt  }
0x41: {  	_ =	shalt  }
0x42: {  	_ =	shalt  }
0x43: {  	_ =	shalt  }
0x44: {  	_ =	shalt  }
0x45: {  	_ =	shalt  }
0x46: {  	_ =	shalt  }
0x47: {  	_ =	shalt  }
0x48: {  	_ =	shalt  }
0x49: {  	_ =	shalt  }
0x4a: {  	_ =	shalt  }
0x4b: {  	_ =	shalt  }
0x4c: {  	_ =	shalt  }
0x4d: {  	_ =	shalt  }
0x4e: {  	_ =	shalt  }
0x4f: {  	_ =	shalt  }
0x50: {  	_ =	shalt  }
0x51: {  	_ =	shalt  }
0x52: {  	_ =	shalt  }
0x53: {  	_ =	shalt  }
0x54: {  	_ =	shalt  }
0x55: {  	_ =	shalt  }
0x56: {  	_ =	shalt  }
0x57: {  	_ =	shalt  }
0x58: {  	_ =	shalt  }
0x59: {  	_ =	shalt  }
0x5a: {  	_ =	shalt  }
0x5b: {  	_ =	shalt  }
0x5c: {  	_ =	shalt  }
0x5d: {  	_ =	shalt  }
0x5e: {  	_ =	shalt  }
0x5f: {  	_ =	shalt  }
0x60: {  	_ =	shalt  }
0x61: {  	_ =	shalt  }
0x62: {  	_ =	shalt  }
0x63: {  	_ =	shalt  }
0x64: {  	_ =	shalt  }
0x65: {  	_ =	shalt  }
0x66: {  	_ =	shalt  }
0x67: {  	_ =	shalt  }
0x68: {  	_ =	shalt  }
0x69: {  	_ =	shalt  }
0x6a: {  	_ =	shalt  }
0x6b: {  	_ =	shalt  }
0x6c: {  	_ =	shalt  }
0x6d: {  	_ =	shalt  }
0x6e: {  	_ =	shalt  }
0x6f: {  	_ =	shalt  }
0x70: {  	_ =	shalt  }
0x71: {  	_ =	shalt  }
0x72: {  	_ =	shalt  }
0x73: {  	_ =	shalt  }
0x74: {  	_ =	shalt  }
0x75: {  	_ =	shalt  }
0x76: {  	_ =	shalt  }
0x77: {  	_ =	shalt  }
0x78: {  	_ =	shalt  }
0x79: {  	_ =	shalt  }
0x7a: {  	_ =	shalt  }
0x7b: {  	_ =	shalt  }
0x7c: {  	_ =	shalt  }
0x7d: {  	_ =	shalt  }
0x7e: {  	_ =	shalt  }
0x7f: {  	_ =	shalt  }
0x80: {  	_ =	shalt  }
0x81: {  	_ =	shalt  }
0x82: {  	_ =	shalt  }
0x83: {  	_ =	shalt  }
0x84: {  	_ =	shalt  }
0x85: {  	_ =	shalt  }
0x86: {  	_ =	shalt  }
0x87: {  	_ =	shalt  }
.Lfunc_end0:
.L_simem_size_0:
called_computation_lowered:
.L_overlay_start_0:
0x88: {  	s2 =	sld [smem:$0x3FD9]  }
0x89: {  	s3 =	sld [smem:$0x3FFE];
	_ =	sdelay $0x1  }
0x8a: {  	s1 =	srdreg.scid  }
0x8b: {  	s0 =	sand.u32 $0x1, s1  }
0x8c: {  	s17 =	sshll.u32 s0, $0xA;
	s2 =	sadd.s32 s3, s2  }
0x8d: {  	s2 =	sadd.s32 s2, s17  }
0x8e: {  	[smem:$0x3FBF] =	sst s2  }
0x8f: {  	_ = 	snop  }
0x90: {  	s2 =	sld [smem:$0x3FC9]  }
0x91: {  	s18 =	sld [smem:$0x3FD0];
	(tm) =	ssettm $0x1  }
0x92: {  	s4 =	sld [smem:$0x3FFB];
	_ =	sdelay $0x3  }
0x93: {  	_ =	strace s4  }
0x94: {  	s4 =	sld [smem:$0x3FFC];
	_ =	sdelay $0x3  }
0x95: {  	_ =	strace s4  }
0x96: {  	s4 =	sld [smem:$0x3FFD];
	_ =	sdelay $0x3  }
0x97: {  	_ =	strace s4  }
0x98: {  	_ =	strace $0x8FFFFFFF  }
0x99: {  	s19 =	sld [smem:$0x3FDB];
	_ =	sdelay $0x1  }
0x9a: {  	s5 =	simm.s32 $_scs_section_size  }
0x9b: {  	s6 =	simm.s32 $_size__tile_overlayer_lowered;
	s7 =	simm.s32 $_tile_overlayer_lowered  }
0x9c: {  	s22 =	simm.s32 $0x1BFF;
	s21 =	sshll.u32 s7, $0x1;
	s4 =	sadd.s32 s5, s19  }
0x9d: {  	s8 =	simm.s32 $0x0;
	s20 =	sshll.u32 s6, $0x1;
	s6 =	sadd.s32 s21, s4  }
0x9e: {  	[timem:s8], [sflag:s22] =	dma.local [hbm:s6], s20  }
0x9f: {  	_ =	swait.ge [sflag:s22], s20  }
0xa0: {  	s5 =	ssub.s32 $0x0, s20;
	[sflag:s22] =	ssyncset.done $0x0  }
0xa1: {  	[sflag:s22] =	ssyncadd.s32 s5;
	_ =	sdelay $0x1  }
0xa2: {  	s23 =	simm.s32 $0x1B8B  }
0xa3: {  	_ =	swait.ge [sflag:s23], $0x1  }
0xa4: {  	[sflag:s23] =	ssyncset.done $0x0  }
0xa5: {  	s25 =	simm.s32 $0x1B8E;
	s24 =	sld [smem:$0x3FFE];
	[sflag:s23] =	ssyncadd.s32 $0xFFFFFFFF  }
0xa6: {  	s26 =	simm.s32 $execute0_lowered;
	[smem:$0x3FD2] =	sst s25  }
0xa7: {  	s6 =	sshll.u32 s26, $0x1;
	_ =	strace $0x80000046;
	[dreg:$0x1] =	wrdreg $0xFFFFFFFF  }
0xa8: {  	s28 =	simm.s32 $_size_execute0_lowered;
	s4 =	sadd.s32 s4, s6;
	[dreg:$0x0] =	wrdreg $0x0  }
0xa9: {  	s6 =	sshll.u32 s28, $0x1;
	[dreg:$0x2] =	wrdreg s4  }
0xaa: {  	[dreg:$0x3] =	wrdreg s6  }
0xab: {  	[dreg:$0x4] =	wrdreg $0xC0  }
0xac: {  	_ =	task [dreg:s8], $0x5FFFF  }
0xad: {  	[dreg:$0x1] =	wrdreg $0xFFFFFFFF  }
0xae: {  	[dreg:$0x0] =	wrdreg $0x60  }
0xaf: {  	[dreg:$0x2] =	wrdreg s2  }
0xb0: {  	[dreg:$0x3] =	wrdreg s24  }
0xb1: {  	[dreg:$0x4] =	wrdreg s18  }
0xb2: {  	[dreg:$0x5] =	wrdreg $0x58000  }
0xb3: {  	[dreg:$0x6] =	wrdreg $0x198000  }
0xb4: {  	[dreg:$0x7] =	wrdreg $0x9  }
0xb5: {  	_ =	task.clear_ibuf [dreg:s8], $0x8FFFF;
	_ =	strace $0x90000046  }
0xb6: {  	s29 =	simm.s32 $0x9;
	_ =	strace $0x80000048  }
0xb7: {  	_ =	swait.ge [sflag:s29], $0x1  }
0xb8: {  	[sflag:s29] =	ssyncadd.s32 $0xFFFFFFFF  }
0xb9: {  	_ =	strace $0x90000048  }
0xba: {  	_ =	sfence  }
0xbb: {  	s30 =	sld [smem:$0x0];
	_ =	sdelay $0x2  }
0xbc: {  	s31 =	sshll.u32 s1, $0xD;
	s1 =	sshrl.u32 s1, $0x2  }
0xbd: {  	s3 =	sand.u32 $0x4000, s31;
	s1 =	sadd.s32 s1, s30  }
0xbe: {  	s0 =	sor.u32 s3, s0;
	s1 =	sshll.u32 s1, $0x11  }
0xbf: {  	s0 =	sor.u32 s1, s0  }
0xc0: {  	s0 =	sadd.s32 $0x8F2B, s0  }
0xc1: {  	[sflag:s0] =	ssyncadd.remote.s32 $0x1  }
0xc2: {  	_ =	sfence.sel $0xFFFF  }
0xc3: {  	[dreg:$0x0] =	wrdreg $0xFFFFFFFF;
	(pc) =	sbr.abs _section_cstart, $3  }
0xc4: {  	[dreg:$0x1] =	wrdreg $0xFFFFFFFF  }
0xc5: {  	_ =	task.clear_ibuf [dreg:s8], $0x2FFFF;
	_ =	strace $0x9FFFFFFF  }
0xc6: {  	(tm) =	ssettm $0x7FFFFFFF  }
0xc7: {  	_ =	shalt  }
tec
execute0_lowered:
.L_overlay_start_1:
0x0: {  	(tag) =	ssettag $0x1  }
0x1: {  	s0 =	rddreg [dreg:$0x0]  }
0x2: {  	s1 =	rddreg [dreg:$0x1]  }
0x3: {  	s2 =	rddreg [dreg:$0x2]  }
0x4: {  	s3 =	rddreg [dreg:$0x3];
	s15 =	stileid.u32  }
0x5: {  	s5 =	srdreg.scid;
	s7 =	smul.u32 $0x14000, s15  }
0x6: {  	s4 =	rddreg [dreg:$0x4];
	s6 =	simm.s32 $0x0;
	s10 =	smul.u32 $0x500, s15  }
0x7: {  	s5 =	sand.u32 $0x1, s5;
	[smem:$0x7FF] =	sst s6;
	s11 =	smul.u32 $0x5000, s15  }
0x8: {  	s6 =	sadd.s32 $0x1E00, s1;
	s8 =	smul.u32 $0x140000, s5;
	_ =	strace $0x80000047  }
0x9: {  	s9 =	ssub.s32 $0x2, s5;
	s26 =	smul.u32 $0x50000, s5;
	p0 =	sne.s32 s5, $0x0  }
0xa: {  	p1 =	seq.s32 s5, $0x0;
	s19 =	sshrl.u32 s9, $0x1;
	s12 =	sor.u32 $0x80, s10  }
0xb: {  	s20 =	sadd.s32 $0x100, s10;
	s14 =	sadd.s32 $0x180, s10;
	s24 =	sadd.s32 $0x200, s10  }
0xc: {  	s29 =	sadd.s32 $0x280, s10;
	s16 =	sadd.s32 $0x300, s10;
	s8 =	sadd.s32 s7, s8  }
0xd: {  	s9 =	ssub.s32 s9, s19;
	s7 =	sadd.s32 s7, s3;
	s13 =	sshll.u32 s12, $0x6  }
0xe: {  	s12 =	sshll.u32 s12, $0x4;
	s21 =	sshll.u32 s20, $0x6;
	s22 =	sshll.u32 s14, $0x6  }
0xf: {  	s23 =	sshll.u32 s14, $0x4;
	s25 =	sshll.u32 s24, $0x6;
	s28 =	sshll.u32 s24, $0x4  }
0x10: {  	s30 =	sshll.u32 s29, $0x6;
	s14 =	sshll.u32 s29, $0x4;
	s17 =	sshll.u32 s16, $0x6  }
0x11: {  	s18 =	sshll.u32 s16, $0x4;
	s19 =	sadd.s32 $0x380, s10;
	s24 =	sadd.s32 $0x400, s10  }
0x12: {  	s29 =	sadd.s32 $0x480, s10;
	s16 =	simm.s32 $0x2;
	s8 =	sshrl.u32 s8, $0x3  }
0x13: {  	s13 =	sadd.s32 s13, s3;
	s12 =	sadd.s32 s12, s4;
	s10 =	sshll.u32 s29, $0x6  }
0x14: {  	s1 =	sadd.s32 s8, s1;
	s8 =	sadd.s32 s11, s4;
	[dreg:$0x6] =	wrdreg s13  }
0x15: {  	[dreg:$0x7] =	wrdreg s12;
	s12 =	sshll.u32 s20, $0x4;
	s13 =	sadd.s32 s21, s3  }
0x16: {  	s11 =	sadd.s32 s11, s26;
	s20 =	sadd.s32 s18, s4;
	s21 =	sshll.u32 s19, $0x6  }
0x17: {  	s26 =	smul.u32 $0xA000, s15;
	s10 =	sadd.s32 s10, s3;
	[dreg:$0x8] =	wrdreg s13  }
0x18: {  	s18 =	simm.s32 $0x0;
	s12 =	sadd.s32 s12, s4;
	[dreg:$0x12] =	wrdreg s20  }
0x19: {  	s11 =	sshrl.u32 s11, $0x3;
	[dreg:$0x17] =	wrdreg s10;
	s31 =	sadd.s32 $0x29E00, s1  }
0x1a: {  	s1 =	smul.u32 $0x14, s15;
	s10 =	simm.s32 $0x5000;
	s13 =	simm.s32 $0x3  }
0x1b: {  	s15 =	simm.s32 $0x3000;
	[dreg:$0x9] =	wrdreg s12;
	s12 =	sadd.s32 s22, s3  }
0x1c: {  	s2 =	sadd.s32 s2, s11;
	s22 =	sshll.u32 s19, $0x4;
	[dreg:$0xa] =	wrdreg s12  }
0x1d: {  	s11 =	simm.s32 $0x80;
	s12 =	sadd.s32 s23, s4;
	[dreg:$0x10] =	wrdreg s2  }
0x1e: {  	s2 =	sadd.s32 s17, s3;
	s23 =	smul.u32 $0xA0000, s5;
	[dreg:$0xb] =	wrdreg s12  }
0x1f: {  	s5 =	sshll.u32 s29, $0x4;
	s12 =	sadd.s32 s25, s3;
	[dreg:$0x11] =	wrdreg s2  }
0x20: {  	s17 =	simm.s32 $0x5;
	s2 =	sadd.s32 s21, s3;
	[dreg:$0xc] =	wrdreg s12  }
0x21: {  	s25 =	sshll.u32 s24, $0x6;
	s5 =	sadd.s32 s5, s4;
	[dreg:$0x13] =	wrdreg s2  }
0x22: {  	s12 =	sadd.s32 s28, s4;
	s2 =	sadd.s32 s22, s4;
	[dreg:$0x18] =	wrdreg s5  }
0x23: {  	s28 =	sshll.u32 s24, $0x4;
	s5 =	simm.s32 $0x1000;
	[dreg:$0xd] =	wrdreg s12  }
0x24: {  	s12 =	sadd.s32 s30, s3;
	[dreg:$0x14] =	wrdreg s2;
	s2 =	sadd.s32 s25, s3  }
.Ltmp0:
0x25: {  	s30 =	sadd.s32 s26, s23;
	[dreg:$0xe] =	wrdreg s12;
	(pc) =	sbr.rel .LBB2_1-.Ltmp0, $4  }
0x26: {  	s12 =	sadd.s32 s14, s4;
	[dreg:$0x15] =	wrdreg s2;
	s2 =	sadd.s32 s28, s4  }
0x27: {  	s14 =	simm.s32 $0x4;
	[dreg:$0x16] =	wrdreg s2;
	s2 =	sshrl.u32 s30, $0x3  }
0x28: {  	[dreg:$0xf] =	wrdreg s12;
	s12 =	simm.s32 $0x1;
	s2 =	sadd.s32 s6, s2  }
0x29: {  	v0 =	vimm.f32 $0.0e+00;
	v1 =	vimm.f32 $1.000000000e+00;
	[dreg:$0x19] =	wrdreg s2;
	s2 =	smax.u32 s9, $0x1;
	s9 =	simm.s32 $0x6  }
.LBB2_8:
0x2a: {  	_ =	swait.ge [sflag:s14], $0x2000  }
0x2b: {  	[sflag:s14] =	ssyncset.done $0x0  }
0x2c: {  	[sflag:s14] =	ssyncadd.s32 $0xFFFFE000  }
0x2d: {  	_ =	swait.ge [sflag:s17], $0x800  }
0x2e: {  	s19 =	stileid.u32;
	[sflag:s17] =	ssyncset.done $0x0  }
0x2f: {  	s19 =	sshll.u32 s19, $0x6;
	[sflag:s17] =	ssyncadd.s32 $0xFFFFF800  }
0x30: {  	s20 =	sshrl.u32 s7, $0x3;
	s19 =	sor.u32 $0x1C06, s19;
	[bflag:$0x0] =	sbarrier.arrive $0xFFFF  }
0x31: {  	[hbm:s31], [sflag:s19] =	dma.local [spmem:s20], $0x2800  }
0x32: {  	s18 =	sadd.s32 $0x1, s18;
	_ =	swait.ge [sflag:s9], $0x2800  }
0x33: {  	s30 =	sshrl.u32 s8, $0x3;
	p2 =	sne.s32 s18, s2;
	[sflag:s9] =	ssyncset.done $0x0  }
.Ltmp1:
0x34: {  	s21 =	rddreg [dreg:$0x10];
	[sflag:s9] =	ssyncadd.s32 $0xFFFFD800;
	(pc) =	sbr.rel @!p2 .LBB2_9-.Ltmp1, $4  }
0x35: {  	[hbm:s21], [sflag:s19] =	dma.local [spmem:s30], $0xA00  }
0x36: {  	_ =	swait.ge [sflag:s9], $0xA00  }
0x37: {  	[sflag:s9] =	ssyncset.done $0x0  }
0x38: {  	[sflag:s9] =	ssyncadd.s32 $0xFFFFF600  }
.LBB2_1:
0x39: {  	s19 =	simm.s32 $0x1020  }
0x3a: {  	[tilespmem:s19+$0x0] =	vst v0  }
0x3b: {  	[tilespmem:s19+$0xFFFFFFE0] =	vst v0  }
0x3c: {  	[tilespmem:s19+$0x10] =	vst v0  }
0x3d: {  	s20 =	simm.s32 $0x40;
	s21 =	simm.s32 $0x0;
	[tilespmem:s19+$0xFFFFFFF0] =	vst v0  }
.LBB2_2:
0x3e: {  	p2 =	sne.s32 s20, $0x1FC0  }
0x3f: {  	[tilespmem:s21+$0x5000] =	vst v0;
	s19 =	sadd.s32 $0x40, s19;
	s21 =	smov.u32 s20;
	s20 =	sadd.s32 $0x40, s20  }
.Ltmp2:
0x40: {  	[tilespmem:s19+$0x0] =	vst v0;
	(pc) =	sbr.rel @p2 .LBB2_2-.Ltmp2, $4  }
0x41: {  	_ = 	snop  }
0x42: {  	[tilespmem:s19+$0xFFFFFFE0] =	vst v0  }
0x43: {  	[tilespmem:s19+$0x10] =	vst v0  }
0x44: {  	s21 =	sshra.s32 s21, $0x2;
	[tilespmem:s19+$0xFFFFFFF0] =	vst v0  }
0x45: {  	[tilespmem:s21+$0x5000] =	vst v0  }
0x46: {  	[spmem:s7] =	stream.linear.scatter [tilespmem:s5], [sflag:$0x6], $0x2000, $0x38;
	[tilespmem:$0x1E800] =	vst v63  }
0x47: {  	_ =	swait.ge [sflag:s9], $0x2000  }
0x48: {  	[sflag:s9] =	ssyncset.done $0x0  }
0x49: {  	[sflag:s9] =	ssyncadd.s32 $0xFFFFE000  }
0x4a: {  	[spmem:s8] =	stream.linear.scatter [tilespmem:s10], [sflag:$0x6], $0x800, $0x38;
	[tilespmem:$0x1E800] =	vst v63  }
0x4b: {  	_ =	swait.ge [sflag:s9], $0x800  }
0x4c: {  	[sflag:s9] =	ssyncset.done $0x0  }
0x4d: {  	s19 =	rddreg [dreg:$0x6];
	[sflag:s9] =	ssyncadd.s32 $0xFFFFF800  }
0x4e: {  	[spmem:s19] =	stream.linear.scatter [tilespmem:s5], [sflag:$0x6], $0x2000, $0x38;
	[tilespmem:$0x1E800] =	vst v63  }
0x4f: {  	_ =	swait.ge [sflag:s9], $0x2000  }
0x50: {  	[sflag:s9] =	ssyncset.done $0x0  }
0x51: {  	s21 =	rddreg [dreg:$0x7];
	[sflag:s9] =	ssyncadd.s32 $0xFFFFE000  }
0x52: {  	[spmem:s21] =	stream.linear.scatter [tilespmem:s10], [sflag:$0x6], $0x800, $0x38;
	[tilespmem:$0x1E800] =	vst v63  }
0x53: {  	_ =	swait.ge [sflag:s9], $0x800  }
0x54: {  	[sflag:s9] =	ssyncset.done $0x0  }
0x55: {  	s22 =	rddreg [dreg:$0x8];
	[sflag:s9] =	ssyncadd.s32 $0xFFFFF800  }
0x56: {  	[spmem:s22] =	stream.linear.scatter [tilespmem:s5], [sflag:$0x6], $0x2000, $0x38;
	[tilespmem:$0x1E800] =	vst v63  }
0x57: {  	_ =	swait.ge [sflag:s9], $0x2000  }
0x58: {  	[sflag:s9] =	ssyncset.done $0x0  }
0x59: {  	s24 =	rddreg [dreg:$0x9];
	[sflag:s9] =	ssyncadd.s32 $0xFFFFE000  }
0x5a: {  	[spmem:s24] =	stream.linear.scatter [tilespmem:s10], [sflag:$0x6], $0x800, $0x38;
	[tilespmem:$0x1E800] =	vst v63  }
0x5b: {  	_ =	swait.ge [sflag:s9], $0x800  }
0x5c: {  	[sflag:s9] =	ssyncset.done $0x0  }
0x5d: {  	s25 =	rddreg [dreg:$0xa];
	[sflag:s9] =	ssyncadd.s32 $0xFFFFF800  }
0x5e: {  	[spmem:s25] =	stream.linear.scatter [tilespmem:s5], [sflag:$0x6], $0x2000, $0x38;
	[tilespmem:$0x1E800] =	vst v63  }
0x5f: {  	_ =	swait.ge [sflag:s9], $0x2000  }
0x60: {  	[sflag:s9] =	ssyncset.done $0x0  }
0x61: {  	s26 =	rddreg [dreg:$0xb];
	[sflag:s9] =	ssyncadd.s32 $0xFFFFE000  }
0x62: {  	[spmem:s26] =	stream.linear.scatter [tilespmem:s10], [sflag:$0x6], $0x800, $0x38;
	[tilespmem:$0x1E800] =	vst v63  }
0x63: {  	_ =	swait.ge [sflag:s9], $0x800  }
0x64: {  	[sflag:s9] =	ssyncset.done $0x0  }
0x65: {  	s28 =	rddreg [dreg:$0xc];
	[sflag:s9] =	ssyncadd.s32 $0xFFFFF800  }
0x66: {  	[spmem:s28] =	stream.linear.scatter [tilespmem:s5], [sflag:$0x6], $0x2000, $0x38;
	[tilespmem:$0x1E800] =	vst v63  }
0x67: {  	_ =	swait.ge [sflag:s9], $0x2000  }
0x68: {  	[sflag:s9] =	ssyncset.done $0x0  }
0x69: {  	s29 =	rddreg [dreg:$0xd];
	[sflag:s9] =	ssyncadd.s32 $0xFFFFE000  }
0x6a: {  	[spmem:s29] =	stream.linear.scatter [tilespmem:s10], [sflag:$0x6], $0x800, $0x38;
	[tilespmem:$0x1E800] =	vst v63  }
0x6b: {  	_ =	swait.ge [sflag:s9], $0x800  }
0x6c: {  	[sflag:s9] =	ssyncset.done $0x0  }
0x6d: {  	s30 =	rddreg [dreg:$0xe];
	[sflag:s9] =	ssyncadd.s32 $0xFFFFF800  }
0x6e: {  	[spmem:s30] =	stream.linear.scatter [tilespmem:s5], [sflag:$0x6], $0x2000, $0x38;
	[tilespmem:$0x1E800] =	vst v63  }
0x6f: {  	_ =	swait.ge [sflag:s9], $0x2000  }
0x70: {  	[sflag:s9] =	ssyncset.done $0x0  }
0x71: {  	s20 =	rddreg [dreg:$0xf];
	[sflag:s9] =	ssyncadd.s32 $0xFFFFE000  }
0x72: {  	[spmem:s20] =	stream.linear.scatter [tilespmem:s10], [sflag:$0x6], $0x800, $0x38;
	[tilespmem:$0x1E800] =	vst v63  }
0x73: {  	_ =	swait.ge [sflag:s9], $0x800  }
0x74: {  	[sflag:s9] =	ssyncset.done $0x0  }
0x75: {  	s21 =	rddreg [dreg:$0x11];
	[sflag:s9] =	ssyncadd.s32 $0xFFFFF800  }
0x76: {  	[spmem:s21] =	stream.linear.scatter [tilespmem:s5], [sflag:$0x6], $0x2000, $0x38;
	[tilespmem:$0x1E800] =	vst v63  }
0x77: {  	_ =	swait.ge [sflag:s9], $0x2000  }
0x78: {  	[sflag:s9] =	ssyncset.done $0x0  }
0x79: {  	s22 =	rddreg [dreg:$0x12];
	[sflag:s9] =	ssyncadd.s32 $0xFFFFE000  }
0x7a: {  	[spmem:s22] =	stream.linear.scatter [tilespmem:s10], [sflag:$0x6], $0x800, $0x38;
	[tilespmem:$0x1E800] =	vst v63  }
0x7b: {  	_ =	swait.ge [sflag:s9], $0x800  }
0x7c: {  	[sflag:s9] =	ssyncset.done $0x0  }
0x7d: {  	s24 =	rddreg [dreg:$0x13];
	[sflag:s9] =	ssyncadd.s32 $0xFFFFF800  }
0x7e: {  	[spmem:s24] =	stream.linear.scatter [tilespmem:s5], [sflag:$0x6], $0x2000, $0x38;
	[tilespmem:$0x1E800] =	vst v63  }
0x7f: {  	_ =	swait.ge [sflag:s9], $0x2000  }
0x80: {  	[sflag:s9] =	ssyncset.done $0x0  }
0x81: {  	s25 =	rddreg [dreg:$0x14];
	[sflag:s9] =	ssyncadd.s32 $0xFFFFE000  }
0x82: {  	[spmem:s25] =	stream.linear.scatter [tilespmem:s10], [sflag:$0x6], $0x800, $0x38;
	[tilespmem:$0x1E800] =	vst v63  }
0x83: {  	_ =	swait.ge [sflag:s9], $0x800  }
0x84: {  	[sflag:s9] =	ssyncset.done $0x0  }
0x85: {  	s26 =	rddreg [dreg:$0x15];
	[sflag:s9] =	ssyncadd.s32 $0xFFFFF800  }
0x86: {  	[spmem:s26] =	stream.linear.scatter [tilespmem:s5], [sflag:$0x6], $0x2000, $0x38;
	[tilespmem:$0x1E800] =	vst v63  }
0x87: {  	_ =	swait.ge [sflag:s9], $0x2000  }
0x88: {  	[sflag:s9] =	ssyncset.done $0x0  }
0x89: {  	s28 =	rddreg [dreg:$0x16];
	[sflag:s9] =	ssyncadd.s32 $0xFFFFE000  }
0x8a: {  	[spmem:s28] =	stream.linear.scatter [tilespmem:s10], [sflag:$0x6], $0x800, $0x38;
	[tilespmem:$0x1E800] =	vst v63  }
0x8b: {  	_ =	swait.ge [sflag:s9], $0x800  }
0x8c: {  	[sflag:s9] =	ssyncset.done $0x0  }
0x8d: {  	s29 =	rddreg [dreg:$0x17];
	[sflag:s9] =	ssyncadd.s32 $0xFFFFF800  }
0x8e: {  	[spmem:s29] =	stream.linear.scatter [tilespmem:s5], [sflag:$0x6], $0x2000, $0x38;
	[tilespmem:$0x1E800] =	vst v63  }
0x8f: {  	_ =	swait.ge [sflag:s9], $0x2000  }
0x90: {  	[sflag:s9] =	ssyncset.done $0x0  }
0x91: {  	s30 =	rddreg [dreg:$0x18];
	[sflag:s9] =	ssyncadd.s32 $0xFFFFE000  }
0x92: {  	[spmem:s30] =	stream.linear.scatter [tilespmem:s10], [sflag:$0x6], $0x800, $0x38;
	[tilespmem:$0x1E800] =	vst v63  }
0x93: {  	_ =	swait.ge [sflag:s9], $0x800  }
0x94: {  	[sflag:s9] =	ssyncset.done $0x0  }
0x95: {  	[sflag:s9] =	ssyncadd.s32 $0xFFFFF800  }
0x96: {  	s19 =	simm.s32 $0x40;
	s20 =	simm.s32 $0x0;
	[bflag:$0x0] =	sbarrier.arrive $0xFFFF  }
.LBB2_4:
0x97: {  	p2 =	sne.s32 s19, $0x1FC0;
	[tilespmem:s20+$0x5000] =	vst v1;
	s20 =	smov.u32 s19;
	s19 =	sadd.s32 $0x40, s19  }
.Ltmp3:
0x98: {  	(pc) =	sbr.rel @p2 .LBB2_4-.Ltmp3, $2  }
0x99: {  	_ =	sdelay $0x2  }
0x9a: {  	s20 =	sshra.s32 s20, $0x2  }
0x9b: {  	[tilespmem:s20+$0x5000] =	vst v1;
	s19 =	simm.s32 $0x0;
	s28 =	rddreg [dreg:$0x19]  }
0x9c: {  	[tilespmem:s19], [sflag:$0x6] =	stream.linear.gather [hbm4b:s28+s19], $0x800, $0x38;
	[tilespmem:$0x1E800] =	vst v63  }
0x9d: {  	_ =	swait.ge [sflag:s9], $0x800  }
0x9e: {  	[sflag:s9] =	ssyncset.done $0x0  }
0x9f: {  	[sflag:s9] =	ssyncadd.s32 $0xFFFFF800  }
0xa0: {  	[tilespmem:s5], [sflag:$0x1] =	stream.indirect.gather [hbm4b:s0+s11], $0x40, s19, s11, $0xb8;
	[tilespmem:$0x1E800] =	vst v63  }
0xa1: {  	_ =	swait.ge [sflag:s12], $0x2000  }
0xa2: {  	[sflag:s12] =	ssyncset.done $0x0  }
0xa3: {  	s29 =	simm.s32 $0x400;
	[sflag:s12] =	ssyncadd.s32 $0xFFFFE000  }
0xa4: {  	[spmem:s3] =	stream.indirect.scatter.add.f32 [tilespmem:s5], [sflag:$0x3], $0x40, s29, s11, $0xb8;
	[tilespmem:$0x1E800] =	vst v63  }
0xa5: {  	s20 =	simm.s32 @p0 $0x3000;
	s21 =	simm.s32 @p0 $0x2;
	s19 =	simm.s32 @p0 $0x80  }
0xa6: {  	[tilespmem:s20], [sflag:$0x2] =	stream.indirect.gather @p0 [hbm4b:s0+s19], $0x40, s19, s19, $0xb8;
	[tilespmem:$0x1E800] =	vst v63  }
0xa7: {  	_ =	swait.ge @p0 [sflag:s21], $0x2000  }
0xa8: {  	[sflag:s21] =	ssyncset.done @p0 $0x0  }
0xa9: {  	[sflag:s21] =	ssyncadd.s32 @p0 $0xFFFFE000;
	s21 =	simm.s32 @p0 $0x480  }
0xaa: {  	[spmem:s3] =	stream.indirect.scatter.add.f32 @p0 [tilespmem:s20], [sflag:$0x4], $0x40, s21, s19, $0xb8;
	[tilespmem:$0x1E800] =	vst v63  }
0xab: {  	s20 =	simm.s32 @p0 $0x5000  }
0xac: {  	[spmem:s4] =	stream.indirect.scatter.add.f32 @p0 [tilespmem:s20], [sflag:$0x5], $0x10, s21, s19, $0xb8;
	[tilespmem:$0x1E800] =	vst v63  }
0xad: {  	s19 =	simm.s32 @!p0 $0x80;
	s21 =	simm.s32 @!p0 $0x400;
	s20 =	simm.s32 @!p0 $0x5000  }
0xae: {  	[spmem:s4] =	stream.indirect.scatter.add.f32 @!p0 [tilespmem:s20], [sflag:$0x5], $0x10, s21, s19, $0xb8;
	[tilespmem:$0x1E800] =	vst v63  }
0xaf: {  	s22 =	simm.s32 @!p0 $0x2;
	s21 =	simm.s32 @!p0 $0x3000  }
0xb0: {  	[tilespmem:s21], [sflag:$0x2] =	stream.indirect.gather @!p0 [hbm4b:s0+s19], $0x40, s19, s19, $0xb8;
	[tilespmem:$0x1E800] =	vst v63  }
0xb1: {  	_ =	swait.ge @!p0 [sflag:s22], $0x2000  }
0xb2: {  	[sflag:s22] =	ssyncset.done @!p0 $0x0  }
0xb3: {  	[sflag:s22] =	ssyncadd.s32 @!p0 $0xFFFFE000;
	s22 =	simm.s32 @!p0 $0x480  }
0xb4: {  	[spmem:s3] =	stream.indirect.scatter.add.f32 @!p0 [tilespmem:s21], [sflag:$0x4], $0x40, s22, s19, $0xb8;
	[tilespmem:$0x1E800] =	vst v63  }
0xb5: {  	_ =	swait.ge [sflag:s13], $0x2000  }
0xb6: {  	s30 =	simm.s32 $0x100;
	s24 =	simm.s32 $0x400;
	[sflag:s13] =	ssyncset.done $0x0  }
0xb7: {  	s21 =	simm.s32 $0x1000;
	s22 =	simm.s32 $0x4;
	[sflag:s13] =	ssyncadd.s32 $0xFFFFE000  }
0xb8: {  	[tilespmem:s21], [sflag:$0x1] =	stream.indirect.gather [hbm4b:s0+s11], $0x40, s30, s11, $0xb8;
	[tilespmem:$0x1E800] =	vst v63  }
.LBB2_6:
0xb9: {  	s25 =	sadd.s32 $0xFFFFF800, s21  }
0xba: {  	s26 =	sand.u32 $0xC00, s24;
	s25 =	sand.u32 $0x2000, s25  }
0xbb: {  	_ =	swait.ge [sflag:s12], $0x2000;
	s25 =	sor.u32 s26, s25  }
0xbc: {  	[sflag:s12] =	ssyncset.done $0x0;
	s25 =	sshrl.u32 s25, $0x2  }
0xbd: {  	s28 =	simm.s32 @!p0 $0x5;
	[sflag:s12] =	ssyncadd.s32 $0xFFFFE000;
	s26 =	sor.u32 $0x400, s25  }
0xbe: {  	[spmem:s3] =	stream.indirect.scatter.add.f32 [tilespmem:s5], [sflag:$0x3], $0x40, s26, s11, $0xb8;
	[tilespmem:$0x1E800] =	vst v63  }
0xbf: {  	_ =	swait.ge @!p0 [sflag:s28], $0x800  }
0xc0: {  	[sflag:s28] =	ssyncset.done @!p0 $0x0  }
0xc1: {  	[sflag:s28] =	ssyncadd.s32 @!p0 $0xFFFFF800  }
0xc2: {  	[spmem:s4] =	stream.indirect.scatter.add.f32 @!p0 [tilespmem:s20], [sflag:$0x5], $0x10, s26, s19, $0xb8;
	[tilespmem:$0x1E800] =	vst v63  }
0xc3: {  	_ =	swait.ge [sflag:s14], $0x2000  }
0xc4: {  	[sflag:s14] =	ssyncset.done $0x0  }
0xc5: {  	s30 =	sadd.s32 $0x80, s25;
	[sflag:s14] =	ssyncadd.s32 $0xFFFFE000  }
0xc6: {  	[tilespmem:s15], [sflag:$0x2] =	stream.indirect.gather [hbm4b:s0+s11], $0x40, s30, s11, $0xb8;
	[tilespmem:$0x1E800] =	vst v63  }
0xc7: {  	_ =	swait.ge [sflag:s16], $0x2000  }
0xc8: {  	[sflag:s16] =	ssyncset.done $0x0  }
0xc9: {  	s25 =	sadd.s32 $0x480, s25;
	s26 =	simm.s32 @!p1 $0x5;
	[sflag:s16] =	ssyncadd.s32 $0xFFFFE000  }
0xca: {  	[spmem:s3] =	stream.indirect.scatter.add.f32 [tilespmem:s15], [sflag:$0x4], $0x40, s25, s11, $0xb8;
	[tilespmem:$0x1E800] =	vst v63  }
0xcb: {  	_ =	swait.ge @!p1 [sflag:s26], $0x800  }
0xcc: {  	p2 =	seq.s32 s22, $0xA0;
	s28 =	simm.s32 @!p1 $0x5000;
	[sflag:s26] =	ssyncset.done @!p1 $0x0  }
.Ltmp4:
0xcd: {  	[sflag:s26] =	ssyncadd.s32 @!p1 $0xFFFFF800;
	s26 =	simm.s32 @!p1 $0x80;
	(pc) =	sbr.rel @p2 .LBB2_8-.Ltmp4, $4  }
0xce: {  	[spmem:s4] =	stream.indirect.scatter.add.f32 @!p1 [tilespmem:s28], [sflag:$0x5], $0x10, s25, s26, $0xb8;
	[tilespmem:$0x1E800] =	vst v63  }
0xcf: {  	_ =	swait.ge [sflag:s13], $0x2000  }
0xd0: {  	[sflag:s13] =	ssyncset.done $0x0  }
0xd1: {  	[sflag:s13] =	ssyncadd.s32 $0xFFFFE000  }
0xd2: {  	s25 =	sand.u32 $0x6, s22  }
0xd3: {  	p2 =	seq.s32 s25, $0x0  }
0xd4: {  	s26 =	sshrl.u32 @p2 s22, $0x3  }
0xd5: {  	s26 =	sadd.s32 @p2 s1, s26  }
0xd6: {  	s26 =	sshll.u32 @p2 s26, $0xB  }
0xd7: {  	s26 =	sadd.s32 @p2 s23, s26  }
0xd8: {  	s24 =	sadd.s32 $0x400, s24;
	s28 =	sand.u32 @p2 $0x2000, s21;
	s26 =	sshrl.u32 @p2 s26, $0x3  }
0xd9: {  	s30 =	simm.s32 @p2 $0x0;
	s29 =	sshrl.u32 @p2 s28, $0x2;
	s26 =	sadd.s32 @p2 s6, s26  }
0xda: {  	[tilespmem:s29], [sflag:$0x6] =	stream.linear.gather @p2 [hbm4b:s26+s30], $0x800, $0x38;
	[tilespmem:$0x1E800] =	vst v63  }
.Ltmp5:
0xdb: {  	s26 =	simm.s32 @p2 $0x6;
	s29 =	sand.u32 @!p2 $0x2000, s21;
	(pc) =	sbr.rel .LBB2_6-.Ltmp5, $4  }
0xdc: {  	s25 =	sshll.u32 s25, $0x7;
	_ =	swait.ge @p2 [sflag:s26], $0x800;
	s29 =	smov.u32 @p2 s28  }
0xdd: {  	s22 =	sadd.s32 $0x2, s22;
	[sflag:s26] =	ssyncset.done @p2 $0x0;
	s28 =	sshrl.u32 s29, $0x2  }
0xde: {  	s21 =	sadd.s32 $0x800, s21;
	[sflag:s26] =	ssyncadd.s32 @p2 $0xFFFFF800;
	s25 =	sadd.s32 s25, s28  }
0xdf: {  	[tilespmem:s5], [sflag:$0x1] =	stream.indirect.gather [hbm4b:s0+s11], $0x40, s25, s11, $0xb8;
	[tilespmem:$0x1E800] =	vst v63  }
.LBB2_9:
0xe0: {  	_ =	sfence.sel $0x180000  }
0xe1: {  	[bflag:$0x0] =	sbarrier.arrive $0xFFFF  }
0xe2: {  	_ =	strace $0x90000047  }
0xe3: {  	s0 =	stileid.u32;
	[bflag:$0x2] =	sbarrier.arrive $0xFFFF  }
0xe4: {  	p0 =	sne.s32 s0, $0x0;
	s0 =	rddreg [dreg:$0x5]  }
0xe5: {  	s0 =	sadd.s32 @!p0 $0x100000, s0  }
0xe6: {  	[sflag:s0] =	ssyncadd.tile.s32 @!p0 $0x1;
	_ =	shalt  }
.Lfunc_end2:
_tile_overlayer_lowered:
.L_overlay_start_2:
0xe7: {  	(tag) =	ssettag $0x2  }
0xe8: {  	s0 =	rddreg [dreg:$0x0];
	s2 =	stileid.u32  }
0xe9: {  	s1 =	rddreg [dreg:$0x1];
	p0 =	sne.s32 s2, $0x0  }
0xea: {  	s3 =	rddreg [dreg:$0x2];
	[bflag:$0x3] =	sbarrier.arrive $0xFFFF;
	s2 =	simm.s32 @!p0 $0x1C06  }
0xeb: {  	[timem:s3], [sflag:s2] =	dma.local @!p0 [hbm:s0], s1  }
0xec: {  	s0 =	simm.s32 @!p0 $0x6  }
0xed: {  	_ =	swait.ge @!p0 [sflag:s0], s1  }
0xee: {  	s1 =	ssub.s32 @!p0 $0x0, s1;
	[sflag:s0] =	ssyncset.done @!p0 $0x0  }
0xef: {  	[sflag:s0] =	ssyncadd.s32 @!p0 s1  }
0xf0: {  	[bflag:$0x3] =	sbarrier.arrive $0xFFFF  }
0xf1: {  	_ =	shalt  }

// kernel: kernel.9.cloned.1.call-start
scs
__scs_entry_jumppad:
0x0: {  	(pc) =	sbr.rel $0x88, $3  }
0x1: {  	(tag) =	ssettag $0x0;
	lr =	simm.s32 $0x1  }
0x2: {  	[smem:$0x3F98] =	sst lr;
	_ =	strace $0xD0000000  }
0x3: {  	_ = 	snop  }
0x4: {  	_ = 	snop  }
0x5: {  	_ = 	snop  }
0x6: {  	_ = 	snop  }
0x7: {  	_ = 	snop  }
__scs_overlays_trampoline_lowered:
0x8: {  	[smem:$0x3FA7] =	sst s0  }
0x9: {  	[smem:$0x3FA8] =	sst s1  }
0xa: {  	[smem:$0x3FA9] =	sst s2  }
0xb: {  	[smem:$0x3FAA] =	sst s3  }
0xc: {  	[smem:$0x3FAB] =	sst s4  }
0xd: {  	[smem:$0x3FAC] =	sst s5  }
0xe: {  	[smem:$0x3FAD] =	sst s6  }
0xf: {  	[smem:$0x3FAE] =	sst s7  }
0x10: {  	[smem:$0x3FAF] =	sst s8  }
0x11: {  	[smem:$0x3FB0] =	sst s9;
	s0 =	simm.s32 @!p0 $0x0  }
0x12: {  	s1 =	sld [smem:$0x3F96];
	s0 =	simm.s32 @p0 $0x1  }
0x13: {  	[smem:$0x3FB1] =	sst s0;
	s0 =	simm.s32 @!p1 $0x0  }
0x14: {  	s2 =	sld [smem:$0x3F95];
	s0 =	simm.s32 @p1 $0x1  }
0x15: {  	[smem:$0x3FB2] =	sst s0;
	s0 =	simm.s32 @!p2 $0x0  }
0x16: {  	s3 =	sld [smem:$0x3FDB];
	s0 =	simm.s32 @p2 $0x1  }
0x17: {  	s4 =	simm.s32 $0x1BF5;
	[smem:$0x3FB4] =	sst s0  }
0x18: {  	s0 =	sld [smem:$0x3F97];
	_ =	swait.ge [sflag:s4], $0x0  }
0x19: {  	s7 =	sld [smem:$0x3F98]  }
0x1a: {  	s8 =	sadd.s32 $0xFFFFE003, lr  }
0x1b: {  	s9 =	sadd.s32 $0xFFFFFEF7, lr;
	s5 =	simm.s32 $0xFFFFFFFF;
	p2 =	slt.u32 s8, $0xFFFFF086  }
0x1c: {  	p1 =	slt.u32 s9, $0xF7A;
	s5 =	simm.s32 @!p2 $0x0  }
0x1d: {  	s5 =	simm.s32 @p1 $0x1;
	p0 =	seq.s32 s7, s2  }
0x1e: {  	s7 =	smul.u32 @!p0 $0xF7A, s2;
	p2 =	seq.s32 @!p0 s5, $0x0  }
0x1f: {  	s9 =	smul.u32 $0xF7A, s1;
	s8 =	simm.s32 @!p0 $0x1BF5;
	p2 =	por !p2, p0  }
0x20: {  	[sflag:s8] =	ssyncset.s32 @!p0 $0xFFFFF086;
	s6 =	sadd.s32 @!p0 s3, s7;
	s7 =	simm.s32 @!p0 $0x108  }
0x21: {  	s3 =	sadd.s32 s3, s9;
	s6 =	sadd.s32 @!p0 $0x88, s6;
	s7 =	simm.s32 @p2 $0x1082  }
0x22: {  	[simem:s7], [sflag:s8] =	dma.local @!p0 [hbm:s6], $0xF7A  }
0x23: {  	s9 =	sor.u32 $0xD0000000, s2;
	s6 =	simm.s32 $0x108;
	_ =	swait.ge @!p0 [sflag:s8], $0x0  }
0x24: {  	s3 =	sadd.s32 $0x88, s3;
	s6 =	simm.s32 @!p1 $0x1082;
	[sflag:s4] =	ssyncset.s32 $0xFFFFF086  }
0x25: {  	[simem:s6], [sflag:s4] =	dma.local [hbm:s3], $0xF7A  }
0x26: {  	[smem:$0x3F98] =	sst s1;
	(tag) =	ssettag s2;
	_ =	strace s9  }
0x27: {  	s1 =	sld [smem:$0x3FA8]  }
0x28: {  	s2 =	sld [smem:$0x3FA9]  }
0x29: {  	s4 =	sld [smem:$0x3FAB]  }
0x2a: {  	p0 =	seq.s32 s5, $0x0;
	s5 =	sld [smem:$0x3FAC]  }
0x2b: {  	s6 =	sld [smem:$0x3FAD]  }
0x2c: {  	s7 =	sld [smem:$0x3FAE]  }
0x2d: {  	s3 =	simm.s32 $0x108;
	s8 =	sld [smem:$0x3FAF]  }
0x2e: {  	s3 =	simm.s32 @!p0 $0x1082;
	s9 =	sld [smem:$0x3FB0]  }
0x2f: {  	lr =	sadd.s32 s0, s3;
	s0 =	sld [smem:$0x3FA7]  }
0x30: {  	s3 =	sld [smem:$0x3FAA]  }
0x31: {  	[smem:$0x3FB3] =	sst s10  }
0x32: {  	s10 =	sld [smem:$0x3FB1];
	_ =	sdelay $0x3  }
0x33: {  	p0 =	seq.s32 s10, $0x1;
	s10 =	sld [smem:$0x3FB3];
	_ =	sdelay $0x3  }
0x34: {  	[smem:$0x3FB3] =	sst s10  }
0x35: {  	s10 =	sld [smem:$0x3FB2];
	_ =	sdelay $0x3  }
0x36: {  	p1 =	seq.s32 s10, $0x1;
	s10 =	sld [smem:$0x3FB3];
	_ =	sdelay $0x3  }
0x37: {  	[smem:$0x3FB3] =	sst s10  }
0x38: {  	s10 =	sld [smem:$0x3FB4]  }
0x39: {  	_ = 	snop;
	(pc) =	sbr.ind lr, $3  }
0x3a: {  	_ = 	snop  }
0x3b: {  	_ = 	snop  }
0x3c: {  	p2 =	seq.s32 s10, $0x1;
	s10 =	sld [smem:$0x3FB3]  }
0x3d: {  	_ =	shalt  }
0x3e: {  	_ =	shalt  }
0x3f: {  	_ =	shalt  }
0x40: {  	_ =	shalt  }
0x41: {  	_ =	shalt  }
0x42: {  	_ =	shalt  }
0x43: {  	_ =	shalt  }
0x44: {  	_ =	shalt  }
0x45: {  	_ =	shalt  }
0x46: {  	_ =	shalt  }
0x47: {  	_ =	shalt  }
0x48: {  	_ =	shalt  }
0x49: {  	_ =	shalt  }
0x4a: {  	_ =	shalt  }
0x4b: {  	_ =	shalt  }
0x4c: {  	_ =	shalt  }
0x4d: {  	_ =	shalt  }
0x4e: {  	_ =	shalt  }
0x4f: {  	_ =	shalt  }
0x50: {  	_ =	shalt  }
0x51: {  	_ =	shalt  }
0x52: {  	_ =	shalt  }
0x53: {  	_ =	shalt  }
0x54: {  	_ =	shalt  }
0x55: {  	_ =	shalt  }
0x56: {  	_ =	shalt  }
0x57: {  	_ =	shalt  }
0x58: {  	_ =	shalt  }
0x59: {  	_ =	shalt  }
0x5a: {  	_ =	shalt  }
0x5b: {  	_ =	shalt  }
0x5c: {  	_ =	shalt  }
0x5d: {  	_ =	shalt  }
0x5e: {  	_ =	shalt  }
0x5f: {  	_ =	shalt  }
0x60: {  	_ =	shalt  }
0x61: {  	_ =	shalt  }
0x62: {  	_ =	shalt  }
0x63: {  	_ =	shalt  }
0x64: {  	_ =	shalt  }
0x65: {  	_ =	shalt  }
0x66: {  	_ =	shalt  }
0x67: {  	_ =	shalt  }
0x68: {  	_ =	shalt  }
0x69: {  	_ =	shalt  }
0x6a: {  	_ =	shalt  }
0x6b: {  	_ =	shalt  }
0x6c: {  	_ =	shalt  }
0x6d: {  	_ =	shalt  }
0x6e: {  	_ =	shalt  }
0x6f: {  	_ =	shalt  }
0x70: {  	_ =	shalt  }
0x71: {  	_ =	shalt  }
0x72: {  	_ =	shalt  }
0x73: {  	_ =	shalt  }
0x74: {  	_ =	shalt  }
0x75: {  	_ =	shalt  }
0x76: {  	_ =	shalt  }
0x77: {  	_ =	shalt  }
0x78: {  	_ =	shalt  }
0x79: {  	_ =	shalt  }
0x7a: {  	_ =	shalt  }
0x7b: {  	_ =	shalt  }
0x7c: {  	_ =	shalt  }
0x7d: {  	_ =	shalt  }
0x7e: {  	_ =	shalt  }
0x7f: {  	_ =	shalt  }
0x80: {  	_ =	shalt  }
0x81: {  	_ =	shalt  }
0x82: {  	_ =	shalt  }
0x83: {  	_ =	shalt  }
0x84: {  	_ =	shalt  }
0x85: {  	_ =	shalt  }
0x86: {  	_ =	shalt  }
0x87: {  	_ =	shalt  }
.Lfunc_end0:
.L_simem_size_0:
called_computation.1_lowered:
.L_overlay_start_0:
0x88: {  	s2 =	sld [smem:$0x3FD9]  }
0x89: {  	s3 =	sld [smem:$0x3FFE];
	_ =	sdelay $0x1  }
0x8a: {  	s1 =	srdreg.scid  }
0x8b: {  	s0 =	sand.u32 $0x1, s1  }
0x8c: {  	s17 =	sshll.u32 s0, $0xA;
	s2 =	sadd.s32 s3, s2  }
0x8d: {  	s2 =	sadd.s32 s2, s17  }
0x8e: {  	[smem:$0x3FBF] =	sst s2  }
0x8f: {  	_ = 	snop  }
0x90: {  	s2 =	sld [smem:$0x3FD0];
	(tm) =	ssettm $0x1  }
0x91: {  	s18 =	sld [smem:$0x3FFB];
	_ =	sdelay $0x3  }
0x92: {  	_ =	strace s18  }
0x93: {  	s3 =	sld [smem:$0x3FFC];
	_ =	sdelay $0x3  }
0x94: {  	_ =	strace s3  }
0x95: {  	s3 =	sld [smem:$0x3FFD];
	_ =	sdelay $0x3  }
0x96: {  	_ =	strace s3  }
0x97: {  	_ =	strace $0x8FFFFFFF  }
0x98: {  	s19 =	sld [smem:$0x3FDB];
	_ =	sdelay $0x1  }
0x99: {  	s4 =	simm.s32 $_scs_section_size  }
0x9a: {  	s5 =	simm.s32 $_size__tile_overlayer_lowered;
	s6 =	simm.s32 $_tile_overlayer_lowered  }
0x9b: {  	s22 =	simm.s32 $0x1BFF;
	s21 =	sshll.u32 s6, $0x1;
	s3 =	sadd.s32 s4, s19  }
0x9c: {  	s7 =	simm.s32 $0x0;
	s20 =	sshll.u32 s5, $0x1;
	s5 =	sadd.s32 s21, s3  }
0x9d: {  	[timem:s7], [sflag:s22] =	dma.local [hbm:s5], s20  }
0x9e: {  	_ =	swait.ge [sflag:s22], s20  }
0x9f: {  	s4 =	ssub.s32 $0x0, s20;
	[sflag:s22] =	ssyncset.done $0x0  }
0xa0: {  	[sflag:s22] =	ssyncadd.s32 s4;
	_ =	sdelay $0x1  }
0xa1: {  	s23 =	simm.s32 $0x1B8B  }
0xa2: {  	_ =	swait.ge [sflag:s23], $0x1  }
0xa3: {  	[sflag:s23] =	ssyncset.done $0x0  }
0xa4: {  	s25 =	simm.s32 $0x1B8E;
	s24 =	sld [smem:$0x3FFE];
	[sflag:s23] =	ssyncadd.s32 $0xFFFFFFFF  }
0xa5: {  	s26 =	simm.s32 $execute0_lowered;
	[smem:$0x3FD2] =	sst s25  }
0xa6: {  	s5 =	sshll.u32 s26, $0x1;
	_ =	strace $0x80000049;
	[dreg:$0x1] =	wrdreg $0xFFFFFFFF  }
0xa7: {  	s28 =	simm.s32 $_size_execute0_lowered;
	s3 =	sadd.s32 s3, s5;
	[dreg:$0x0] =	wrdreg $0x0  }
0xa8: {  	s5 =	sshll.u32 s28, $0x1;
	[dreg:$0x2] =	wrdreg s3  }
0xa9: {  	[dreg:$0x3] =	wrdreg s5  }
0xaa: {  	[dreg:$0x4] =	wrdreg $0xC0  }
0xab: {  	_ =	task [dreg:s7], $0x5FFFF  }
0xac: {  	[dreg:$0x1] =	wrdreg $0xFFFFFFFF  }
0xad: {  	[dreg:$0x0] =	wrdreg $0x60  }
0xae: {  	[dreg:$0x2] =	wrdreg s2  }
0xaf: {  	[dreg:$0x3] =	wrdreg s24  }
0xb0: {  	[dreg:$0x4] =	wrdreg $0xB8000  }
0xb1: {  	[dreg:$0x5] =	wrdreg $0x9  }
0xb2: {  	_ =	task.clear_ibuf [dreg:s7], $0x6FFFF;
	_ =	strace $0x90000049  }
0xb3: {  	s29 =	simm.s32 $0x9;
	_ =	strace $0x8000004B  }
0xb4: {  	_ =	swait.ge [sflag:s29], $0x1  }
0xb5: {  	[sflag:s29] =	ssyncadd.s32 $0xFFFFFFFF  }
0xb6: {  	_ =	strace $0x9000004B  }
0xb7: {  	_ =	sfence  }
0xb8: {  	s30 =	sld [smem:$0x0];
	_ =	sdelay $0x2  }
0xb9: {  	s31 =	sshll.u32 s1, $0xD;
	s1 =	sshrl.u32 s1, $0x2  }
0xba: {  	s3 =	sand.u32 $0x4000, s31;
	s1 =	sadd.s32 s1, s30  }
0xbb: {  	s0 =	sor.u32 s3, s0;
	s1 =	sshll.u32 s1, $0x11  }
0xbc: {  	s0 =	sor.u32 s1, s0  }
0xbd: {  	s0 =	sadd.s32 $0x8F2B, s0  }
0xbe: {  	[sflag:s0] =	ssyncadd.remote.s32 $0x1  }
0xbf: {  	_ =	sfence.sel $0xFFFF  }
0xc0: {  	[dreg:$0x0] =	wrdreg $0xFFFFFFFF;
	(pc) =	sbr.abs _section_cstart, $3  }
0xc1: {  	[dreg:$0x1] =	wrdreg $0xFFFFFFFF  }
0xc2: {  	_ =	task.clear_ibuf [dreg:s7], $0x2FFFF;
	_ =	strace $0x9FFFFFFF  }
0xc3: {  	(tm) =	ssettm $0x7FFFFFFF  }
tec
execute0_lowered:
.L_overlay_start_1:
0x0: {  	(tag) =	ssettag $0x1  }
0x1: {  	s1 =	rddreg [dreg:$0x0]  }
0x2: {  	s0 =	rddreg [dreg:$0x1];
	s2 =	srdreg.scid  }
0x3: {  	s4 =	stileid.u32;
	s3 =	rddreg [dreg:$0x2]  }
0x4: {  	s12 =	simm.s32 $0x0;
	s29 =	simm.s32 $0x7000;
	s30 =	simm.s32 $0x1  }
0x5: {  	s31 =	simm.s32 $0x9000;
	s28 =	simm.s32 $0x3;
	s8 =	smul.u32 $0x50000, s4  }
0x6: {  	s10 =	simm.s32 $0x5;
	s11 =	simm.s32 $0x9;
	s7 =	smul.u32 $0x14000, s4  }
0x7: {  	s2 =	sand.u32 $0x1, s2;
	[smem:$0x7FF] =	sst s12;
	s8 =	sshrl.u32 s8, $0x2  }
0x8: {  	s17 =	smul.u32 $0xA000, s4;
	s16 =	sadd.s32 s7, s3;
	s8 =	sadd.s32 s8, s3  }
0x9: {  	_ =	strace $0x8000004A;
	[dreg:$0x5] =	wrdreg s16;
	s15 =	sadd.s32 $0x2000, s8  }
0xa: {  	s5 =	smul.u32 $0x140000, s2;
	s18 =	sadd.s32 $0x4000, s8;
	[dreg:$0x6] =	wrdreg s15  }
0xb: {  	s9 =	ssub.s32 $0x2, s2;
	s19 =	sadd.s32 $0x6000, s8;
	[dreg:$0x7] =	wrdreg s18  }
0xc: {  	s14 =	sshrl.u32 s9, $0x1;
	s20 =	sadd.s32 $0x8000, s8;
	[dreg:$0x8] =	wrdreg s19  }
0xd: {  	s6 =	sadd.s32 s7, s5;
	s21 =	sadd.s32 $0xA000, s8;
	[dreg:$0x9] =	wrdreg s20  }
0xe: {  	s5 =	sadd.s32 $0x1E00, s0;
	s22 =	sadd.s32 $0xC000, s8;
	[dreg:$0xa] =	wrdreg s21  }
0xf: {  	s9 =	ssub.s32 s9, s14;
	s23 =	sadd.s32 $0xE000, s8;
	[dreg:$0xb] =	wrdreg s22  }
0x10: {  	s6 =	sshrl.u32 s6, $0x3;
	s24 =	sadd.s32 $0x10000, s8;
	[dreg:$0xc] =	wrdreg s23  }
0x11: {  	s25 =	sadd.s32 $0x12000, s8;
	s26 =	smax.u32 s9, $0x1;
	[dreg:$0xd] =	wrdreg s24  }
0x12: {  	s8 =	simm.s32 $0x4;
	s9 =	simm.s32 $0x8;
	[dreg:$0xe] =	wrdreg s25  }
0x13: {  	s0 =	sadd.s32 s6, s0;
	s6 =	smul.u32 $0xA0000, s2;
	[dreg:$0x11] =	wrdreg s26  }
.Ltmp0:
0x14: {  	s21 =	simm.s32 $0x1000;
	s22 =	simm.s32 $0xB;
	(pc) =	sbr.rel .LBB2_1-.Ltmp0, $4  }
0x15: {  	s23 =	simm.s32 $0x80;
	s26 =	simm.s32 $0x5000;
	s2 =	sadd.s32 s17, s6  }
0x16: {  	s25 =	simm.s32 $0x6;
	s0 =	sadd.s32 $0x29E00, s0;
	s2 =	sshrl.u32 s2, $0x3  }
0x17: {  	s17 =	smul.u32 $0x14, s4;
	[dreg:$0x10] =	wrdreg s0;
	s2 =	sadd.s32 s5, s2  }
0x18: {  	v0 =	vimm.f32 $0.0e+00;
	s0 =	simm.s32 $0x7;
	[dreg:$0xf] =	wrdreg s2;
	s2 =	simm.s32 $0x2  }
.LBB2_6:
0x19: {  	s4 =	simm.s32 $0xA  }
0x1a: {  	_ =	swait.ge [sflag:s4], $0x2000  }
0x1b: {  	[sflag:s4] =	ssyncset.done $0x0  }
0x1c: {  	[sflag:s4] =	ssyncadd.s32 $0xFFFFE000  }
0x1d: {  	s19 =	stileid.u32;
	[bflag:$0x0] =	sbarrier.arrive $0xFFFF  }
0x1e: {  	s4 =	sshll.u32 s19, $0x6;
	s16 =	rddreg [dreg:$0x5]  }
0x1f: {  	s4 =	sor.u32 $0x1C0B, s4;
	s12 =	rddreg [dreg:$0x10];
	s7 =	sshrl.u32 s16, $0x3  }
0x20: {  	[hbm:s12], [sflag:s4] =	dma.local [spmem:s7], $0x2800  }
0x21: {  	_ =	swait.ge [sflag:s22], $0x2800  }
0x22: {  	s20 =	rddreg [dreg:$0x4]  }
0x23: {  	s24 =	rddreg [dreg:$0x11];
	s12 =	sadd.s32 $0x1, s20  }
0x24: {  	p0 =	sne.s32 s12, s24  }
.Ltmp1:
0x25: {  	_ = 	snop;
	(pc) =	sbr.rel @!p0 .LBB2_7-.Ltmp1, $3  }
0x26: {  	_ =	sdelay $0x1  }
0x27: {  	[sflag:s22] =	ssyncset.done $0x0  }
0x28: {  	[sflag:s22] =	ssyncadd.s32 $0xFFFFD800  }
.LBB2_1:
0x29: {  	s13 =	simm.s32 $0x1020  }
0x2a: {  	[tilespmem:s13+$0x0] =	vst v0  }
0x2b: {  	[tilespmem:s13+$0xFFFFFFE0] =	vst v0  }
0x2c: {  	[tilespmem:s13+$0x10] =	vst v0  }
0x2d: {  	[dreg:$0x4] =	wrdreg s12;
	s14 =	simm.s32 $0x40;
	s15 =	simm.s32 $0x0;
	[tilespmem:s13+$0xFFFFFFF0] =	vst v0  }
.LBB2_2:
0x2e: {  	p0 =	sne.s32 s14, $0x1FC0  }
0x2f: {  	[tilespmem:s15+$0xB000] =	vst v0;
	s13 =	sadd.s32 $0x40, s13;
	s15 =	smov.u32 s14;
	s14 =	sadd.s32 $0x40, s14  }
.Ltmp2:
0x30: {  	[tilespmem:s13+$0x0] =	vst v0;
	(pc) =	sbr.rel @p0 .LBB2_2-.Ltmp2, $4  }
0x31: {  	_ = 	snop  }
0x32: {  	[tilespmem:s13+$0xFFFFFFE0] =	vst v0  }
0x33: {  	[tilespmem:s13+$0x10] =	vst v0  }
0x34: {  	s15 =	sshra.s32 s15, $0x2;
	[tilespmem:s13+$0xFFFFFFF0] =	vst v0  }
0x35: {  	[tilespmem:s15+$0xB000] =	vst v0  }
0x36: {  	[spmem:s16] =	stream.linear.scatter [tilespmem:s21], [sflag:$0xB], $0x2000, $0x38;
	[tilespmem:$0x1F800] =	vst v63  }
0x37: {  	_ =	swait.ge [sflag:s22], $0x2000  }
0x38: {  	[sflag:s22] =	ssyncset.done $0x0  }
0x39: {  	s4 =	rddreg [dreg:$0x6];
	[sflag:s22] =	ssyncadd.s32 $0xFFFFE000  }
0x3a: {  	[spmem:s4] =	stream.linear.scatter [tilespmem:s21], [sflag:$0xB], $0x2000, $0x38;
	[tilespmem:$0x1F800] =	vst v63  }
0x3b: {  	_ =	swait.ge [sflag:s22], $0x2000  }
0x3c: {  	[sflag:s22] =	ssyncset.done $0x0  }
0x3d: {  	s20 =	rddreg [dreg:$0x7];
	[sflag:s22] =	ssyncadd.s32 $0xFFFFE000  }
0x3e: {  	[spmem:s20] =	stream.linear.scatter [tilespmem:s21], [sflag:$0xB], $0x2000, $0x38;
	[tilespmem:$0x1F800] =	vst v63  }
0x3f: {  	_ =	swait.ge [sflag:s22], $0x2000  }
0x40: {  	[sflag:s22] =	ssyncset.done $0x0  }
0x41: {  	s24 =	rddreg [dreg:$0x8];
	[sflag:s22] =	ssyncadd.s32 $0xFFFFE000  }
0x42: {  	[spmem:s24] =	stream.linear.scatter [tilespmem:s21], [sflag:$0xB], $0x2000, $0x38;
	[tilespmem:$0x1F800] =	vst v63  }
0x43: {  	_ =	swait.ge [sflag:s22], $0x2000  }
0x44: {  	[sflag:s22] =	ssyncset.done $0x0  }
0x45: {  	s7 =	rddreg [dreg:$0x9];
	[sflag:s22] =	ssyncadd.s32 $0xFFFFE000  }
0x46: {  	[spmem:s7] =	stream.linear.scatter [tilespmem:s21], [sflag:$0xB], $0x2000, $0x38;
	[tilespmem:$0x1F800] =	vst v63  }
0x47: {  	_ =	swait.ge [sflag:s22], $0x2000  }
0x48: {  	[sflag:s22] =	ssyncset.done $0x0  }
0x49: {  	s12 =	rddreg [dreg:$0xa];
	[sflag:s22] =	ssyncadd.s32 $0xFFFFE000  }
0x4a: {  	[spmem:s12] =	stream.linear.scatter [tilespmem:s21], [sflag:$0xB], $0x2000, $0x38;
	[tilespmem:$0x1F800] =	vst v63  }
0x4b: {  	_ =	swait.ge [sflag:s22], $0x2000  }
0x4c: {  	[sflag:s22] =	ssyncset.done $0x0  }
0x4d: {  	s13 =	rddreg [dreg:$0xb];
	[sflag:s22] =	ssyncadd.s32 $0xFFFFE000  }
0x4e: {  	[spmem:s13] =	stream.linear.scatter [tilespmem:s21], [sflag:$0xB], $0x2000, $0x38;
	[tilespmem:$0x1F800] =	vst v63  }
0x4f: {  	_ =	swait.ge [sflag:s22], $0x2000  }
0x50: {  	[sflag:s22] =	ssyncset.done $0x0  }
0x51: {  	s14 =	rddreg [dreg:$0xc];
	[sflag:s22] =	ssyncadd.s32 $0xFFFFE000  }
0x52: {  	[spmem:s14] =	stream.linear.scatter [tilespmem:s21], [sflag:$0xB], $0x2000, $0x38;
	[tilespmem:$0x1F800] =	vst v63  }
0x53: {  	_ =	swait.ge [sflag:s22], $0x2000  }
0x54: {  	[sflag:s22] =	ssyncset.done $0x0  }
0x55: {  	s15 =	rddreg [dreg:$0xd];
	[sflag:s22] =	ssyncadd.s32 $0xFFFFE000  }
0x56: {  	[spmem:s15] =	stream.linear.scatter [tilespmem:s21], [sflag:$0xB], $0x2000, $0x38;
	[tilespmem:$0x1F800] =	vst v63  }
0x57: {  	_ =	swait.ge [sflag:s22], $0x2000  }
0x58: {  	[sflag:s22] =	ssyncset.done $0x0  }
0x59: {  	s16 =	rddreg [dreg:$0xe];
	[sflag:s22] =	ssyncadd.s32 $0xFFFFE000  }
0x5a: {  	[spmem:s16] =	stream.linear.scatter [tilespmem:s21], [sflag:$0xB], $0x2000, $0x38;
	[tilespmem:$0x1F800] =	vst v63  }
0x5b: {  	_ =	swait.ge [sflag:s22], $0x2000  }
0x5c: {  	[sflag:s22] =	ssyncset.done $0x0  }
0x5d: {  	[sflag:s22] =	ssyncadd.s32 $0xFFFFE000  }
0x5e: {  	[bflag:$0x0] =	sbarrier.arrive $0xFFFF  }
0x5f: {  	s16 =	simm.s32 $0x0;
	s18 =	rddreg [dreg:$0xf]  }
0x60: {  	[tilespmem:s16], [sflag:$0xB] =	stream.linear.gather [hbm4b:s18+s16], $0x800, $0x38;
	[tilespmem:$0x1F800] =	vst v63  }
0x61: {  	_ =	swait.ge [sflag:s22], $0x800  }
0x62: {  	[sflag:s22] =	ssyncset.done $0x0  }
0x63: {  	[sflag:s22] =	ssyncadd.s32 $0xFFFFF800  }
0x64: {  	[tilespmem:s21], [sflag:$0x1] =	stream.indirect.gather [hbm4b:s1+s23], $0x40, s16, s23, $0xb8;
	[tilespmem:$0x1F800] =	vst v63  }
0x65: {  	s19 =	simm.s32 $0x3000  }
0x66: {  	[tilespmem:s19], [sflag:$0x2] =	stream.indirect.gather [hbm4b:s1+s23], $0x40, s23, s23, $0xb8;
	[tilespmem:$0x1F800] =	vst v63  }
0x67: {  	s20 =	simm.s32 $0x100  }
0x68: {  	[tilespmem:s26], [sflag:$0x3] =	stream.indirect.gather [hbm4b:s1+s23], $0x40, s20, s23, $0xb8;
	[tilespmem:$0x1F800] =	vst v63  }
0x69: {  	s24 =	simm.s32 $0x180;
	s13 =	simm.s32 $0x2000;
	s14 =	simm.s32 $0x0  }
0x6a: {  	[tilespmem:s29], [sflag:$0x4] =	stream.indirect.gather [hbm4b:s1+s23], $0x40, s24, s23, $0xb8;
	[tilespmem:$0x1F800] =	vst v63  }
.LBB2_4:
0x6b: {  	s15 =	sadd.s32 $0xFFFFE000, s13  }
0x6c: {  	s18 =	sand.u32 $0xE00, s14;
	s15 =	sand.u32 $0x2000, s15  }
0x6d: {  	_ =	swait.ge [sflag:s30], $0x2000;
	s15 =	sor.u32 s18, s15;
	s18 =	sadd.s32 $0x4, s16  }
0x6e: {  	[sflag:s30] =	ssyncset.done $0x0;
	s15 =	sshrl.u32 s15, $0x2;
	s4 =	sand.u32 $0x7, s18  }
0x6f: {  	[sflag:s30] =	ssyncadd.s32 $0xFFFFE000;
	s15 =	sor.u32 $0x400, s15;
	p0 =	seq.s32 s4, $0x0  }
0x70: {  	[spmem:s3] =	stream.indirect.scatter.add.f32 [tilespmem:s21], [sflag:$0x6], $0x40, s15, s23, $0xb8;
	[tilespmem:$0x1F800] =	vst v63  }
0x71: {  	p1 =	seq.s32 s13, $0x2000;
	s18 =	sshrl.u32 @p0 s18, $0x3  }
0x72: {  	s19 =	simm.s32 @!p1 $0xA;
	s18 =	sadd.s32 @p0 s17, s18  }
0x73: {  	_ =	swait.ge @!p1 [sflag:s19], $0x2000;
	s18 =	sshll.u32 @p0 s18, $0xB  }
0x74: {  	s20 =	sadd.s32 @p0 $0xFFFFF000, s13;
	[sflag:s19] =	ssyncset.done @!p1 $0x0;
	s18 =	sadd.s32 @p0 s6, s18  }
0x75: {  	[sflag:s19] =	ssyncadd.s32 @!p1 $0xFFFFE000;
	s19 =	sand.u32 @p0 $0x2000, s20;
	s18 =	sshrl.u32 @p0 s18, $0x3  }
0x76: {  	s12 =	simm.s32 @p0 $0x0;
	s20 =	sshrl.u32 @p0 s19, $0x2;
	s18 =	sadd.s32 @p0 s5, s18  }
0x77: {  	[tilespmem:s20], [sflag:$0xB] =	stream.linear.gather @p0 [hbm4b:s18+s12], $0x800, $0x38;
	[tilespmem:$0x1F800] =	vst v63  }
0x78: {  	s12 =	sadd.s32 @!p0 $0xFFFFF000, s13  }
0x79: {  	s20 =	simm.s32 @p0 $0xB;
	s12 =	sand.u32 @!p0 $0x2000, s12  }
0x7a: {  	s7 =	sshll.u32 s4, $0x7;
	_ =	swait.ge @p0 [sflag:s20], $0x800;
	s12 =	smov.u32 @p0 s19  }
0x7b: {  	s15 =	sadd.s32 $0xFFFFE400, s13;
	[sflag:s20] =	ssyncset.done @p0 $0x0;
	s18 =	sshrl.u32 s12, $0x2  }
0x7c: {  	s19 =	sadd.s32 $0x200, s14;
	[sflag:s20] =	ssyncadd.s32 @p0 $0xFFFFF800;
	s12 =	sadd.s32 s7, s18  }
0x7d: {  	[tilespmem:s31], [sflag:$0x5] =	stream.indirect.gather [hbm4b:s1+s23], $0x40, s12, s23, $0xb8;
	[tilespmem:$0x1F800] =	vst v63  }
0x7e: {  	s12 =	sand.u32 $0x2000, s15;
	s15 =	sand.u32 $0xE00, s19  }
0x7f: {  	s4 =	simm.s32 $0x3000;
	_ =	swait.ge [sflag:s2], $0x2000;
	s12 =	sor.u32 s15, s12  }
0x80: {  	p0 =	seq.s32 s13, $0x28C00;
	[sflag:s2] =	ssyncset.done $0x0;
	s12 =	sshrl.u32 s12, $0x2  }
0x81: {  	s15 =	sadd.s32 $0x5, s16;
	[sflag:s2] =	ssyncadd.s32 $0xFFFFE000;
	s12 =	sor.u32 $0x400, s12  }
0x82: {  	[spmem:s3] =	stream.indirect.scatter.add.f32 [tilespmem:s4], [sflag:$0x7], $0x40, s12, s23, $0xb8;
	[tilespmem:$0x1F800] =	vst v63  }
0x83: {  	s12 =	sand.u32 @!p0 $0x7, s15  }
0x84: {  	p2 =	seq.s32 @!p0 s12, $0x0  }
0x85: {  	p1 =	por !p2, p0  }
0x86: {  	s19 =	sshrl.u32 @!p1 s15, $0x3  }
0x87: {  	_ =	swait.ge [sflag:s25], $0x2000;
	s19 =	sadd.s32 @!p1 s17, s19  }
0x88: {  	[sflag:s25] =	ssyncset.done $0x0;
	s19 =	sshll.u32 @!p1 s19, $0xB  }
0x89: {  	p2 =	por p2, p0;
	s20 =	sadd.s32 @!p1 $0xFFFFF400, s13;
	s19 =	sadd.s32 @!p1 s6, s19  }
0x8a: {  	[sflag:s25] =	ssyncadd.s32 $0xFFFFE000;
	s20 =	sand.u32 @!p1 $0x2000, s20;
	s19 =	sshrl.u32 @!p1 s19, $0x3  }
0x8b: {  	s4 =	simm.s32 @!p1 $0x0;
	s7 =	sshrl.u32 @!p1 s20, $0x2;
	s19 =	sadd.s32 @!p1 s5, s19  }
0x8c: {  	[tilespmem:s7], [sflag:$0xB] =	stream.linear.gather @!p1 [hbm4b:s19+s4], $0x800, $0x38;
	[tilespmem:$0x1F800] =	vst v63  }
0x8d: {  	s4 =	simm.s32 @!p1 $0xB;
	s7 =	sadd.s32 @!p2 $0xFFFFF400, s13  }
0x8e: {  	s24 =	sadd.s32 $0x400, s14;
	_ =	swait.ge @!p1 [sflag:s4], $0x800;
	s7 =	sand.u32 @!p2 $0x2000, s7  }
0x8f: {  	s19 =	simm.s32 @!p0 $0x80;
	[sflag:s4] =	ssyncset.done @!p1 $0x0;
	s20 =	smov.u32 @p1 s7  }
0x90: {  	s7 =	sshll.u32 @!p0 s12, $0x7;
	[sflag:s4] =	ssyncadd.s32 @!p1 $0xFFFFF800;
	s4 =	sshrl.u32 @!p0 s20, $0x2  }
0x91: {  	s20 =	sadd.s32 $0xFFFFE800, s13;
	s4 =	sadd.s32 @!p0 s7, s4;
	s7 =	simm.s32 @!p0 $0x1000  }
0x92: {  	[tilespmem:s7], [sflag:$0x1] =	stream.indirect.gather @!p0 [hbm4b:s1+s19], $0x40, s4, s19, $0xb8;
	[tilespmem:$0x1F800] =	vst v63  }
0x93: {  	s4 =	sand.u32 $0x2000, s20;
	s7 =	sand.u32 $0xE00, s24  }
0x94: {  	_ =	swait.ge [sflag:s28], $0x2000;
	s4 =	sor.u32 s7, s4  }
0x95: {  	[sflag:s28] =	ssyncset.done $0x0;
	s4 =	sshrl.u32 s4, $0x2  }
0x96: {  	s7 =	sadd.s32 $0x6, s16;
	[sflag:s28] =	ssyncadd.s32 $0xFFFFE000;
	s4 =	sor.u32 $0x400, s4  }
0x97: {  	[spmem:s3] =	stream.indirect.scatter.add.f32 [tilespmem:s26], [sflag:$0x8], $0x40, s4, s23, $0xb8;
	[tilespmem:$0x1F800] =	vst v63  }
0x98: {  	s4 =	sand.u32 @!p0 $0x7, s7  }
0x99: {  	p2 =	seq.s32 @!p0 s4, $0x0  }
0x9a: {  	p1 =	por !p2, p0  }
0x9b: {  	s7 =	sshrl.u32 @!p1 s7, $0x3  }
0x9c: {  	_ =	swait.ge [sflag:s0], $0x2000;
	s7 =	sadd.s32 @!p1 s17, s7  }
0x9d: {  	[sflag:s0] =	ssyncset.done $0x0;
	s7 =	sshll.u32 @!p1 s7, $0xB  }
0x9e: {  	p2 =	por p2, p0;
	s12 =	sadd.s32 @!p1 $0xFFFFF800, s13;
	s7 =	sadd.s32 @!p1 s6, s7  }
0x9f: {  	[sflag:s0] =	ssyncadd.s32 $0xFFFFE000;
	s12 =	sand.u32 @!p1 $0x2000, s12;
	s7 =	sshrl.u32 @!p1 s7, $0x3  }
0xa0: {  	s24 =	simm.s32 @!p1 $0x0;
	s20 =	sshrl.u32 @!p1 s12, $0x2;
	s7 =	sadd.s32 @!p1 s5, s7  }
0xa1: {  	[tilespmem:s20], [sflag:$0xB] =	stream.linear.gather @!p1 [hbm4b:s7+s24], $0x800, $0x38;
	[tilespmem:$0x1F800] =	vst v63  }
0xa2: {  	s7 =	sadd.s32 @!p2 $0xFFFFF800, s13;
	s20 =	simm.s32 @!p1 $0xB  }
0xa3: {  	s7 =	sand.u32 @!p2 $0x2000, s7;
	_ =	swait.ge @!p1 [sflag:s20], $0x800  }
0xa4: {  	s4 =	sshll.u32 @!p0 s4, $0x7;
	s12 =	smov.u32 @p1 s7;
	[sflag:s20] =	ssyncset.done @!p1 $0x0  }
0xa5: {  	s7 =	sshrl.u32 @!p0 s12, $0x2;
	[sflag:s20] =	ssyncadd.s32 @!p1 $0xFFFFF800;
	s12 =	sadd.s32 $0xFFFFEC00, s13  }
0xa6: {  	s20 =	sadd.s32 $0x600, s14;
	s4 =	sadd.s32 @!p0 s4, s7;
	s7 =	simm.s32 @!p0 $0x3000  }
0xa7: {  	[tilespmem:s7], [sflag:$0x2] =	stream.indirect.gather @!p0 [hbm4b:s1+s19], $0x40, s4, s19, $0xb8;
	[tilespmem:$0x1F800] =	vst v63  }
0xa8: {  	s4 =	sand.u32 $0x2000, s12;
	s7 =	sand.u32 $0xE00, s20  }
0xa9: {  	_ =	swait.ge [sflag:s8], $0x2000;
	s4 =	sor.u32 s7, s4  }
0xaa: {  	[sflag:s8] =	ssyncset.done $0x0;
	s4 =	sshrl.u32 s4, $0x2  }
0xab: {  	s7 =	sadd.s32 $0x7, s16;
	[sflag:s8] =	ssyncadd.s32 $0xFFFFE000;
	s4 =	sor.u32 $0x400, s4  }
0xac: {  	[spmem:s3] =	stream.indirect.scatter.add.f32 [tilespmem:s29], [sflag:$0x9], $0x40, s4, s23, $0xb8;
	[tilespmem:$0x1F800] =	vst v63  }
0xad: {  	s4 =	sand.u32 @!p0 $0x7, s7  }
0xae: {  	p2 =	seq.s32 @!p0 s4, $0x0  }
0xaf: {  	p1 =	por !p2, p0  }
0xb0: {  	s7 =	sshrl.u32 @!p1 s7, $0x3  }
0xb1: {  	_ =	swait.ge [sflag:s9], $0x2000;
	s7 =	sadd.s32 @!p1 s17, s7  }
0xb2: {  	[sflag:s9] =	ssyncset.done $0x0;
	s7 =	sshll.u32 @!p1 s7, $0xB  }
0xb3: {  	p2 =	por p2, p0;
	s12 =	sadd.s32 @!p1 $0xFFFFFC00, s13;
	s7 =	sadd.s32 @!p1 s6, s7  }
0xb4: {  	[sflag:s9] =	ssyncadd.s32 $0xFFFFE000;
	s12 =	sand.u32 @!p1 $0x2000, s12;
	s7 =	sshrl.u32 @!p1 s7, $0x3  }
0xb5: {  	s24 =	simm.s32 @!p1 $0x0;
	s20 =	sshrl.u32 @!p1 s12, $0x2;
	s7 =	sadd.s32 @!p1 s5, s7  }
0xb6: {  	[tilespmem:s20], [sflag:$0xB] =	stream.linear.gather @!p1 [hbm4b:s7+s24], $0x800, $0x38;
	[tilespmem:$0x1F800] =	vst v63  }
0xb7: {  	s7 =	sadd.s32 @!p2 $0xFFFFFC00, s13  }
0xb8: {  	s20 =	simm.s32 @!p1 $0xB;
	s7 =	sand.u32 @!p2 $0x2000, s7  }
0xb9: {  	s4 =	sshll.u32 @!p0 s4, $0x7;
	_ =	swait.ge @!p1 [sflag:s20], $0x800;
	s12 =	smov.u32 @p1 s7  }
0xba: {  	s24 =	sadd.s32 $0x800, s14;
	[sflag:s20] =	ssyncset.done @!p1 $0x0;
	s7 =	sshrl.u32 @!p0 s12, $0x2  }
0xbb: {  	[sflag:s20] =	ssyncadd.s32 @!p1 $0xFFFFF800;
	s4 =	sadd.s32 @!p0 s4, s7;
	s7 =	simm.s32 @!p0 $0x5000  }
0xbc: {  	[tilespmem:s7], [sflag:$0x3] =	stream.indirect.gather @!p0 [hbm4b:s1+s19], $0x40, s4, s19, $0xb8;
	[tilespmem:$0x1F800] =	vst v63  }
0xbd: {  	s4 =	sand.u32 $0xE00, s24  }
0xbe: {  	_ =	swait.ge [sflag:s10], $0x2000;
	s4 =	sshrl.u32 s4, $0x2  }
0xbf: {  	s4 =	sadd.s32 s4, s18;
	[sflag:s10] =	ssyncset.done $0x0  }
.Ltmp3:
0xc0: {  	[sflag:s10] =	ssyncadd.s32 $0xFFFFE000;
	s4 =	sadd.s32 $0x400, s4;
	(pc) =	sbr.rel @p0 .LBB2_6-.Ltmp3, $4  }
0xc1: {  	[spmem:s3] =	stream.indirect.scatter.add.f32 [tilespmem:s31], [sflag:$0xA], $0x40, s4, s23, $0xb8;
	[tilespmem:$0x1F800] =	vst v63  }
0xc2: {  	_ =	swait.ge [sflag:s11], $0x2000  }
0xc3: {  	[sflag:s11] =	ssyncset.done $0x0  }
0xc4: {  	[sflag:s11] =	ssyncadd.s32 $0xFFFFE000  }
0xc5: {  	s4 =	sand.u32 $0x7, s16  }
0xc6: {  	s7 =	sadd.s32 $0x8, s16;
	p0 =	seq.s32 s4, $0x0  }
0xc7: {  	s7 =	sshrl.u32 @p0 s7, $0x3  }
0xc8: {  	s7 =	sadd.s32 @p0 s17, s7  }
0xc9: {  	s7 =	sshll.u32 @p0 s7, $0xB  }
0xca: {  	s7 =	sadd.s32 @p0 s6, s7  }
0xcb: {  	s14 =	sadd.s32 $0xA00, s14;
	s12 =	sand.u32 @p0 $0x2000, s13;
	s7 =	sshrl.u32 @p0 s7, $0x3  }
0xcc: {  	s18 =	simm.s32 @p0 $0x0;
	s16 =	sshrl.u32 @p0 s12, $0x2;
	s7 =	sadd.s32 @p0 s5, s7  }
0xcd: {  	[tilespmem:s16], [sflag:$0xB] =	stream.linear.gather @p0 [hbm4b:s7+s18], $0x800, $0x38;
	[tilespmem:$0x1F800] =	vst v63  }
.Ltmp4:
0xce: {  	s7 =	simm.s32 @p0 $0xB;
	s16 =	sand.u32 @!p0 $0x2000, s13;
	(pc) =	sbr.rel .LBB2_4-.Ltmp4, $4  }
0xcf: {  	s4 =	sshll.u32 s4, $0x7;
	_ =	swait.ge @p0 [sflag:s7], $0x800;
	s16 =	smov.u32 @p0 s12  }
0xd0: {  	s13 =	sadd.s32 $0x1400, s13;
	[sflag:s7] =	ssyncset.done @p0 $0x0;
	s12 =	sshrl.u32 s16, $0x2  }
0xd1: {  	s16 =	smov.u32 s15;
	[sflag:s7] =	ssyncadd.s32 @p0 $0xFFFFF800;
	s4 =	sadd.s32 s4, s12  }
0xd2: {  	[tilespmem:s29], [sflag:$0x4] =	stream.indirect.gather [hbm4b:s1+s23], $0x40, s4, s23, $0xb8;
	[tilespmem:$0x1F800] =	vst v63  }
.LBB2_7:
0xd3: {  	_ =	sfence.sel $0x180000  }
0xd4: {  	[bflag:$0x0] =	sbarrier.arrive $0xFFFF  }
0xd5: {  	_ =	strace $0x9000004A  }
0xd6: {  	s0 =	stileid.u32;
	[bflag:$0x2] =	sbarrier.arrive $0xFFFF  }
0xd7: {  	p0 =	sne.s32 s0, $0x0;
	s0 =	rddreg [dreg:$0x3]  }
0xd8: {  	s0 =	sadd.s32 @!p0 $0x100000, s0  }
0xd9: {  	[sflag:s0] =	ssyncadd.tile.s32 @!p0 $0x1;
	_ =	shalt  }
.Lfunc_end2:
_tile_overlayer_lowered:
.L_overlay_start_2:
0xda: {  	(tag) =	ssettag $0x2  }
0xdb: {  	s0 =	rddreg [dreg:$0x0];
	s2 =	stileid.u32  }
0xdc: {  	s1 =	rddreg [dreg:$0x1];
	p0 =	sne.s32 s2, $0x0  }
0xdd: {  	s3 =	rddreg [dreg:$0x2];
	[bflag:$0x3] =	sbarrier.arrive $0xFFFF;
	s2 =	simm.s32 @!p0 $0x1C0B  }
0xde: {  	[timem:s3], [sflag:s2] =	dma.local @!p0 [hbm:s0], s1  }
0xdf: {  	s0 =	simm.s32 @!p0 $0xB  }
0xe0: {  	_ =	swait.ge @!p0 [sflag:s0], s1  }
0xe1: {  	s1 =	ssub.s32 @!p0 $0x0, s1;
	[sflag:s0] =	ssyncset.done @!p0 $0x0  }
0xe2: {  	[sflag:s0] =	ssyncadd.s32 @!p0 s1  }
0xe3: {  	[bflag:$0x3] =	sbarrier.arrive $0xFFFF  }
0xe4: {  	_ =	shalt  }

</sc_bundles>
